<compile_context>
chip_gen: v7x
topology: tpu7x:2x2x1
jax: 0.10.2.dev20260603
libtpu: 0.0.44.dev20260713+nightly
codegen_flags: <defaults>
</compile_context>

<pallas_src>
import functools

import jax
import jax.numpy as jnp
from jax import lax
from jax.experimental import pallas as pl
from jax.experimental.pallas import tpu as pltpu
from jax.experimental.pallas import tpu_sc as plsc

N = 10000
NP = 10240
E = 320000
EP = 327680
NC, NS = 2, 16
NW = NC * NS
EPT = EP // NW
SLAB = NP // NS

F1, F2, F3, F4 = 112, 64, 32, 16
IN_DIM = 128
OUT_DIM = 4
BR = 1024


def _make_sc_scatter(F, CH, stage_tab):
    mesh = plsc.VectorSubcoreMesh(core_axis_name="c", subcore_axis_name="s")
    NCHUNK = EPT // CH

    scratch = [
        pltpu.VMEM((NCHUNK, CH), jnp.int32),
        pltpu.VMEM((NCHUNK, CH), jnp.int32),
        pltpu.VMEM((CH, F), jnp.float32),
        pltpu.VMEM((CH, F), jnp.float32),
        pltpu.VMEM_SHARED((NP, F), jnp.float32),
        pltpu.SemaphoreType.DMA,
        pltpu.SemaphoreType.DMA,
    ]
    if stage_tab:
        scratch.append(pltpu.VMEM_SHARED((NP, F), jnp.float32))

    @functools.partial(
        pl.kernel,
        out_type=[jax.ShapeDtypeStruct((NP, F), jnp.float32),
                  jax.ShapeDtypeStruct((NP, F), jnp.float32)],
        mesh=mesh,
        compiler_params=pltpu.CompilerParams(use_tc_tiling_on_sc=False),
        scratch_types=scratch,
    )
    def k(src_hbm, dst_hbm, tab_hbm, zeros_hbm, out0_hbm, out1_hbm,
          src_v, dst_v, ra, rb, acc, sa, sb, *maybe_ltab):
        c = lax.axis_index("c")
        s = lax.axis_index("s")
        wid = s * NC + c
        pltpu.sync_copy(src_hbm.at[wid], src_v)
        pltpu.sync_copy(dst_hbm.at[wid], dst_v)
        pltpu.sync_copy(zeros_hbm, acc.at[pl.ds(s * SLAB, SLAB)])
        if stage_tab:
            tab = maybe_ltab[0]
            pltpu.sync_copy(tab_hbm.at[pl.ds(s * SLAB, SLAB)],
                            tab.at[pl.ds(s * SLAB, SLAB)])
        else:
            tab = tab_hbm
        plsc.subcore_barrier()
        pltpu.async_copy(tab.at[src_v.at[0]], ra, sa)

        def body(j2, carry):
            j = j2 * 2
            pltpu.async_copy(tab.at[src_v.at[j + 1]], rb, sb)
            pltpu.make_async_copy(tab.at[src_v.at[j]], ra, sa).wait()
            pltpu.sync_copy(ra, acc.at[dst_v.at[j]], add=True)

            @pl.when(j + 2 < NCHUNK)
            def _():
                pltpu.async_copy(tab.at[src_v.at[j + 2]], ra, sa)

            pltpu.make_async_copy(tab.at[src_v.at[j + 1]], rb, sb).wait()
            pltpu.sync_copy(rb, acc.at[dst_v.at[j + 1]], add=True)
            return carry

        lax.fori_loop(0, NCHUNK // 2, body, 0)
        plsc.subcore_barrier()

        @pl.when(c == 0)
        def _():
            pltpu.sync_copy(acc.at[pl.ds(s * SLAB, SLAB)],
                            out0_hbm.at[pl.ds(s * SLAB, SLAB)])

        @pl.when(c == 1)
        def _():
            pltpu.sync_copy(acc.at[pl.ds(s * SLAB, SLAB)],
                            out1_hbm.at[pl.ds(s * SLAB, SLAB)])

    return k


def _make_sc_degree(CH):
    mesh = plsc.VectorSubcoreMesh(core_axis_name="c", subcore_axis_name="s")
    NCHUNK = EPT // CH

    @functools.partial(
        pl.kernel,
        out_type=[jax.ShapeDtypeStruct((NP, 16), jnp.float32),
                  jax.ShapeDtypeStruct((NP, 16), jnp.float32)],
        mesh=mesh,
        compiler_params=pltpu.CompilerParams(use_tc_tiling_on_sc=False),
        scratch_types=[
            pltpu.VMEM((NCHUNK, CH), jnp.int32),
            pltpu.VMEM((CH, 16), jnp.float32),
            pltpu.VMEM_SHARED((NP, 16), jnp.float32),
        ],
    )
    def k(dst_hbm, ones_hbm, zeros_hbm, out0_hbm, out1_hbm, dst_v, ones_v, acc):
        c = lax.axis_index("c")
        s = lax.axis_index("s")
        wid = s * NC + c
        pltpu.sync_copy(dst_hbm.at[wid], dst_v)
        pltpu.sync_copy(ones_hbm, ones_v)
        pltpu.sync_copy(zeros_hbm, acc.at[pl.ds(s * SLAB, SLAB)])
        plsc.subcore_barrier()

        def body(j, carry):
            pltpu.sync_copy(ones_v, acc.at[dst_v.at[j]], add=True)
            return carry

        lax.fori_loop(0, NCHUNK, body, 0)
        plsc.subcore_barrier()

        @pl.when(c == 0)
        def _():
            pltpu.sync_copy(acc.at[pl.ds(s * SLAB, SLAB)],
                            out0_hbm.at[pl.ds(s * SLAB, SLAB)])

        @pl.when(c == 1)
        def _():
            pltpu.sync_copy(acc.at[pl.ds(s * SLAB, SLAB)],
                            out1_hbm.at[pl.ds(s * SLAB, SLAB)])

    return k


FH = F1 // 2
_SC_CH = {FH: 256, F2: 128, F3: 1024, F4: 1024}
_SC_STAGE = {FH: True, F2: True, F3: True, F4: True}
_SC_SCATTER = {F: _make_sc_scatter(F, _SC_CH[F], _SC_STAGE[F])
               for F in (FH, F2, F3, F4)}
_DEG_CH = 512
_SC_DEGREE = _make_sc_degree(_DEG_CH)


def _tc_stage0(x, d0, d1, W):
    def body(x_ref, d0_ref, d1_ref, w_ref, hsa_ref, hsb_ref, dis_ref):
        deg = d0_ref[:, :1] + d1_ref[:, :1] + 1.0
        dis = lax.rsqrt(deg)
        dis_ref[...] = dis
        hs = jnp.dot(x_ref[...] * dis, w_ref[...],
                     preferred_element_type=jnp.float32)
        hsa_ref[...] = hs[:, :FH]
        hsb_ref[...] = hs[:, FH:]

    return pl.pallas_call(
        body,
        grid=(NP // BR,),
        in_specs=[
            pl.BlockSpec((BR, IN_DIM), lambda i: (i, 0)),
            pl.BlockSpec((BR, 16), lambda i: (i, 0)),
            pl.BlockSpec((BR, 16), lambda i: (i, 0)),
            pl.BlockSpec((IN_DIM, F1), lambda i: (0, 0)),
        ],
        out_specs=[
            pl.BlockSpec((BR, FH), lambda i: (i, 0)),
            pl.BlockSpec((BR, FH), lambda i: (i, 0)),
            pl.BlockSpec((BR, 1), lambda i: (i, 0)),
        ],
        out_shape=[
            jax.ShapeDtypeStruct((NP, FH), jnp.float32),
            jax.ShapeDtypeStruct((NP, FH), jnp.float32),
            jax.ShapeDtypeStruct((NP, 1), jnp.float32),
        ],
    )(x, d0, d1, W)


def _tc_stage_mid1(a0a, a1a, a0b, a1b, hsa, hsb, dis, b, W):
    def body(a0a_ref, a1a_ref, a0b_ref, a1b_ref, hsa_ref, hsb_ref,
             dis_ref, b_ref, w_ref, out_ref):
        dis = dis_ref[...]
        ga = a0a_ref[...] + a1a_ref[...] + hsa_ref[...]
        gb = a0b_ref[...] + a1b_ref[...] + hsb_ref[...]
        g = jnp.maximum(dis * jnp.concatenate([ga, gb], axis=1)
                        + b_ref[...], 0.0)
        out_ref[...] = jnp.dot(g * dis, w_ref[...],
                               preferred_element_type=jnp.float32)

    half = pl.BlockSpec((BR, FH), lambda i: (i, 0))
    return pl.pallas_call(
        body,
        grid=(NP // BR,),
        in_specs=[
            half, half, half, half, half, half,
            pl.BlockSpec((BR, 1), lambda i: (i, 0)),
            pl.BlockSpec((1, F1), lambda i: (0, 0)),
            pl.BlockSpec((F1, F2), lambda i: (0, 0)),
        ],
        out_specs=pl.BlockSpec((BR, F2), lambda i: (i, 0)),
        out_shape=jax.ShapeDtypeStruct((NP, F2), jnp.float32),
    )(a0a, a1a, a0b, a1b, hsa, hsb, dis, b, W)


def _tc_stage_mid(a0, a1, hs, dis, b, W, Fi, Fo):
    def body(a0_ref, a1_ref, hs_ref, dis_ref, b_ref, w_ref, out_ref):
        dis = dis_ref[...]
        g = jnp.maximum(dis * (a0_ref[...] + a1_ref[...] + hs_ref[...])
                        + b_ref[...], 0.0)
        out_ref[...] = jnp.dot(g * dis, w_ref[...],
                               preferred_element_type=jnp.float32)

    return pl.pallas_call(
        body,
        grid=(NP // BR,),
        in_specs=[
            pl.BlockSpec((BR, Fi), lambda i: (i, 0)),
            pl.BlockSpec((BR, Fi), lambda i: (i, 0)),
            pl.BlockSpec((BR, Fi), lambda i: (i, 0)),
            pl.BlockSpec((BR, 1), lambda i: (i, 0)),
            pl.BlockSpec((1, Fi), lambda i: (0, 0)),
            pl.BlockSpec((Fi, Fo), lambda i: (0, 0)),
        ],
        out_specs=pl.BlockSpec((BR, Fo), lambda i: (i, 0)),
        out_shape=jax.ShapeDtypeStruct((NP, Fo), jnp.float32),
    )(a0, a1, hs, dis, b, W)


def _tc_stage_final(a0, a1, hs, dis, b):
    def body(a0_ref, a1_ref, hs_ref, dis_ref, b_ref, out_ref):
        out_ref[...] = (dis_ref[...]
                        * (a0_ref[...] + a1_ref[...] + hs_ref[...])
                        + b_ref[...])

    return pl.pallas_call(
        body,
        grid=(NP // BR,),
        in_specs=[
            pl.BlockSpec((BR, F4), lambda i: (i, 0)),
            pl.BlockSpec((BR, F4), lambda i: (i, 0)),
            pl.BlockSpec((BR, F4), lambda i: (i, 0)),
            pl.BlockSpec((BR, 1), lambda i: (i, 0)),
            pl.BlockSpec((1, F4), lambda i: (0, 0)),
        ],
        out_specs=pl.BlockSpec((BR, F4), lambda i: (i, 0)),
        out_shape=jax.ShapeDtypeStruct((NP, F4), jnp.float32),
    )(a0, a1, hs, dis, b)


def kernel(x, edge_index, W1, b1, W2, b2, W3, b3, W4, b4):
    ei = edge_index.astype(jnp.int32)
    pad = jnp.full((EP - E,), NP - 1, jnp.int32)
    src_flat = jnp.concatenate([ei[0], pad])
    dst_flat = jnp.concatenate([ei[1], pad])

    def _r(a, CH):
        return a.reshape(NW, EPT // CH, CH)

    W1p = jnp.pad(W1, ((0, 0), (0, F1 - W1.shape[1])))
    b1p = jnp.pad(b1, (0, F1 - b1.shape[0])).reshape(1, F1)
    W2p = jnp.pad(W2, ((0, F1 - W2.shape[0]), (0, 0)))
    b2p = b2.reshape(1, F2)
    W3p = W3
    b3p = b3.reshape(1, F3)
    W4p = jnp.pad(W4, ((0, 0), (0, F4 - W4.shape[1])))
    b4p = jnp.pad(b4, (0, F4 - b4.shape[0])).reshape(1, F4)

    ones16 = jnp.ones((_DEG_CH, 16), jnp.float32)
    zeros16 = jnp.zeros((SLAB, 16), jnp.float32)

    deg0, deg1 = _SC_DEGREE(_r(dst_flat, _DEG_CH), ones16, zeros16)
    xp = jnp.pad(x, ((0, NP - N), (0, 0)))
    hs1a, hs1b, dis = _tc_stage0(xp, deg0, deg1, W1p)

    def _scat(F, tab):
        return _SC_SCATTER[F](_r(src_flat, _SC_CH[F]), _r(dst_flat, _SC_CH[F]),
                              tab, jnp.zeros((SLAB, F), jnp.float32))

    a0a, a1a = _scat(FH, hs1a)
    a0b, a1b = _scat(FH, hs1b)
    hs2 = _tc_stage_mid1(a0a, a1a, a0b, a1b, hs1a, hs1b, dis, b1p, W2p)

    a0, a1 = _scat(F2, hs2)
    hs3 = _tc_stage_mid(a0, a1, hs2, dis, b2p, W3p, F2, F3)

    a0, a1 = _scat(F3, hs3)
    hs4 = _tc_stage_mid(a0, a1, hs3, dis, b3p, W4p, F3, F4)

    a0, a1 = _scat(F4, hs4)
    out = _tc_stage_final(a0, a1, hs4, dis, b4p)
    return out[:N, :OUT_DIM]

# --- scband reference (transcript-rebuilt; emitter-appended) ---
"""Pipeline reference for scband-gcn-2216203125383 (READ-ONLY COPY).

The authoritative reference and input builder live on the scoring server;
editing this copy changes nothing except your own understanding.
"""

import jax, jax.numpy as jnp
import numpy as np

N_NODES = 10000
N_EDGES = 320000
IN_DIM = 128
HIDDEN = [100, 64, 32]
OUT_DIM = 4


def setup_inputs(seed: int = 0) -> dict:
    key = jax.random.key(seed)
    ks = jax.random.split(key, 16)
    x = jax.random.normal(ks[0], (N_NODES, IN_DIM), dtype=jnp.float32)
    edge_index = jax.random.randint(ks[1], (2, N_EDGES), 0, N_NODES, dtype=jnp.int64)
    dims = [IN_DIM] + HIDDEN + [OUT_DIM]
    params = {}
    for i in range(4):
        fan_in, fan_out = dims[i], dims[i + 1]
        std = 1.0 / np.sqrt(fan_in)
        params[f"W{i+1}"] = jax.random.uniform(ks[2 + 2 * i], (fan_in, fan_out), minval=-std, maxval=std, dtype=jnp.float32)
        params[f"b{i+1}"] = jnp.zeros((fan_out,), dtype=jnp.float32)
    return {"x": x, "edge_index": edge_index, **params}


def gcn_conv(x, edge_index, W, b):
    # PyG GCNConv: add self-loops, symmetric normalization D^-1/2 (A+I) D^-1/2 X W + b
    n = x.shape[0]
    loop = jnp.arange(n, dtype=edge_index.dtype)
    src = jnp.concatenate([edge_index[0], loop])
    dst = jnp.concatenate([edge_index[1], loop])
    deg = jnp.zeros((n,), dtype=jnp.float32).at[dst].add(1.0)
    deg_inv_sqrt = jnp.where(deg > 0, deg ** -0.5, 0.0)
    norm = deg_inv_sqrt[src] * deg_inv_sqrt[dst]
    h = x @ W
    msg = h[src] * norm[:, None]
    out = jnp.zeros((n, h.shape[1]), dtype=h.dtype).at[dst].add(msg)
    return out + b


def reference(x, edge_index, W1, b1, W2, b2, W3, b3, W4, b4):
    # eval mode: dropout is identity
    h = gcn_conv(x, edge_index, W1, b1)
    h = jax.nn.relu(h)
    h = gcn_conv(h, edge_index, W2, b2)
    h = jax.nn.relu(h)
    h = gcn_conv(h, edge_index, W3, b3)
    h = jax.nn.relu(h)
    h = gcn_conv(h, edge_index, W4, b4)
    return h

if __name__ == "__main__":
    import jax
    _d = setup_inputs()
    print(jax.jit(kernel)(*tuple(_d.values())))

</pallas_src>

<mosaic_0001>
#map = affine_map<(d0, d1) -> (0, 0, 0)>
#map1 = affine_map<(d0, d1) -> (0, 0)>
module attributes {stable_mosaic.version = 14 : i64} {
  func.func @k(%arg0: i32, %arg1: i32, %arg2: memref<32x40x256xi32, #tpu.memory_space<hbm>>, %arg3: memref<32x40x256xi32, #tpu.memory_space<hbm>>, %arg4: memref<10240x56xf32, #tpu.memory_space<hbm>>, %arg5: memref<640x56xf32, #tpu.memory_space<hbm>>, %arg6: memref<10240x56xf32, #tpu.memory_space<hbm>>, %arg7: memref<10240x56xf32, #tpu.memory_space<hbm>>, %arg8: memref<40x256xi32, #tpu.memory_space<vmem>>, %arg9: memref<40x256xi32, #tpu.memory_space<vmem>>, %arg10: memref<256x56xf32, #tpu.memory_space<vmem>>, %arg11: memref<256x56xf32, #tpu.memory_space<vmem>>, %arg12: memref<10240x56xf32, #tpu.memory_space<vmem_shared>>, %arg13: memref<!tpu.dma_semaphore, #tpu.memory_space<semaphore_mem>>, %arg14: memref<!tpu.dma_semaphore, #tpu.memory_space<semaphore_mem>>, %arg15: memref<10240x56xf32, #tpu.memory_space<vmem_shared>>) attributes {dimension_semantics = [#tpu.dimension_semantics<core_parallel>, #tpu.dimension_semantics<subcore_parallel>], iteration_bounds = array<i64: 2, 16>, scalar_prefetch = 0 : i64, scratch_operands = 8 : i64, tpu.core_type = #tpu.core_type<sc_vector_subcore>, window_params = [{transform_indices = #map}, {transform_indices = #map}, {transform_indices = #map1}, {transform_indices = #map1}, {transform_indices = #map1}, {transform_indices = #map1}]} {
    %mul3A = arith.constant 2 : i32
    %mul3A_0 = arith.muli %arg1, %mul3A : i32
    %add3A = arith.addi %mul3A_0, %arg0 : i32
    "tpu.region"() ({
      %run_scoped3A = tpu.sem_alloc : memref<!tpu.dma_semaphore, #tpu.memory_space<semaphore_mem>>
      %dma_start3A_26 = arith.constant 0 : i32
      %dma_start3A_27 = arith.constant 0 : i32
      %dma_start3A_28 = tpu.memref_slice %arg2[%add3A, %dma_start3A_26, %dma_start3A_27] : memref<32x40x256xi32, #tpu.memory_space<hbm>> -> memref<1x40x256xi32, #tpu.memory_space<hbm>>
      %dma_start3A_29 = tpu.memref_squeeze %dma_start3A_28 : memref<1x40x256xi32, #tpu.memory_space<hbm>> -> memref<40x256xi32, #tpu.memory_space<hbm>>
      %dma_start3A_30 = arith.constant 0 : i32
      %dma_start3A_31 = arith.constant 0 : i32
      %dma_start3A_32 = tpu.memref_slice %arg2[%add3A, %dma_start3A_30, %dma_start3A_31] : memref<32x40x256xi32, #tpu.memory_space<hbm>> -> memref<1x40x256xi32, #tpu.memory_space<hbm>>
      %dma_start3A_33 = tpu.memref_squeeze %dma_start3A_32 : memref<1x40x256xi32, #tpu.memory_space<hbm>> -> memref<40x256xi32, #tpu.memory_space<hbm>>
      tpu.enqueue_dma source(%dma_start3A_33 : memref<40x256xi32, #tpu.memory_space<hbm>>) target(%arg8 : memref<40x256xi32, #tpu.memory_space<vmem>>) target_semaphore(%run_scoped3A : memref<!tpu.dma_semaphore, #tpu.memory_space<semaphore_mem>>)
      %dma_wait3A = arith.constant 0 : i32
      %dma_wait3A_34 = arith.constant 0 : i32
      %dma_wait3A_35 = tpu.memref_slice %arg2[%add3A, %dma_wait3A, %dma_wait3A_34] : memref<32x40x256xi32, #tpu.memory_space<hbm>> -> memref<1x40x256xi32, #tpu.memory_space<hbm>>
      %dma_wait3A_36 = tpu.memref_squeeze %dma_wait3A_35 : memref<1x40x256xi32, #tpu.memory_space<hbm>> -> memref<40x256xi32, #tpu.memory_space<hbm>>
      %dma_wait3A_37 = arith.constant 0 : i32
      %dma_wait3A_38 = arith.constant 0 : i32
      %dma_wait3A_39 = tpu.memref_slice %arg2[%add3A, %dma_wait3A_37, %dma_wait3A_38] : memref<32x40x256xi32, #tpu.memory_space<hbm>> -> memref<1x40x256xi32, #tpu.memory_space<hbm>>
      %dma_wait3A_40 = tpu.memref_squeeze %dma_wait3A_39 : memref<1x40x256xi32, #tpu.memory_space<hbm>> -> memref<40x256xi32, #tpu.memory_space<hbm>>
      tpu.wait_dma2 semaphore(%run_scoped3A : memref<!tpu.dma_semaphore, #tpu.memory_space<semaphore_mem>>) src(%dma_wait3A_40 : memref<40x256xi32, #tpu.memory_space<hbm>>) dst(%arg8 : memref<40x256xi32, #tpu.memory_space<vmem>>)
      tpu.yield
    }) : () -> ()
    "tpu.region"() ({
      %run_scoped3A = tpu.sem_alloc : memref<!tpu.dma_semaphore, #tpu.memory_space<semaphore_mem>>
      %dma_start3A_26 = arith.constant 0 : i32
      %dma_start3A_27 = arith.constant 0 : i32
      %dma_start3A_28 = tpu.memref_slice %arg3[%add3A, %dma_start3A_26, %dma_start3A_27] : memref<32x40x256xi32, #tpu.memory_space<hbm>> -> memref<1x40x256xi32, #tpu.memory_space<hbm>>
      %dma_start3A_29 = tpu.memref_squeeze %dma_start3A_28 : memref<1x40x256xi32, #tpu.memory_space<hbm>> -> memref<40x256xi32, #tpu.memory_space<hbm>>
      %dma_start3A_30 = arith.constant 0 : i32
      %dma_start3A_31 = arith.constant 0 : i32
      %dma_start3A_32 = tpu.memref_slice %arg3[%add3A, %dma_start3A_30, %dma_start3A_31] : memref<32x40x256xi32, #tpu.memory_space<hbm>> -> memref<1x40x256xi32, #tpu.memory_space<hbm>>
      %dma_start3A_33 = tpu.memref_squeeze %dma_start3A_32 : memref<1x40x256xi32, #tpu.memory_space<hbm>> -> memref<40x256xi32, #tpu.memory_space<hbm>>
      tpu.enqueue_dma source(%dma_start3A_33 : memref<40x256xi32, #tpu.memory_space<hbm>>) target(%arg9 : memref<40x256xi32, #tpu.memory_space<vmem>>) target_semaphore(%run_scoped3A : memref<!tpu.dma_semaphore, #tpu.memory_space<semaphore_mem>>)
      %dma_wait3A = arith.constant 0 : i32
      %dma_wait3A_34 = arith.constant 0 : i32
      %dma_wait3A_35 = tpu.memref_slice %arg3[%add3A, %dma_wait3A, %dma_wait3A_34] : memref<32x40x256xi32, #tpu.memory_space<hbm>> -> memref<1x40x256xi32, #tpu.memory_space<hbm>>
      %dma_wait3A_36 = tpu.memref_squeeze %dma_wait3A_35 : memref<1x40x256xi32, #tpu.memory_space<hbm>> -> memref<40x256xi32, #tpu.memory_space<hbm>>
      %dma_wait3A_37 = arith.constant 0 : i32
      %dma_wait3A_38 = arith.constant 0 : i32
      %dma_wait3A_39 = tpu.memref_slice %arg3[%add3A, %dma_wait3A_37, %dma_wait3A_38] : memref<32x40x256xi32, #tpu.memory_space<hbm>> -> memref<1x40x256xi32, #tpu.memory_space<hbm>>
      %dma_wait3A_40 = tpu.memref_squeeze %dma_wait3A_39 : memref<1x40x256xi32, #tpu.memory_space<hbm>> -> memref<40x256xi32, #tpu.memory_space<hbm>>
      tpu.wait_dma2 semaphore(%run_scoped3A : memref<!tpu.dma_semaphore, #tpu.memory_space<semaphore_mem>>) src(%dma_wait3A_40 : memref<40x256xi32, #tpu.memory_space<hbm>>) dst(%arg9 : memref<40x256xi32, #tpu.memory_space<vmem>>)
      tpu.yield
    }) : () -> ()
    %mul3A_1 = arith.constant 640 : i32
    %mul3A_2 = arith.muli %arg1, %mul3A_1 : i32
    "tpu.region"() ({
      %run_scoped3A = tpu.sem_alloc : memref<!tpu.dma_semaphore, #tpu.memory_space<semaphore_mem>>
      %dma_start3A_26 = arith.constant 0 : i32
      %dma_start3A_27 = tpu.memref_slice %arg12[%mul3A_2, %dma_start3A_26] : memref<10240x56xf32, #tpu.memory_space<vmem_shared>> -> memref<640x56xf32, #tpu.memory_space<vmem_shared>>
      tpu.enqueue_dma source(%arg5 : memref<640x56xf32, #tpu.memory_space<hbm>>) target(%dma_start3A_27 : memref<640x56xf32, #tpu.memory_space<vmem_shared>>) target_semaphore(%run_scoped3A : memref<!tpu.dma_semaphore, #tpu.memory_space<semaphore_mem>>)
      %dma_wait3A = arith.constant 0 : i32
      %dma_wait3A_28 = tpu.memref_slice %arg12[%mul3A_2, %dma_wait3A] : memref<10240x56xf32, #tpu.memory_space<vmem_shared>> -> memref<640x56xf32, #tpu.memory_space<vmem_shared>>
      tpu.wait_dma2 semaphore(%run_scoped3A : memref<!tpu.dma_semaphore, #tpu.memory_space<semaphore_mem>>) src(%arg5 : memref<640x56xf32, #tpu.memory_space<hbm>>) dst(%dma_wait3A_28 : memref<640x56xf32, #tpu.memory_space<vmem_shared>>)
      tpu.yield
    }) : () -> ()
    %mul3A_3 = arith.constant 640 : i32
    %mul3A_4 = arith.muli %arg1, %mul3A_3 : i32
    %mul3A_5 = arith.constant 640 : i32
    %mul3A_6 = arith.muli %arg1, %mul3A_5 : i32
    "tpu.region"() ({
      %run_scoped3A = tpu.sem_alloc : memref<!tpu.dma_semaphore, #tpu.memory_space<semaphore_mem>>
      %dma_start3A_26 = arith.constant 0 : i32
      %dma_start3A_27 = tpu.memref_slice %arg15[%mul3A_6, %dma_start3A_26] : memref<10240x56xf32, #tpu.memory_space<vmem_shared>> -> memref<640x56xf32, #tpu.memory_space<vmem_shared>>
      %dma_start3A_28 = arith.constant 0 : i32
      %dma_start3A_29 = tpu.memref_slice %arg4[%mul3A_4, %dma_start3A_28] : memref<10240x56xf32, #tpu.memory_space<hbm>> -> memref<640x56xf32, #tpu.memory_space<hbm>>
      tpu.enqueue_dma source(%dma_start3A_29 : memref<640x56xf32, #tpu.memory_space<hbm>>) target(%dma_start3A_27 : memref<640x56xf32, #tpu.memory_space<vmem_shared>>) target_semaphore(%run_scoped3A : memref<!tpu.dma_semaphore, #tpu.memory_space<semaphore_mem>>)
      %dma_wait3A = arith.constant 0 : i32
      %dma_wait3A_30 = tpu.memref_slice %arg15[%mul3A_6, %dma_wait3A] : memref<10240x56xf32, #tpu.memory_space<vmem_shared>> -> memref<640x56xf32, #tpu.memory_space<vmem_shared>>
      %dma_wait3A_31 = arith.constant 0 : i32
      %dma_wait3A_32 = tpu.memref_slice %arg4[%mul3A_4, %dma_wait3A_31] : memref<10240x56xf32, #tpu.memory_space<hbm>> -> memref<640x56xf32, #tpu.memory_space<hbm>>
      tpu.wait_dma2 semaphore(%run_scoped3A : memref<!tpu.dma_semaphore, #tpu.memory_space<semaphore_mem>>) src(%dma_wait3A_32 : memref<640x56xf32, #tpu.memory_space<hbm>>) dst(%dma_wait3A_30 : memref<640x56xf32, #tpu.memory_space<vmem_shared>>)
      tpu.yield
    }) : () -> ()
    %barrier3A = arith.constant 0 : index
    tpu.barrier barrier_id(%barrier3A)
    %dma_start3A = arith.constant 0 : i32
    %dma_start3A_7 = arith.constant 0 : i32
    %dma_start3A_8 = tpu.memref_slice %arg8[%dma_start3A, %dma_start3A_7] : memref<40x256xi32, #tpu.memory_space<vmem>> -> memref<1x256xi32, #tpu.memory_space<vmem>>
    %dma_start3A_9 = tpu.memref_squeeze %dma_start3A_8 : memref<1x256xi32, #tpu.memory_space<vmem>> -> memref<256xi32, #tpu.memory_space<vmem>>
    %dma_start3A_10 = arith.constant 0 : i32
    %dma_start3A_11 = arith.constant 0 : i32
    %dma_start3A_12 = tpu.memref_slice %arg15[%dma_start3A_10, %dma_start3A_11] : memref<10240x56xf32, #tpu.memory_space<vmem_shared>> -> memref<10240x56xf32, #tpu.memory_space<vmem_shared>>
    tpu.enqueue_indirect_dma source(%dma_start3A_12 : memref<10240x56xf32, #tpu.memory_space<vmem_shared>>) target(%arg10 : memref<256x56xf32, #tpu.memory_space<vmem>>) offsets(%dma_start3A_9 : memref<256xi32, #tpu.memory_space<vmem>>) semaphore(%arg13 : memref<!tpu.dma_semaphore, #tpu.memory_space<semaphore_mem>>)
    %scan3A = arith.constant 0 : i32
    %scan3A_13 = arith.constant 0 : i32
    %scan3A_14 = arith.constant 20 : i32
    %scan3A_15 = arith.addi %scan3A_13, %scan3A_14 : i32
    %scan3A_16 = arith.constant 1 : i32
    scf.for %scan3A_26 = %scan3A_13 to %scan3A_15 step %scan3A_16  : i32 {
      %mul3A_27 = arith.constant 2 : i32
      %mul3A_28 = arith.muli %scan3A_26, %mul3A_27 : i32
      %add3A_29 = arith.constant 1 : i32
      %add3A_30 = arith.addi %mul3A_28, %add3A_29 : i32
      %dma_start3A_31 = arith.constant 0 : i32
      %dma_start3A_32 = tpu.memref_slice %arg8[%add3A_30, %dma_start3A_31] : memref<40x256xi32, #tpu.memory_space<vmem>> -> memref<1x256xi32, #tpu.memory_space<vmem>>
      %dma_start3A_33 = tpu.memref_squeeze %dma_start3A_32 : memref<1x256xi32, #tpu.memory_space<vmem>> -> memref<256xi32, #tpu.memory_space<vmem>>
      %dma_start3A_34 = arith.constant 0 : i32
      %dma_start3A_35 = arith.constant 0 : i32
      %dma_start3A_36 = tpu.memref_slice %arg15[%dma_start3A_34, %dma_start3A_35] : memref<10240x56xf32, #tpu.memory_space<vmem_shared>> -> memref<10240x56xf32, #tpu.memory_space<vmem_shared>>
      tpu.enqueue_indirect_dma source(%dma_start3A_36 : memref<10240x56xf32, #tpu.memory_space<vmem_shared>>) target(%arg11 : memref<256x56xf32, #tpu.memory_space<vmem>>) offsets(%dma_start3A_33 : memref<256xi32, #tpu.memory_space<vmem>>) semaphore(%arg14 : memref<!tpu.dma_semaphore, #tpu.memory_space<semaphore_mem>>)
      %dma_wait3A = arith.constant 0 : i32
      %dma_wait3A_37 = tpu.memref_slice %arg8[%mul3A_28, %dma_wait3A] : memref<40x256xi32, #tpu.memory_space<vmem>> -> memref<1x256xi32, #tpu.memory_space<vmem>>
      %dma_wait3A_38 = tpu.memref_squeeze %dma_wait3A_37 : memref<1x256xi32, #tpu.memory_space<vmem>> -> memref<256xi32, #tpu.memory_space<vmem>>
      %dma_wait3A_39 = arith.constant 0 : i32
      %dma_wait3A_40 = arith.constant 0 : i32
      %dma_wait3A_41 = tpu.memref_slice %arg15[%dma_wait3A_39, %dma_wait3A_40] : memref<10240x56xf32, #tpu.memory_space<vmem_shared>> -> memref<10240x56xf32, #tpu.memory_space<vmem_shared>>
      tpu.wait_indirect_dma semaphore(%arg13 : memref<!tpu.dma_semaphore, #tpu.memory_space<semaphore_mem>>) src(%dma_wait3A_41 : memref<10240x56xf32, #tpu.memory_space<vmem_shared>>) dst(%arg10 : memref<256x56xf32, #tpu.memory_space<vmem>>)
      "tpu.region"() ({
        %run_scoped3A = tpu.sem_alloc : memref<!tpu.dma_semaphore, #tpu.memory_space<semaphore_mem>>
        %dma_start3A_58 = arith.constant 0 : i32
        %dma_start3A_59 = tpu.memref_slice %arg9[%mul3A_28, %dma_start3A_58] : memref<40x256xi32, #tpu.memory_space<vmem>> -> memref<1x256xi32, #tpu.memory_space<vmem>>
        %dma_start3A_60 = tpu.memref_squeeze %dma_start3A_59 : memref<1x256xi32, #tpu.memory_space<vmem>> -> memref<256xi32, #tpu.memory_space<vmem>>
        %dma_start3A_61 = arith.constant 0 : i32
        %dma_start3A_62 = arith.constant 0 : i32
        %dma_start3A_63 = tpu.memref_slice %arg12[%dma_start3A_61, %dma_start3A_62] : memref<10240x56xf32, #tpu.memory_space<vmem_shared>> -> memref<10240x56xf32, #tpu.memory_space<vmem_shared>>
        tpu.enqueue_indirect_dma source(%arg10 : memref<256x56xf32, #tpu.memory_space<vmem>>) target(%dma_start3A_63 : memref<10240x56xf32, #tpu.memory_space<vmem_shared>>) offsets(%dma_start3A_60 : memref<256xi32, #tpu.memory_space<vmem>>) semaphore(%run_scoped3A : memref<!tpu.dma_semaphore, #tpu.memory_space<semaphore_mem>>) {add = true}
        %dma_wait3A_64 = arith.constant 0 : i32
        %dma_wait3A_65 = tpu.memref_slice %arg9[%mul3A_28, %dma_wait3A_64] : memref<40x256xi32, #tpu.memory_space<vmem>> -> memref<1x256xi32, #tpu.memory_space<vmem>>
        %dma_wait3A_66 = tpu.memref_squeeze %dma_wait3A_65 : memref<1x256xi32, #tpu.memory_space<vmem>> -> memref<256xi32, #tpu.memory_space<vmem>>
        %dma_wait3A_67 = arith.constant 0 : i32
        %dma_wait3A_68 = arith.constant 0 : i32
        %dma_wait3A_69 = tpu.memref_slice %arg12[%dma_wait3A_67, %dma_wait3A_68] : memref<10240x56xf32, #tpu.memory_space<vmem_shared>> -> memref<10240x56xf32, #tpu.memory_space<vmem_shared>>
        tpu.wait_indirect_dma semaphore(%run_scoped3A : memref<!tpu.dma_semaphore, #tpu.memory_space<semaphore_mem>>) src(%arg10 : memref<256x56xf32, #tpu.memory_space<vmem>>) dst(%dma_wait3A_69 : memref<10240x56xf32, #tpu.memory_space<vmem_shared>>)
        tpu.yield
      }) : () -> ()
      %add3A_42 = arith.constant 2 : i32
      %add3A_43 = arith.addi %mul3A_28, %add3A_42 : i32
      %lt3A = arith.constant 40 : i32
      %lt3A_44 = arith.cmpi slt, %add3A_43, %lt3A : i32
      %convert_element_type3A_45 = arith.extui %lt3A_44 : i1 to i32
      %cond3A_46 = arith.constant 0 : i32
      %cond3A_47 = arith.cmpi ne, %convert_element_type3A_45, %cond3A_46 : i32
      scf.if %cond3A_47 {
        %add3A_58 = arith.constant 2 : i32
        %add3A_59 = arith.addi %mul3A_28, %add3A_58 : i32
        %dma_start3A_60 = arith.constant 0 : i32
        %dma_start3A_61 = tpu.memref_slice %arg8[%add3A_59, %dma_start3A_60] : memref<40x256xi32, #tpu.memory_space<vmem>> -> memref<1x256xi32, #tpu.memory_space<vmem>>
        %dma_start3A_62 = tpu.memref_squeeze %dma_start3A_61 : memref<1x256xi32, #tpu.memory_space<vmem>> -> memref<256xi32, #tpu.memory_space<vmem>>
        %dma_start3A_63 = arith.constant 0 : i32
        %dma_start3A_64 = arith.constant 0 : i32
        %dma_start3A_65 = tpu.memref_slice %arg15[%dma_start3A_63, %dma_start3A_64] : memref<10240x56xf32, #tpu.memory_space<vmem_shared>> -> memref<10240x56xf32, #tpu.memory_space<vmem_shared>>
        tpu.enqueue_indirect_dma source(%dma_start3A_65 : memref<10240x56xf32, #tpu.memory_space<vmem_shared>>) target(%arg10 : memref<256x56xf32, #tpu.memory_space<vmem>>) offsets(%dma_start3A_62 : memref<256xi32, #tpu.memory_space<vmem>>) semaphore(%arg13 : memref<!tpu.dma_semaphore, #tpu.memory_space<semaphore_mem>>)
      } else {
      }
      %add3A_48 = arith.constant 1 : i32
      %add3A_49 = arith.addi %mul3A_28, %add3A_48 : i32
      %dma_wait3A_50 = arith.constant 0 : i32
      %dma_wait3A_51 = tpu.memref_slice %arg8[%add3A_49, %dma_wait3A_50] : memref<40x256xi32, #tpu.memory_space<vmem>> -> memref<1x256xi32, #tpu.memory_space<vmem>>
      %dma_wait3A_52 = tpu.memref_squeeze %dma_wait3A_51 : memref<1x256xi32, #tpu.memory_space<vmem>> -> memref<256xi32, #tpu.memory_space<vmem>>
      %dma_wait3A_53 = arith.constant 0 : i32
      %dma_wait3A_54 = arith.constant 0 : i32
      %dma_wait3A_55 = tpu.memref_slice %arg15[%dma_wait3A_53, %dma_wait3A_54] : memref<10240x56xf32, #tpu.memory_space<vmem_shared>> -> memref<10240x56xf32, #tpu.memory_space<vmem_shared>>
      tpu.wait_indirect_dma semaphore(%arg14 : memref<!tpu.dma_semaphore, #tpu.memory_space<semaphore_mem>>) src(%dma_wait3A_55 : memref<10240x56xf32, #tpu.memory_space<vmem_shared>>) dst(%arg11 : memref<256x56xf32, #tpu.memory_space<vmem>>)
      %add3A_56 = arith.constant 1 : i32
      %add3A_57 = arith.addi %mul3A_28, %add3A_56 : i32
      "tpu.region"() ({
        %run_scoped3A = tpu.sem_alloc : memref<!tpu.dma_semaphore, #tpu.memory_space<semaphore_mem>>
        %dma_start3A_58 = arith.constant 0 : i32
        %dma_start3A_59 = tpu.memref_slice %arg9[%add3A_57, %dma_start3A_58] : memref<40x256xi32, #tpu.memory_space<vmem>> -> memref<1x256xi32, #tpu.memory_space<vmem>>
        %dma_start3A_60 = tpu.memref_squeeze %dma_start3A_59 : memref<1x256xi32, #tpu.memory_space<vmem>> -> memref<256xi32, #tpu.memory_space<vmem>>
        %dma_start3A_61 = arith.constant 0 : i32
        %dma_start3A_62 = arith.constant 0 : i32
        %dma_start3A_63 = tpu.memref_slice %arg12[%dma_start3A_61, %dma_start3A_62] : memref<10240x56xf32, #tpu.memory_space<vmem_shared>> -> memref<10240x56xf32, #tpu.memory_space<vmem_shared>>
        tpu.enqueue_indirect_dma source(%arg11 : memref<256x56xf32, #tpu.memory_space<vmem>>) target(%dma_start3A_63 : memref<10240x56xf32, #tpu.memory_space<vmem_shared>>) offsets(%dma_start3A_60 : memref<256xi32, #tpu.memory_space<vmem>>) semaphore(%run_scoped3A : memref<!tpu.dma_semaphore, #tpu.memory_space<semaphore_mem>>) {add = true}
        %dma_wait3A_64 = arith.constant 0 : i32
        %dma_wait3A_65 = tpu.memref_slice %arg9[%add3A_57, %dma_wait3A_64] : memref<40x256xi32, #tpu.memory_space<vmem>> -> memref<1x256xi32, #tpu.memory_space<vmem>>
        %dma_wait3A_66 = tpu.memref_squeeze %dma_wait3A_65 : memref<1x256xi32, #tpu.memory_space<vmem>> -> memref<256xi32, #tpu.memory_space<vmem>>
        %dma_wait3A_67 = arith.constant 0 : i32
        %dma_wait3A_68 = arith.constant 0 : i32
        %dma_wait3A_69 = tpu.memref_slice %arg12[%dma_wait3A_67, %dma_wait3A_68] : memref<10240x56xf32, #tpu.memory_space<vmem_shared>> -> memref<10240x56xf32, #tpu.memory_space<vmem_shared>>
        tpu.wait_indirect_dma semaphore(%run_scoped3A : memref<!tpu.dma_semaphore, #tpu.memory_space<semaphore_mem>>) src(%arg11 : memref<256x56xf32, #tpu.memory_space<vmem>>) dst(%dma_wait3A_69 : memref<10240x56xf32, #tpu.memory_space<vmem_shared>>)
        tpu.yield
      }) : () -> ()
    }
    %scan3A_17 = arith.constant 20 : i32
    %barrier3A_18 = arith.constant 0 : index
    tpu.barrier barrier_id(%barrier3A_18)
    %eq3A = arith.constant 0 : i32
    %eq3A_19 = arith.cmpi eq, %arg0, %eq3A : i32
    %convert_element_type3A = arith.extui %eq3A_19 : i1 to i32
    %cond3A = arith.constant 0 : i32
    %cond3A_20 = arith.cmpi ne, %convert_element_type3A, %cond3A : i32
    scf.if %cond3A_20 {
      %mul3A_26 = arith.constant 640 : i32
      %mul3A_27 = arith.muli %arg1, %mul3A_26 : i32
      %mul3A_28 = arith.constant 640 : i32
      %mul3A_29 = arith.muli %arg1, %mul3A_28 : i32
      "tpu.region"() ({
        %run_scoped3A = tpu.sem_alloc : memref<!tpu.dma_semaphore, #tpu.memory_space<semaphore_mem>>
        %dma_start3A_30 = arith.constant 0 : i32
        %dma_start3A_31 = tpu.memref_slice %arg6[%mul3A_29, %dma_start3A_30] : memref<10240x56xf32, #tpu.memory_space<hbm>> -> memref<640x56xf32, #tpu.memory_space<hbm>>
        %dma_start3A_32 = arith.constant 0 : i32
        %dma_start3A_33 = tpu.memref_slice %arg12[%mul3A_27, %dma_start3A_32] : memref<10240x56xf32, #tpu.memory_space<vmem_shared>> -> memref<640x56xf32, #tpu.memory_space<vmem_shared>>
        tpu.enqueue_dma source(%dma_start3A_33 : memref<640x56xf32, #tpu.memory_space<vmem_shared>>) target(%dma_start3A_31 : memref<640x56xf32, #tpu.memory_space<hbm>>) target_semaphore(%run_scoped3A : memref<!tpu.dma_semaphore, #tpu.memory_space<semaphore_mem>>)
        %dma_wait3A = arith.constant 0 : i32
        %dma_wait3A_34 = tpu.memref_slice %arg6[%mul3A_29, %dma_wait3A] : memref<10240x56xf32, #tpu.memory_space<hbm>> -> memref<640x56xf32, #tpu.memory_space<hbm>>
        %dma_wait3A_35 = arith.constant 0 : i32
        %dma_wait3A_36 = tpu.memref_slice %arg12[%mul3A_27, %dma_wait3A_35] : memref<10240x56xf32, #tpu.memory_space<vmem_shared>> -> memref<640x56xf32, #tpu.memory_space<vmem_shared>>
        tpu.wait_dma2 semaphore(%run_scoped3A : memref<!tpu.dma_semaphore, #tpu.memory_space<semaphore_mem>>) src(%dma_wait3A_36 : memref<640x56xf32, #tpu.memory_space<vmem_shared>>) dst(%dma_wait3A_34 : memref<640x56xf32, #tpu.memory_space<hbm>>)
        tpu.yield
      }) : () -> ()
    } else {
    }
    %eq3A_21 = arith.constant 1 : i32
    %eq3A_22 = arith.cmpi eq, %arg0, %eq3A_21 : i32
    %convert_element_type3A_23 = arith.extui %eq3A_22 : i1 to i32
    %cond3A_24 = arith.constant 0 : i32
    %cond3A_25 = arith.cmpi ne, %convert_element_type3A_23, %cond3A_24 : i32
    scf.if %cond3A_25 {
      %mul3A_26 = arith.constant 640 : i32
      %mul3A_27 = arith.muli %arg1, %mul3A_26 : i32
      %mul3A_28 = arith.constant 640 : i32
      %mul3A_29 = arith.muli %arg1, %mul3A_28 : i32
      "tpu.region"() ({
        %run_scoped3A = tpu.sem_alloc : memref<!tpu.dma_semaphore, #tpu.memory_space<semaphore_mem>>
        %dma_start3A_30 = arith.constant 0 : i32
        %dma_start3A_31 = tpu.memref_slice %arg7[%mul3A_29, %dma_start3A_30] : memref<10240x56xf32, #tpu.memory_space<hbm>> -> memref<640x56xf32, #tpu.memory_space<hbm>>
        %dma_start3A_32 = arith.constant 0 : i32
        %dma_start3A_33 = tpu.memref_slice %arg12[%mul3A_27, %dma_start3A_32] : memref<10240x56xf32, #tpu.memory_space<vmem_shared>> -> memref<640x56xf32, #tpu.memory_space<vmem_shared>>
        tpu.enqueue_dma source(%dma_start3A_33 : memref<640x56xf32, #tpu.memory_space<vmem_shared>>) target(%dma_start3A_31 : memref<640x56xf32, #tpu.memory_space<hbm>>) target_semaphore(%run_scoped3A : memref<!tpu.dma_semaphore, #tpu.memory_space<semaphore_mem>>)
        %dma_wait3A = arith.constant 0 : i32
        %dma_wait3A_34 = tpu.memref_slice %arg7[%mul3A_29, %dma_wait3A] : memref<10240x56xf32, #tpu.memory_space<hbm>> -> memref<640x56xf32, #tpu.memory_space<hbm>>
        %dma_wait3A_35 = arith.constant 0 : i32
        %dma_wait3A_36 = tpu.memref_slice %arg12[%mul3A_27, %dma_wait3A_35] : memref<10240x56xf32, #tpu.memory_space<vmem_shared>> -> memref<640x56xf32, #tpu.memory_space<vmem_shared>>
        tpu.wait_dma2 semaphore(%run_scoped3A : memref<!tpu.dma_semaphore, #tpu.memory_space<semaphore_mem>>) src(%dma_wait3A_36 : memref<640x56xf32, #tpu.memory_space<vmem_shared>>) dst(%dma_wait3A_34 : memref<640x56xf32, #tpu.memory_space<hbm>>)
        tpu.yield
      }) : () -> ()
    } else {
    }
    return
  }
}

#map = affine_map<(d0, d1) -> (0, 0, 0)>
#map1 = affine_map<(d0, d1) -> (0, 0)>
module attributes {stable_mosaic.version = 14 : i64} {
  func.func @k(%arg0: i32, %arg1: i32, %arg2: memref<32x20x512xi32, #tpu.memory_space<hbm>>, %arg3: memref<512x16xf32, #tpu.memory_space<hbm>>, %arg4: memref<640x16xf32, #tpu.memory_space<hbm>>, %arg5: memref<10240x16xf32, #tpu.memory_space<hbm>>, %arg6: memref<10240x16xf32, #tpu.memory_space<hbm>>, %arg7: memref<20x512xi32, #tpu.memory_space<vmem>>, %arg8: memref<512x16xf32, #tpu.memory_space<vmem>>, %arg9: memref<10240x16xf32, #tpu.memory_space<vmem_shared>>) attributes {dimension_semantics = [#tpu.dimension_semantics<core_parallel>, #tpu.dimension_semantics<subcore_parallel>], iteration_bounds = array<i64: 2, 16>, scalar_prefetch = 0 : i64, scratch_operands = 3 : i64, tpu.core_type = #tpu.core_type<sc_vector_subcore>, window_params = [{transform_indices = #map}, {transform_indices = #map1}, {transform_indices = #map1}, {transform_indices = #map1}, {transform_indices = #map1}]} {
    %mul3A = arith.constant 2 : i32
    %mul3A_0 = arith.muli %arg1, %mul3A : i32
    %add3A = arith.addi %mul3A_0, %arg0 : i32
    "tpu.region"() ({
      %run_scoped3A = tpu.sem_alloc : memref<!tpu.dma_semaphore, #tpu.memory_space<semaphore_mem>>
      %dma_start3A = arith.constant 0 : i32
      %dma_start3A_16 = arith.constant 0 : i32
      %dma_start3A_17 = tpu.memref_slice %arg2[%add3A, %dma_start3A, %dma_start3A_16] : memref<32x20x512xi32, #tpu.memory_space<hbm>> -> memref<1x20x512xi32, #tpu.memory_space<hbm>>
      %dma_start3A_18 = tpu.memref_squeeze %dma_start3A_17 : memref<1x20x512xi32, #tpu.memory_space<hbm>> -> memref<20x512xi32, #tpu.memory_space<hbm>>
      %dma_start3A_19 = arith.constant 0 : i32
      %dma_start3A_20 = arith.constant 0 : i32
      %dma_start3A_21 = tpu.memref_slice %arg2[%add3A, %dma_start3A_19, %dma_start3A_20] : memref<32x20x512xi32, #tpu.memory_space<hbm>> -> memref<1x20x512xi32, #tpu.memory_space<hbm>>
      %dma_start3A_22 = tpu.memref_squeeze %dma_start3A_21 : memref<1x20x512xi32, #tpu.memory_space<hbm>> -> memref<20x512xi32, #tpu.memory_space<hbm>>
      tpu.enqueue_dma source(%dma_start3A_22 : memref<20x512xi32, #tpu.memory_space<hbm>>) target(%arg7 : memref<20x512xi32, #tpu.memory_space<vmem>>) target_semaphore(%run_scoped3A : memref<!tpu.dma_semaphore, #tpu.memory_space<semaphore_mem>>)
      %dma_wait3A = arith.constant 0 : i32
      %dma_wait3A_23 = arith.constant 0 : i32
      %dma_wait3A_24 = tpu.memref_slice %arg2[%add3A, %dma_wait3A, %dma_wait3A_23] : memref<32x20x512xi32, #tpu.memory_space<hbm>> -> memref<1x20x512xi32, #tpu.memory_space<hbm>>
      %dma_wait3A_25 = tpu.memref_squeeze %dma_wait3A_24 : memref<1x20x512xi32, #tpu.memory_space<hbm>> -> memref<20x512xi32, #tpu.memory_space<hbm>>
      %dma_wait3A_26 = arith.constant 0 : i32
      %dma_wait3A_27 = arith.constant 0 : i32
      %dma_wait3A_28 = tpu.memref_slice %arg2[%add3A, %dma_wait3A_26, %dma_wait3A_27] : memref<32x20x512xi32, #tpu.memory_space<hbm>> -> memref<1x20x512xi32, #tpu.memory_space<hbm>>
      %dma_wait3A_29 = tpu.memref_squeeze %dma_wait3A_28 : memref<1x20x512xi32, #tpu.memory_space<hbm>> -> memref<20x512xi32, #tpu.memory_space<hbm>>
      tpu.wait_dma2 semaphore(%run_scoped3A : memref<!tpu.dma_semaphore, #tpu.memory_space<semaphore_mem>>) src(%dma_wait3A_29 : memref<20x512xi32, #tpu.memory_space<hbm>>) dst(%arg7 : memref<20x512xi32, #tpu.memory_space<vmem>>)
      tpu.yield
    }) : () -> ()
    "tpu.region"() ({
      %run_scoped3A = tpu.sem_alloc : memref<!tpu.dma_semaphore, #tpu.memory_space<semaphore_mem>>
      tpu.enqueue_dma source(%arg3 : memref<512x16xf32, #tpu.memory_space<hbm>>) target(%arg8 : memref<512x16xf32, #tpu.memory_space<vmem>>) target_semaphore(%run_scoped3A : memref<!tpu.dma_semaphore, #tpu.memory_space<semaphore_mem>>)
      tpu.wait_dma2 semaphore(%run_scoped3A : memref<!tpu.dma_semaphore, #tpu.memory_space<semaphore_mem>>) src(%arg3 : memref<512x16xf32, #tpu.memory_space<hbm>>) dst(%arg8 : memref<512x16xf32, #tpu.memory_space<vmem>>)
      tpu.yield
    }) : () -> ()
    %mul3A_1 = arith.constant 640 : i32
    %mul3A_2 = arith.muli %arg1, %mul3A_1 : i32
    "tpu.region"() ({
      %run_scoped3A = tpu.sem_alloc : memref<!tpu.dma_semaphore, #tpu.memory_space<semaphore_mem>>
      %dma_start3A = arith.constant 0 : i32
      %dma_start3A_16 = tpu.memref_slice %arg9[%mul3A_2, %dma_start3A] : memref<10240x16xf32, #tpu.memory_space<vmem_shared>> -> memref<640x16xf32, #tpu.memory_space<vmem_shared>>
      tpu.enqueue_dma source(%arg4 : memref<640x16xf32, #tpu.memory_space<hbm>>) target(%dma_start3A_16 : memref<640x16xf32, #tpu.memory_space<vmem_shared>>) target_semaphore(%run_scoped3A : memref<!tpu.dma_semaphore, #tpu.memory_space<semaphore_mem>>)
      %dma_wait3A = arith.constant 0 : i32
      %dma_wait3A_17 = tpu.memref_slice %arg9[%mul3A_2, %dma_wait3A] : memref<10240x16xf32, #tpu.memory_space<vmem_shared>> -> memref<640x16xf32, #tpu.memory_space<vmem_shared>>
      tpu.wait_dma2 semaphore(%run_scoped3A : memref<!tpu.dma_semaphore, #tpu.memory_space<semaphore_mem>>) src(%arg4 : memref<640x16xf32, #tpu.memory_space<hbm>>) dst(%dma_wait3A_17 : memref<640x16xf32, #tpu.memory_space<vmem_shared>>)
      tpu.yield
    }) : () -> ()
    %barrier3A = arith.constant 0 : index
    tpu.barrier barrier_id(%barrier3A)
    %scan3A = arith.constant 0 : i32
    %scan3A_3 = arith.constant 0 : i32
    %scan3A_4 = arith.constant 20 : i32
    %scan3A_5 = arith.addi %scan3A_3, %scan3A_4 : i32
    %scan3A_6 = arith.constant 1 : i32
    scf.for %scan3A_16 = %scan3A_3 to %scan3A_5 step %scan3A_6  : i32 {
      "tpu.region"() ({
        %run_scoped3A = tpu.sem_alloc : memref<!tpu.dma_semaphore, #tpu.memory_space<semaphore_mem>>
        %dma_start3A = arith.constant 0 : i32
        %dma_start3A_17 = tpu.memref_slice %arg7[%scan3A_16, %dma_start3A] : memref<20x512xi32, #tpu.memory_space<vmem>> -> memref<1x512xi32, #tpu.memory_space<vmem>>
        %dma_start3A_18 = tpu.memref_squeeze %dma_start3A_17 : memref<1x512xi32, #tpu.memory_space<vmem>> -> memref<512xi32, #tpu.memory_space<vmem>>
        %dma_start3A_19 = arith.constant 0 : i32
        %dma_start3A_20 = arith.constant 0 : i32
        %dma_start3A_21 = tpu.memref_slice %arg9[%dma_start3A_19, %dma_start3A_20] : memref<10240x16xf32, #tpu.memory_space<vmem_shared>> -> memref<10240x16xf32, #tpu.memory_space<vmem_shared>>
        tpu.enqueue_indirect_dma source(%arg8 : memref<512x16xf32, #tpu.memory_space<vmem>>) target(%dma_start3A_21 : memref<10240x16xf32, #tpu.memory_space<vmem_shared>>) offsets(%dma_start3A_18 : memref<512xi32, #tpu.memory_space<vmem>>) semaphore(%run_scoped3A : memref<!tpu.dma_semaphore, #tpu.memory_space<semaphore_mem>>) {add = true}
        %dma_wait3A = arith.constant 0 : i32
        %dma_wait3A_22 = tpu.memref_slice %arg7[%scan3A_16, %dma_wait3A] : memref<20x512xi32, #tpu.memory_space<vmem>> -> memref<1x512xi32, #tpu.memory_space<vmem>>
        %dma_wait3A_23 = tpu.memref_squeeze %dma_wait3A_22 : memref<1x512xi32, #tpu.memory_space<vmem>> -> memref<512xi32, #tpu.memory_space<vmem>>
        %dma_wait3A_24 = arith.constant 0 : i32
        %dma_wait3A_25 = arith.constant 0 : i32
        %dma_wait3A_26 = tpu.memref_slice %arg9[%dma_wait3A_24, %dma_wait3A_25] : memref<10240x16xf32, #tpu.memory_space<vmem_shared>> -> memref<10240x16xf32, #tpu.memory_space<vmem_shared>>
        tpu.wait_indirect_dma semaphore(%run_scoped3A : memref<!tpu.dma_semaphore, #tpu.memory_space<semaphore_mem>>) src(%arg8 : memref<512x16xf32, #tpu.memory_space<vmem>>) dst(%dma_wait3A_26 : memref<10240x16xf32, #tpu.memory_space<vmem_shared>>)
        tpu.yield
      }) : () -> ()
    }
    %scan3A_7 = arith.constant 20 : i32
    %barrier3A_8 = arith.constant 0 : index
    tpu.barrier barrier_id(%barrier3A_8)
    %eq3A = arith.constant 0 : i32
    %eq3A_9 = arith.cmpi eq, %arg0, %eq3A : i32
    %convert_element_type3A = arith.extui %eq3A_9 : i1 to i32
    %cond3A = arith.constant 0 : i32
    %cond3A_10 = arith.cmpi ne, %convert_element_type3A, %cond3A : i32
    scf.if %cond3A_10 {
      %mul3A_16 = arith.constant 640 : i32
      %mul3A_17 = arith.muli %arg1, %mul3A_16 : i32
      %mul3A_18 = arith.constant 640 : i32
      %mul3A_19 = arith.muli %arg1, %mul3A_18 : i32
      "tpu.region"() ({
        %run_scoped3A = tpu.sem_alloc : memref<!tpu.dma_semaphore, #tpu.memory_space<semaphore_mem>>
        %dma_start3A = arith.constant 0 : i32
        %dma_start3A_20 = tpu.memref_slice %arg5[%mul3A_19, %dma_start3A] : memref<10240x16xf32, #tpu.memory_space<hbm>> -> memref<640x16xf32, #tpu.memory_space<hbm>>
        %dma_start3A_21 = arith.constant 0 : i32
        %dma_start3A_22 = tpu.memref_slice %arg9[%mul3A_17, %dma_start3A_21] : memref<10240x16xf32, #tpu.memory_space<vmem_shared>> -> memref<640x16xf32, #tpu.memory_space<vmem_shared>>
        tpu.enqueue_dma source(%dma_start3A_22 : memref<640x16xf32, #tpu.memory_space<vmem_shared>>) target(%dma_start3A_20 : memref<640x16xf32, #tpu.memory_space<hbm>>) target_semaphore(%run_scoped3A : memref<!tpu.dma_semaphore, #tpu.memory_space<semaphore_mem>>)
        %dma_wait3A = arith.constant 0 : i32
        %dma_wait3A_23 = tpu.memref_slice %arg5[%mul3A_19, %dma_wait3A] : memref<10240x16xf32, #tpu.memory_space<hbm>> -> memref<640x16xf32, #tpu.memory_space<hbm>>
        %dma_wait3A_24 = arith.constant 0 : i32
        %dma_wait3A_25 = tpu.memref_slice %arg9[%mul3A_17, %dma_wait3A_24] : memref<10240x16xf32, #tpu.memory_space<vmem_shared>> -> memref<640x16xf32, #tpu.memory_space<vmem_shared>>
        tpu.wait_dma2 semaphore(%run_scoped3A : memref<!tpu.dma_semaphore, #tpu.memory_space<semaphore_mem>>) src(%dma_wait3A_25 : memref<640x16xf32, #tpu.memory_space<vmem_shared>>) dst(%dma_wait3A_23 : memref<640x16xf32, #tpu.memory_space<hbm>>)
        tpu.yield
      }) : () -> ()
    } else {
    }
    %eq3A_11 = arith.constant 1 : i32
    %eq3A_12 = arith.cmpi eq, %arg0, %eq3A_11 : i32
    %convert_element_type3A_13 = arith.extui %eq3A_12 : i1 to i32
    %cond3A_14 = arith.constant 0 : i32
    %cond3A_15 = arith.cmpi ne, %convert_element_type3A_13, %cond3A_14 : i32
    scf.if %cond3A_15 {
      %mul3A_16 = arith.constant 640 : i32
      %mul3A_17 = arith.muli %arg1, %mul3A_16 : i32
      %mul3A_18 = arith.constant 640 : i32
      %mul3A_19 = arith.muli %arg1, %mul3A_18 : i32
      "tpu.region"() ({
        %run_scoped3A = tpu.sem_alloc : memref<!tpu.dma_semaphore, #tpu.memory_space<semaphore_mem>>
        %dma_start3A = arith.constant 0 : i32
        %dma_start3A_20 = tpu.memref_slice %arg6[%mul3A_19, %dma_start3A] : memref<10240x16xf32, #tpu.memory_space<hbm>> -> memref<640x16xf32, #tpu.memory_space<hbm>>
        %dma_start3A_21 = arith.constant 0 : i32
        %dma_start3A_22 = tpu.memref_slice %arg9[%mul3A_17, %dma_start3A_21] : memref<10240x16xf32, #tpu.memory_space<vmem_shared>> -> memref<640x16xf32, #tpu.memory_space<vmem_shared>>
        tpu.enqueue_dma source(%dma_start3A_22 : memref<640x16xf32, #tpu.memory_space<vmem_shared>>) target(%dma_start3A_20 : memref<640x16xf32, #tpu.memory_space<hbm>>) target_semaphore(%run_scoped3A : memref<!tpu.dma_semaphore, #tpu.memory_space<semaphore_mem>>)
        %dma_wait3A = arith.constant 0 : i32
        %dma_wait3A_23 = tpu.memref_slice %arg6[%mul3A_19, %dma_wait3A] : memref<10240x16xf32, #tpu.memory_space<hbm>> -> memref<640x16xf32, #tpu.memory_space<hbm>>
        %dma_wait3A_24 = arith.constant 0 : i32
        %dma_wait3A_25 = tpu.memref_slice %arg9[%mul3A_17, %dma_wait3A_24] : memref<10240x16xf32, #tpu.memory_space<vmem_shared>> -> memref<640x16xf32, #tpu.memory_space<vmem_shared>>
        tpu.wait_dma2 semaphore(%run_scoped3A : memref<!tpu.dma_semaphore, #tpu.memory_space<semaphore_mem>>) src(%dma_wait3A_25 : memref<640x16xf32, #tpu.memory_space<vmem_shared>>) dst(%dma_wait3A_23 : memref<640x16xf32, #tpu.memory_space<hbm>>)
        tpu.yield
      }) : () -> ()
    } else {
    }
    return
  }
}

#map = affine_map<(d0, d1) -> (0, 0, 0)>
#map1 = affine_map<(d0, d1) -> (0, 0)>
module attributes {stable_mosaic.version = 14 : i64} {
  func.func @k(%arg0: i32, %arg1: i32, %arg2: memref<32x80x128xi32, #tpu.memory_space<hbm>>, %arg3: memref<32x80x128xi32, #tpu.memory_space<hbm>>, %arg4: memref<10240x64xf32, #tpu.memory_space<hbm>>, %arg5: memref<640x64xf32, #tpu.memory_space<hbm>>, %arg6: memref<10240x64xf32, #tpu.memory_space<hbm>>, %arg7: memref<10240x64xf32, #tpu.memory_space<hbm>>, %arg8: memref<80x128xi32, #tpu.memory_space<vmem>>, %arg9: memref<80x128xi32, #tpu.memory_space<vmem>>, %arg10: memref<128x64xf32, #tpu.memory_space<vmem>>, %arg11: memref<128x64xf32, #tpu.memory_space<vmem>>, %arg12: memref<10240x64xf32, #tpu.memory_space<vmem_shared>>, %arg13: memref<!tpu.dma_semaphore, #tpu.memory_space<semaphore_mem>>, %arg14: memref<!tpu.dma_semaphore, #tpu.memory_space<semaphore_mem>>, %arg15: memref<10240x64xf32, #tpu.memory_space<vmem_shared>>) attributes {dimension_semantics = [#tpu.dimension_semantics<core_parallel>, #tpu.dimension_semantics<subcore_parallel>], iteration_bounds = array<i64: 2, 16>, scalar_prefetch = 0 : i64, scratch_operands = 8 : i64, tpu.core_type = #tpu.core_type<sc_vector_subcore>, window_params = [{transform_indices = #map}, {transform_indices = #map}, {transform_indices = #map1}, {transform_indices = #map1}, {transform_indices = #map1}, {transform_indices = #map1}]} {
    %mul3A = arith.constant 2 : i32
    %mul3A_0 = arith.muli %arg1, %mul3A : i32
    %add3A = arith.addi %mul3A_0, %arg0 : i32
    "tpu.region"() ({
      %run_scoped3A = tpu.sem_alloc : memref<!tpu.dma_semaphore, #tpu.memory_space<semaphore_mem>>
      %dma_start3A_26 = arith.constant 0 : i32
      %dma_start3A_27 = arith.constant 0 : i32
      %dma_start3A_28 = tpu.memref_slice %arg2[%add3A, %dma_start3A_26, %dma_start3A_27] : memref<32x80x128xi32, #tpu.memory_space<hbm>> -> memref<1x80x128xi32, #tpu.memory_space<hbm>>
      %dma_start3A_29 = tpu.memref_squeeze %dma_start3A_28 : memref<1x80x128xi32, #tpu.memory_space<hbm>> -> memref<80x128xi32, #tpu.memory_space<hbm>>
      %dma_start3A_30 = arith.constant 0 : i32
      %dma_start3A_31 = arith.constant 0 : i32
      %dma_start3A_32 = tpu.memref_slice %arg2[%add3A, %dma_start3A_30, %dma_start3A_31] : memref<32x80x128xi32, #tpu.memory_space<hbm>> -> memref<1x80x128xi32, #tpu.memory_space<hbm>>
      %dma_start3A_33 = tpu.memref_squeeze %dma_start3A_32 : memref<1x80x128xi32, #tpu.memory_space<hbm>> -> memref<80x128xi32, #tpu.memory_space<hbm>>
      tpu.enqueue_dma source(%dma_start3A_33 : memref<80x128xi32, #tpu.memory_space<hbm>>) target(%arg8 : memref<80x128xi32, #tpu.memory_space<vmem>>) target_semaphore(%run_scoped3A : memref<!tpu.dma_semaphore, #tpu.memory_space<semaphore_mem>>)
      %dma_wait3A = arith.constant 0 : i32
      %dma_wait3A_34 = arith.constant 0 : i32
      %dma_wait3A_35 = tpu.memref_slice %arg2[%add3A, %dma_wait3A, %dma_wait3A_34] : memref<32x80x128xi32, #tpu.memory_space<hbm>> -> memref<1x80x128xi32, #tpu.memory_space<hbm>>
      %dma_wait3A_36 = tpu.memref_squeeze %dma_wait3A_35 : memref<1x80x128xi32, #tpu.memory_space<hbm>> -> memref<80x128xi32, #tpu.memory_space<hbm>>
      %dma_wait3A_37 = arith.constant 0 : i32
      %dma_wait3A_38 = arith.constant 0 : i32
      %dma_wait3A_39 = tpu.memref_slice %arg2[%add3A, %dma_wait3A_37, %dma_wait3A_38] : memref<32x80x128xi32, #tpu.memory_space<hbm>> -> memref<1x80x128xi32, #tpu.memory_space<hbm>>
      %dma_wait3A_40 = tpu.memref_squeeze %dma_wait3A_39 : memref<1x80x128xi32, #tpu.memory_space<hbm>> -> memref<80x128xi32, #tpu.memory_space<hbm>>
      tpu.wait_dma2 semaphore(%run_scoped3A : memref<!tpu.dma_semaphore, #tpu.memory_space<semaphore_mem>>) src(%dma_wait3A_40 : memref<80x128xi32, #tpu.memory_space<hbm>>) dst(%arg8 : memref<80x128xi32, #tpu.memory_space<vmem>>)
      tpu.yield
    }) : () -> ()
    "tpu.region"() ({
      %run_scoped3A = tpu.sem_alloc : memref<!tpu.dma_semaphore, #tpu.memory_space<semaphore_mem>>
      %dma_start3A_26 = arith.constant 0 : i32
      %dma_start3A_27 = arith.constant 0 : i32
      %dma_start3A_28 = tpu.memref_slice %arg3[%add3A, %dma_start3A_26, %dma_start3A_27] : memref<32x80x128xi32, #tpu.memory_space<hbm>> -> memref<1x80x128xi32, #tpu.memory_space<hbm>>
      %dma_start3A_29 = tpu.memref_squeeze %dma_start3A_28 : memref<1x80x128xi32, #tpu.memory_space<hbm>> -> memref<80x128xi32, #tpu.memory_space<hbm>>
      %dma_start3A_30 = arith.constant 0 : i32
      %dma_start3A_31 = arith.constant 0 : i32
      %dma_start3A_32 = tpu.memref_slice %arg3[%add3A, %dma_start3A_30, %dma_start3A_31] : memref<32x80x128xi32, #tpu.memory_space<hbm>> -> memref<1x80x128xi32, #tpu.memory_space<hbm>>
      %dma_start3A_33 = tpu.memref_squeeze %dma_start3A_32 : memref<1x80x128xi32, #tpu.memory_space<hbm>> -> memref<80x128xi32, #tpu.memory_space<hbm>>
      tpu.enqueue_dma source(%dma_start3A_33 : memref<80x128xi32, #tpu.memory_space<hbm>>) target(%arg9 : memref<80x128xi32, #tpu.memory_space<vmem>>) target_semaphore(%run_scoped3A : memref<!tpu.dma_semaphore, #tpu.memory_space<semaphore_mem>>)
      %dma_wait3A = arith.constant 0 : i32
      %dma_wait3A_34 = arith.constant 0 : i32
      %dma_wait3A_35 = tpu.memref_slice %arg3[%add3A, %dma_wait3A, %dma_wait3A_34] : memref<32x80x128xi32, #tpu.memory_space<hbm>> -> memref<1x80x128xi32, #tpu.memory_space<hbm>>
      %dma_wait3A_36 = tpu.memref_squeeze %dma_wait3A_35 : memref<1x80x128xi32, #tpu.memory_space<hbm>> -> memref<80x128xi32, #tpu.memory_space<hbm>>
      %dma_wait3A_37 = arith.constant 0 : i32
      %dma_wait3A_38 = arith.constant 0 : i32
      %dma_wait3A_39 = tpu.memref_slice %arg3[%add3A, %dma_wait3A_37, %dma_wait3A_38] : memref<32x80x128xi32, #tpu.memory_space<hbm>> -> memref<1x80x128xi32, #tpu.memory_space<hbm>>
      %dma_wait3A_40 = tpu.memref_squeeze %dma_wait3A_39 : memref<1x80x128xi32, #tpu.memory_space<hbm>> -> memref<80x128xi32, #tpu.memory_space<hbm>>
      tpu.wait_dma2 semaphore(%run_scoped3A : memref<!tpu.dma_semaphore, #tpu.memory_space<semaphore_mem>>) src(%dma_wait3A_40 : memref<80x128xi32, #tpu.memory_space<hbm>>) dst(%arg9 : memref<80x128xi32, #tpu.memory_space<vmem>>)
      tpu.yield
    }) : () -> ()
    %mul3A_1 = arith.constant 640 : i32
    %mul3A_2 = arith.muli %arg1, %mul3A_1 : i32
    "tpu.region"() ({
      %run_scoped3A = tpu.sem_alloc : memref<!tpu.dma_semaphore, #tpu.memory_space<semaphore_mem>>
      %dma_start3A_26 = arith.constant 0 : i32
      %dma_start3A_27 = tpu.memref_slice %arg12[%mul3A_2, %dma_start3A_26] : memref<10240x64xf32, #tpu.memory_space<vmem_shared>> -> memref<640x64xf32, #tpu.memory_space<vmem_shared>>
      tpu.enqueue_dma source(%arg5 : memref<640x64xf32, #tpu.memory_space<hbm>>) target(%dma_start3A_27 : memref<640x64xf32, #tpu.memory_space<vmem_shared>>) target_semaphore(%run_scoped3A : memref<!tpu.dma_semaphore, #tpu.memory_space<semaphore_mem>>)
      %dma_wait3A = arith.constant 0 : i32
      %dma_wait3A_28 = tpu.memref_slice %arg12[%mul3A_2, %dma_wait3A] : memref<10240x64xf32, #tpu.memory_space<vmem_shared>> -> memref<640x64xf32, #tpu.memory_space<vmem_shared>>
      tpu.wait_dma2 semaphore(%run_scoped3A : memref<!tpu.dma_semaphore, #tpu.memory_space<semaphore_mem>>) src(%arg5 : memref<640x64xf32, #tpu.memory_space<hbm>>) dst(%dma_wait3A_28 : memref<640x64xf32, #tpu.memory_space<vmem_shared>>)
      tpu.yield
    }) : () -> ()
    %mul3A_3 = arith.constant 640 : i32
    %mul3A_4 = arith.muli %arg1, %mul3A_3 : i32
    %mul3A_5 = arith.constant 640 : i32
    %mul3A_6 = arith.muli %arg1, %mul3A_5 : i32
    "tpu.region"() ({
      %run_scoped3A = tpu.sem_alloc : memref<!tpu.dma_semaphore, #tpu.memory_space<semaphore_mem>>
      %dma_start3A_26 = arith.constant 0 : i32
      %dma_start3A_27 = tpu.memref_slice %arg15[%mul3A_6, %dma_start3A_26] : memref<10240x64xf32, #tpu.memory_space<vmem_shared>> -> memref<640x64xf32, #tpu.memory_space<vmem_shared>>
      %dma_start3A_28 = arith.constant 0 : i32
      %dma_start3A_29 = tpu.memref_slice %arg4[%mul3A_4, %dma_start3A_28] : memref<10240x64xf32, #tpu.memory_space<hbm>> -> memref<640x64xf32, #tpu.memory_space<hbm>>
      tpu.enqueue_dma source(%dma_start3A_29 : memref<640x64xf32, #tpu.memory_space<hbm>>) target(%dma_start3A_27 : memref<640x64xf32, #tpu.memory_space<vmem_shared>>) target_semaphore(%run_scoped3A : memref<!tpu.dma_semaphore, #tpu.memory_space<semaphore_mem>>)
      %dma_wait3A = arith.constant 0 : i32
      %dma_wait3A_30 = tpu.memref_slice %arg15[%mul3A_6, %dma_wait3A] : memref<10240x64xf32, #tpu.memory_space<vmem_shared>> -> memref<640x64xf32, #tpu.memory_space<vmem_shared>>
      %dma_wait3A_31 = arith.constant 0 : i32
      %dma_wait3A_32 = tpu.memref_slice %arg4[%mul3A_4, %dma_wait3A_31] : memref<10240x64xf32, #tpu.memory_space<hbm>> -> memref<640x64xf32, #tpu.memory_space<hbm>>
      tpu.wait_dma2 semaphore(%run_scoped3A : memref<!tpu.dma_semaphore, #tpu.memory_space<semaphore_mem>>) src(%dma_wait3A_32 : memref<640x64xf32, #tpu.memory_space<hbm>>) dst(%dma_wait3A_30 : memref<640x64xf32, #tpu.memory_space<vmem_shared>>)
      tpu.yield
    }) : () -> ()
    %barrier3A = arith.constant 0 : index
    tpu.barrier barrier_id(%barrier3A)
    %dma_start3A = arith.constant 0 : i32
    %dma_start3A_7 = arith.constant 0 : i32
    %dma_start3A_8 = tpu.memref_slice %arg8[%dma_start3A, %dma_start3A_7] : memref<80x128xi32, #tpu.memory_space<vmem>> -> memref<1x128xi32, #tpu.memory_space<vmem>>
    %dma_start3A_9 = tpu.memref_squeeze %dma_start3A_8 : memref<1x128xi32, #tpu.memory_space<vmem>> -> memref<128xi32, #tpu.memory_space<vmem>>
    %dma_start3A_10 = arith.constant 0 : i32
    %dma_start3A_11 = arith.constant 0 : i32
    %dma_start3A_12 = tpu.memref_slice %arg15[%dma_start3A_10, %dma_start3A_11] : memref<10240x64xf32, #tpu.memory_space<vmem_shared>> -> memref<10240x64xf32, #tpu.memory_space<vmem_shared>>
    tpu.enqueue_indirect_dma source(%dma_start3A_12 : memref<10240x64xf32, #tpu.memory_space<vmem_shared>>) target(%arg10 : memref<128x64xf32, #tpu.memory_space<vmem>>) offsets(%dma_start3A_9 : memref<128xi32, #tpu.memory_space<vmem>>) semaphore(%arg13 : memref<!tpu.dma_semaphore, #tpu.memory_space<semaphore_mem>>)
    %scan3A = arith.constant 0 : i32
    %scan3A_13 = arith.constant 0 : i32
    %scan3A_14 = arith.constant 40 : i32
    %scan3A_15 = arith.addi %scan3A_13, %scan3A_14 : i32
    %scan3A_16 = arith.constant 1 : i32
    scf.for %scan3A_26 = %scan3A_13 to %scan3A_15 step %scan3A_16  : i32 {
      %mul3A_27 = arith.constant 2 : i32
      %mul3A_28 = arith.muli %scan3A_26, %mul3A_27 : i32
      %add3A_29 = arith.constant 1 : i32
      %add3A_30 = arith.addi %mul3A_28, %add3A_29 : i32
      %dma_start3A_31 = arith.constant 0 : i32
      %dma_start3A_32 = tpu.memref_slice %arg8[%add3A_30, %dma_start3A_31] : memref<80x128xi32, #tpu.memory_space<vmem>> -> memref<1x128xi32, #tpu.memory_space<vmem>>
      %dma_start3A_33 = tpu.memref_squeeze %dma_start3A_32 : memref<1x128xi32, #tpu.memory_space<vmem>> -> memref<128xi32, #tpu.memory_space<vmem>>
      %dma_start3A_34 = arith.constant 0 : i32
      %dma_start3A_35 = arith.constant 0 : i32
      %dma_start3A_36 = tpu.memref_slice %arg15[%dma_start3A_34, %dma_start3A_35] : memref<10240x64xf32, #tpu.memory_space<vmem_shared>> -> memref<10240x64xf32, #tpu.memory_space<vmem_shared>>
      tpu.enqueue_indirect_dma source(%dma_start3A_36 : memref<10240x64xf32, #tpu.memory_space<vmem_shared>>) target(%arg11 : memref<128x64xf32, #tpu.memory_space<vmem>>) offsets(%dma_start3A_33 : memref<128xi32, #tpu.memory_space<vmem>>) semaphore(%arg14 : memref<!tpu.dma_semaphore, #tpu.memory_space<semaphore_mem>>)
      %dma_wait3A = arith.constant 0 : i32
      %dma_wait3A_37 = tpu.memref_slice %arg8[%mul3A_28, %dma_wait3A] : memref<80x128xi32, #tpu.memory_space<vmem>> -> memref<1x128xi32, #tpu.memory_space<vmem>>
      %dma_wait3A_38 = tpu.memref_squeeze %dma_wait3A_37 : memref<1x128xi32, #tpu.memory_space<vmem>> -> memref<128xi32, #tpu.memory_space<vmem>>
      %dma_wait3A_39 = arith.constant 0 : i32
      %dma_wait3A_40 = arith.constant 0 : i32
      %dma_wait3A_41 = tpu.memref_slice %arg15[%dma_wait3A_39, %dma_wait3A_40] : memref<10240x64xf32, #tpu.memory_space<vmem_shared>> -> memref<10240x64xf32, #tpu.memory_space<vmem_shared>>
      tpu.wait_indirect_dma semaphore(%arg13 : memref<!tpu.dma_semaphore, #tpu.memory_space<semaphore_mem>>) src(%dma_wait3A_41 : memref<10240x64xf32, #tpu.memory_space<vmem_shared>>) dst(%arg10 : memref<128x64xf32, #tpu.memory_space<vmem>>)
      "tpu.region"() ({
        %run_scoped3A = tpu.sem_alloc : memref<!tpu.dma_semaphore, #tpu.memory_space<semaphore_mem>>
        %dma_start3A_58 = arith.constant 0 : i32
        %dma_start3A_59 = tpu.memref_slice %arg9[%mul3A_28, %dma_start3A_58] : memref<80x128xi32, #tpu.memory_space<vmem>> -> memref<1x128xi32, #tpu.memory_space<vmem>>
        %dma_start3A_60 = tpu.memref_squeeze %dma_start3A_59 : memref<1x128xi32, #tpu.memory_space<vmem>> -> memref<128xi32, #tpu.memory_space<vmem>>
        %dma_start3A_61 = arith.constant 0 : i32
        %dma_start3A_62 = arith.constant 0 : i32
        %dma_start3A_63 = tpu.memref_slice %arg12[%dma_start3A_61, %dma_start3A_62] : memref<10240x64xf32, #tpu.memory_space<vmem_shared>> -> memref<10240x64xf32, #tpu.memory_space<vmem_shared>>
        tpu.enqueue_indirect_dma source(%arg10 : memref<128x64xf32, #tpu.memory_space<vmem>>) target(%dma_start3A_63 : memref<10240x64xf32, #tpu.memory_space<vmem_shared>>) offsets(%dma_start3A_60 : memref<128xi32, #tpu.memory_space<vmem>>) semaphore(%run_scoped3A : memref<!tpu.dma_semaphore, #tpu.memory_space<semaphore_mem>>) {add = true}
        %dma_wait3A_64 = arith.constant 0 : i32
        %dma_wait3A_65 = tpu.memref_slice %arg9[%mul3A_28, %dma_wait3A_64] : memref<80x128xi32, #tpu.memory_space<vmem>> -> memref<1x128xi32, #tpu.memory_space<vmem>>
        %dma_wait3A_66 = tpu.memref_squeeze %dma_wait3A_65 : memref<1x128xi32, #tpu.memory_space<vmem>> -> memref<128xi32, #tpu.memory_space<vmem>>
        %dma_wait3A_67 = arith.constant 0 : i32
        %dma_wait3A_68 = arith.constant 0 : i32
        %dma_wait3A_69 = tpu.memref_slice %arg12[%dma_wait3A_67, %dma_wait3A_68] : memref<10240x64xf32, #tpu.memory_space<vmem_shared>> -> memref<10240x64xf32, #tpu.memory_space<vmem_shared>>
        tpu.wait_indirect_dma semaphore(%run_scoped3A : memref<!tpu.dma_semaphore, #tpu.memory_space<semaphore_mem>>) src(%arg10 : memref<128x64xf32, #tpu.memory_space<vmem>>) dst(%dma_wait3A_69 : memref<10240x64xf32, #tpu.memory_space<vmem_shared>>)
        tpu.yield
      }) : () -> ()
      %add3A_42 = arith.constant 2 : i32
      %add3A_43 = arith.addi %mul3A_28, %add3A_42 : i32
      %lt3A = arith.constant 80 : i32
      %lt3A_44 = arith.cmpi slt, %add3A_43, %lt3A : i32
      %convert_element_type3A_45 = arith.extui %lt3A_44 : i1 to i32
      %cond3A_46 = arith.constant 0 : i32
      %cond3A_47 = arith.cmpi ne, %convert_element_type3A_45, %cond3A_46 : i32
      scf.if %cond3A_47 {
        %add3A_58 = arith.constant 2 : i32
        %add3A_59 = arith.addi %mul3A_28, %add3A_58 : i32
        %dma_start3A_60 = arith.constant 0 : i32
        %dma_start3A_61 = tpu.memref_slice %arg8[%add3A_59, %dma_start3A_60] : memref<80x128xi32, #tpu.memory_space<vmem>> -> memref<1x128xi32, #tpu.memory_space<vmem>>
        %dma_start3A_62 = tpu.memref_squeeze %dma_start3A_61 : memref<1x128xi32, #tpu.memory_space<vmem>> -> memref<128xi32, #tpu.memory_space<vmem>>
        %dma_start3A_63 = arith.constant 0 : i32
        %dma_start3A_64 = arith.constant 0 : i32
        %dma_start3A_65 = tpu.memref_slice %arg15[%dma_start3A_63, %dma_start3A_64] : memref<10240x64xf32, #tpu.memory_space<vmem_shared>> -> memref<10240x64xf32, #tpu.memory_space<vmem_shared>>
        tpu.enqueue_indirect_dma source(%dma_start3A_65 : memref<10240x64xf32, #tpu.memory_space<vmem_shared>>) target(%arg10 : memref<128x64xf32, #tpu.memory_space<vmem>>) offsets(%dma_start3A_62 : memref<128xi32, #tpu.memory_space<vmem>>) semaphore(%arg13 : memref<!tpu.dma_semaphore, #tpu.memory_space<semaphore_mem>>)
      } else {
      }
      %add3A_48 = arith.constant 1 : i32
      %add3A_49 = arith.addi %mul3A_28, %add3A_48 : i32
      %dma_wait3A_50 = arith.constant 0 : i32
      %dma_wait3A_51 = tpu.memref_slice %arg8[%add3A_49, %dma_wait3A_50] : memref<80x128xi32, #tpu.memory_space<vmem>> -> memref<1x128xi32, #tpu.memory_space<vmem>>
      %dma_wait3A_52 = tpu.memref_squeeze %dma_wait3A_51 : memref<1x128xi32, #tpu.memory_space<vmem>> -> memref<128xi32, #tpu.memory_space<vmem>>
      %dma_wait3A_53 = arith.constant 0 : i32
      %dma_wait3A_54 = arith.constant 0 : i32
      %dma_wait3A_55 = tpu.memref_slice %arg15[%dma_wait3A_53, %dma_wait3A_54] : memref<10240x64xf32, #tpu.memory_space<vmem_shared>> -> memref<10240x64xf32, #tpu.memory_space<vmem_shared>>
      tpu.wait_indirect_dma semaphore(%arg14 : memref<!tpu.dma_semaphore, #tpu.memory_space<semaphore_mem>>) src(%dma_wait3A_55 : memref<10240x64xf32, #tpu.memory_space<vmem_shared>>) dst(%arg11 : memref<128x64xf32, #tpu.memory_space<vmem>>)
      %add3A_56 = arith.constant 1 : i32
      %add3A_57 = arith.addi %mul3A_28, %add3A_56 : i32
      "tpu.region"() ({
        %run_scoped3A = tpu.sem_alloc : memref<!tpu.dma_semaphore, #tpu.memory_space<semaphore_mem>>
        %dma_start3A_58 = arith.constant 0 : i32
        %dma_start3A_59 = tpu.memref_slice %arg9[%add3A_57, %dma_start3A_58] : memref<80x128xi32, #tpu.memory_space<vmem>> -> memref<1x128xi32, #tpu.memory_space<vmem>>
        %dma_start3A_60 = tpu.memref_squeeze %dma_start3A_59 : memref<1x128xi32, #tpu.memory_space<vmem>> -> memref<128xi32, #tpu.memory_space<vmem>>
        %dma_start3A_61 = arith.constant 0 : i32
        %dma_start3A_62 = arith.constant 0 : i32
        %dma_start3A_63 = tpu.memref_slice %arg12[%dma_start3A_61, %dma_start3A_62] : memref<10240x64xf32, #tpu.memory_space<vmem_shared>> -> memref<10240x64xf32, #tpu.memory_space<vmem_shared>>
        tpu.enqueue_indirect_dma source(%arg11 : memref<128x64xf32, #tpu.memory_space<vmem>>) target(%dma_start3A_63 : memref<10240x64xf32, #tpu.memory_space<vmem_shared>>) offsets(%dma_start3A_60 : memref<128xi32, #tpu.memory_space<vmem>>) semaphore(%run_scoped3A : memref<!tpu.dma_semaphore, #tpu.memory_space<semaphore_mem>>) {add = true}
        %dma_wait3A_64 = arith.constant 0 : i32
        %dma_wait3A_65 = tpu.memref_slice %arg9[%add3A_57, %dma_wait3A_64] : memref<80x128xi32, #tpu.memory_space<vmem>> -> memref<1x128xi32, #tpu.memory_space<vmem>>
        %dma_wait3A_66 = tpu.memref_squeeze %dma_wait3A_65 : memref<1x128xi32, #tpu.memory_space<vmem>> -> memref<128xi32, #tpu.memory_space<vmem>>
        %dma_wait3A_67 = arith.constant 0 : i32
        %dma_wait3A_68 = arith.constant 0 : i32
        %dma_wait3A_69 = tpu.memref_slice %arg12[%dma_wait3A_67, %dma_wait3A_68] : memref<10240x64xf32, #tpu.memory_space<vmem_shared>> -> memref<10240x64xf32, #tpu.memory_space<vmem_shared>>
        tpu.wait_indirect_dma semaphore(%run_scoped3A : memref<!tpu.dma_semaphore, #tpu.memory_space<semaphore_mem>>) src(%arg11 : memref<128x64xf32, #tpu.memory_space<vmem>>) dst(%dma_wait3A_69 : memref<10240x64xf32, #tpu.memory_space<vmem_shared>>)
        tpu.yield
      }) : () -> ()
    }
    %scan3A_17 = arith.constant 40 : i32
    %barrier3A_18 = arith.constant 0 : index
    tpu.barrier barrier_id(%barrier3A_18)
    %eq3A = arith.constant 0 : i32
    %eq3A_19 = arith.cmpi eq, %arg0, %eq3A : i32
    %convert_element_type3A = arith.extui %eq3A_19 : i1 to i32
    %cond3A = arith.constant 0 : i32
    %cond3A_20 = arith.cmpi ne, %convert_element_type3A, %cond3A : i32
    scf.if %cond3A_20 {
      %mul3A_26 = arith.constant 640 : i32
      %mul3A_27 = arith.muli %arg1, %mul3A_26 : i32
      %mul3A_28 = arith.constant 640 : i32
      %mul3A_29 = arith.muli %arg1, %mul3A_28 : i32
      "tpu.region"() ({
        %run_scoped3A = tpu.sem_alloc : memref<!tpu.dma_semaphore, #tpu.memory_space<semaphore_mem>>
        %dma_start3A_30 = arith.constant 0 : i32
        %dma_start3A_31 = tpu.memref_slice %arg6[%mul3A_29, %dma_start3A_30] : memref<10240x64xf32, #tpu.memory_space<hbm>> -> memref<640x64xf32, #tpu.memory_space<hbm>>
        %dma_start3A_32 = arith.constant 0 : i32
        %dma_start3A_33 = tpu.memref_slice %arg12[%mul3A_27, %dma_start3A_32] : memref<10240x64xf32, #tpu.memory_space<vmem_shared>> -> memref<640x64xf32, #tpu.memory_space<vmem_shared>>
        tpu.enqueue_dma source(%dma_start3A_33 : memref<640x64xf32, #tpu.memory_space<vmem_shared>>) target(%dma_start3A_31 : memref<640x64xf32, #tpu.memory_space<hbm>>) target_semaphore(%run_scoped3A : memref<!tpu.dma_semaphore, #tpu.memory_space<semaphore_mem>>)
        %dma_wait3A = arith.constant 0 : i32
        %dma_wait3A_34 = tpu.memref_slice %arg6[%mul3A_29, %dma_wait3A] : memref<10240x64xf32, #tpu.memory_space<hbm>> -> memref<640x64xf32, #tpu.memory_space<hbm>>
        %dma_wait3A_35 = arith.constant 0 : i32
        %dma_wait3A_36 = tpu.memref_slice %arg12[%mul3A_27, %dma_wait3A_35] : memref<10240x64xf32, #tpu.memory_space<vmem_shared>> -> memref<640x64xf32, #tpu.memory_space<vmem_shared>>
        tpu.wait_dma2 semaphore(%run_scoped3A : memref<!tpu.dma_semaphore, #tpu.memory_space<semaphore_mem>>) src(%dma_wait3A_36 : memref<640x64xf32, #tpu.memory_space<vmem_shared>>) dst(%dma_wait3A_34 : memref<640x64xf32, #tpu.memory_space<hbm>>)
        tpu.yield
      }) : () -> ()
    } else {
    }
    %eq3A_21 = arith.constant 1 : i32
    %eq3A_22 = arith.cmpi eq, %arg0, %eq3A_21 : i32
    %convert_element_type3A_23 = arith.extui %eq3A_22 : i1 to i32
    %cond3A_24 = arith.constant 0 : i32
    %cond3A_25 = arith.cmpi ne, %convert_element_type3A_23, %cond3A_24 : i32
    scf.if %cond3A_25 {
      %mul3A_26 = arith.constant 640 : i32
      %mul3A_27 = arith.muli %arg1, %mul3A_26 : i32
      %mul3A_28 = arith.constant 640 : i32
      %mul3A_29 = arith.muli %arg1, %mul3A_28 : i32
      "tpu.region"() ({
        %run_scoped3A = tpu.sem_alloc : memref<!tpu.dma_semaphore, #tpu.memory_space<semaphore_mem>>
        %dma_start3A_30 = arith.constant 0 : i32
        %dma_start3A_31 = tpu.memref_slice %arg7[%mul3A_29, %dma_start3A_30] : memref<10240x64xf32, #tpu.memory_space<hbm>> -> memref<640x64xf32, #tpu.memory_space<hbm>>
        %dma_start3A_32 = arith.constant 0 : i32
        %dma_start3A_33 = tpu.memref_slice %arg12[%mul3A_27, %dma_start3A_32] : memref<10240x64xf32, #tpu.memory_space<vmem_shared>> -> memref<640x64xf32, #tpu.memory_space<vmem_shared>>
        tpu.enqueue_dma source(%dma_start3A_33 : memref<640x64xf32, #tpu.memory_space<vmem_shared>>) target(%dma_start3A_31 : memref<640x64xf32, #tpu.memory_space<hbm>>) target_semaphore(%run_scoped3A : memref<!tpu.dma_semaphore, #tpu.memory_space<semaphore_mem>>)
        %dma_wait3A = arith.constant 0 : i32
        %dma_wait3A_34 = tpu.memref_slice %arg7[%mul3A_29, %dma_wait3A] : memref<10240x64xf32, #tpu.memory_space<hbm>> -> memref<640x64xf32, #tpu.memory_space<hbm>>
        %dma_wait3A_35 = arith.constant 0 : i32
        %dma_wait3A_36 = tpu.memref_slice %arg12[%mul3A_27, %dma_wait3A_35] : memref<10240x64xf32, #tpu.memory_space<vmem_shared>> -> memref<640x64xf32, #tpu.memory_space<vmem_shared>>
        tpu.wait_dma2 semaphore(%run_scoped3A : memref<!tpu.dma_semaphore, #tpu.memory_space<semaphore_mem>>) src(%dma_wait3A_36 : memref<640x64xf32, #tpu.memory_space<vmem_shared>>) dst(%dma_wait3A_34 : memref<640x64xf32, #tpu.memory_space<hbm>>)
        tpu.yield
      }) : () -> ()
    } else {
    }
    return
  }
}

#map = affine_map<(d0, d1) -> (0, 0, 0)>
#map1 = affine_map<(d0, d1) -> (0, 0)>
module attributes {stable_mosaic.version = 14 : i64} {
  func.func @k(%arg0: i32, %arg1: i32, %arg2: memref<32x40x256xi32, #tpu.memory_space<hbm>>, %arg3: memref<32x40x256xi32, #tpu.memory_space<hbm>>, %arg4: memref<10240x56xf32, #tpu.memory_space<hbm>>, %arg5: memref<640x56xf32, #tpu.memory_space<hbm>>, %arg6: memref<10240x56xf32, #tpu.memory_space<hbm>>, %arg7: memref<10240x56xf32, #tpu.memory_space<hbm>>, %arg8: memref<40x256xi32, #tpu.memory_space<vmem>>, %arg9: memref<40x256xi32, #tpu.memory_space<vmem>>, %arg10: memref<256x56xf32, #tpu.memory_space<vmem>>, %arg11: memref<256x56xf32, #tpu.memory_space<vmem>>, %arg12: memref<10240x56xf32, #tpu.memory_space<vmem_shared>>, %arg13: memref<!tpu.dma_semaphore, #tpu.memory_space<semaphore_mem>>, %arg14: memref<!tpu.dma_semaphore, #tpu.memory_space<semaphore_mem>>, %arg15: memref<10240x56xf32, #tpu.memory_space<vmem_shared>>) attributes {dimension_semantics = [#tpu.dimension_semantics<core_parallel>, #tpu.dimension_semantics<subcore_parallel>], iteration_bounds = array<i64: 2, 16>, scalar_prefetch = 0 : i64, scratch_operands = 8 : i64, tpu.core_type = #tpu.core_type<sc_vector_subcore>, window_params = [{transform_indices = #map}, {transform_indices = #map}, {transform_indices = #map1}, {transform_indices = #map1}, {transform_indices = #map1}, {transform_indices = #map1}]} {
    %mul3A = arith.constant 2 : i32
    %mul3A_0 = arith.muli %arg1, %mul3A : i32
    %add3A = arith.addi %mul3A_0, %arg0 : i32
    "tpu.region"() ({
      %run_scoped3A = tpu.sem_alloc : memref<!tpu.dma_semaphore, #tpu.memory_space<semaphore_mem>>
      %dma_start3A_26 = arith.constant 0 : i32
      %dma_start3A_27 = arith.constant 0 : i32
      %dma_start3A_28 = tpu.memref_slice %arg2[%add3A, %dma_start3A_26, %dma_start3A_27] : memref<32x40x256xi32, #tpu.memory_space<hbm>> -> memref<1x40x256xi32, #tpu.memory_space<hbm>>
      %dma_start3A_29 = tpu.memref_squeeze %dma_start3A_28 : memref<1x40x256xi32, #tpu.memory_space<hbm>> -> memref<40x256xi32, #tpu.memory_space<hbm>>
      %dma_start3A_30 = arith.constant 0 : i32
      %dma_start3A_31 = arith.constant 0 : i32
      %dma_start3A_32 = tpu.memref_slice %arg2[%add3A, %dma_start3A_30, %dma_start3A_31] : memref<32x40x256xi32, #tpu.memory_space<hbm>> -> memref<1x40x256xi32, #tpu.memory_space<hbm>>
      %dma_start3A_33 = tpu.memref_squeeze %dma_start3A_32 : memref<1x40x256xi32, #tpu.memory_space<hbm>> -> memref<40x256xi32, #tpu.memory_space<hbm>>
      tpu.enqueue_dma source(%dma_start3A_33 : memref<40x256xi32, #tpu.memory_space<hbm>>) target(%arg8 : memref<40x256xi32, #tpu.memory_space<vmem>>) target_semaphore(%run_scoped3A : memref<!tpu.dma_semaphore, #tpu.memory_space<semaphore_mem>>)
      %dma_wait3A = arith.constant 0 : i32
      %dma_wait3A_34 = arith.constant 0 : i32
      %dma_wait3A_35 = tpu.memref_slice %arg2[%add3A, %dma_wait3A, %dma_wait3A_34] : memref<32x40x256xi32, #tpu.memory_space<hbm>> -> memref<1x40x256xi32, #tpu.memory_space<hbm>>
      %dma_wait3A_36 = tpu.memref_squeeze %dma_wait3A_35 : memref<1x40x256xi32, #tpu.memory_space<hbm>> -> memref<40x256xi32, #tpu.memory_space<hbm>>
      %dma_wait3A_37 = arith.constant 0 : i32
      %dma_wait3A_38 = arith.constant 0 : i32
      %dma_wait3A_39 = tpu.memref_slice %arg2[%add3A, %dma_wait3A_37, %dma_wait3A_38] : memref<32x40x256xi32, #tpu.memory_space<hbm>> -> memref<1x40x256xi32, #tpu.memory_space<hbm>>
      %dma_wait3A_40 = tpu.memref_squeeze %dma_wait3A_39 : memref<1x40x256xi32, #tpu.memory_space<hbm>> -> memref<40x256xi32, #tpu.memory_space<hbm>>
      tpu.wait_dma2 semaphore(%run_scoped3A : memref<!tpu.dma_semaphore, #tpu.memory_space<semaphore_mem>>) src(%dma_wait3A_40 : memref<40x256xi32, #tpu.memory_space<hbm>>) dst(%arg8 : memref<40x256xi32, #tpu.memory_space<vmem>>)
      tpu.yield
    }) : () -> ()
    "tpu.region"() ({
      %run_scoped3A = tpu.sem_alloc : memref<!tpu.dma_semaphore, #tpu.memory_space<semaphore_mem>>
      %dma_start3A_26 = arith.constant 0 : i32
      %dma_start3A_27 = arith.constant 0 : i32
      %dma_start3A_28 = tpu.memref_slice %arg3[%add3A, %dma_start3A_26, %dma_start3A_27] : memref<32x40x256xi32, #tpu.memory_space<hbm>> -> memref<1x40x256xi32, #tpu.memory_space<hbm>>
      %dma_start3A_29 = tpu.memref_squeeze %dma_start3A_28 : memref<1x40x256xi32, #tpu.memory_space<hbm>> -> memref<40x256xi32, #tpu.memory_space<hbm>>
      %dma_start3A_30 = arith.constant 0 : i32
      %dma_start3A_31 = arith.constant 0 : i32
      %dma_start3A_32 = tpu.memref_slice %arg3[%add3A, %dma_start3A_30, %dma_start3A_31] : memref<32x40x256xi32, #tpu.memory_space<hbm>> -> memref<1x40x256xi32, #tpu.memory_space<hbm>>
      %dma_start3A_33 = tpu.memref_squeeze %dma_start3A_32 : memref<1x40x256xi32, #tpu.memory_space<hbm>> -> memref<40x256xi32, #tpu.memory_space<hbm>>
      tpu.enqueue_dma source(%dma_start3A_33 : memref<40x256xi32, #tpu.memory_space<hbm>>) target(%arg9 : memref<40x256xi32, #tpu.memory_space<vmem>>) target_semaphore(%run_scoped3A : memref<!tpu.dma_semaphore, #tpu.memory_space<semaphore_mem>>)
      %dma_wait3A = arith.constant 0 : i32
      %dma_wait3A_34 = arith.constant 0 : i32
      %dma_wait3A_35 = tpu.memref_slice %arg3[%add3A, %dma_wait3A, %dma_wait3A_34] : memref<32x40x256xi32, #tpu.memory_space<hbm>> -> memref<1x40x256xi32, #tpu.memory_space<hbm>>
      %dma_wait3A_36 = tpu.memref_squeeze %dma_wait3A_35 : memref<1x40x256xi32, #tpu.memory_space<hbm>> -> memref<40x256xi32, #tpu.memory_space<hbm>>
      %dma_wait3A_37 = arith.constant 0 : i32
      %dma_wait3A_38 = arith.constant 0 : i32
      %dma_wait3A_39 = tpu.memref_slice %arg3[%add3A, %dma_wait3A_37, %dma_wait3A_38] : memref<32x40x256xi32, #tpu.memory_space<hbm>> -> memref<1x40x256xi32, #tpu.memory_space<hbm>>
      %dma_wait3A_40 = tpu.memref_squeeze %dma_wait3A_39 : memref<1x40x256xi32, #tpu.memory_space<hbm>> -> memref<40x256xi32, #tpu.memory_space<hbm>>
      tpu.wait_dma2 semaphore(%run_scoped3A : memref<!tpu.dma_semaphore, #tpu.memory_space<semaphore_mem>>) src(%dma_wait3A_40 : memref<40x256xi32, #tpu.memory_space<hbm>>) dst(%arg9 : memref<40x256xi32, #tpu.memory_space<vmem>>)
      tpu.yield
    }) : () -> ()
    %mul3A_1 = arith.constant 640 : i32
    %mul3A_2 = arith.muli %arg1, %mul3A_1 : i32
    "tpu.region"() ({
      %run_scoped3A = tpu.sem_alloc : memref<!tpu.dma_semaphore, #tpu.memory_space<semaphore_mem>>
      %dma_start3A_26 = arith.constant 0 : i32
      %dma_start3A_27 = tpu.memref_slice %arg12[%mul3A_2, %dma_start3A_26] : memref<10240x56xf32, #tpu.memory_space<vmem_shared>> -> memref<640x56xf32, #tpu.memory_space<vmem_shared>>
      tpu.enqueue_dma source(%arg5 : memref<640x56xf32, #tpu.memory_space<hbm>>) target(%dma_start3A_27 : memref<640x56xf32, #tpu.memory_space<vmem_shared>>) target_semaphore(%run_scoped3A : memref<!tpu.dma_semaphore, #tpu.memory_space<semaphore_mem>>)
      %dma_wait3A = arith.constant 0 : i32
      %dma_wait3A_28 = tpu.memref_slice %arg12[%mul3A_2, %dma_wait3A] : memref<10240x56xf32, #tpu.memory_space<vmem_shared>> -> memref<640x56xf32, #tpu.memory_space<vmem_shared>>
      tpu.wait_dma2 semaphore(%run_scoped3A : memref<!tpu.dma_semaphore, #tpu.memory_space<semaphore_mem>>) src(%arg5 : memref<640x56xf32, #tpu.memory_space<hbm>>) dst(%dma_wait3A_28 : memref<640x56xf32, #tpu.memory_space<vmem_shared>>)
      tpu.yield
    }) : () -> ()
    %mul3A_3 = arith.constant 640 : i32
    %mul3A_4 = arith.muli %arg1, %mul3A_3 : i32
    %mul3A_5 = arith.constant 640 : i32
    %mul3A_6 = arith.muli %arg1, %mul3A_5 : i32
    "tpu.region"() ({
      %run_scoped3A = tpu.sem_alloc : memref<!tpu.dma_semaphore, #tpu.memory_space<semaphore_mem>>
      %dma_start3A_26 = arith.constant 0 : i32
      %dma_start3A_27 = tpu.memref_slice %arg15[%mul3A_6, %dma_start3A_26] : memref<10240x56xf32, #tpu.memory_space<vmem_shared>> -> memref<640x56xf32, #tpu.memory_space<vmem_shared>>
      %dma_start3A_28 = arith.constant 0 : i32
      %dma_start3A_29 = tpu.memref_slice %arg4[%mul3A_4, %dma_start3A_28] : memref<10240x56xf32, #tpu.memory_space<hbm>> -> memref<640x56xf32, #tpu.memory_space<hbm>>
      tpu.enqueue_dma source(%dma_start3A_29 : memref<640x56xf32, #tpu.memory_space<hbm>>) target(%dma_start3A_27 : memref<640x56xf32, #tpu.memory_space<vmem_shared>>) target_semaphore(%run_scoped3A : memref<!tpu.dma_semaphore, #tpu.memory_space<semaphore_mem>>)
      %dma_wait3A = arith.constant 0 : i32
      %dma_wait3A_30 = tpu.memref_slice %arg15[%mul3A_6, %dma_wait3A] : memref<10240x56xf32, #tpu.memory_space<vmem_shared>> -> memref<640x56xf32, #tpu.memory_space<vmem_shared>>
      %dma_wait3A_31 = arith.constant 0 : i32
      %dma_wait3A_32 = tpu.memref_slice %arg4[%mul3A_4, %dma_wait3A_31] : memref<10240x56xf32, #tpu.memory_space<hbm>> -> memref<640x56xf32, #tpu.memory_space<hbm>>
      tpu.wait_dma2 semaphore(%run_scoped3A : memref<!tpu.dma_semaphore, #tpu.memory_space<semaphore_mem>>) src(%dma_wait3A_32 : memref<640x56xf32, #tpu.memory_space<hbm>>) dst(%dma_wait3A_30 : memref<640x56xf32, #tpu.memory_space<vmem_shared>>)
      tpu.yield
    }) : () -> ()
    %barrier3A = arith.constant 0 : index
    tpu.barrier barrier_id(%barrier3A)
    %dma_start3A = arith.constant 0 : i32
    %dma_start3A_7 = arith.constant 0 : i32
    %dma_start3A_8 = tpu.memref_slice %arg8[%dma_start3A, %dma_start3A_7] : memref<40x256xi32, #tpu.memory_space<vmem>> -> memref<1x256xi32, #tpu.memory_space<vmem>>
    %dma_start3A_9 = tpu.memref_squeeze %dma_start3A_8 : memref<1x256xi32, #tpu.memory_space<vmem>> -> memref<256xi32, #tpu.memory_space<vmem>>
    %dma_start3A_10 = arith.constant 0 : i32
    %dma_start3A_11 = arith.constant 0 : i32
    %dma_start3A_12 = tpu.memref_slice %arg15[%dma_start3A_10, %dma_start3A_11] : memref<10240x56xf32, #tpu.memory_space<vmem_shared>> -> memref<10240x56xf32, #tpu.memory_space<vmem_shared>>
    tpu.enqueue_indirect_dma source(%dma_start3A_12 : memref<10240x56xf32, #tpu.memory_space<vmem_shared>>) target(%arg10 : memref<256x56xf32, #tpu.memory_space<vmem>>) offsets(%dma_start3A_9 : memref<256xi32, #tpu.memory_space<vmem>>) semaphore(%arg13 : memref<!tpu.dma_semaphore, #tpu.memory_space<semaphore_mem>>)
    %scan3A = arith.constant 0 : i32
    %scan3A_13 = arith.constant 0 : i32
    %scan3A_14 = arith.constant 20 : i32
    %scan3A_15 = arith.addi %scan3A_13, %scan3A_14 : i32
    %scan3A_16 = arith.constant 1 : i32
    scf.for %scan3A_26 = %scan3A_13 to %scan3A_15 step %scan3A_16  : i32 {
      %mul3A_27 = arith.constant 2 : i32
      %mul3A_28 = arith.muli %scan3A_26, %mul3A_27 : i32
      %add3A_29 = arith.constant 1 : i32
      %add3A_30 = arith.addi %mul3A_28, %add3A_29 : i32
      %dma_start3A_31 = arith.constant 0 : i32
      %dma_start3A_32 = tpu.memref_slice %arg8[%add3A_30, %dma_start3A_31] : memref<40x256xi32, #tpu.memory_space<vmem>> -> memref<1x256xi32, #tpu.memory_space<vmem>>
      %dma_start3A_33 = tpu.memref_squeeze %dma_start3A_32 : memref<1x256xi32, #tpu.memory_space<vmem>> -> memref<256xi32, #tpu.memory_space<vmem>>
      %dma_start3A_34 = arith.constant 0 : i32
      %dma_start3A_35 = arith.constant 0 : i32
      %dma_start3A_36 = tpu.memref_slice %arg15[%dma_start3A_34, %dma_start3A_35] : memref<10240x56xf32, #tpu.memory_space<vmem_shared>> -> memref<10240x56xf32, #tpu.memory_space<vmem_shared>>
      tpu.enqueue_indirect_dma source(%dma_start3A_36 : memref<10240x56xf32, #tpu.memory_space<vmem_shared>>) target(%arg11 : memref<256x56xf32, #tpu.memory_space<vmem>>) offsets(%dma_start3A_33 : memref<256xi32, #tpu.memory_space<vmem>>) semaphore(%arg14 : memref<!tpu.dma_semaphore, #tpu.memory_space<semaphore_mem>>)
      %dma_wait3A = arith.constant 0 : i32
      %dma_wait3A_37 = tpu.memref_slice %arg8[%mul3A_28, %dma_wait3A] : memref<40x256xi32, #tpu.memory_space<vmem>> -> memref<1x256xi32, #tpu.memory_space<vmem>>
      %dma_wait3A_38 = tpu.memref_squeeze %dma_wait3A_37 : memref<1x256xi32, #tpu.memory_space<vmem>> -> memref<256xi32, #tpu.memory_space<vmem>>
      %dma_wait3A_39 = arith.constant 0 : i32
      %dma_wait3A_40 = arith.constant 0 : i32
      %dma_wait3A_41 = tpu.memref_slice %arg15[%dma_wait3A_39, %dma_wait3A_40] : memref<10240x56xf32, #tpu.memory_space<vmem_shared>> -> memref<10240x56xf32, #tpu.memory_space<vmem_shared>>
      tpu.wait_indirect_dma semaphore(%arg13 : memref<!tpu.dma_semaphore, #tpu.memory_space<semaphore_mem>>) src(%dma_wait3A_41 : memref<10240x56xf32, #tpu.memory_space<vmem_shared>>) dst(%arg10 : memref<256x56xf32, #tpu.memory_space<vmem>>)
      "tpu.region"() ({
        %run_scoped3A = tpu.sem_alloc : memref<!tpu.dma_semaphore, #tpu.memory_space<semaphore_mem>>
        %dma_start3A_58 = arith.constant 0 : i32
        %dma_start3A_59 = tpu.memref_slice %arg9[%mul3A_28, %dma_start3A_58] : memref<40x256xi32, #tpu.memory_space<vmem>> -> memref<1x256xi32, #tpu.memory_space<vmem>>
        %dma_start3A_60 = tpu.memref_squeeze %dma_start3A_59 : memref<1x256xi32, #tpu.memory_space<vmem>> -> memref<256xi32, #tpu.memory_space<vmem>>
        %dma_start3A_61 = arith.constant 0 : i32
        %dma_start3A_62 = arith.constant 0 : i32
        %dma_start3A_63 = tpu.memref_slice %arg12[%dma_start3A_61, %dma_start3A_62] : memref<10240x56xf32, #tpu.memory_space<vmem_shared>> -> memref<10240x56xf32, #tpu.memory_space<vmem_shared>>
        tpu.enqueue_indirect_dma source(%arg10 : memref<256x56xf32, #tpu.memory_space<vmem>>) target(%dma_start3A_63 : memref<10240x56xf32, #tpu.memory_space<vmem_shared>>) offsets(%dma_start3A_60 : memref<256xi32, #tpu.memory_space<vmem>>) semaphore(%run_scoped3A : memref<!tpu.dma_semaphore, #tpu.memory_space<semaphore_mem>>) {add = true}
        %dma_wait3A_64 = arith.constant 0 : i32
        %dma_wait3A_65 = tpu.memref_slice %arg9[%mul3A_28, %dma_wait3A_64] : memref<40x256xi32, #tpu.memory_space<vmem>> -> memref<1x256xi32, #tpu.memory_space<vmem>>
        %dma_wait3A_66 = tpu.memref_squeeze %dma_wait3A_65 : memref<1x256xi32, #tpu.memory_space<vmem>> -> memref<256xi32, #tpu.memory_space<vmem>>
        %dma_wait3A_67 = arith.constant 0 : i32
        %dma_wait3A_68 = arith.constant 0 : i32
        %dma_wait3A_69 = tpu.memref_slice %arg12[%dma_wait3A_67, %dma_wait3A_68] : memref<10240x56xf32, #tpu.memory_space<vmem_shared>> -> memref<10240x56xf32, #tpu.memory_space<vmem_shared>>
        tpu.wait_indirect_dma semaphore(%run_scoped3A : memref<!tpu.dma_semaphore, #tpu.memory_space<semaphore_mem>>) src(%arg10 : memref<256x56xf32, #tpu.memory_space<vmem>>) dst(%dma_wait3A_69 : memref<10240x56xf32, #tpu.memory_space<vmem_shared>>)
        tpu.yield
      }) : () -> ()
      %add3A_42 = arith.constant 2 : i32
      %add3A_43 = arith.addi %mul3A_28, %add3A_42 : i32
      %lt3A = arith.constant 40 : i32
      %lt3A_44 = arith.cmpi slt, %add3A_43, %lt3A : i32
      %convert_element_type3A_45 = arith.extui %lt3A_44 : i1 to i32
      %cond3A_46 = arith.constant 0 : i32
      %cond3A_47 = arith.cmpi ne, %convert_element_type3A_45, %cond3A_46 : i32
      scf.if %cond3A_47 {
        %add3A_58 = arith.constant 2 : i32
        %add3A_59 = arith.addi %mul3A_28, %add3A_58 : i32
        %dma_start3A_60 = arith.constant 0 : i32
        %dma_start3A_61 = tpu.memref_slice %arg8[%add3A_59, %dma_start3A_60] : memref<40x256xi32, #tpu.memory_space<vmem>> -> memref<1x256xi32, #tpu.memory_space<vmem>>
        %dma_start3A_62 = tpu.memref_squeeze %dma_start3A_61 : memref<1x256xi32, #tpu.memory_space<vmem>> -> memref<256xi32, #tpu.memory_space<vmem>>
        %dma_start3A_63 = arith.constant 0 : i32
        %dma_start3A_64 = arith.constant 0 : i32
        %dma_start3A_65 = tpu.memref_slice %arg15[%dma_start3A_63, %dma_start3A_64] : memref<10240x56xf32, #tpu.memory_space<vmem_shared>> -> memref<10240x56xf32, #tpu.memory_space<vmem_shared>>
        tpu.enqueue_indirect_dma source(%dma_start3A_65 : memref<10240x56xf32, #tpu.memory_space<vmem_shared>>) target(%arg10 : memref<256x56xf32, #tpu.memory_space<vmem>>) offsets(%dma_start3A_62 : memref<256xi32, #tpu.memory_space<vmem>>) semaphore(%arg13 : memref<!tpu.dma_semaphore, #tpu.memory_space<semaphore_mem>>)
      } else {
      }
      %add3A_48 = arith.constant 1 : i32
      %add3A_49 = arith.addi %mul3A_28, %add3A_48 : i32
      %dma_wait3A_50 = arith.constant 0 : i32
      %dma_wait3A_51 = tpu.memref_slice %arg8[%add3A_49, %dma_wait3A_50] : memref<40x256xi32, #tpu.memory_space<vmem>> -> memref<1x256xi32, #tpu.memory_space<vmem>>
      %dma_wait3A_52 = tpu.memref_squeeze %dma_wait3A_51 : memref<1x256xi32, #tpu.memory_space<vmem>> -> memref<256xi32, #tpu.memory_space<vmem>>
      %dma_wait3A_53 = arith.constant 0 : i32
      %dma_wait3A_54 = arith.constant 0 : i32
      %dma_wait3A_55 = tpu.memref_slice %arg15[%dma_wait3A_53, %dma_wait3A_54] : memref<10240x56xf32, #tpu.memory_space<vmem_shared>> -> memref<10240x56xf32, #tpu.memory_space<vmem_shared>>
      tpu.wait_indirect_dma semaphore(%arg14 : memref<!tpu.dma_semaphore, #tpu.memory_space<semaphore_mem>>) src(%dma_wait3A_55 : memref<10240x56xf32, #tpu.memory_space<vmem_shared>>) dst(%arg11 : memref<256x56xf32, #tpu.memory_space<vmem>>)
      %add3A_56 = arith.constant 1 : i32
      %add3A_57 = arith.addi %mul3A_28, %add3A_56 : i32
      "tpu.region"() ({
        %run_scoped3A = tpu.sem_alloc : memref<!tpu.dma_semaphore, #tpu.memory_space<semaphore_mem>>
        %dma_start3A_58 = arith.constant 0 : i32
        %dma_start3A_59 = tpu.memref_slice %arg9[%add3A_57, %dma_start3A_58] : memref<40x256xi32, #tpu.memory_space<vmem>> -> memref<1x256xi32, #tpu.memory_space<vmem>>
        %dma_start3A_60 = tpu.memref_squeeze %dma_start3A_59 : memref<1x256xi32, #tpu.memory_space<vmem>> -> memref<256xi32, #tpu.memory_space<vmem>>
        %dma_start3A_61 = arith.constant 0 : i32
        %dma_start3A_62 = arith.constant 0 : i32
        %dma_start3A_63 = tpu.memref_slice %arg12[%dma_start3A_61, %dma_start3A_62] : memref<10240x56xf32, #tpu.memory_space<vmem_shared>> -> memref<10240x56xf32, #tpu.memory_space<vmem_shared>>
        tpu.enqueue_indirect_dma source(%arg11 : memref<256x56xf32, #tpu.memory_space<vmem>>) target(%dma_start3A_63 : memref<10240x56xf32, #tpu.memory_space<vmem_shared>>) offsets(%dma_start3A_60 : memref<256xi32, #tpu.memory_space<vmem>>) semaphore(%run_scoped3A : memref<!tpu.dma_semaphore, #tpu.memory_space<semaphore_mem>>) {add = true}
        %dma_wait3A_64 = arith.constant 0 : i32
        %dma_wait3A_65 = tpu.memref_slice %arg9[%add3A_57, %dma_wait3A_64] : memref<40x256xi32, #tpu.memory_space<vmem>> -> memref<1x256xi32, #tpu.memory_space<vmem>>
        %dma_wait3A_66 = tpu.memref_squeeze %dma_wait3A_65 : memref<1x256xi32, #tpu.memory_space<vmem>> -> memref<256xi32, #tpu.memory_space<vmem>>
        %dma_wait3A_67 = arith.constant 0 : i32
        %dma_wait3A_68 = arith.constant 0 : i32
        %dma_wait3A_69 = tpu.memref_slice %arg12[%dma_wait3A_67, %dma_wait3A_68] : memref<10240x56xf32, #tpu.memory_space<vmem_shared>> -> memref<10240x56xf32, #tpu.memory_space<vmem_shared>>
        tpu.wait_indirect_dma semaphore(%run_scoped3A : memref<!tpu.dma_semaphore, #tpu.memory_space<semaphore_mem>>) src(%arg11 : memref<256x56xf32, #tpu.memory_space<vmem>>) dst(%dma_wait3A_69 : memref<10240x56xf32, #tpu.memory_space<vmem_shared>>)
        tpu.yield
      }) : () -> ()
    }
    %scan3A_17 = arith.constant 20 : i32
    %barrier3A_18 = arith.constant 0 : index
    tpu.barrier barrier_id(%barrier3A_18)
    %eq3A = arith.constant 0 : i32
    %eq3A_19 = arith.cmpi eq, %arg0, %eq3A : i32
    %convert_element_type3A = arith.extui %eq3A_19 : i1 to i32
    %cond3A = arith.constant 0 : i32
    %cond3A_20 = arith.cmpi ne, %convert_element_type3A, %cond3A : i32
    scf.if %cond3A_20 {
      %mul3A_26 = arith.constant 640 : i32
      %mul3A_27 = arith.muli %arg1, %mul3A_26 : i32
      %mul3A_28 = arith.constant 640 : i32
      %mul3A_29 = arith.muli %arg1, %mul3A_28 : i32
      "tpu.region"() ({
        %run_scoped3A = tpu.sem_alloc : memref<!tpu.dma_semaphore, #tpu.memory_space<semaphore_mem>>
        %dma_start3A_30 = arith.constant 0 : i32
        %dma_start3A_31 = tpu.memref_slice %arg6[%mul3A_29, %dma_start3A_30] : memref<10240x56xf32, #tpu.memory_space<hbm>> -> memref<640x56xf32, #tpu.memory_space<hbm>>
        %dma_start3A_32 = arith.constant 0 : i32
        %dma_start3A_33 = tpu.memref_slice %arg12[%mul3A_27, %dma_start3A_32] : memref<10240x56xf32, #tpu.memory_space<vmem_shared>> -> memref<640x56xf32, #tpu.memory_space<vmem_shared>>
        tpu.enqueue_dma source(%dma_start3A_33 : memref<640x56xf32, #tpu.memory_space<vmem_shared>>) target(%dma_start3A_31 : memref<640x56xf32, #tpu.memory_space<hbm>>) target_semaphore(%run_scoped3A : memref<!tpu.dma_semaphore, #tpu.memory_space<semaphore_mem>>)
        %dma_wait3A = arith.constant 0 : i32
        %dma_wait3A_34 = tpu.memref_slice %arg6[%mul3A_29, %dma_wait3A] : memref<10240x56xf32, #tpu.memory_space<hbm>> -> memref<640x56xf32, #tpu.memory_space<hbm>>
        %dma_wait3A_35 = arith.constant 0 : i32
        %dma_wait3A_36 = tpu.memref_slice %arg12[%mul3A_27, %dma_wait3A_35] : memref<10240x56xf32, #tpu.memory_space<vmem_shared>> -> memref<640x56xf32, #tpu.memory_space<vmem_shared>>
        tpu.wait_dma2 semaphore(%run_scoped3A : memref<!tpu.dma_semaphore, #tpu.memory_space<semaphore_mem>>) src(%dma_wait3A_36 : memref<640x56xf32, #tpu.memory_space<vmem_shared>>) dst(%dma_wait3A_34 : memref<640x56xf32, #tpu.memory_space<hbm>>)
        tpu.yield
      }) : () -> ()
    } else {
    }
    %eq3A_21 = arith.constant 1 : i32
    %eq3A_22 = arith.cmpi eq, %arg0, %eq3A_21 : i32
    %convert_element_type3A_23 = arith.extui %eq3A_22 : i1 to i32
    %cond3A_24 = arith.constant 0 : i32
    %cond3A_25 = arith.cmpi ne, %convert_element_type3A_23, %cond3A_24 : i32
    scf.if %cond3A_25 {
      %mul3A_26 = arith.constant 640 : i32
      %mul3A_27 = arith.muli %arg1, %mul3A_26 : i32
      %mul3A_28 = arith.constant 640 : i32
      %mul3A_29 = arith.muli %arg1, %mul3A_28 : i32
      "tpu.region"() ({
        %run_scoped3A = tpu.sem_alloc : memref<!tpu.dma_semaphore, #tpu.memory_space<semaphore_mem>>
        %dma_start3A_30 = arith.constant 0 : i32
        %dma_start3A_31 = tpu.memref_slice %arg7[%mul3A_29, %dma_start3A_30] : memref<10240x56xf32, #tpu.memory_space<hbm>> -> memref<640x56xf32, #tpu.memory_space<hbm>>
        %dma_start3A_32 = arith.constant 0 : i32
        %dma_start3A_33 = tpu.memref_slice %arg12[%mul3A_27, %dma_start3A_32] : memref<10240x56xf32, #tpu.memory_space<vmem_shared>> -> memref<640x56xf32, #tpu.memory_space<vmem_shared>>
        tpu.enqueue_dma source(%dma_start3A_33 : memref<640x56xf32, #tpu.memory_space<vmem_shared>>) target(%dma_start3A_31 : memref<640x56xf32, #tpu.memory_space<hbm>>) target_semaphore(%run_scoped3A : memref<!tpu.dma_semaphore, #tpu.memory_space<semaphore_mem>>)
        %dma_wait3A = arith.constant 0 : i32
        %dma_wait3A_34 = tpu.memref_slice %arg7[%mul3A_29, %dma_wait3A] : memref<10240x56xf32, #tpu.memory_space<hbm>> -> memref<640x56xf32, #tpu.memory_space<hbm>>
        %dma_wait3A_35 = arith.constant 0 : i32
        %dma_wait3A_36 = tpu.memref_slice %arg12[%mul3A_27, %dma_wait3A_35] : memref<10240x56xf32, #tpu.memory_space<vmem_shared>> -> memref<640x56xf32, #tpu.memory_space<vmem_shared>>
        tpu.wait_dma2 semaphore(%run_scoped3A : memref<!tpu.dma_semaphore, #tpu.memory_space<semaphore_mem>>) src(%dma_wait3A_36 : memref<640x56xf32, #tpu.memory_space<vmem_shared>>) dst(%dma_wait3A_34 : memref<640x56xf32, #tpu.memory_space<hbm>>)
        tpu.yield
      }) : () -> ()
    } else {
    }
    return
  }
}

#map = affine_map<(d0, d1) -> (0, 0, 0)>
#map1 = affine_map<(d0, d1) -> (0, 0)>
module attributes {stable_mosaic.version = 14 : i64} {
  func.func @k(%arg0: i32, %arg1: i32, %arg2: memref<32x10x1024xi32, #tpu.memory_space<hbm>>, %arg3: memref<32x10x1024xi32, #tpu.memory_space<hbm>>, %arg4: memref<10240x32xf32, #tpu.memory_space<hbm>>, %arg5: memref<640x32xf32, #tpu.memory_space<hbm>>, %arg6: memref<10240x32xf32, #tpu.memory_space<hbm>>, %arg7: memref<10240x32xf32, #tpu.memory_space<hbm>>, %arg8: memref<10x1024xi32, #tpu.memory_space<vmem>>, %arg9: memref<10x1024xi32, #tpu.memory_space<vmem>>, %arg10: memref<1024x32xf32, #tpu.memory_space<vmem>>, %arg11: memref<1024x32xf32, #tpu.memory_space<vmem>>, %arg12: memref<10240x32xf32, #tpu.memory_space<vmem_shared>>, %arg13: memref<!tpu.dma_semaphore, #tpu.memory_space<semaphore_mem>>, %arg14: memref<!tpu.dma_semaphore, #tpu.memory_space<semaphore_mem>>, %arg15: memref<10240x32xf32, #tpu.memory_space<vmem_shared>>) attributes {dimension_semantics = [#tpu.dimension_semantics<core_parallel>, #tpu.dimension_semantics<subcore_parallel>], iteration_bounds = array<i64: 2, 16>, scalar_prefetch = 0 : i64, scratch_operands = 8 : i64, tpu.core_type = #tpu.core_type<sc_vector_subcore>, window_params = [{transform_indices = #map}, {transform_indices = #map}, {transform_indices = #map1}, {transform_indices = #map1}, {transform_indices = #map1}, {transform_indices = #map1}]} {
    %mul3A = arith.constant 2 : i32
    %mul3A_0 = arith.muli %arg1, %mul3A : i32
    %add3A = arith.addi %mul3A_0, %arg0 : i32
    "tpu.region"() ({
      %run_scoped3A = tpu.sem_alloc : memref<!tpu.dma_semaphore, #tpu.memory_space<semaphore_mem>>
      %dma_start3A_26 = arith.constant 0 : i32
      %dma_start3A_27 = arith.constant 0 : i32
      %dma_start3A_28 = tpu.memref_slice %arg2[%add3A, %dma_start3A_26, %dma_start3A_27] : memref<32x10x1024xi32, #tpu.memory_space<hbm>> -> memref<1x10x1024xi32, #tpu.memory_space<hbm>>
      %dma_start3A_29 = tpu.memref_squeeze %dma_start3A_28 : memref<1x10x1024xi32, #tpu.memory_space<hbm>> -> memref<10x1024xi32, #tpu.memory_space<hbm>>
      %dma_start3A_30 = arith.constant 0 : i32
      %dma_start3A_31 = arith.constant 0 : i32
      %dma_start3A_32 = tpu.memref_slice %arg2[%add3A, %dma_start3A_30, %dma_start3A_31] : memref<32x10x1024xi32, #tpu.memory_space<hbm>> -> memref<1x10x1024xi32, #tpu.memory_space<hbm>>
      %dma_start3A_33 = tpu.memref_squeeze %dma_start3A_32 : memref<1x10x1024xi32, #tpu.memory_space<hbm>> -> memref<10x1024xi32, #tpu.memory_space<hbm>>
      tpu.enqueue_dma source(%dma_start3A_33 : memref<10x1024xi32, #tpu.memory_space<hbm>>) target(%arg8 : memref<10x1024xi32, #tpu.memory_space<vmem>>) target_semaphore(%run_scoped3A : memref<!tpu.dma_semaphore, #tpu.memory_space<semaphore_mem>>)
      %dma_wait3A = arith.constant 0 : i32
      %dma_wait3A_34 = arith.constant 0 : i32
      %dma_wait3A_35 = tpu.memref_slice %arg2[%add3A, %dma_wait3A, %dma_wait3A_34] : memref<32x10x1024xi32, #tpu.memory_space<hbm>> -> memref<1x10x1024xi32, #tpu.memory_space<hbm>>
      %dma_wait3A_36 = tpu.memref_squeeze %dma_wait3A_35 : memref<1x10x1024xi32, #tpu.memory_space<hbm>> -> memref<10x1024xi32, #tpu.memory_space<hbm>>
      %dma_wait3A_37 = arith.constant 0 : i32
      %dma_wait3A_38 = arith.constant 0 : i32
      %dma_wait3A_39 = tpu.memref_slice %arg2[%add3A, %dma_wait3A_37, %dma_wait3A_38] : memref<32x10x1024xi32, #tpu.memory_space<hbm>> -> memref<1x10x1024xi32, #tpu.memory_space<hbm>>
      %dma_wait3A_40 = tpu.memref_squeeze %dma_wait3A_39 : memref<1x10x1024xi32, #tpu.memory_space<hbm>> -> memref<10x1024xi32, #tpu.memory_space<hbm>>
      tpu.wait_dma2 semaphore(%run_scoped3A : memref<!tpu.dma_semaphore, #tpu.memory_space<semaphore_mem>>) src(%dma_wait3A_40 : memref<10x1024xi32, #tpu.memory_space<hbm>>) dst(%arg8 : memref<10x1024xi32, #tpu.memory_space<vmem>>)
      tpu.yield
    }) : () -> ()
    "tpu.region"() ({
      %run_scoped3A = tpu.sem_alloc : memref<!tpu.dma_semaphore, #tpu.memory_space<semaphore_mem>>
      %dma_start3A_26 = arith.constant 0 : i32
      %dma_start3A_27 = arith.constant 0 : i32
      %dma_start3A_28 = tpu.memref_slice %arg3[%add3A, %dma_start3A_26, %dma_start3A_27] : memref<32x10x1024xi32, #tpu.memory_space<hbm>> -> memref<1x10x1024xi32, #tpu.memory_space<hbm>>
      %dma_start3A_29 = tpu.memref_squeeze %dma_start3A_28 : memref<1x10x1024xi32, #tpu.memory_space<hbm>> -> memref<10x1024xi32, #tpu.memory_space<hbm>>
      %dma_start3A_30 = arith.constant 0 : i32
      %dma_start3A_31 = arith.constant 0 : i32
      %dma_start3A_32 = tpu.memref_slice %arg3[%add3A, %dma_start3A_30, %dma_start3A_31] : memref<32x10x1024xi32, #tpu.memory_space<hbm>> -> memref<1x10x1024xi32, #tpu.memory_space<hbm>>
      %dma_start3A_33 = tpu.memref_squeeze %dma_start3A_32 : memref<1x10x1024xi32, #tpu.memory_space<hbm>> -> memref<10x1024xi32, #tpu.memory_space<hbm>>
      tpu.enqueue_dma source(%dma_start3A_33 : memref<10x1024xi32, #tpu.memory_space<hbm>>) target(%arg9 : memref<10x1024xi32, #tpu.memory_space<vmem>>) target_semaphore(%run_scoped3A : memref<!tpu.dma_semaphore, #tpu.memory_space<semaphore_mem>>)
      %dma_wait3A = arith.constant 0 : i32
      %dma_wait3A_34 = arith.constant 0 : i32
      %dma_wait3A_35 = tpu.memref_slice %arg3[%add3A, %dma_wait3A, %dma_wait3A_34] : memref<32x10x1024xi32, #tpu.memory_space<hbm>> -> memref<1x10x1024xi32, #tpu.memory_space<hbm>>
      %dma_wait3A_36 = tpu.memref_squeeze %dma_wait3A_35 : memref<1x10x1024xi32, #tpu.memory_space<hbm>> -> memref<10x1024xi32, #tpu.memory_space<hbm>>
      %dma_wait3A_37 = arith.constant 0 : i32
      %dma_wait3A_38 = arith.constant 0 : i32
      %dma_wait3A_39 = tpu.memref_slice %arg3[%add3A, %dma_wait3A_37, %dma_wait3A_38] : memref<32x10x1024xi32, #tpu.memory_space<hbm>> -> memref<1x10x1024xi32, #tpu.memory_space<hbm>>
      %dma_wait3A_40 = tpu.memref_squeeze %dma_wait3A_39 : memref<1x10x1024xi32, #tpu.memory_space<hbm>> -> memref<10x1024xi32, #tpu.memory_space<hbm>>
      tpu.wait_dma2 semaphore(%run_scoped3A : memref<!tpu.dma_semaphore, #tpu.memory_space<semaphore_mem>>) src(%dma_wait3A_40 : memref<10x1024xi32, #tpu.memory_space<hbm>>) dst(%arg9 : memref<10x1024xi32, #tpu.memory_space<vmem>>)
      tpu.yield
    }) : () -> ()
    %mul3A_1 = arith.constant 640 : i32
    %mul3A_2 = arith.muli %arg1, %mul3A_1 : i32
    "tpu.region"() ({
      %run_scoped3A = tpu.sem_alloc : memref<!tpu.dma_semaphore, #tpu.memory_space<semaphore_mem>>
      %dma_start3A_26 = arith.constant 0 : i32
      %dma_start3A_27 = tpu.memref_slice %arg12[%mul3A_2, %dma_start3A_26] : memref<10240x32xf32, #tpu.memory_space<vmem_shared>> -> memref<640x32xf32, #tpu.memory_space<vmem_shared>>
      tpu.enqueue_dma source(%arg5 : memref<640x32xf32, #tpu.memory_space<hbm>>) target(%dma_start3A_27 : memref<640x32xf32, #tpu.memory_space<vmem_shared>>) target_semaphore(%run_scoped3A : memref<!tpu.dma_semaphore, #tpu.memory_space<semaphore_mem>>)
      %dma_wait3A = arith.constant 0 : i32
      %dma_wait3A_28 = tpu.memref_slice %arg12[%mul3A_2, %dma_wait3A] : memref<10240x32xf32, #tpu.memory_space<vmem_shared>> -> memref<640x32xf32, #tpu.memory_space<vmem_shared>>
      tpu.wait_dma2 semaphore(%run_scoped3A : memref<!tpu.dma_semaphore, #tpu.memory_space<semaphore_mem>>) src(%arg5 : memref<640x32xf32, #tpu.memory_space<hbm>>) dst(%dma_wait3A_28 : memref<640x32xf32, #tpu.memory_space<vmem_shared>>)
      tpu.yield
    }) : () -> ()
    %mul3A_3 = arith.constant 640 : i32
    %mul3A_4 = arith.muli %arg1, %mul3A_3 : i32
    %mul3A_5 = arith.constant 640 : i32
    %mul3A_6 = arith.muli %arg1, %mul3A_5 : i32
    "tpu.region"() ({
      %run_scoped3A = tpu.sem_alloc : memref<!tpu.dma_semaphore, #tpu.memory_space<semaphore_mem>>
      %dma_start3A_26 = arith.constant 0 : i32
      %dma_start3A_27 = tpu.memref_slice %arg15[%mul3A_6, %dma_start3A_26] : memref<10240x32xf32, #tpu.memory_space<vmem_shared>> -> memref<640x32xf32, #tpu.memory_space<vmem_shared>>
      %dma_start3A_28 = arith.constant 0 : i32
      %dma_start3A_29 = tpu.memref_slice %arg4[%mul3A_4, %dma_start3A_28] : memref<10240x32xf32, #tpu.memory_space<hbm>> -> memref<640x32xf32, #tpu.memory_space<hbm>>
      tpu.enqueue_dma source(%dma_start3A_29 : memref<640x32xf32, #tpu.memory_space<hbm>>) target(%dma_start3A_27 : memref<640x32xf32, #tpu.memory_space<vmem_shared>>) target_semaphore(%run_scoped3A : memref<!tpu.dma_semaphore, #tpu.memory_space<semaphore_mem>>)
      %dma_wait3A = arith.constant 0 : i32
      %dma_wait3A_30 = tpu.memref_slice %arg15[%mul3A_6, %dma_wait3A] : memref<10240x32xf32, #tpu.memory_space<vmem_shared>> -> memref<640x32xf32, #tpu.memory_space<vmem_shared>>
      %dma_wait3A_31 = arith.constant 0 : i32
      %dma_wait3A_32 = tpu.memref_slice %arg4[%mul3A_4, %dma_wait3A_31] : memref<10240x32xf32, #tpu.memory_space<hbm>> -> memref<640x32xf32, #tpu.memory_space<hbm>>
      tpu.wait_dma2 semaphore(%run_scoped3A : memref<!tpu.dma_semaphore, #tpu.memory_space<semaphore_mem>>) src(%dma_wait3A_32 : memref<640x32xf32, #tpu.memory_space<hbm>>) dst(%dma_wait3A_30 : memref<640x32xf32, #tpu.memory_space<vmem_shared>>)
      tpu.yield
    }) : () -> ()
    %barrier3A = arith.constant 0 : index
    tpu.barrier barrier_id(%barrier3A)
    %dma_start3A = arith.constant 0 : i32
    %dma_start3A_7 = arith.constant 0 : i32
    %dma_start3A_8 = tpu.memref_slice %arg8[%dma_start3A, %dma_start3A_7] : memref<10x1024xi32, #tpu.memory_space<vmem>> -> memref<1x1024xi32, #tpu.memory_space<vmem>>
    %dma_start3A_9 = tpu.memref_squeeze %dma_start3A_8 : memref<1x1024xi32, #tpu.memory_space<vmem>> -> memref<1024xi32, #tpu.memory_space<vmem>>
    %dma_start3A_10 = arith.constant 0 : i32
    %dma_start3A_11 = arith.constant 0 : i32
    %dma_start3A_12 = tpu.memref_slice %arg15[%dma_start3A_10, %dma_start3A_11] : memref<10240x32xf32, #tpu.memory_space<vmem_shared>> -> memref<10240x32xf32, #tpu.memory_space<vmem_shared>>
    tpu.enqueue_indirect_dma source(%dma_start3A_12 : memref<10240x32xf32, #tpu.memory_space<vmem_shared>>) target(%arg10 : memref<1024x32xf32, #tpu.memory_space<vmem>>) offsets(%dma_start3A_9 : memref<1024xi32, #tpu.memory_space<vmem>>) semaphore(%arg13 : memref<!tpu.dma_semaphore, #tpu.memory_space<semaphore_mem>>)
    %scan3A = arith.constant 0 : i32
    %scan3A_13 = arith.constant 0 : i32
    %scan3A_14 = arith.constant 5 : i32
    %scan3A_15 = arith.addi %scan3A_13, %scan3A_14 : i32
    %scan3A_16 = arith.constant 1 : i32
    scf.for %scan3A_26 = %scan3A_13 to %scan3A_15 step %scan3A_16  : i32 {
      %mul3A_27 = arith.constant 2 : i32
      %mul3A_28 = arith.muli %scan3A_26, %mul3A_27 : i32
      %add3A_29 = arith.constant 1 : i32
      %add3A_30 = arith.addi %mul3A_28, %add3A_29 : i32
      %dma_start3A_31 = arith.constant 0 : i32
      %dma_start3A_32 = tpu.memref_slice %arg8[%add3A_30, %dma_start3A_31] : memref<10x1024xi32, #tpu.memory_space<vmem>> -> memref<1x1024xi32, #tpu.memory_space<vmem>>
      %dma_start3A_33 = tpu.memref_squeeze %dma_start3A_32 : memref<1x1024xi32, #tpu.memory_space<vmem>> -> memref<1024xi32, #tpu.memory_space<vmem>>
      %dma_start3A_34 = arith.constant 0 : i32
      %dma_start3A_35 = arith.constant 0 : i32
      %dma_start3A_36 = tpu.memref_slice %arg15[%dma_start3A_34, %dma_start3A_35] : memref<10240x32xf32, #tpu.memory_space<vmem_shared>> -> memref<10240x32xf32, #tpu.memory_space<vmem_shared>>
      tpu.enqueue_indirect_dma source(%dma_start3A_36 : memref<10240x32xf32, #tpu.memory_space<vmem_shared>>) target(%arg11 : memref<1024x32xf32, #tpu.memory_space<vmem>>) offsets(%dma_start3A_33 : memref<1024xi32, #tpu.memory_space<vmem>>) semaphore(%arg14 : memref<!tpu.dma_semaphore, #tpu.memory_space<semaphore_mem>>)
      %dma_wait3A = arith.constant 0 : i32
      %dma_wait3A_37 = tpu.memref_slice %arg8[%mul3A_28, %dma_wait3A] : memref<10x1024xi32, #tpu.memory_space<vmem>> -> memref<1x1024xi32, #tpu.memory_space<vmem>>
      %dma_wait3A_38 = tpu.memref_squeeze %dma_wait3A_37 : memref<1x1024xi32, #tpu.memory_space<vmem>> -> memref<1024xi32, #tpu.memory_space<vmem>>
      %dma_wait3A_39 = arith.constant 0 : i32
      %dma_wait3A_40 = arith.constant 0 : i32
      %dma_wait3A_41 = tpu.memref_slice %arg15[%dma_wait3A_39, %dma_wait3A_40] : memref<10240x32xf32, #tpu.memory_space<vmem_shared>> -> memref<10240x32xf32, #tpu.memory_space<vmem_shared>>
      tpu.wait_indirect_dma semaphore(%arg13 : memref<!tpu.dma_semaphore, #tpu.memory_space<semaphore_mem>>) src(%dma_wait3A_41 : memref<10240x32xf32, #tpu.memory_space<vmem_shared>>) dst(%arg10 : memref<1024x32xf32, #tpu.memory_space<vmem>>)
      "tpu.region"() ({
        %run_scoped3A = tpu.sem_alloc : memref<!tpu.dma_semaphore, #tpu.memory_space<semaphore_mem>>
        %dma_start3A_58 = arith.constant 0 : i32
        %dma_start3A_59 = tpu.memref_slice %arg9[%mul3A_28, %dma_start3A_58] : memref<10x1024xi32, #tpu.memory_space<vmem>> -> memref<1x1024xi32, #tpu.memory_space<vmem>>
        %dma_start3A_60 = tpu.memref_squeeze %dma_start3A_59 : memref<1x1024xi32, #tpu.memory_space<vmem>> -> memref<1024xi32, #tpu.memory_space<vmem>>
        %dma_start3A_61 = arith.constant 0 : i32
        %dma_start3A_62 = arith.constant 0 : i32
        %dma_start3A_63 = tpu.memref_slice %arg12[%dma_start3A_61, %dma_start3A_62] : memref<10240x32xf32, #tpu.memory_space<vmem_shared>> -> memref<10240x32xf32, #tpu.memory_space<vmem_shared>>
        tpu.enqueue_indirect_dma source(%arg10 : memref<1024x32xf32, #tpu.memory_space<vmem>>) target(%dma_start3A_63 : memref<10240x32xf32, #tpu.memory_space<vmem_shared>>) offsets(%dma_start3A_60 : memref<1024xi32, #tpu.memory_space<vmem>>) semaphore(%run_scoped3A : memref<!tpu.dma_semaphore, #tpu.memory_space<semaphore_mem>>) {add = true}
        %dma_wait3A_64 = arith.constant 0 : i32
        %dma_wait3A_65 = tpu.memref_slice %arg9[%mul3A_28, %dma_wait3A_64] : memref<10x1024xi32, #tpu.memory_space<vmem>> -> memref<1x1024xi32, #tpu.memory_space<vmem>>
        %dma_wait3A_66 = tpu.memref_squeeze %dma_wait3A_65 : memref<1x1024xi32, #tpu.memory_space<vmem>> -> memref<1024xi32, #tpu.memory_space<vmem>>
        %dma_wait3A_67 = arith.constant 0 : i32
        %dma_wait3A_68 = arith.constant 0 : i32
        %dma_wait3A_69 = tpu.memref_slice %arg12[%dma_wait3A_67, %dma_wait3A_68] : memref<10240x32xf32, #tpu.memory_space<vmem_shared>> -> memref<10240x32xf32, #tpu.memory_space<vmem_shared>>
        tpu.wait_indirect_dma semaphore(%run_scoped3A : memref<!tpu.dma_semaphore, #tpu.memory_space<semaphore_mem>>) src(%arg10 : memref<1024x32xf32, #tpu.memory_space<vmem>>) dst(%dma_wait3A_69 : memref<10240x32xf32, #tpu.memory_space<vmem_shared>>)
        tpu.yield
      }) : () -> ()
      %add3A_42 = arith.constant 2 : i32
      %add3A_43 = arith.addi %mul3A_28, %add3A_42 : i32
      %lt3A = arith.constant 10 : i32
      %lt3A_44 = arith.cmpi slt, %add3A_43, %lt3A : i32
      %convert_element_type3A_45 = arith.extui %lt3A_44 : i1 to i32
      %cond3A_46 = arith.constant 0 : i32
      %cond3A_47 = arith.cmpi ne, %convert_element_type3A_45, %cond3A_46 : i32
      scf.if %cond3A_47 {
        %add3A_58 = arith.constant 2 : i32
        %add3A_59 = arith.addi %mul3A_28, %add3A_58 : i32
        %dma_start3A_60 = arith.constant 0 : i32
        %dma_start3A_61 = tpu.memref_slice %arg8[%add3A_59, %dma_start3A_60] : memref<10x1024xi32, #tpu.memory_space<vmem>> -> memref<1x1024xi32, #tpu.memory_space<vmem>>
        %dma_start3A_62 = tpu.memref_squeeze %dma_start3A_61 : memref<1x1024xi32, #tpu.memory_space<vmem>> -> memref<1024xi32, #tpu.memory_space<vmem>>
        %dma_start3A_63 = arith.constant 0 : i32
        %dma_start3A_64 = arith.constant 0 : i32
        %dma_start3A_65 = tpu.memref_slice %arg15[%dma_start3A_63, %dma_start3A_64] : memref<10240x32xf32, #tpu.memory_space<vmem_shared>> -> memref<10240x32xf32, #tpu.memory_space<vmem_shared>>
        tpu.enqueue_indirect_dma source(%dma_start3A_65 : memref<10240x32xf32, #tpu.memory_space<vmem_shared>>) target(%arg10 : memref<1024x32xf32, #tpu.memory_space<vmem>>) offsets(%dma_start3A_62 : memref<1024xi32, #tpu.memory_space<vmem>>) semaphore(%arg13 : memref<!tpu.dma_semaphore, #tpu.memory_space<semaphore_mem>>)
      } else {
      }
      %add3A_48 = arith.constant 1 : i32
      %add3A_49 = arith.addi %mul3A_28, %add3A_48 : i32
      %dma_wait3A_50 = arith.constant 0 : i32
      %dma_wait3A_51 = tpu.memref_slice %arg8[%add3A_49, %dma_wait3A_50] : memref<10x1024xi32, #tpu.memory_space<vmem>> -> memref<1x1024xi32, #tpu.memory_space<vmem>>
      %dma_wait3A_52 = tpu.memref_squeeze %dma_wait3A_51 : memref<1x1024xi32, #tpu.memory_space<vmem>> -> memref<1024xi32, #tpu.memory_space<vmem>>
      %dma_wait3A_53 = arith.constant 0 : i32
      %dma_wait3A_54 = arith.constant 0 : i32
      %dma_wait3A_55 = tpu.memref_slice %arg15[%dma_wait3A_53, %dma_wait3A_54] : memref<10240x32xf32, #tpu.memory_space<vmem_shared>> -> memref<10240x32xf32, #tpu.memory_space<vmem_shared>>
      tpu.wait_indirect_dma semaphore(%arg14 : memref<!tpu.dma_semaphore, #tpu.memory_space<semaphore_mem>>) src(%dma_wait3A_55 : memref<10240x32xf32, #tpu.memory_space<vmem_shared>>) dst(%arg11 : memref<1024x32xf32, #tpu.memory_space<vmem>>)
      %add3A_56 = arith.constant 1 : i32
      %add3A_57 = arith.addi %mul3A_28, %add3A_56 : i32
      "tpu.region"() ({
        %run_scoped3A = tpu.sem_alloc : memref<!tpu.dma_semaphore, #tpu.memory_space<semaphore_mem>>
        %dma_start3A_58 = arith.constant 0 : i32
        %dma_start3A_59 = tpu.memref_slice %arg9[%add3A_57, %dma_start3A_58] : memref<10x1024xi32, #tpu.memory_space<vmem>> -> memref<1x1024xi32, #tpu.memory_space<vmem>>
        %dma_start3A_60 = tpu.memref_squeeze %dma_start3A_59 : memref<1x1024xi32, #tpu.memory_space<vmem>> -> memref<1024xi32, #tpu.memory_space<vmem>>
        %dma_start3A_61 = arith.constant 0 : i32
        %dma_start3A_62 = arith.constant 0 : i32
        %dma_start3A_63 = tpu.memref_slice %arg12[%dma_start3A_61, %dma_start3A_62] : memref<10240x32xf32, #tpu.memory_space<vmem_shared>> -> memref<10240x32xf32, #tpu.memory_space<vmem_shared>>
        tpu.enqueue_indirect_dma source(%arg11 : memref<1024x32xf32, #tpu.memory_space<vmem>>) target(%dma_start3A_63 : memref<10240x32xf32, #tpu.memory_space<vmem_shared>>) offsets(%dma_start3A_60 : memref<1024xi32, #tpu.memory_space<vmem>>) semaphore(%run_scoped3A : memref<!tpu.dma_semaphore, #tpu.memory_space<semaphore_mem>>) {add = true}
        %dma_wait3A_64 = arith.constant 0 : i32
        %dma_wait3A_65 = tpu.memref_slice %arg9[%add3A_57, %dma_wait3A_64] : memref<10x1024xi32, #tpu.memory_space<vmem>> -> memref<1x1024xi32, #tpu.memory_space<vmem>>
        %dma_wait3A_66 = tpu.memref_squeeze %dma_wait3A_65 : memref<1x1024xi32, #tpu.memory_space<vmem>> -> memref<1024xi32, #tpu.memory_space<vmem>>
        %dma_wait3A_67 = arith.constant 0 : i32
        %dma_wait3A_68 = arith.constant 0 : i32
        %dma_wait3A_69 = tpu.memref_slice %arg12[%dma_wait3A_67, %dma_wait3A_68] : memref<10240x32xf32, #tpu.memory_space<vmem_shared>> -> memref<10240x32xf32, #tpu.memory_space<vmem_shared>>
        tpu.wait_indirect_dma semaphore(%run_scoped3A : memref<!tpu.dma_semaphore, #tpu.memory_space<semaphore_mem>>) src(%arg11 : memref<1024x32xf32, #tpu.memory_space<vmem>>) dst(%dma_wait3A_69 : memref<10240x32xf32, #tpu.memory_space<vmem_shared>>)
        tpu.yield
      }) : () -> ()
    }
    %scan3A_17 = arith.constant 5 : i32
    %barrier3A_18 = arith.constant 0 : index
    tpu.barrier barrier_id(%barrier3A_18)
    %eq3A = arith.constant 0 : i32
    %eq3A_19 = arith.cmpi eq, %arg0, %eq3A : i32
    %convert_element_type3A = arith.extui %eq3A_19 : i1 to i32
    %cond3A = arith.constant 0 : i32
    %cond3A_20 = arith.cmpi ne, %convert_element_type3A, %cond3A : i32
    scf.if %cond3A_20 {
      %mul3A_26 = arith.constant 640 : i32
      %mul3A_27 = arith.muli %arg1, %mul3A_26 : i32
      %mul3A_28 = arith.constant 640 : i32
      %mul3A_29 = arith.muli %arg1, %mul3A_28 : i32
      "tpu.region"() ({
        %run_scoped3A = tpu.sem_alloc : memref<!tpu.dma_semaphore, #tpu.memory_space<semaphore_mem>>
        %dma_start3A_30 = arith.constant 0 : i32
        %dma_start3A_31 = tpu.memref_slice %arg6[%mul3A_29, %dma_start3A_30] : memref<10240x32xf32, #tpu.memory_space<hbm>> -> memref<640x32xf32, #tpu.memory_space<hbm>>
        %dma_start3A_32 = arith.constant 0 : i32
        %dma_start3A_33 = tpu.memref_slice %arg12[%mul3A_27, %dma_start3A_32] : memref<10240x32xf32, #tpu.memory_space<vmem_shared>> -> memref<640x32xf32, #tpu.memory_space<vmem_shared>>
        tpu.enqueue_dma source(%dma_start3A_33 : memref<640x32xf32, #tpu.memory_space<vmem_shared>>) target(%dma_start3A_31 : memref<640x32xf32, #tpu.memory_space<hbm>>) target_semaphore(%run_scoped3A : memref<!tpu.dma_semaphore, #tpu.memory_space<semaphore_mem>>)
        %dma_wait3A = arith.constant 0 : i32
        %dma_wait3A_34 = tpu.memref_slice %arg6[%mul3A_29, %dma_wait3A] : memref<10240x32xf32, #tpu.memory_space<hbm>> -> memref<640x32xf32, #tpu.memory_space<hbm>>
        %dma_wait3A_35 = arith.constant 0 : i32
        %dma_wait3A_36 = tpu.memref_slice %arg12[%mul3A_27, %dma_wait3A_35] : memref<10240x32xf32, #tpu.memory_space<vmem_shared>> -> memref<640x32xf32, #tpu.memory_space<vmem_shared>>
        tpu.wait_dma2 semaphore(%run_scoped3A : memref<!tpu.dma_semaphore, #tpu.memory_space<semaphore_mem>>) src(%dma_wait3A_36 : memref<640x32xf32, #tpu.memory_space<vmem_shared>>) dst(%dma_wait3A_34 : memref<640x32xf32, #tpu.memory_space<hbm>>)
        tpu.yield
      }) : () -> ()
    } else {
    }
    %eq3A_21 = arith.constant 1 : i32
    %eq3A_22 = arith.cmpi eq, %arg0, %eq3A_21 : i32
    %convert_element_type3A_23 = arith.extui %eq3A_22 : i1 to i32
    %cond3A_24 = arith.constant 0 : i32
    %cond3A_25 = arith.cmpi ne, %convert_element_type3A_23, %cond3A_24 : i32
    scf.if %cond3A_25 {
      %mul3A_26 = arith.constant 640 : i32
      %mul3A_27 = arith.muli %arg1, %mul3A_26 : i32
      %mul3A_28 = arith.constant 640 : i32
      %mul3A_29 = arith.muli %arg1, %mul3A_28 : i32
      "tpu.region"() ({
        %run_scoped3A = tpu.sem_alloc : memref<!tpu.dma_semaphore, #tpu.memory_space<semaphore_mem>>
        %dma_start3A_30 = arith.constant 0 : i32
        %dma_start3A_31 = tpu.memref_slice %arg7[%mul3A_29, %dma_start3A_30] : memref<10240x32xf32, #tpu.memory_space<hbm>> -> memref<640x32xf32, #tpu.memory_space<hbm>>
        %dma_start3A_32 = arith.constant 0 : i32
        %dma_start3A_33 = tpu.memref_slice %arg12[%mul3A_27, %dma_start3A_32] : memref<10240x32xf32, #tpu.memory_space<vmem_shared>> -> memref<640x32xf32, #tpu.memory_space<vmem_shared>>
        tpu.enqueue_dma source(%dma_start3A_33 : memref<640x32xf32, #tpu.memory_space<vmem_shared>>) target(%dma_start3A_31 : memref<640x32xf32, #tpu.memory_space<hbm>>) target_semaphore(%run_scoped3A : memref<!tpu.dma_semaphore, #tpu.memory_space<semaphore_mem>>)
        %dma_wait3A = arith.constant 0 : i32
        %dma_wait3A_34 = tpu.memref_slice %arg7[%mul3A_29, %dma_wait3A] : memref<10240x32xf32, #tpu.memory_space<hbm>> -> memref<640x32xf32, #tpu.memory_space<hbm>>
        %dma_wait3A_35 = arith.constant 0 : i32
        %dma_wait3A_36 = tpu.memref_slice %arg12[%mul3A_27, %dma_wait3A_35] : memref<10240x32xf32, #tpu.memory_space<vmem_shared>> -> memref<640x32xf32, #tpu.memory_space<vmem_shared>>
        tpu.wait_dma2 semaphore(%run_scoped3A : memref<!tpu.dma_semaphore, #tpu.memory_space<semaphore_mem>>) src(%dma_wait3A_36 : memref<640x32xf32, #tpu.memory_space<vmem_shared>>) dst(%dma_wait3A_34 : memref<640x32xf32, #tpu.memory_space<hbm>>)
        tpu.yield
      }) : () -> ()
    } else {
    }
    return
  }
}

#map = affine_map<(d0, d1) -> (0, 0, 0)>
#map1 = affine_map<(d0, d1) -> (0, 0)>
module attributes {stable_mosaic.version = 14 : i64} {
  func.func @k(%arg0: i32, %arg1: i32, %arg2: memref<32x10x1024xi32, #tpu.memory_space<hbm>>, %arg3: memref<32x10x1024xi32, #tpu.memory_space<hbm>>, %arg4: memref<10240x16xf32, #tpu.memory_space<hbm>>, %arg5: memref<640x16xf32, #tpu.memory_space<hbm>>, %arg6: memref<10240x16xf32, #tpu.memory_space<hbm>>, %arg7: memref<10240x16xf32, #tpu.memory_space<hbm>>, %arg8: memref<10x1024xi32, #tpu.memory_space<vmem>>, %arg9: memref<10x1024xi32, #tpu.memory_space<vmem>>, %arg10: memref<1024x16xf32, #tpu.memory_space<vmem>>, %arg11: memref<1024x16xf32, #tpu.memory_space<vmem>>, %arg12: memref<10240x16xf32, #tpu.memory_space<vmem_shared>>, %arg13: memref<!tpu.dma_semaphore, #tpu.memory_space<semaphore_mem>>, %arg14: memref<!tpu.dma_semaphore, #tpu.memory_space<semaphore_mem>>, %arg15: memref<10240x16xf32, #tpu.memory_space<vmem_shared>>) attributes {dimension_semantics = [#tpu.dimension_semantics<core_parallel>, #tpu.dimension_semantics<subcore_parallel>], iteration_bounds = array<i64: 2, 16>, scalar_prefetch = 0 : i64, scratch_operands = 8 : i64, tpu.core_type = #tpu.core_type<sc_vector_subcore>, window_params = [{transform_indices = #map}, {transform_indices = #map}, {transform_indices = #map1}, {transform_indices = #map1}, {transform_indices = #map1}, {transform_indices = #map1}]} {
    %mul3A = arith.constant 2 : i32
    %mul3A_0 = arith.muli %arg1, %mul3A : i32
    %add3A = arith.addi %mul3A_0, %arg0 : i32
    "tpu.region"() ({
      %run_scoped3A = tpu.sem_alloc : memref<!tpu.dma_semaphore, #tpu.memory_space<semaphore_mem>>
      %dma_start3A_26 = arith.constant 0 : i32
      %dma_start3A_27 = arith.constant 0 : i32
      %dma_start3A_28 = tpu.memref_slice %arg2[%add3A, %dma_start3A_26, %dma_start3A_27] : memref<32x10x1024xi32, #tpu.memory_space<hbm>> -> memref<1x10x1024xi32, #tpu.memory_space<hbm>>
      %dma_start3A_29 = tpu.memref_squeeze %dma_start3A_28 : memref<1x10x1024xi32, #tpu.memory_space<hbm>> -> memref<10x1024xi32, #tpu.memory_space<hbm>>
      %dma_start3A_30 = arith.constant 0 : i32
      %dma_start3A_31 = arith.constant 0 : i32
      %dma_start3A_32 = tpu.memref_slice %arg2[%add3A, %dma_start3A_30, %dma_start3A_31] : memref<32x10x1024xi32, #tpu.memory_space<hbm>> -> memref<1x10x1024xi32, #tpu.memory_space<hbm>>
      %dma_start3A_33 = tpu.memref_squeeze %dma_start3A_32 : memref<1x10x1024xi32, #tpu.memory_space<hbm>> -> memref<10x1024xi32, #tpu.memory_space<hbm>>
      tpu.enqueue_dma source(%dma_start3A_33 : memref<10x1024xi32, #tpu.memory_space<hbm>>) target(%arg8 : memref<10x1024xi32, #tpu.memory_space<vmem>>) target_semaphore(%run_scoped3A : memref<!tpu.dma_semaphore, #tpu.memory_space<semaphore_mem>>)
      %dma_wait3A = arith.constant 0 : i32
      %dma_wait3A_34 = arith.constant 0 : i32
      %dma_wait3A_35 = tpu.memref_slice %arg2[%add3A, %dma_wait3A, %dma_wait3A_34] : memref<32x10x1024xi32, #tpu.memory_space<hbm>> -> memref<1x10x1024xi32, #tpu.memory_space<hbm>>
      %dma_wait3A_36 = tpu.memref_squeeze %dma_wait3A_35 : memref<1x10x1024xi32, #tpu.memory_space<hbm>> -> memref<10x1024xi32, #tpu.memory_space<hbm>>
      %dma_wait3A_37 = arith.constant 0 : i32
      %dma_wait3A_38 = arith.constant 0 : i32
      %dma_wait3A_39 = tpu.memref_slice %arg2[%add3A, %dma_wait3A_37, %dma_wait3A_38] : memref<32x10x1024xi32, #tpu.memory_space<hbm>> -> memref<1x10x1024xi32, #tpu.memory_space<hbm>>
      %dma_wait3A_40 = tpu.memref_squeeze %dma_wait3A_39 : memref<1x10x1024xi32, #tpu.memory_space<hbm>> -> memref<10x1024xi32, #tpu.memory_space<hbm>>
      tpu.wait_dma2 semaphore(%run_scoped3A : memref<!tpu.dma_semaphore, #tpu.memory_space<semaphore_mem>>) src(%dma_wait3A_40 : memref<10x1024xi32, #tpu.memory_space<hbm>>) dst(%arg8 : memref<10x1024xi32, #tpu.memory_space<vmem>>)
      tpu.yield
    }) : () -> ()
    "tpu.region"() ({
      %run_scoped3A = tpu.sem_alloc : memref<!tpu.dma_semaphore, #tpu.memory_space<semaphore_mem>>
      %dma_start3A_26 = arith.constant 0 : i32
      %dma_start3A_27 = arith.constant 0 : i32
      %dma_start3A_28 = tpu.memref_slice %arg3[%add3A, %dma_start3A_26, %dma_start3A_27] : memref<32x10x1024xi32, #tpu.memory_space<hbm>> -> memref<1x10x1024xi32, #tpu.memory_space<hbm>>
      %dma_start3A_29 = tpu.memref_squeeze %dma_start3A_28 : memref<1x10x1024xi32, #tpu.memory_space<hbm>> -> memref<10x1024xi32, #tpu.memory_space<hbm>>
      %dma_start3A_30 = arith.constant 0 : i32
      %dma_start3A_31 = arith.constant 0 : i32
      %dma_start3A_32 = tpu.memref_slice %arg3[%add3A, %dma_start3A_30, %dma_start3A_31] : memref<32x10x1024xi32, #tpu.memory_space<hbm>> -> memref<1x10x1024xi32, #tpu.memory_space<hbm>>
      %dma_start3A_33 = tpu.memref_squeeze %dma_start3A_32 : memref<1x10x1024xi32, #tpu.memory_space<hbm>> -> memref<10x1024xi32, #tpu.memory_space<hbm>>
      tpu.enqueue_dma source(%dma_start3A_33 : memref<10x1024xi32, #tpu.memory_space<hbm>>) target(%arg9 : memref<10x1024xi32, #tpu.memory_space<vmem>>) target_semaphore(%run_scoped3A : memref<!tpu.dma_semaphore, #tpu.memory_space<semaphore_mem>>)
      %dma_wait3A = arith.constant 0 : i32
      %dma_wait3A_34 = arith.constant 0 : i32
      %dma_wait3A_35 = tpu.memref_slice %arg3[%add3A, %dma_wait3A, %dma_wait3A_34] : memref<32x10x1024xi32, #tpu.memory_space<hbm>> -> memref<1x10x1024xi32, #tpu.memory_space<hbm>>
      %dma_wait3A_36 = tpu.memref_squeeze %dma_wait3A_35 : memref<1x10x1024xi32, #tpu.memory_space<hbm>> -> memref<10x1024xi32, #tpu.memory_space<hbm>>
      %dma_wait3A_37 = arith.constant 0 : i32
      %dma_wait3A_38 = arith.constant 0 : i32
      %dma_wait3A_39 = tpu.memref_slice %arg3[%add3A, %dma_wait3A_37, %dma_wait3A_38] : memref<32x10x1024xi32, #tpu.memory_space<hbm>> -> memref<1x10x1024xi32, #tpu.memory_space<hbm>>
      %dma_wait3A_40 = tpu.memref_squeeze %dma_wait3A_39 : memref<1x10x1024xi32, #tpu.memory_space<hbm>> -> memref<10x1024xi32, #tpu.memory_space<hbm>>
      tpu.wait_dma2 semaphore(%run_scoped3A : memref<!tpu.dma_semaphore, #tpu.memory_space<semaphore_mem>>) src(%dma_wait3A_40 : memref<10x1024xi32, #tpu.memory_space<hbm>>) dst(%arg9 : memref<10x1024xi32, #tpu.memory_space<vmem>>)
      tpu.yield
    }) : () -> ()
    %mul3A_1 = arith.constant 640 : i32
    %mul3A_2 = arith.muli %arg1, %mul3A_1 : i32
    "tpu.region"() ({
      %run_scoped3A = tpu.sem_alloc : memref<!tpu.dma_semaphore, #tpu.memory_space<semaphore_mem>>
      %dma_start3A_26 = arith.constant 0 : i32
      %dma_start3A_27 = tpu.memref_slice %arg12[%mul3A_2, %dma_start3A_26] : memref<10240x16xf32, #tpu.memory_space<vmem_shared>> -> memref<640x16xf32, #tpu.memory_space<vmem_shared>>
      tpu.enqueue_dma source(%arg5 : memref<640x16xf32, #tpu.memory_space<hbm>>) target(%dma_start3A_27 : memref<640x16xf32, #tpu.memory_space<vmem_shared>>) target_semaphore(%run_scoped3A : memref<!tpu.dma_semaphore, #tpu.memory_space<semaphore_mem>>)
      %dma_wait3A = arith.constant 0 : i32
      %dma_wait3A_28 = tpu.memref_slice %arg12[%mul3A_2, %dma_wait3A] : memref<10240x16xf32, #tpu.memory_space<vmem_shared>> -> memref<640x16xf32, #tpu.memory_space<vmem_shared>>
      tpu.wait_dma2 semaphore(%run_scoped3A : memref<!tpu.dma_semaphore, #tpu.memory_space<semaphore_mem>>) src(%arg5 : memref<640x16xf32, #tpu.memory_space<hbm>>) dst(%dma_wait3A_28 : memref<640x16xf32, #tpu.memory_space<vmem_shared>>)
      tpu.yield
    }) : () -> ()
    %mul3A_3 = arith.constant 640 : i32
    %mul3A_4 = arith.muli %arg1, %mul3A_3 : i32
    %mul3A_5 = arith.constant 640 : i32
    %mul3A_6 = arith.muli %arg1, %mul3A_5 : i32
    "tpu.region"() ({
      %run_scoped3A = tpu.sem_alloc : memref<!tpu.dma_semaphore, #tpu.memory_space<semaphore_mem>>
      %dma_start3A_26 = arith.constant 0 : i32
      %dma_start3A_27 = tpu.memref_slice %arg15[%mul3A_6, %dma_start3A_26] : memref<10240x16xf32, #tpu.memory_space<vmem_shared>> -> memref<640x16xf32, #tpu.memory_space<vmem_shared>>
      %dma_start3A_28 = arith.constant 0 : i32
      %dma_start3A_29 = tpu.memref_slice %arg4[%mul3A_4, %dma_start3A_28] : memref<10240x16xf32, #tpu.memory_space<hbm>> -> memref<640x16xf32, #tpu.memory_space<hbm>>
      tpu.enqueue_dma source(%dma_start3A_29 : memref<640x16xf32, #tpu.memory_space<hbm>>) target(%dma_start3A_27 : memref<640x16xf32, #tpu.memory_space<vmem_shared>>) target_semaphore(%run_scoped3A : memref<!tpu.dma_semaphore, #tpu.memory_space<semaphore_mem>>)
      %dma_wait3A = arith.constant 0 : i32
      %dma_wait3A_30 = tpu.memref_slice %arg15[%mul3A_6, %dma_wait3A] : memref<10240x16xf32, #tpu.memory_space<vmem_shared>> -> memref<640x16xf32, #tpu.memory_space<vmem_shared>>
      %dma_wait3A_31 = arith.constant 0 : i32
      %dma_wait3A_32 = tpu.memref_slice %arg4[%mul3A_4, %dma_wait3A_31] : memref<10240x16xf32, #tpu.memory_space<hbm>> -> memref<640x16xf32, #tpu.memory_space<hbm>>
      tpu.wait_dma2 semaphore(%run_scoped3A : memref<!tpu.dma_semaphore, #tpu.memory_space<semaphore_mem>>) src(%dma_wait3A_32 : memref<640x16xf32, #tpu.memory_space<hbm>>) dst(%dma_wait3A_30 : memref<640x16xf32, #tpu.memory_space<vmem_shared>>)
      tpu.yield
    }) : () -> ()
    %barrier3A = arith.constant 0 : index
    tpu.barrier barrier_id(%barrier3A)
    %dma_start3A = arith.constant 0 : i32
    %dma_start3A_7 = arith.constant 0 : i32
    %dma_start3A_8 = tpu.memref_slice %arg8[%dma_start3A, %dma_start3A_7] : memref<10x1024xi32, #tpu.memory_space<vmem>> -> memref<1x1024xi32, #tpu.memory_space<vmem>>
    %dma_start3A_9 = tpu.memref_squeeze %dma_start3A_8 : memref<1x1024xi32, #tpu.memory_space<vmem>> -> memref<1024xi32, #tpu.memory_space<vmem>>
    %dma_start3A_10 = arith.constant 0 : i32
    %dma_start3A_11 = arith.constant 0 : i32
    %dma_start3A_12 = tpu.memref_slice %arg15[%dma_start3A_10, %dma_start3A_11] : memref<10240x16xf32, #tpu.memory_space<vmem_shared>> -> memref<10240x16xf32, #tpu.memory_space<vmem_shared>>
    tpu.enqueue_indirect_dma source(%dma_start3A_12 : memref<10240x16xf32, #tpu.memory_space<vmem_shared>>) target(%arg10 : memref<1024x16xf32, #tpu.memory_space<vmem>>) offsets(%dma_start3A_9 : memref<1024xi32, #tpu.memory_space<vmem>>) semaphore(%arg13 : memref<!tpu.dma_semaphore, #tpu.memory_space<semaphore_mem>>)
    %scan3A = arith.constant 0 : i32
    %scan3A_13 = arith.constant 0 : i32
    %scan3A_14 = arith.constant 5 : i32
    %scan3A_15 = arith.addi %scan3A_13, %scan3A_14 : i32
    %scan3A_16 = arith.constant 1 : i32
    scf.for %scan3A_26 = %scan3A_13 to %scan3A_15 step %scan3A_16  : i32 {
      %mul3A_27 = arith.constant 2 : i32
      %mul3A_28 = arith.muli %scan3A_26, %mul3A_27 : i32
      %add3A_29 = arith.constant 1 : i32
      %add3A_30 = arith.addi %mul3A_28, %add3A_29 : i32
      %dma_start3A_31 = arith.constant 0 : i32
      %dma_start3A_32 = tpu.memref_slice %arg8[%add3A_30, %dma_start3A_31] : memref<10x1024xi32, #tpu.memory_space<vmem>> -> memref<1x1024xi32, #tpu.memory_space<vmem>>
      %dma_start3A_33 = tpu.memref_squeeze %dma_start3A_32 : memref<1x1024xi32, #tpu.memory_space<vmem>> -> memref<1024xi32, #tpu.memory_space<vmem>>
      %dma_start3A_34 = arith.constant 0 : i32
      %dma_start3A_35 = arith.constant 0 : i32
      %dma_start3A_36 = tpu.memref_slice %arg15[%dma_start3A_34, %dma_start3A_35] : memref<10240x16xf32, #tpu.memory_space<vmem_shared>> -> memref<10240x16xf32, #tpu.memory_space<vmem_shared>>
      tpu.enqueue_indirect_dma source(%dma_start3A_36 : memref<10240x16xf32, #tpu.memory_space<vmem_shared>>) target(%arg11 : memref<1024x16xf32, #tpu.memory_space<vmem>>) offsets(%dma_start3A_33 : memref<1024xi32, #tpu.memory_space<vmem>>) semaphore(%arg14 : memref<!tpu.dma_semaphore, #tpu.memory_space<semaphore_mem>>)
      %dma_wait3A = arith.constant 0 : i32
      %dma_wait3A_37 = tpu.memref_slice %arg8[%mul3A_28, %dma_wait3A] : memref<10x1024xi32, #tpu.memory_space<vmem>> -> memref<1x1024xi32, #tpu.memory_space<vmem>>
      %dma_wait3A_38 = tpu.memref_squeeze %dma_wait3A_37 : memref<1x1024xi32, #tpu.memory_space<vmem>> -> memref<1024xi32, #tpu.memory_space<vmem>>
      %dma_wait3A_39 = arith.constant 0 : i32
      %dma_wait3A_40 = arith.constant 0 : i32
      %dma_wait3A_41 = tpu.memref_slice %arg15[%dma_wait3A_39, %dma_wait3A_40] : memref<10240x16xf32, #tpu.memory_space<vmem_shared>> -> memref<10240x16xf32, #tpu.memory_space<vmem_shared>>
      tpu.wait_indirect_dma semaphore(%arg13 : memref<!tpu.dma_semaphore, #tpu.memory_space<semaphore_mem>>) src(%dma_wait3A_41 : memref<10240x16xf32, #tpu.memory_space<vmem_shared>>) dst(%arg10 : memref<1024x16xf32, #tpu.memory_space<vmem>>)
      "tpu.region"() ({
        %run_scoped3A = tpu.sem_alloc : memref<!tpu.dma_semaphore, #tpu.memory_space<semaphore_mem>>
        %dma_start3A_58 = arith.constant 0 : i32
        %dma_start3A_59 = tpu.memref_slice %arg9[%mul3A_28, %dma_start3A_58] : memref<10x1024xi32, #tpu.memory_space<vmem>> -> memref<1x1024xi32, #tpu.memory_space<vmem>>
        %dma_start3A_60 = tpu.memref_squeeze %dma_start3A_59 : memref<1x1024xi32, #tpu.memory_space<vmem>> -> memref<1024xi32, #tpu.memory_space<vmem>>
        %dma_start3A_61 = arith.constant 0 : i32
        %dma_start3A_62 = arith.constant 0 : i32
        %dma_start3A_63 = tpu.memref_slice %arg12[%dma_start3A_61, %dma_start3A_62] : memref<10240x16xf32, #tpu.memory_space<vmem_shared>> -> memref<10240x16xf32, #tpu.memory_space<vmem_shared>>
        tpu.enqueue_indirect_dma source(%arg10 : memref<1024x16xf32, #tpu.memory_space<vmem>>) target(%dma_start3A_63 : memref<10240x16xf32, #tpu.memory_space<vmem_shared>>) offsets(%dma_start3A_60 : memref<1024xi32, #tpu.memory_space<vmem>>) semaphore(%run_scoped3A : memref<!tpu.dma_semaphore, #tpu.memory_space<semaphore_mem>>) {add = true}
        %dma_wait3A_64 = arith.constant 0 : i32
        %dma_wait3A_65 = tpu.memref_slice %arg9[%mul3A_28, %dma_wait3A_64] : memref<10x1024xi32, #tpu.memory_space<vmem>> -> memref<1x1024xi32, #tpu.memory_space<vmem>>
        %dma_wait3A_66 = tpu.memref_squeeze %dma_wait3A_65 : memref<1x1024xi32, #tpu.memory_space<vmem>> -> memref<1024xi32, #tpu.memory_space<vmem>>
        %dma_wait3A_67 = arith.constant 0 : i32
        %dma_wait3A_68 = arith.constant 0 : i32
        %dma_wait3A_69 = tpu.memref_slice %arg12[%dma_wait3A_67, %dma_wait3A_68] : memref<10240x16xf32, #tpu.memory_space<vmem_shared>> -> memref<10240x16xf32, #tpu.memory_space<vmem_shared>>
        tpu.wait_indirect_dma semaphore(%run_scoped3A : memref<!tpu.dma_semaphore, #tpu.memory_space<semaphore_mem>>) src(%arg10 : memref<1024x16xf32, #tpu.memory_space<vmem>>) dst(%dma_wait3A_69 : memref<10240x16xf32, #tpu.memory_space<vmem_shared>>)
        tpu.yield
      }) : () -> ()
      %add3A_42 = arith.constant 2 : i32
      %add3A_43 = arith.addi %mul3A_28, %add3A_42 : i32
      %lt3A = arith.constant 10 : i32
      %lt3A_44 = arith.cmpi slt, %add3A_43, %lt3A : i32
      %convert_element_type3A_45 = arith.extui %lt3A_44 : i1 to i32
      %cond3A_46 = arith.constant 0 : i32
      %cond3A_47 = arith.cmpi ne, %convert_element_type3A_45, %cond3A_46 : i32
      scf.if %cond3A_47 {
        %add3A_58 = arith.constant 2 : i32
        %add3A_59 = arith.addi %mul3A_28, %add3A_58 : i32
        %dma_start3A_60 = arith.constant 0 : i32
        %dma_start3A_61 = tpu.memref_slice %arg8[%add3A_59, %dma_start3A_60] : memref<10x1024xi32, #tpu.memory_space<vmem>> -> memref<1x1024xi32, #tpu.memory_space<vmem>>
        %dma_start3A_62 = tpu.memref_squeeze %dma_start3A_61 : memref<1x1024xi32, #tpu.memory_space<vmem>> -> memref<1024xi32, #tpu.memory_space<vmem>>
        %dma_start3A_63 = arith.constant 0 : i32
        %dma_start3A_64 = arith.constant 0 : i32
        %dma_start3A_65 = tpu.memref_slice %arg15[%dma_start3A_63, %dma_start3A_64] : memref<10240x16xf32, #tpu.memory_space<vmem_shared>> -> memref<10240x16xf32, #tpu.memory_space<vmem_shared>>
        tpu.enqueue_indirect_dma source(%dma_start3A_65 : memref<10240x16xf32, #tpu.memory_space<vmem_shared>>) target(%arg10 : memref<1024x16xf32, #tpu.memory_space<vmem>>) offsets(%dma_start3A_62 : memref<1024xi32, #tpu.memory_space<vmem>>) semaphore(%arg13 : memref<!tpu.dma_semaphore, #tpu.memory_space<semaphore_mem>>)
      } else {
      }
      %add3A_48 = arith.constant 1 : i32
      %add3A_49 = arith.addi %mul3A_28, %add3A_48 : i32
      %dma_wait3A_50 = arith.constant 0 : i32
      %dma_wait3A_51 = tpu.memref_slice %arg8[%add3A_49, %dma_wait3A_50] : memref<10x1024xi32, #tpu.memory_space<vmem>> -> memref<1x1024xi32, #tpu.memory_space<vmem>>
      %dma_wait3A_52 = tpu.memref_squeeze %dma_wait3A_51 : memref<1x1024xi32, #tpu.memory_space<vmem>> -> memref<1024xi32, #tpu.memory_space<vmem>>
      %dma_wait3A_53 = arith.constant 0 : i32
      %dma_wait3A_54 = arith.constant 0 : i32
      %dma_wait3A_55 = tpu.memref_slice %arg15[%dma_wait3A_53, %dma_wait3A_54] : memref<10240x16xf32, #tpu.memory_space<vmem_shared>> -> memref<10240x16xf32, #tpu.memory_space<vmem_shared>>
      tpu.wait_indirect_dma semaphore(%arg14 : memref<!tpu.dma_semaphore, #tpu.memory_space<semaphore_mem>>) src(%dma_wait3A_55 : memref<10240x16xf32, #tpu.memory_space<vmem_shared>>) dst(%arg11 : memref<1024x16xf32, #tpu.memory_space<vmem>>)
      %add3A_56 = arith.constant 1 : i32
      %add3A_57 = arith.addi %mul3A_28, %add3A_56 : i32
      "tpu.region"() ({
        %run_scoped3A = tpu.sem_alloc : memref<!tpu.dma_semaphore, #tpu.memory_space<semaphore_mem>>
        %dma_start3A_58 = arith.constant 0 : i32
        %dma_start3A_59 = tpu.memref_slice %arg9[%add3A_57, %dma_start3A_58] : memref<10x1024xi32, #tpu.memory_space<vmem>> -> memref<1x1024xi32, #tpu.memory_space<vmem>>
        %dma_start3A_60 = tpu.memref_squeeze %dma_start3A_59 : memref<1x1024xi32, #tpu.memory_space<vmem>> -> memref<1024xi32, #tpu.memory_space<vmem>>
        %dma_start3A_61 = arith.constant 0 : i32
        %dma_start3A_62 = arith.constant 0 : i32
        %dma_start3A_63 = tpu.memref_slice %arg12[%dma_start3A_61, %dma_start3A_62] : memref<10240x16xf32, #tpu.memory_space<vmem_shared>> -> memref<10240x16xf32, #tpu.memory_space<vmem_shared>>
        tpu.enqueue_indirect_dma source(%arg11 : memref<1024x16xf32, #tpu.memory_space<vmem>>) target(%dma_start3A_63 : memref<10240x16xf32, #tpu.memory_space<vmem_shared>>) offsets(%dma_start3A_60 : memref<1024xi32, #tpu.memory_space<vmem>>) semaphore(%run_scoped3A : memref<!tpu.dma_semaphore, #tpu.memory_space<semaphore_mem>>) {add = true}
        %dma_wait3A_64 = arith.constant 0 : i32
        %dma_wait3A_65 = tpu.memref_slice %arg9[%add3A_57, %dma_wait3A_64] : memref<10x1024xi32, #tpu.memory_space<vmem>> -> memref<1x1024xi32, #tpu.memory_space<vmem>>
        %dma_wait3A_66 = tpu.memref_squeeze %dma_wait3A_65 : memref<1x1024xi32, #tpu.memory_space<vmem>> -> memref<1024xi32, #tpu.memory_space<vmem>>
        %dma_wait3A_67 = arith.constant 0 : i32
        %dma_wait3A_68 = arith.constant 0 : i32
        %dma_wait3A_69 = tpu.memref_slice %arg12[%dma_wait3A_67, %dma_wait3A_68] : memref<10240x16xf32, #tpu.memory_space<vmem_shared>> -> memref<10240x16xf32, #tpu.memory_space<vmem_shared>>
        tpu.wait_indirect_dma semaphore(%run_scoped3A : memref<!tpu.dma_semaphore, #tpu.memory_space<semaphore_mem>>) src(%arg11 : memref<1024x16xf32, #tpu.memory_space<vmem>>) dst(%dma_wait3A_69 : memref<10240x16xf32, #tpu.memory_space<vmem_shared>>)
        tpu.yield
      }) : () -> ()
    }
    %scan3A_17 = arith.constant 5 : i32
    %barrier3A_18 = arith.constant 0 : index
    tpu.barrier barrier_id(%barrier3A_18)
    %eq3A = arith.constant 0 : i32
    %eq3A_19 = arith.cmpi eq, %arg0, %eq3A : i32
    %convert_element_type3A = arith.extui %eq3A_19 : i1 to i32
    %cond3A = arith.constant 0 : i32
    %cond3A_20 = arith.cmpi ne, %convert_element_type3A, %cond3A : i32
    scf.if %cond3A_20 {
      %mul3A_26 = arith.constant 640 : i32
      %mul3A_27 = arith.muli %arg1, %mul3A_26 : i32
      %mul3A_28 = arith.constant 640 : i32
      %mul3A_29 = arith.muli %arg1, %mul3A_28 : i32
      "tpu.region"() ({
        %run_scoped3A = tpu.sem_alloc : memref<!tpu.dma_semaphore, #tpu.memory_space<semaphore_mem>>
        %dma_start3A_30 = arith.constant 0 : i32
        %dma_start3A_31 = tpu.memref_slice %arg6[%mul3A_29, %dma_start3A_30] : memref<10240x16xf32, #tpu.memory_space<hbm>> -> memref<640x16xf32, #tpu.memory_space<hbm>>
        %dma_start3A_32 = arith.constant 0 : i32
        %dma_start3A_33 = tpu.memref_slice %arg12[%mul3A_27, %dma_start3A_32] : memref<10240x16xf32, #tpu.memory_space<vmem_shared>> -> memref<640x16xf32, #tpu.memory_space<vmem_shared>>
        tpu.enqueue_dma source(%dma_start3A_33 : memref<640x16xf32, #tpu.memory_space<vmem_shared>>) target(%dma_start3A_31 : memref<640x16xf32, #tpu.memory_space<hbm>>) target_semaphore(%run_scoped3A : memref<!tpu.dma_semaphore, #tpu.memory_space<semaphore_mem>>)
        %dma_wait3A = arith.constant 0 : i32
        %dma_wait3A_34 = tpu.memref_slice %arg6[%mul3A_29, %dma_wait3A] : memref<10240x16xf32, #tpu.memory_space<hbm>> -> memref<640x16xf32, #tpu.memory_space<hbm>>
        %dma_wait3A_35 = arith.constant 0 : i32
        %dma_wait3A_36 = tpu.memref_slice %arg12[%mul3A_27, %dma_wait3A_35] : memref<10240x16xf32, #tpu.memory_space<vmem_shared>> -> memref<640x16xf32, #tpu.memory_space<vmem_shared>>
        tpu.wait_dma2 semaphore(%run_scoped3A : memref<!tpu.dma_semaphore, #tpu.memory_space<semaphore_mem>>) src(%dma_wait3A_36 : memref<640x16xf32, #tpu.memory_space<vmem_shared>>) dst(%dma_wait3A_34 : memref<640x16xf32, #tpu.memory_space<hbm>>)
        tpu.yield
      }) : () -> ()
    } else {
    }
    %eq3A_21 = arith.constant 1 : i32
    %eq3A_22 = arith.cmpi eq, %arg0, %eq3A_21 : i32
    %convert_element_type3A_23 = arith.extui %eq3A_22 : i1 to i32
    %cond3A_24 = arith.constant 0 : i32
    %cond3A_25 = arith.cmpi ne, %convert_element_type3A_23, %cond3A_24 : i32
    scf.if %cond3A_25 {
      %mul3A_26 = arith.constant 640 : i32
      %mul3A_27 = arith.muli %arg1, %mul3A_26 : i32
      %mul3A_28 = arith.constant 640 : i32
      %mul3A_29 = arith.muli %arg1, %mul3A_28 : i32
      "tpu.region"() ({
        %run_scoped3A = tpu.sem_alloc : memref<!tpu.dma_semaphore, #tpu.memory_space<semaphore_mem>>
        %dma_start3A_30 = arith.constant 0 : i32
        %dma_start3A_31 = tpu.memref_slice %arg7[%mul3A_29, %dma_start3A_30] : memref<10240x16xf32, #tpu.memory_space<hbm>> -> memref<640x16xf32, #tpu.memory_space<hbm>>
        %dma_start3A_32 = arith.constant 0 : i32
        %dma_start3A_33 = tpu.memref_slice %arg12[%mul3A_27, %dma_start3A_32] : memref<10240x16xf32, #tpu.memory_space<vmem_shared>> -> memref<640x16xf32, #tpu.memory_space<vmem_shared>>
        tpu.enqueue_dma source(%dma_start3A_33 : memref<640x16xf32, #tpu.memory_space<vmem_shared>>) target(%dma_start3A_31 : memref<640x16xf32, #tpu.memory_space<hbm>>) target_semaphore(%run_scoped3A : memref<!tpu.dma_semaphore, #tpu.memory_space<semaphore_mem>>)
        %dma_wait3A = arith.constant 0 : i32
        %dma_wait3A_34 = tpu.memref_slice %arg7[%mul3A_29, %dma_wait3A] : memref<10240x16xf32, #tpu.memory_space<hbm>> -> memref<640x16xf32, #tpu.memory_space<hbm>>
        %dma_wait3A_35 = arith.constant 0 : i32
        %dma_wait3A_36 = tpu.memref_slice %arg12[%mul3A_27, %dma_wait3A_35] : memref<10240x16xf32, #tpu.memory_space<vmem_shared>> -> memref<640x16xf32, #tpu.memory_space<vmem_shared>>
        tpu.wait_dma2 semaphore(%run_scoped3A : memref<!tpu.dma_semaphore, #tpu.memory_space<semaphore_mem>>) src(%dma_wait3A_36 : memref<640x16xf32, #tpu.memory_space<vmem_shared>>) dst(%dma_wait3A_34 : memref<640x16xf32, #tpu.memory_space<hbm>>)
        tpu.yield
      }) : () -> ()
    } else {
    }
    return
  }
}

module attributes {stable_mosaic.version = 14 : i64} {
  func.func @body(%arg0: i32, %arg1: memref<1024x128xf32, #tpu.memory_space<vmem>>, %arg2: memref<1024x16xf32, #tpu.memory_space<vmem>>, %arg3: memref<1024x16xf32, #tpu.memory_space<vmem>>, %arg4: memref<128x112xf32, #tpu.memory_space<vmem>>, %arg5: memref<1024x56xf32, #tpu.memory_space<vmem>>, %arg6: memref<1024x56xf32, #tpu.memory_space<vmem>>, %arg7: memref<1024x1xf32, #tpu.memory_space<vmem>>) attributes {dimension_semantics = [#tpu.dimension_semantics<arbitrary>], iteration_bounds = array<i64: 10>, scalar_prefetch = 0 : i64, scratch_operands = 0 : i64, tpu.core_type = #tpu.core_type<tc>, window_params = [{transform_indices = @transform_0, window_bounds = array<i64: 1024, 128>}, {transform_indices = @transform_1, window_bounds = array<i64: 1024, 16>}, {transform_indices = @transform_2, window_bounds = array<i64: 1024, 16>}, {pipeline_mode = #tpu.pipeline_mode<synchronous>, transform_indices = @transform_3, window_bounds = array<i64: 128, 112>}, {transform_indices = @transform_4, window_bounds = array<i64: 1024, 56>}, {transform_indices = @transform_5, window_bounds = array<i64: 1024, 56>}, {transform_indices = @transform_6, window_bounds = array<i64: 1024, 1>}]} {
    %get3A = arith.constant 0 : index
    %get3A_0 = arith.constant 0 : index
    %get3A_1 = vector.load %arg2[%get3A, %get3A_0] : memref<1024x16xf32, #tpu.memory_space<vmem>>, vector<1024x1xf32>
    %get3A_2 = arith.constant 0 : index
    %get3A_3 = arith.constant 0 : index
    %get3A_4 = vector.load %arg3[%get3A_2, %get3A_3] : memref<1024x16xf32, #tpu.memory_space<vmem>>, vector<1024x1xf32>
    %add3A = arith.addf %get3A_1, %get3A_4 : vector<1024x1xf32>
    %add3A_5 = arith.constant 1.000000e+00 : f32
    %add3A_6 = vector.broadcast %add3A_5 : f32 to vector<1024x1xf32>
    %add3A_7 = arith.addf %add3A, %add3A_6 : vector<1024x1xf32>
    %rsqrt3A = math.rsqrt %add3A_7 : vector<1024x1xf32>
    %swap3A = arith.constant 0 : index
    %swap3A_8 = arith.constant 0 : index
    %swap3A_9 = vector.load %arg7[%swap3A, %swap3A_8] : memref<1024x1xf32, #tpu.memory_space<vmem>>, vector<1024x1xf32>
    tpu.vector_store %arg7[%swap3A, %swap3A_8], %rsqrt3A {strides = array<i32>} : memref<1024x1xf32, #tpu.memory_space<vmem>>, vector<1024x1xf32>,
    %get3A_10 = arith.constant 0 : index
    %get3A_11 = arith.constant 0 : index
    %get3A_12 = vector.load %arg1[%get3A_10, %get3A_11] : memref<1024x128xf32, #tpu.memory_space<vmem>>, vector<1024x128xf32>
    %mul3A = vector.broadcast %rsqrt3A : vector<1024x1xf32> to vector<1024x128xf32>
    %mul3A_13 = arith.mulf %get3A_12, %mul3A : vector<1024x128xf32>
    %get3A_14 = arith.constant 0 : index
    %get3A_15 = arith.constant 0 : index
    %get3A_16 = vector.load %arg4[%get3A_14, %get3A_15] : memref<128x112xf32, #tpu.memory_space<vmem>>, vector<128x112xf32>
    %dot_general3A = arith.constant dense<0.000000e+00> : vector<1024x112xf32>
    %dot_general3A_17 = tpu.matmul %mul3A_13, %get3A_16, %dot_general3A {dimension_numbers = #tpu.dot_dimension_numbers<[1], [0], [0], [1], [0, 0, 1, 1], [], []>, transpose_lhs_hint = false} : vector<1024x128xf32>, vector<128x112xf32>, vector<1024x112xf32> -> vector<1024x112xf32>
    %slice3A = vector.extract_strided_slice %dot_general3A_17 {offsets = [0, 0], sizes = [1024, 56], strides = [1, 1]} : vector<1024x112xf32> to vector<1024x56xf32>
    %swap3A_18 = arith.constant 0 : index
    %swap3A_19 = arith.constant 0 : index
    %swap3A_20 = vector.load %arg5[%swap3A_18, %swap3A_19] : memref<1024x56xf32, #tpu.memory_space<vmem>>, vector<1024x56xf32>
    tpu.vector_store %arg5[%swap3A_18, %swap3A_19], %slice3A {strides = array<i32>} : memref<1024x56xf32, #tpu.memory_space<vmem>>, vector<1024x56xf32>,
    %slice3A_21 = vector.extract_strided_slice %dot_general3A_17 {offsets = [0, 56], sizes = [1024, 56], strides = [1, 1]} : vector<1024x112xf32> to vector<1024x56xf32>
    %swap3A_22 = arith.constant 0 : index
    %swap3A_23 = arith.constant 0 : index
    %swap3A_24 = vector.load %arg6[%swap3A_22, %swap3A_23] : memref<1024x56xf32, #tpu.memory_space<vmem>>, vector<1024x56xf32>
    tpu.vector_store %arg6[%swap3A_22, %swap3A_23], %slice3A_21 {strides = array<i32>} : memref<1024x56xf32, #tpu.memory_space<vmem>>, vector<1024x56xf32>,
    return
  }
  func.func @transform_0(%arg0: i32) -> (i32, i32) {
    %c0_i32 = arith.constant 0 : i32
    %c0_i32_0 = arith.constant 0 : i32
    return %arg0, %c0_i32 : i32, i32
  }
  func.func @transform_1(%arg0: i32) -> (i32, i32) {
    %c0_i32 = arith.constant 0 : i32
    %c0_i32_0 = arith.constant 0 : i32
    return %arg0, %c0_i32 : i32, i32
  }
  func.func @transform_2(%arg0: i32) -> (i32, i32) {
    %c0_i32 = arith.constant 0 : i32
    %c0_i32_0 = arith.constant 0 : i32
    return %arg0, %c0_i32 : i32, i32
  }
  func.func @transform_3(%arg0: i32) -> (i32, i32) {
    %c0_i32 = arith.constant 0 : i32
    %c0_i32_0 = arith.constant 0 : i32
    %c0_i32_1 = arith.constant 0 : i32
    return %c0_i32, %c0_i32_0 : i32, i32
  }
  func.func @transform_4(%arg0: i32) -> (i32, i32) {
    %c0_i32 = arith.constant 0 : i32
    %c0_i32_0 = arith.constant 0 : i32
    return %arg0, %c0_i32 : i32, i32
  }
  func.func @transform_5(%arg0: i32) -> (i32, i32) {
    %c0_i32 = arith.constant 0 : i32
    %c0_i32_0 = arith.constant 0 : i32
    return %arg0, %c0_i32 : i32, i32
  }
  func.func @transform_6(%arg0: i32) -> (i32, i32) {
    %c0_i32 = arith.constant 0 : i32
    %c0_i32_0 = arith.constant 0 : i32
    return %arg0, %c0_i32 : i32, i32
  }
}

module attributes {stable_mosaic.version = 14 : i64} {
  func.func @body(%arg0: i32, %arg1: memref<1024x56xf32, #tpu.memory_space<vmem>>, %arg2: memref<1024x56xf32, #tpu.memory_space<vmem>>, %arg3: memref<1024x56xf32, #tpu.memory_space<vmem>>, %arg4: memref<1024x56xf32, #tpu.memory_space<vmem>>, %arg5: memref<1024x56xf32, #tpu.memory_space<vmem>>, %arg6: memref<1024x56xf32, #tpu.memory_space<vmem>>, %arg7: memref<1024x1xf32, #tpu.memory_space<vmem>>, %arg8: memref<1x112xf32, #tpu.memory_space<vmem>>, %arg9: memref<112x64xf32, #tpu.memory_space<vmem>>, %arg10: memref<1024x64xf32, #tpu.memory_space<vmem>>) attributes {dimension_semantics = [#tpu.dimension_semantics<arbitrary>], iteration_bounds = array<i64: 10>, scalar_prefetch = 0 : i64, scratch_operands = 0 : i64, tpu.core_type = #tpu.core_type<tc>, window_params = [{transform_indices = @transform_0, window_bounds = array<i64: 1024, 56>}, {transform_indices = @transform_1, window_bounds = array<i64: 1024, 56>}, {transform_indices = @transform_2, window_bounds = array<i64: 1024, 56>}, {transform_indices = @transform_3, window_bounds = array<i64: 1024, 56>}, {transform_indices = @transform_4, window_bounds = array<i64: 1024, 56>}, {transform_indices = @transform_5, window_bounds = array<i64: 1024, 56>}, {transform_indices = @transform_6, window_bounds = array<i64: 1024, 1>}, {pipeline_mode = #tpu.pipeline_mode<synchronous>, transform_indices = @transform_7, window_bounds = array<i64: 1, 112>}, {pipeline_mode = #tpu.pipeline_mode<synchronous>, transform_indices = @transform_8, window_bounds = array<i64: 112, 64>}, {transform_indices = @transform_9, window_bounds = array<i64: 1024, 64>}]} {
    %get3A = arith.constant 0 : index
    %get3A_0 = arith.constant 0 : index
    %get3A_1 = vector.load %arg7[%get3A, %get3A_0] : memref<1024x1xf32, #tpu.memory_space<vmem>>, vector<1024x1xf32>
    %get3A_2 = arith.constant 0 : index
    %get3A_3 = arith.constant 0 : index
    %get3A_4 = vector.load %arg1[%get3A_2, %get3A_3] : memref<1024x56xf32, #tpu.memory_space<vmem>>, vector<1024x56xf32>
    %get3A_5 = arith.constant 0 : index
    %get3A_6 = arith.constant 0 : index
    %get3A_7 = vector.load %arg2[%get3A_5, %get3A_6] : memref<1024x56xf32, #tpu.memory_space<vmem>>, vector<1024x56xf32>
    %add3A = arith.addf %get3A_4, %get3A_7 : vector<1024x56xf32>
    %get3A_8 = arith.constant 0 : index
    %get3A_9 = arith.constant 0 : index
    %get3A_10 = vector.load %arg5[%get3A_8, %get3A_9] : memref<1024x56xf32, #tpu.memory_space<vmem>>, vector<1024x56xf32>
    %add3A_11 = arith.addf %add3A, %get3A_10 : vector<1024x56xf32>
    %get3A_12 = arith.constant 0 : index
    %get3A_13 = arith.constant 0 : index
    %get3A_14 = vector.load %arg3[%get3A_12, %get3A_13] : memref<1024x56xf32, #tpu.memory_space<vmem>>, vector<1024x56xf32>
    %get3A_15 = arith.constant 0 : index
    %get3A_16 = arith.constant 0 : index
    %get3A_17 = vector.load %arg4[%get3A_15, %get3A_16] : memref<1024x56xf32, #tpu.memory_space<vmem>>, vector<1024x56xf32>
    %add3A_18 = arith.addf %get3A_14, %get3A_17 : vector<1024x56xf32>
    %get3A_19 = arith.constant 0 : index
    %get3A_20 = arith.constant 0 : index
    %get3A_21 = vector.load %arg6[%get3A_19, %get3A_20] : memref<1024x56xf32, #tpu.memory_space<vmem>>, vector<1024x56xf32>
    %add3A_22 = arith.addf %add3A_18, %get3A_21 : vector<1024x56xf32>
    %concatenate3A = tpu.concatenate %add3A_11, %add3A_22 in 1 : vector<1024x56xf32>, vector<1024x56xf32> -> vector<1024x112xf32>
    %mul3A = vector.broadcast %get3A_1 : vector<1024x1xf32> to vector<1024x112xf32>
    %mul3A_23 = arith.mulf %mul3A, %concatenate3A : vector<1024x112xf32>
    %get3A_24 = arith.constant 0 : index
    %get3A_25 = arith.constant 0 : index
    %get3A_26 = vector.load %arg8[%get3A_24, %get3A_25] : memref<1x112xf32, #tpu.memory_space<vmem>>, vector<1x112xf32>
    %add3A_27 = vector.broadcast %get3A_26 : vector<1x112xf32> to vector<1024x112xf32>
    %add3A_28 = arith.addf %mul3A_23, %add3A_27 : vector<1024x112xf32>
    %max3A = arith.constant 0.000000e+00 : f32
    %max3A_29 = vector.broadcast %max3A : f32 to vector<1024x112xf32>
    %max3A_30 = arith.maximumf %add3A_28, %max3A_29 : vector<1024x112xf32>
    %mul3A_31 = vector.broadcast %get3A_1 : vector<1024x1xf32> to vector<1024x112xf32>
    %mul3A_32 = arith.mulf %max3A_30, %mul3A_31 : vector<1024x112xf32>
    %get3A_33 = arith.constant 0 : index
    %get3A_34 = arith.constant 0 : index
    %get3A_35 = vector.load %arg9[%get3A_33, %get3A_34] : memref<112x64xf32, #tpu.memory_space<vmem>>, vector<112x64xf32>
    %dot_general3A = arith.constant dense<0.000000e+00> : vector<1024x64xf32>
    %dot_general3A_36 = tpu.matmul %mul3A_32, %get3A_35, %dot_general3A {dimension_numbers = #tpu.dot_dimension_numbers<[1], [0], [0], [1], [0, 0, 1, 1], [], []>, transpose_lhs_hint = false} : vector<1024x112xf32>, vector<112x64xf32>, vector<1024x64xf32> -> vector<1024x64xf32>
    %swap3A = arith.constant 0 : index
    %swap3A_37 = arith.constant 0 : index
    %swap3A_38 = vector.load %arg10[%swap3A, %swap3A_37] : memref<1024x64xf32, #tpu.memory_space<vmem>>, vector<1024x64xf32>
    tpu.vector_store %arg10[%swap3A, %swap3A_37], %dot_general3A_36 {strides = array<i32>} : memref<1024x64xf32, #tpu.memory_space<vmem>>, vector<1024x64xf32>,
    return
  }
  func.func @transform_0(%arg0: i32) -> (i32, i32) {
    %c0_i32 = arith.constant 0 : i32
    %c0_i32_0 = arith.constant 0 : i32
    return %arg0, %c0_i32 : i32, i32
  }
  func.func @transform_1(%arg0: i32) -> (i32, i32) {
    %c0_i32 = arith.constant 0 : i32
    %c0_i32_0 = arith.constant 0 : i32
    return %arg0, %c0_i32 : i32, i32
  }
  func.func @transform_2(%arg0: i32) -> (i32, i32) {
    %c0_i32 = arith.constant 0 : i32
    %c0_i32_0 = arith.constant 0 : i32
    return %arg0, %c0_i32 : i32, i32
  }
  func.func @transform_3(%arg0: i32) -> (i32, i32) {
    %c0_i32 = arith.constant 0 : i32
    %c0_i32_0 = arith.constant 0 : i32
    return %arg0, %c0_i32 : i32, i32
  }
  func.func @transform_4(%arg0: i32) -> (i32, i32) {
    %c0_i32 = arith.constant 0 : i32
    %c0_i32_0 = arith.constant 0 : i32
    return %arg0, %c0_i32 : i32, i32
  }
  func.func @transform_5(%arg0: i32) -> (i32, i32) {
    %c0_i32 = arith.constant 0 : i32
    %c0_i32_0 = arith.constant 0 : i32
    return %arg0, %c0_i32 : i32, i32
  }
  func.func @transform_6(%arg0: i32) -> (i32, i32) {
    %c0_i32 = arith.constant 0 : i32
    %c0_i32_0 = arith.constant 0 : i32
    return %arg0, %c0_i32 : i32, i32
  }
  func.func @transform_7(%arg0: i32) -> (i32, i32) {
    %c0_i32 = arith.constant 0 : i32
    %c0_i32_0 = arith.constant 0 : i32
    %c0_i32_1 = arith.constant 0 : i32
    return %c0_i32, %c0_i32_0 : i32, i32
  }
  func.func @transform_8(%arg0: i32) -> (i32, i32) {
    %c0_i32 = arith.constant 0 : i32
    %c0_i32_0 = arith.constant 0 : i32
    %c0_i32_1 = arith.constant 0 : i32
    return %c0_i32, %c0_i32_0 : i32, i32
  }
  func.func @transform_9(%arg0: i32) -> (i32, i32) {
    %c0_i32 = arith.constant 0 : i32
    %c0_i32_0 = arith.constant 0 : i32
    return %arg0, %c0_i32 : i32, i32
  }
}

module attributes {stable_mosaic.version = 14 : i64} {
  func.func @body(%arg0: i32, %arg1: memref<1024x64xf32, #tpu.memory_space<vmem>>, %arg2: memref<1024x64xf32, #tpu.memory_space<vmem>>, %arg3: memref<1024x64xf32, #tpu.memory_space<vmem>>, %arg4: memref<1024x1xf32, #tpu.memory_space<vmem>>, %arg5: memref<1x64xf32, #tpu.memory_space<vmem>>, %arg6: memref<64x32xf32, #tpu.memory_space<vmem>>, %arg7: memref<1024x32xf32, #tpu.memory_space<vmem>>) attributes {dimension_semantics = [#tpu.dimension_semantics<arbitrary>], iteration_bounds = array<i64: 10>, scalar_prefetch = 0 : i64, scratch_operands = 0 : i64, tpu.core_type = #tpu.core_type<tc>, window_params = [{transform_indices = @transform_0, window_bounds = array<i64: 1024, 64>}, {transform_indices = @transform_1, window_bounds = array<i64: 1024, 64>}, {transform_indices = @transform_2, window_bounds = array<i64: 1024, 64>}, {transform_indices = @transform_3, window_bounds = array<i64: 1024, 1>}, {pipeline_mode = #tpu.pipeline_mode<synchronous>, transform_indices = @transform_4, window_bounds = array<i64: 1, 64>}, {pipeline_mode = #tpu.pipeline_mode<synchronous>, transform_indices = @transform_5, window_bounds = array<i64: 64, 32>}, {transform_indices = @transform_6, window_bounds = array<i64: 1024, 32>}]} {
    %get3A = arith.constant 0 : index
    %get3A_0 = arith.constant 0 : index
    %get3A_1 = vector.load %arg4[%get3A, %get3A_0] : memref<1024x1xf32, #tpu.memory_space<vmem>>, vector<1024x1xf32>
    %get3A_2 = arith.constant 0 : index
    %get3A_3 = arith.constant 0 : index
    %get3A_4 = vector.load %arg1[%get3A_2, %get3A_3] : memref<1024x64xf32, #tpu.memory_space<vmem>>, vector<1024x64xf32>
    %get3A_5 = arith.constant 0 : index
    %get3A_6 = arith.constant 0 : index
    %get3A_7 = vector.load %arg2[%get3A_5, %get3A_6] : memref<1024x64xf32, #tpu.memory_space<vmem>>, vector<1024x64xf32>
    %add3A = arith.addf %get3A_4, %get3A_7 : vector<1024x64xf32>
    %get3A_8 = arith.constant 0 : index
    %get3A_9 = arith.constant 0 : index
    %get3A_10 = vector.load %arg3[%get3A_8, %get3A_9] : memref<1024x64xf32, #tpu.memory_space<vmem>>, vector<1024x64xf32>
    %add3A_11 = arith.addf %add3A, %get3A_10 : vector<1024x64xf32>
    %mul3A = vector.broadcast %get3A_1 : vector<1024x1xf32> to vector<1024x64xf32>
    %mul3A_12 = arith.mulf %mul3A, %add3A_11 : vector<1024x64xf32>
    %get3A_13 = arith.constant 0 : index
    %get3A_14 = arith.constant 0 : index
    %get3A_15 = vector.load %arg5[%get3A_13, %get3A_14] : memref<1x64xf32, #tpu.memory_space<vmem>>, vector<1x64xf32>
    %add3A_16 = vector.broadcast %get3A_15 : vector<1x64xf32> to vector<1024x64xf32>
    %add3A_17 = arith.addf %mul3A_12, %add3A_16 : vector<1024x64xf32>
    %max3A = arith.constant 0.000000e+00 : f32
    %max3A_18 = vector.broadcast %max3A : f32 to vector<1024x64xf32>
    %max3A_19 = arith.maximumf %add3A_17, %max3A_18 : vector<1024x64xf32>
    %mul3A_20 = vector.broadcast %get3A_1 : vector<1024x1xf32> to vector<1024x64xf32>
    %mul3A_21 = arith.mulf %max3A_19, %mul3A_20 : vector<1024x64xf32>
    %get3A_22 = arith.constant 0 : index
    %get3A_23 = arith.constant 0 : index
    %get3A_24 = vector.load %arg6[%get3A_22, %get3A_23] : memref<64x32xf32, #tpu.memory_space<vmem>>, vector<64x32xf32>
    %dot_general3A = arith.constant dense<0.000000e+00> : vector<1024x32xf32>
    %dot_general3A_25 = tpu.matmul %mul3A_21, %get3A_24, %dot_general3A {dimension_numbers = #tpu.dot_dimension_numbers<[1], [0], [0], [1], [0, 0, 1, 1], [], []>, transpose_lhs_hint = false} : vector<1024x64xf32>, vector<64x32xf32>, vector<1024x32xf32> -> vector<1024x32xf32>
    %swap3A = arith.constant 0 : index
    %swap3A_26 = arith.constant 0 : index
    %swap3A_27 = vector.load %arg7[%swap3A, %swap3A_26] : memref<1024x32xf32, #tpu.memory_space<vmem>>, vector<1024x32xf32>
    tpu.vector_store %arg7[%swap3A, %swap3A_26], %dot_general3A_25 {strides = array<i32>} : memref<1024x32xf32, #tpu.memory_space<vmem>>, vector<1024x32xf32>,
    return
  }
  func.func @transform_0(%arg0: i32) -> (i32, i32) {
    %c0_i32 = arith.constant 0 : i32
    %c0_i32_0 = arith.constant 0 : i32
    return %arg0, %c0_i32 : i32, i32
  }
  func.func @transform_1(%arg0: i32) -> (i32, i32) {
    %c0_i32 = arith.constant 0 : i32
    %c0_i32_0 = arith.constant 0 : i32
    return %arg0, %c0_i32 : i32, i32
  }
  func.func @transform_2(%arg0: i32) -> (i32, i32) {
    %c0_i32 = arith.constant 0 : i32
    %c0_i32_0 = arith.constant 0 : i32
    return %arg0, %c0_i32 : i32, i32
  }
  func.func @transform_3(%arg0: i32) -> (i32, i32) {
    %c0_i32 = arith.constant 0 : i32
    %c0_i32_0 = arith.constant 0 : i32
    return %arg0, %c0_i32 : i32, i32
  }
  func.func @transform_4(%arg0: i32) -> (i32, i32) {
    %c0_i32 = arith.constant 0 : i32
    %c0_i32_0 = arith.constant 0 : i32
    %c0_i32_1 = arith.constant 0 : i32
    return %c0_i32, %c0_i32_0 : i32, i32
  }
  func.func @transform_5(%arg0: i32) -> (i32, i32) {
    %c0_i32 = arith.constant 0 : i32
    %c0_i32_0 = arith.constant 0 : i32
    %c0_i32_1 = arith.constant 0 : i32
    return %c0_i32, %c0_i32_0 : i32, i32
  }
  func.func @transform_6(%arg0: i32) -> (i32, i32) {
    %c0_i32 = arith.constant 0 : i32
    %c0_i32_0 = arith.constant 0 : i32
    return %arg0, %c0_i32 : i32, i32
  }
}

module attributes {stable_mosaic.version = 14 : i64} {
  func.func @body(%arg0: i32, %arg1: memref<1024x32xf32, #tpu.memory_space<vmem>>, %arg2: memref<1024x32xf32, #tpu.memory_space<vmem>>, %arg3: memref<1024x32xf32, #tpu.memory_space<vmem>>, %arg4: memref<1024x1xf32, #tpu.memory_space<vmem>>, %arg5: memref<1x32xf32, #tpu.memory_space<vmem>>, %arg6: memref<32x16xf32, #tpu.memory_space<vmem>>, %arg7: memref<1024x16xf32, #tpu.memory_space<vmem>>) attributes {dimension_semantics = [#tpu.dimension_semantics<arbitrary>], iteration_bounds = array<i64: 10>, scalar_prefetch = 0 : i64, scratch_operands = 0 : i64, tpu.core_type = #tpu.core_type<tc>, window_params = [{transform_indices = @transform_0, window_bounds = array<i64: 1024, 32>}, {transform_indices = @transform_1, window_bounds = array<i64: 1024, 32>}, {transform_indices = @transform_2, window_bounds = array<i64: 1024, 32>}, {transform_indices = @transform_3, window_bounds = array<i64: 1024, 1>}, {pipeline_mode = #tpu.pipeline_mode<synchronous>, transform_indices = @transform_4, window_bounds = array<i64: 1, 32>}, {pipeline_mode = #tpu.pipeline_mode<synchronous>, transform_indices = @transform_5, window_bounds = array<i64: 32, 16>}, {transform_indices = @transform_6, window_bounds = array<i64: 1024, 16>}]} {
    %get3A = arith.constant 0 : index
    %get3A_0 = arith.constant 0 : index
    %get3A_1 = vector.load %arg4[%get3A, %get3A_0] : memref<1024x1xf32, #tpu.memory_space<vmem>>, vector<1024x1xf32>
    %get3A_2 = arith.constant 0 : index
    %get3A_3 = arith.constant 0 : index
    %get3A_4 = vector.load %arg1[%get3A_2, %get3A_3] : memref<1024x32xf32, #tpu.memory_space<vmem>>, vector<1024x32xf32>
    %get3A_5 = arith.constant 0 : index
    %get3A_6 = arith.constant 0 : index
    %get3A_7 = vector.load %arg2[%get3A_5, %get3A_6] : memref<1024x32xf32, #tpu.memory_space<vmem>>, vector<1024x32xf32>
    %add3A = arith.addf %get3A_4, %get3A_7 : vector<1024x32xf32>
    %get3A_8 = arith.constant 0 : index
    %get3A_9 = arith.constant 0 : index
    %get3A_10 = vector.load %arg3[%get3A_8, %get3A_9] : memref<1024x32xf32, #tpu.memory_space<vmem>>, vector<1024x32xf32>
    %add3A_11 = arith.addf %add3A, %get3A_10 : vector<1024x32xf32>
    %mul3A = vector.broadcast %get3A_1 : vector<1024x1xf32> to vector<1024x32xf32>
    %mul3A_12 = arith.mulf %mul3A, %add3A_11 : vector<1024x32xf32>
    %get3A_13 = arith.constant 0 : index
    %get3A_14 = arith.constant 0 : index
    %get3A_15 = vector.load %arg5[%get3A_13, %get3A_14] : memref<1x32xf32, #tpu.memory_space<vmem>>, vector<1x32xf32>
    %add3A_16 = vector.broadcast %get3A_15 : vector<1x32xf32> to vector<1024x32xf32>
    %add3A_17 = arith.addf %mul3A_12, %add3A_16 : vector<1024x32xf32>
    %max3A = arith.constant 0.000000e+00 : f32
    %max3A_18 = vector.broadcast %max3A : f32 to vector<1024x32xf32>
    %max3A_19 = arith.maximumf %add3A_17, %max3A_18 : vector<1024x32xf32>
    %mul3A_20 = vector.broadcast %get3A_1 : vector<1024x1xf32> to vector<1024x32xf32>
    %mul3A_21 = arith.mulf %max3A_19, %mul3A_20 : vector<1024x32xf32>
    %get3A_22 = arith.constant 0 : index
    %get3A_23 = arith.constant 0 : index
    %get3A_24 = vector.load %arg6[%get3A_22, %get3A_23] : memref<32x16xf32, #tpu.memory_space<vmem>>, vector<32x16xf32>
    %dot_general3A = arith.constant dense<0.000000e+00> : vector<1024x16xf32>
    %dot_general3A_25 = tpu.matmul %mul3A_21, %get3A_24, %dot_general3A {dimension_numbers = #tpu.dot_dimension_numbers<[1], [0], [0], [1], [0, 0, 1, 1], [], []>, transpose_lhs_hint = false} : vector<1024x32xf32>, vector<32x16xf32>, vector<1024x16xf32> -> vector<1024x16xf32>
    %swap3A = arith.constant 0 : index
    %swap3A_26 = arith.constant 0 : index
    %swap3A_27 = vector.load %arg7[%swap3A, %swap3A_26] : memref<1024x16xf32, #tpu.memory_space<vmem>>, vector<1024x16xf32>
    tpu.vector_store %arg7[%swap3A, %swap3A_26], %dot_general3A_25 {strides = array<i32>} : memref<1024x16xf32, #tpu.memory_space<vmem>>, vector<1024x16xf32>,
    return
  }
  func.func @transform_0(%arg0: i32) -> (i32, i32) {
    %c0_i32 = arith.constant 0 : i32
    %c0_i32_0 = arith.constant 0 : i32
    return %arg0, %c0_i32 : i32, i32
  }
  func.func @transform_1(%arg0: i32) -> (i32, i32) {
    %c0_i32 = arith.constant 0 : i32
    %c0_i32_0 = arith.constant 0 : i32
    return %arg0, %c0_i32 : i32, i32
  }
  func.func @transform_2(%arg0: i32) -> (i32, i32) {
    %c0_i32 = arith.constant 0 : i32
    %c0_i32_0 = arith.constant 0 : i32
    return %arg0, %c0_i32 : i32, i32
  }
  func.func @transform_3(%arg0: i32) -> (i32, i32) {
    %c0_i32 = arith.constant 0 : i32
    %c0_i32_0 = arith.constant 0 : i32
    return %arg0, %c0_i32 : i32, i32
  }
  func.func @transform_4(%arg0: i32) -> (i32, i32) {
    %c0_i32 = arith.constant 0 : i32
    %c0_i32_0 = arith.constant 0 : i32
    %c0_i32_1 = arith.constant 0 : i32
    return %c0_i32, %c0_i32_0 : i32, i32
  }
  func.func @transform_5(%arg0: i32) -> (i32, i32) {
    %c0_i32 = arith.constant 0 : i32
    %c0_i32_0 = arith.constant 0 : i32
    %c0_i32_1 = arith.constant 0 : i32
    return %c0_i32, %c0_i32_0 : i32, i32
  }
  func.func @transform_6(%arg0: i32) -> (i32, i32) {
    %c0_i32 = arith.constant 0 : i32
    %c0_i32_0 = arith.constant 0 : i32
    return %arg0, %c0_i32 : i32, i32
  }
}

module attributes {stable_mosaic.version = 14 : i64} {
  func.func @body(%arg0: i32, %arg1: memref<1024x16xf32, #tpu.memory_space<vmem>>, %arg2: memref<1024x16xf32, #tpu.memory_space<vmem>>, %arg3: memref<1024x16xf32, #tpu.memory_space<vmem>>, %arg4: memref<1024x1xf32, #tpu.memory_space<vmem>>, %arg5: memref<1x16xf32, #tpu.memory_space<vmem>>, %arg6: memref<1024x16xf32, #tpu.memory_space<vmem>>) attributes {dimension_semantics = [#tpu.dimension_semantics<arbitrary>], iteration_bounds = array<i64: 10>, scalar_prefetch = 0 : i64, scratch_operands = 0 : i64, tpu.core_type = #tpu.core_type<tc>, window_params = [{transform_indices = @transform_0, window_bounds = array<i64: 1024, 16>}, {transform_indices = @transform_1, window_bounds = array<i64: 1024, 16>}, {transform_indices = @transform_2, window_bounds = array<i64: 1024, 16>}, {transform_indices = @transform_3, window_bounds = array<i64: 1024, 1>}, {pipeline_mode = #tpu.pipeline_mode<synchronous>, transform_indices = @transform_4, window_bounds = array<i64: 1, 16>}, {transform_indices = @transform_5, window_bounds = array<i64: 1024, 16>}]} {
    %get3A = arith.constant 0 : index
    %get3A_0 = arith.constant 0 : index
    %get3A_1 = vector.load %arg4[%get3A, %get3A_0] : memref<1024x1xf32, #tpu.memory_space<vmem>>, vector<1024x1xf32>
    %get3A_2 = arith.constant 0 : index
    %get3A_3 = arith.constant 0 : index
    %get3A_4 = vector.load %arg1[%get3A_2, %get3A_3] : memref<1024x16xf32, #tpu.memory_space<vmem>>, vector<1024x16xf32>
    %get3A_5 = arith.constant 0 : index
    %get3A_6 = arith.constant 0 : index
    %get3A_7 = vector.load %arg2[%get3A_5, %get3A_6] : memref<1024x16xf32, #tpu.memory_space<vmem>>, vector<1024x16xf32>
    %add3A = arith.addf %get3A_4, %get3A_7 : vector<1024x16xf32>
    %get3A_8 = arith.constant 0 : index
    %get3A_9 = arith.constant 0 : index
    %get3A_10 = vector.load %arg3[%get3A_8, %get3A_9] : memref<1024x16xf32, #tpu.memory_space<vmem>>, vector<1024x16xf32>
    %add3A_11 = arith.addf %add3A, %get3A_10 : vector<1024x16xf32>
    %mul3A = vector.broadcast %get3A_1 : vector<1024x1xf32> to vector<1024x16xf32>
    %mul3A_12 = arith.mulf %mul3A, %add3A_11 : vector<1024x16xf32>
    %get3A_13 = arith.constant 0 : index
    %get3A_14 = arith.constant 0 : index
    %get3A_15 = vector.load %arg5[%get3A_13, %get3A_14] : memref<1x16xf32, #tpu.memory_space<vmem>>, vector<1x16xf32>
    %add3A_16 = vector.broadcast %get3A_15 : vector<1x16xf32> to vector<1024x16xf32>
    %add3A_17 = arith.addf %mul3A_12, %add3A_16 : vector<1024x16xf32>
    %swap3A = arith.constant 0 : index
    %swap3A_18 = arith.constant 0 : index
    %swap3A_19 = vector.load %arg6[%swap3A, %swap3A_18] : memref<1024x16xf32, #tpu.memory_space<vmem>>, vector<1024x16xf32>
    tpu.vector_store %arg6[%swap3A, %swap3A_18], %add3A_17 {strides = array<i32>} : memref<1024x16xf32, #tpu.memory_space<vmem>>, vector<1024x16xf32>,
    return
  }
  func.func @transform_0(%arg0: i32) -> (i32, i32) {
    %c0_i32 = arith.constant 0 : i32
    %c0_i32_0 = arith.constant 0 : i32
    return %arg0, %c0_i32 : i32, i32
  }
  func.func @transform_1(%arg0: i32) -> (i32, i32) {
    %c0_i32 = arith.constant 0 : i32
    %c0_i32_0 = arith.constant 0 : i32
    return %arg0, %c0_i32 : i32, i32
  }
  func.func @transform_2(%arg0: i32) -> (i32, i32) {
    %c0_i32 = arith.constant 0 : i32
    %c0_i32_0 = arith.constant 0 : i32
    return %arg0, %c0_i32 : i32, i32
  }
  func.func @transform_3(%arg0: i32) -> (i32, i32) {
    %c0_i32 = arith.constant 0 : i32
    %c0_i32_0 = arith.constant 0 : i32
    return %arg0, %c0_i32 : i32, i32
  }
  func.func @transform_4(%arg0: i32) -> (i32, i32) {
    %c0_i32 = arith.constant 0 : i32
    %c0_i32_0 = arith.constant 0 : i32
    %c0_i32_1 = arith.constant 0 : i32
    return %c0_i32, %c0_i32_0 : i32, i32
  }
  func.func @transform_5(%arg0: i32) -> (i32, i32) {
    %c0_i32 = arith.constant 0 : i32
    %c0_i32_0 = arith.constant 0 : i32
    return %arg0, %c0_i32 : i32, i32
  }
}

</mosaic_0001>

<sc_bundles>
// kernel: kernel.13.cloned.1.call-start
scs
__scs_entry_jumppad:
0x0: {  	(pc) =	sbr.rel $0x88, $3  }
0x1: {  	(tag) =	ssettag $0x0;
	lr =	simm.s32 $0x1  }
0x2: {  	[smem:$0x3F97] =	sst lr;
	_ =	strace $0xD0000000  }
0x3: {  	_ = 	snop  }
0x4: {  	_ = 	snop  }
0x5: {  	_ = 	snop  }
0x6: {  	_ = 	snop  }
0x7: {  	_ = 	snop  }
__scs_overlays_trampoline_lowered:
0x8: {  	[smem:$0x3FA6] =	sst s0  }
0x9: {  	[smem:$0x3FA7] =	sst s1  }
0xa: {  	[smem:$0x3FA8] =	sst s2  }
0xb: {  	[smem:$0x3FA9] =	sst s3  }
0xc: {  	[smem:$0x3FAA] =	sst s4  }
0xd: {  	[smem:$0x3FAB] =	sst s5  }
0xe: {  	[smem:$0x3FAC] =	sst s6  }
0xf: {  	[smem:$0x3FAD] =	sst s7  }
0x10: {  	[smem:$0x3FAE] =	sst s8  }
0x11: {  	[smem:$0x3FAF] =	sst s9;
	s0 =	simm.s32 @!p0 $0x0  }
0x12: {  	s1 =	sld [smem:$0x3F95];
	s0 =	simm.s32 @p0 $0x1  }
0x13: {  	[smem:$0x3FB0] =	sst s0;
	s0 =	simm.s32 @!p1 $0x0  }
0x14: {  	s2 =	sld [smem:$0x3F94];
	s0 =	simm.s32 @p1 $0x1  }
0x15: {  	[smem:$0x3FB1] =	sst s0;
	s0 =	simm.s32 @!p2 $0x0  }
0x16: {  	s3 =	sld [smem:$0x3FDB];
	s0 =	simm.s32 @p2 $0x1  }
0x17: {  	s4 =	simm.s32 $0x1BF5;
	[smem:$0x3FB3] =	sst s0  }
0x18: {  	s0 =	sld [smem:$0x3F96];
	_ =	swait.ge [sflag:s4], $0x0  }
0x19: {  	s7 =	sld [smem:$0x3F97]  }
0x1a: {  	s8 =	sadd.s32 $0xFFFFE003, lr  }
0x1b: {  	s9 =	sadd.s32 $0xFFFFFEF7, lr;
	s5 =	simm.s32 $0xFFFFFFFF;
	p2 =	slt.u32 s8, $0xFFFFF086  }
0x1c: {  	p1 =	slt.u32 s9, $0xF7A;
	s5 =	simm.s32 @!p2 $0x0  }
0x1d: {  	s5 =	simm.s32 @p1 $0x1;
	p0 =	seq.s32 s7, s2  }
0x1e: {  	s7 =	smul.u32 @!p0 $0xF7A, s2;
	p2 =	seq.s32 @!p0 s5, $0x0  }
0x1f: {  	s9 =	smul.u32 $0xF7A, s1;
	s8 =	simm.s32 @!p0 $0x1BF5;
	p2 =	por !p2, p0  }
0x20: {  	[sflag:s8] =	ssyncset.s32 @!p0 $0xFFFFF086;
	s6 =	sadd.s32 @!p0 s3, s7;
	s7 =	simm.s32 @!p0 $0x108  }
0x21: {  	s3 =	sadd.s32 s3, s9;
	s6 =	sadd.s32 @!p0 $0x88, s6;
	s7 =	simm.s32 @p2 $0x1082  }
0x22: {  	[simem:s7], [sflag:s8] =	dma.local @!p0 [hbm:s6], $0xF7A  }
0x23: {  	s9 =	sor.u32 $0xD0000000, s2;
	s6 =	simm.s32 $0x108;
	_ =	swait.ge @!p0 [sflag:s8], $0x0  }
0x24: {  	s3 =	sadd.s32 $0x88, s3;
	s6 =	simm.s32 @!p1 $0x1082;
	[sflag:s4] =	ssyncset.s32 $0xFFFFF086  }
0x25: {  	[simem:s6], [sflag:s4] =	dma.local [hbm:s3], $0xF7A  }
0x26: {  	[smem:$0x3F97] =	sst s1;
	(tag) =	ssettag s2;
	_ =	strace s9  }
0x27: {  	s1 =	sld [smem:$0x3FA7]  }
0x28: {  	s2 =	sld [smem:$0x3FA8]  }
0x29: {  	s4 =	sld [smem:$0x3FAA]  }
0x2a: {  	p0 =	seq.s32 s5, $0x0;
	s5 =	sld [smem:$0x3FAB]  }
0x2b: {  	s6 =	sld [smem:$0x3FAC]  }
0x2c: {  	s7 =	sld [smem:$0x3FAD]  }
0x2d: {  	s3 =	simm.s32 $0x108;
	s8 =	sld [smem:$0x3FAE]  }
0x2e: {  	s3 =	simm.s32 @!p0 $0x1082;
	s9 =	sld [smem:$0x3FAF]  }
0x2f: {  	lr =	sadd.s32 s0, s3;
	s0 =	sld [smem:$0x3FA6]  }
0x30: {  	s3 =	sld [smem:$0x3FA9]  }
0x31: {  	[smem:$0x3FB2] =	sst s10  }
0x32: {  	s10 =	sld [smem:$0x3FB0];
	_ =	sdelay $0x3  }
0x33: {  	p0 =	seq.s32 s10, $0x1;
	s10 =	sld [smem:$0x3FB2];
	_ =	sdelay $0x3  }
0x34: {  	[smem:$0x3FB2] =	sst s10  }
0x35: {  	s10 =	sld [smem:$0x3FB1];
	_ =	sdelay $0x3  }
0x36: {  	p1 =	seq.s32 s10, $0x1;
	s10 =	sld [smem:$0x3FB2];
	_ =	sdelay $0x3  }
0x37: {  	[smem:$0x3FB2] =	sst s10  }
0x38: {  	s10 =	sld [smem:$0x3FB3]  }
0x39: {  	_ = 	snop;
	(pc) =	sbr.ind lr, $3  }
0x3a: {  	_ = 	snop  }
0x3b: {  	_ = 	snop  }
0x3c: {  	p2 =	seq.s32 s10, $0x1;
	s10 =	sld [smem:$0x3FB2]  }
0x3d: {  	_ =	shalt  }
0x3e: {  	_ =	shalt  }
0x3f: {  	_ =	shalt  }
0x40: {  	_ =	shalt  }
0x41: {  	_ =	shalt  }
0x42: {  	_ =	shalt  }
0x43: {  	_ =	shalt  }
0x44: {  	_ =	shalt  }
0x45: {  	_ =	shalt  }
0x46: {  	_ =	shalt  }
0x47: {  	_ =	shalt  }
0x48: {  	_ =	shalt  }
0x49: {  	_ =	shalt  }
0x4a: {  	_ =	shalt  }
0x4b: {  	_ =	shalt  }
0x4c: {  	_ =	shalt  }
0x4d: {  	_ =	shalt  }
0x4e: {  	_ =	shalt  }
0x4f: {  	_ =	shalt  }
0x50: {  	_ =	shalt  }
0x51: {  	_ =	shalt  }
0x52: {  	_ =	shalt  }
0x53: {  	_ =	shalt  }
0x54: {  	_ =	shalt  }
0x55: {  	_ =	shalt  }
0x56: {  	_ =	shalt  }
0x57: {  	_ =	shalt  }
0x58: {  	_ =	shalt  }
0x59: {  	_ =	shalt  }
0x5a: {  	_ =	shalt  }
0x5b: {  	_ =	shalt  }
0x5c: {  	_ =	shalt  }
0x5d: {  	_ =	shalt  }
0x5e: {  	_ =	shalt  }
0x5f: {  	_ =	shalt  }
0x60: {  	_ =	shalt  }
0x61: {  	_ =	shalt  }
0x62: {  	_ =	shalt  }
0x63: {  	_ =	shalt  }
0x64: {  	_ =	shalt  }
0x65: {  	_ =	shalt  }
0x66: {  	_ =	shalt  }
0x67: {  	_ =	shalt  }
0x68: {  	_ =	shalt  }
0x69: {  	_ =	shalt  }
0x6a: {  	_ =	shalt  }
0x6b: {  	_ =	shalt  }
0x6c: {  	_ =	shalt  }
0x6d: {  	_ =	shalt  }
0x6e: {  	_ =	shalt  }
0x6f: {  	_ =	shalt  }
0x70: {  	_ =	shalt  }
0x71: {  	_ =	shalt  }
0x72: {  	_ =	shalt  }
0x73: {  	_ =	shalt  }
0x74: {  	_ =	shalt  }
0x75: {  	_ =	shalt  }
0x76: {  	_ =	shalt  }
0x77: {  	_ =	shalt  }
0x78: {  	_ =	shalt  }
0x79: {  	_ =	shalt  }
0x7a: {  	_ =	shalt  }
0x7b: {  	_ =	shalt  }
0x7c: {  	_ =	shalt  }
0x7d: {  	_ =	shalt  }
0x7e: {  	_ =	shalt  }
0x7f: {  	_ =	shalt  }
0x80: {  	_ =	shalt  }
0x81: {  	_ =	shalt  }
0x82: {  	_ =	shalt  }
0x83: {  	_ =	shalt  }
0x84: {  	_ =	shalt  }
0x85: {  	_ =	shalt  }
0x86: {  	_ =	shalt  }
0x87: {  	_ =	shalt  }
.Lfunc_end0:
.L_simem_size_0:
called_computation_lowered:
.L_overlay_start_0:
0x88: {  	s2 =	sld [smem:$0x3FD9]  }
0x89: {  	s3 =	sld [smem:$0x3FFE];
	_ =	sdelay $0x1  }
0x8a: {  	s1 =	srdreg.scid  }
0x8b: {  	s0 =	sand.u32 $0x1, s1  }
0x8c: {  	s17 =	sshll.u32 s0, $0xA;
	s2 =	sadd.s32 s3, s2  }
0x8d: {  	s2 =	sadd.s32 s2, s17  }
0x8e: {  	[smem:$0x3FBE] =	sst s2  }
0x8f: {  	_ = 	snop  }
0x90: {  	s2 =	sld [smem:$0x3FD0];
	(tm) =	ssettm $0x1  }
0x91: {  	s18 =	sld [smem:$0x3FFB];
	_ =	sdelay $0x3  }
0x92: {  	_ =	strace s18  }
0x93: {  	s3 =	sld [smem:$0x3FFC];
	_ =	sdelay $0x3  }
0x94: {  	_ =	strace s3  }
0x95: {  	s3 =	sld [smem:$0x3FFD];
	_ =	sdelay $0x3  }
0x96: {  	_ =	strace s3  }
0x97: {  	_ =	strace $0x8FFFFFFF  }
0x98: {  	s19 =	sld [smem:$0x3FDB];
	_ =	sdelay $0x1  }
0x99: {  	s4 =	simm.s32 $_scs_section_size  }
0x9a: {  	s5 =	simm.s32 $_size__tile_overlayer_lowered;
	s6 =	simm.s32 $_tile_overlayer_lowered  }
0x9b: {  	s22 =	simm.s32 $0x1BFF;
	s21 =	sshll.u32 s6, $0x1;
	s3 =	sadd.s32 s4, s19  }
0x9c: {  	s7 =	simm.s32 $0x0;
	s20 =	sshll.u32 s5, $0x1;
	s5 =	sadd.s32 s21, s3  }
0x9d: {  	[timem:s7], [sflag:s22] =	dma.local [hbm:s5], s20  }
0x9e: {  	_ =	swait.ge [sflag:s22], s20  }
0x9f: {  	s4 =	ssub.s32 $0x0, s20;
	[sflag:s22] =	ssyncset.done $0x0  }
0xa0: {  	[sflag:s22] =	ssyncadd.s32 s4;
	_ =	sdelay $0x1  }
0xa1: {  	s23 =	simm.s32 $0x1B8B  }
0xa2: {  	_ =	swait.ge [sflag:s23], $0x1  }
0xa3: {  	[sflag:s23] =	ssyncset.done $0x0  }
0xa4: {  	s25 =	simm.s32 $0x1B8E;
	s24 =	sld [smem:$0x3FFE];
	[sflag:s23] =	ssyncadd.s32 $0xFFFFFFFF  }
0xa5: {  	s26 =	simm.s32 $execute0_lowered;
	[smem:$0x3FD2] =	sst s25  }
0xa6: {  	s5 =	sshll.u32 s26, $0x1;
	_ =	strace $0x80000046;
	[dreg:$0x1] =	wrdreg $0xFFFFFFFF  }
0xa7: {  	s28 =	simm.s32 $_size_execute0_lowered;
	s3 =	sadd.s32 s3, s5;
	[dreg:$0x0] =	wrdreg $0x0  }
0xa8: {  	s5 =	sshll.u32 s28, $0x1;
	[dreg:$0x2] =	wrdreg s3  }
0xa9: {  	[dreg:$0x3] =	wrdreg s5  }
0xaa: {  	[dreg:$0x4] =	wrdreg $0xC0  }
0xab: {  	_ =	task [dreg:s7], $0x5FFFF  }
0xac: {  	[dreg:$0x1] =	wrdreg $0xFFFFFFFF  }
0xad: {  	[dreg:$0x0] =	wrdreg $0x60  }
0xae: {  	[dreg:$0x2] =	wrdreg s24  }
0xaf: {  	[dreg:$0x3] =	wrdreg s2  }
0xb0: {  	[dreg:$0x4] =	wrdreg $0x48000  }
0xb1: {  	[dreg:$0x5] =	wrdreg $0x9  }
0xb2: {  	_ =	task.clear_ibuf [dreg:s7], $0x6FFFF;
	_ =	strace $0x90000046  }
0xb3: {  	s29 =	simm.s32 $0x9;
	_ =	strace $0x80000048  }
0xb4: {  	_ =	swait.ge [sflag:s29], $0x1  }
0xb5: {  	[sflag:s29] =	ssyncadd.s32 $0xFFFFFFFF  }
0xb6: {  	_ =	strace $0x90000048  }
0xb7: {  	_ =	sfence  }
0xb8: {  	s30 =	sld [smem:$0x0];
	_ =	sdelay $0x2  }
0xb9: {  	s31 =	sshll.u32 s1, $0xD;
	s1 =	sshrl.u32 s1, $0x2  }
0xba: {  	s3 =	sand.u32 $0x4000, s31;
	s1 =	sadd.s32 s1, s30  }
0xbb: {  	s0 =	sor.u32 s3, s0;
	s1 =	sshll.u32 s1, $0x11  }
0xbc: {  	s0 =	sor.u32 s1, s0  }
0xbd: {  	s0 =	sadd.s32 $0x8F2B, s0  }
0xbe: {  	[sflag:s0] =	ssyncadd.remote.s32 $0x1  }
0xbf: {  	_ =	sfence.sel $0xFFFF  }
0xc0: {  	[dreg:$0x0] =	wrdreg $0xFFFFFFFF;
	(pc) =	sbr.abs _section_cstart, $3  }
0xc1: {  	[dreg:$0x1] =	wrdreg $0xFFFFFFFF  }
0xc2: {  	_ =	task.clear_ibuf [dreg:s7], $0x2FFFF;
	_ =	strace $0x9FFFFFFF  }
0xc3: {  	(tm) =	ssettm $0x7FFFFFFF  }
tec
execute0_lowered:
.L_overlay_start_1:
0x0: {  	(tag) =	ssettag $0x1  }
0x1: {  	s1 =	srdreg.scid;
	s0 =	stileid.u32  }
0x2: {  	s5 =	rddreg [dreg:$0x0];
	s29 =	sand.u32 $0x1, s1;
	s25 =	sshll.u32 s0, $0x1  }
0x3: {  	s2 =	rddreg [dreg:$0x1];
	s1 =	sor.u32 s29, s25  }
0x4: {  	[dreg:$0x4] =	wrdreg s2;
	s4 =	smul.u32 $0x500, s1  }
0x5: {  	s3 =	simm.s32 $0x0;
	s2 =	rddreg [dreg:$0x2]  }
0x6: {  	[smem:$0x7FF] =	sst s3;
	s26 =	smov.u32 s5;
	s4 =	sadd.s32 s4, s5  }
0x7: {  	_ =	strace $0x80000047;
	s5 =	sadd.s32 $0x4E00, s4;
	s4 =	simm.s32 $0x1  }
0x8: {  	[tilespmem:s3], [sflag:$0x1] =	stream.linear.gather [hbm4b:s5+s3], $0x2800, $0x38;
	[tilespmem:$0x7000] =	vst v63  }
0x9: {  	_ =	swait.ge [sflag:s4], $0x2800  }
0xa: {  	s6 =	simm.s32 $0x2800;
	[sflag:s4] =	ssyncset.done $0x0  }
0xb: {  	s31 =	smul.u32 $0x2800, s0;
	s7 =	rddreg [dreg:$0x4];
	[sflag:s4] =	ssyncadd.s32 $0xFFFFD800  }
0xc: {  	[tilespmem:s6], [sflag:$0x1] =	stream.linear.gather [hbm4b:s7+s3], $0x2000, $0x38;
	[tilespmem:$0x7000] =	vst v63  }
0xd: {  	s8 =	sshll.u32 s0, $0x6;
	_ =	swait.ge [sflag:s4], $0x2000  }
0xe: {  	s8 =	sor.u32 $0x1C01, s8;
	s9 =	sadd.s32 s31, s2;
	[sflag:s4] =	ssyncset.done $0x0  }
0xf: {  	s9 =	sshrl.u32 s9, $0x3;
	s7 =	sadd.s32 $0xEE00, s26;
	[sflag:s4] =	ssyncadd.s32 $0xFFFFE000  }
0x10: {  	[spmem:s9], [sflag:s8] =	dma.local [hbm:s7], $0x500  }
0x11: {  	_ =	swait.ge [sflag:s4], $0x500  }
0x12: {  	[sflag:s4] =	ssyncset.done $0x0  }
0x13: {  	[sflag:s4] =	ssyncadd.s32 $0xFFFFFB00  }
0x14: {  	s10 =	simm.s32 $0x200;
	[bflag:$0x0] =	sbarrier.arrive $0xFFFF  }
0x15: {  	[spmem:s2] =	stream.indirect.scatter.add.f32 [tilespmem:s6], [sflag:$0x1], $0x10, s3, s10, $0xb8;
	[tilespmem:$0x7000] =	vst v63  }
0x16: {  	_ =	swait.ge [sflag:s4], $0x2000  }
0x17: {  	[sflag:s4] =	ssyncset.done $0x0  }
0x18: {  	[sflag:s4] =	ssyncadd.s32 $0xFFFFE000  }
0x19: {  	[spmem:s2] =	stream.indirect.scatter.add.f32 [tilespmem:s6], [sflag:$0x1], $0x10, s10, s10, $0xb8;
	[tilespmem:$0x7000] =	vst v63  }
0x1a: {  	_ =	swait.ge [sflag:s4], $0x2000  }
0x1b: {  	[sflag:s4] =	ssyncset.done $0x0  }
0x1c: {  	s11 =	simm.s32 $0x400;
	[sflag:s4] =	ssyncadd.s32 $0xFFFFE000  }
0x1d: {  	[spmem:s2] =	stream.indirect.scatter.add.f32 [tilespmem:s6], [sflag:$0x1], $0x10, s11, s10, $0xb8;
	[tilespmem:$0x7000] =	vst v63  }
0x1e: {  	_ =	swait.ge [sflag:s4], $0x2000  }
0x1f: {  	[sflag:s4] =	ssyncset.done $0x0  }
0x20: {  	s12 =	simm.s32 $0x600;
	[sflag:s4] =	ssyncadd.s32 $0xFFFFE000  }
0x21: {  	[spmem:s2] =	stream.indirect.scatter.add.f32 [tilespmem:s6], [sflag:$0x1], $0x10, s12, s10, $0xb8;
	[tilespmem:$0x7000] =	vst v63  }
0x22: {  	_ =	swait.ge [sflag:s4], $0x2000  }
0x23: {  	[sflag:s4] =	ssyncset.done $0x0  }
0x24: {  	s13 =	simm.s32 $0x800;
	[sflag:s4] =	ssyncadd.s32 $0xFFFFE000  }
0x25: {  	[spmem:s2] =	stream.indirect.scatter.add.f32 [tilespmem:s6], [sflag:$0x1], $0x10, s13, s10, $0xb8;
	[tilespmem:$0x7000] =	vst v63  }
0x26: {  	_ =	swait.ge [sflag:s4], $0x2000  }
0x27: {  	[sflag:s4] =	ssyncset.done $0x0  }
0x28: {  	s14 =	simm.s32 $0xA00;
	[sflag:s4] =	ssyncadd.s32 $0xFFFFE000  }
0x29: {  	[spmem:s2] =	stream.indirect.scatter.add.f32 [tilespmem:s6], [sflag:$0x1], $0x10, s14, s10, $0xb8;
	[tilespmem:$0x7000] =	vst v63  }
0x2a: {  	_ =	swait.ge [sflag:s4], $0x2000  }
0x2b: {  	[sflag:s4] =	ssyncset.done $0x0  }
0x2c: {  	s15 =	simm.s32 $0xC00;
	[sflag:s4] =	ssyncadd.s32 $0xFFFFE000  }
0x2d: {  	[spmem:s2] =	stream.indirect.scatter.add.f32 [tilespmem:s6], [sflag:$0x1], $0x10, s15, s10, $0xb8;
	[tilespmem:$0x7000] =	vst v63  }
0x2e: {  	_ =	swait.ge [sflag:s4], $0x2000  }
0x2f: {  	[sflag:s4] =	ssyncset.done $0x0  }
0x30: {  	s16 =	simm.s32 $0xE00;
	[sflag:s4] =	ssyncadd.s32 $0xFFFFE000  }
0x31: {  	[spmem:s2] =	stream.indirect.scatter.add.f32 [tilespmem:s6], [sflag:$0x1], $0x10, s16, s10, $0xb8;
	[tilespmem:$0x7000] =	vst v63  }
0x32: {  	_ =	swait.ge [sflag:s4], $0x2000  }
0x33: {  	[sflag:s4] =	ssyncset.done $0x0  }
0x34: {  	s17 =	simm.s32 $0x1000;
	[sflag:s4] =	ssyncadd.s32 $0xFFFFE000  }
0x35: {  	[spmem:s2] =	stream.indirect.scatter.add.f32 [tilespmem:s6], [sflag:$0x1], $0x10, s17, s10, $0xb8;
	[tilespmem:$0x7000] =	vst v63  }
0x36: {  	_ =	swait.ge [sflag:s4], $0x2000  }
0x37: {  	[sflag:s4] =	ssyncset.done $0x0  }
0x38: {  	s18 =	simm.s32 $0x1200;
	[sflag:s4] =	ssyncadd.s32 $0xFFFFE000  }
0x39: {  	[spmem:s2] =	stream.indirect.scatter.add.f32 [tilespmem:s6], [sflag:$0x1], $0x10, s18, s10, $0xb8;
	[tilespmem:$0x7000] =	vst v63  }
0x3a: {  	_ =	swait.ge [sflag:s4], $0x2000  }
0x3b: {  	[sflag:s4] =	ssyncset.done $0x0  }
0x3c: {  	s19 =	simm.s32 $0x1400;
	[sflag:s4] =	ssyncadd.s32 $0xFFFFE000  }
0x3d: {  	[spmem:s2] =	stream.indirect.scatter.add.f32 [tilespmem:s6], [sflag:$0x1], $0x10, s19, s10, $0xb8;
	[tilespmem:$0x7000] =	vst v63  }
0x3e: {  	_ =	swait.ge [sflag:s4], $0x2000  }
0x3f: {  	[sflag:s4] =	ssyncset.done $0x0  }
0x40: {  	s20 =	simm.s32 $0x1600;
	[sflag:s4] =	ssyncadd.s32 $0xFFFFE000  }
0x41: {  	[spmem:s2] =	stream.indirect.scatter.add.f32 [tilespmem:s6], [sflag:$0x1], $0x10, s20, s10, $0xb8;
	[tilespmem:$0x7000] =	vst v63  }
0x42: {  	_ =	swait.ge [sflag:s4], $0x2000  }
0x43: {  	[sflag:s4] =	ssyncset.done $0x0  }
0x44: {  	s21 =	simm.s32 $0x1800;
	[sflag:s4] =	ssyncadd.s32 $0xFFFFE000  }
0x45: {  	[spmem:s2] =	stream.indirect.scatter.add.f32 [tilespmem:s6], [sflag:$0x1], $0x10, s21, s10, $0xb8;
	[tilespmem:$0x7000] =	vst v63  }
0x46: {  	_ =	swait.ge [sflag:s4], $0x2000  }
0x47: {  	[sflag:s4] =	ssyncset.done $0x0  }
0x48: {  	s22 =	simm.s32 $0x1A00;
	[sflag:s4] =	ssyncadd.s32 $0xFFFFE000  }
0x49: {  	[spmem:s2] =	stream.indirect.scatter.add.f32 [tilespmem:s6], [sflag:$0x1], $0x10, s22, s10, $0xb8;
	[tilespmem:$0x7000] =	vst v63  }
0x4a: {  	_ =	swait.ge [sflag:s4], $0x2000  }
0x4b: {  	[sflag:s4] =	ssyncset.done $0x0  }
0x4c: {  	s23 =	simm.s32 $0x1C00;
	[sflag:s4] =	ssyncadd.s32 $0xFFFFE000  }
0x4d: {  	[spmem:s2] =	stream.indirect.scatter.add.f32 [tilespmem:s6], [sflag:$0x1], $0x10, s23, s10, $0xb8;
	[tilespmem:$0x7000] =	vst v63  }
0x4e: {  	_ =	swait.ge [sflag:s4], $0x2000  }
0x4f: {  	[sflag:s4] =	ssyncset.done $0x0  }
0x50: {  	s24 =	simm.s32 $0x1E00;
	[sflag:s4] =	ssyncadd.s32 $0xFFFFE000  }
0x51: {  	[spmem:s2] =	stream.indirect.scatter.add.f32 [tilespmem:s6], [sflag:$0x1], $0x10, s24, s10, $0xb8;
	[tilespmem:$0x7000] =	vst v63  }
0x52: {  	_ =	swait.ge [sflag:s4], $0x2000  }
0x53: {  	[sflag:s4] =	ssyncset.done $0x0  }
0x54: {  	s25 =	simm.s32 $0x2000;
	[sflag:s4] =	ssyncadd.s32 $0xFFFFE000  }
0x55: {  	[spmem:s2] =	stream.indirect.scatter.add.f32 [tilespmem:s6], [sflag:$0x1], $0x10, s25, s10, $0xb8;
	[tilespmem:$0x7000] =	vst v63  }
0x56: {  	_ =	swait.ge [sflag:s4], $0x2000  }
0x57: {  	[sflag:s4] =	ssyncset.done $0x0  }
0x58: {  	s26 =	simm.s32 $0x2200;
	[sflag:s4] =	ssyncadd.s32 $0xFFFFE000  }
0x59: {  	[spmem:s2] =	stream.indirect.scatter.add.f32 [tilespmem:s6], [sflag:$0x1], $0x10, s26, s10, $0xb8;
	[tilespmem:$0x7000] =	vst v63  }
0x5a: {  	_ =	swait.ge [sflag:s4], $0x2000  }
0x5b: {  	[sflag:s4] =	ssyncset.done $0x0  }
0x5c: {  	s28 =	simm.s32 $0x2400;
	[sflag:s4] =	ssyncadd.s32 $0xFFFFE000  }
0x5d: {  	[spmem:s2] =	stream.indirect.scatter.add.f32 [tilespmem:s6], [sflag:$0x1], $0x10, s28, s10, $0xb8;
	[tilespmem:$0x7000] =	vst v63  }
0x5e: {  	_ =	swait.ge [sflag:s4], $0x2000  }
0x5f: {  	p0 =	seq.s32 s29, $0x1;
	s1 =	ssub.s32 $0x2, s29;
	[sflag:s4] =	ssyncset.done $0x0  }
0x60: {  	s29 =	simm.s32 $0x2600;
	s30 =	sshrl.u32 s1, $0x1;
	[sflag:s4] =	ssyncadd.s32 $0xFFFFE000  }
0x61: {  	[spmem:s2] =	stream.indirect.scatter.add.f32 [tilespmem:s6], [sflag:$0x1], $0x10, s29, s10, $0xb8;
	[tilespmem:$0x7000] =	vst v63  }
0x62: {  	s0 =	simm.s32 $0xF400;
	s1 =	ssub.s32 s1, s30;
	_ =	swait.ge [sflag:s4], $0x2000  }
0x63: {  	s0 =	simm.s32 @!p0 $0x14400;
	s1 =	smax.u32 s1, $0x1;
	[sflag:s4] =	ssyncset.done $0x0  }
0x64: {  	p0 =	sne.s32 s1, $0x1;
	s30 =	rddreg [dreg:$0x0];
	[sflag:s4] =	ssyncadd.s32 $0xFFFFE000  }
.Ltmp0:
0x65: {  	s0 =	sadd.s32 s0, s30;
	s30 =	sshrl.u32 s31, $0x3;
	(pc) =	sbr.rel @!p0 .LBB2_2-.Ltmp0, $4  }
0x66: {  	[bflag:$0x0] =	sbarrier.arrive $0xFFFF;
	s30 =	sadd.s32 s0, s30  }
0x67: {  	[hbm:s30], [sflag:s8] =	dma.local [spmem:s9], $0x500  }
0x68: {  	_ =	swait.ge [sflag:s4], $0x500  }
0x69: {  	s31 =	sadd.s32 $0xFFFFFFFF, s1;
	[sflag:s4] =	ssyncset.done $0x0  }
.LBB2_1:
0x6a: {  	[sflag:s4] =	ssyncadd.s32 $0xFFFFFB00  }
0x6b: {  	[tilespmem:s3], [sflag:$0x1] =	stream.linear.gather [hbm4b:s5+s3], $0x2800, $0x38;
	[tilespmem:$0x7000] =	vst v63  }
0x6c: {  	_ =	swait.ge [sflag:s4], $0x2800  }
0x6d: {  	[sflag:s4] =	ssyncset.done $0x0  }
0x6e: {  	s0 =	rddreg [dreg:$0x4];
	[sflag:s4] =	ssyncadd.s32 $0xFFFFD800  }
0x6f: {  	[tilespmem:s6], [sflag:$0x1] =	stream.linear.gather [hbm4b:s0+s3], $0x2000, $0x38;
	[tilespmem:$0x7000] =	vst v63  }
0x70: {  	_ =	swait.ge [sflag:s4], $0x2000  }
0x71: {  	[sflag:s4] =	ssyncset.done $0x0  }
0x72: {  	[sflag:s4] =	ssyncadd.s32 $0xFFFFE000  }
0x73: {  	[spmem:s9], [sflag:s8] =	dma.local [hbm:s7], $0x500  }
0x74: {  	_ =	swait.ge [sflag:s4], $0x500  }
0x75: {  	[sflag:s4] =	ssyncset.done $0x0  }
0x76: {  	[sflag:s4] =	ssyncadd.s32 $0xFFFFFB00  }
0x77: {  	[bflag:$0x0] =	sbarrier.arrive $0xFFFF  }
0x78: {  	[spmem:s2] =	stream.indirect.scatter.add.f32 [tilespmem:s6], [sflag:$0x1], $0x10, s3, s10, $0xb8;
	[tilespmem:$0x7000] =	vst v63  }
0x79: {  	_ =	swait.ge [sflag:s4], $0x2000  }
0x7a: {  	[sflag:s4] =	ssyncset.done $0x0  }
0x7b: {  	[sflag:s4] =	ssyncadd.s32 $0xFFFFE000  }
0x7c: {  	[spmem:s2] =	stream.indirect.scatter.add.f32 [tilespmem:s6], [sflag:$0x1], $0x10, s10, s10, $0xb8;
	[tilespmem:$0x7000] =	vst v63  }
0x7d: {  	_ =	swait.ge [sflag:s4], $0x2000  }
0x7e: {  	[sflag:s4] =	ssyncset.done $0x0  }
0x7f: {  	[sflag:s4] =	ssyncadd.s32 $0xFFFFE000  }
0x80: {  	[spmem:s2] =	stream.indirect.scatter.add.f32 [tilespmem:s6], [sflag:$0x1], $0x10, s11, s10, $0xb8;
	[tilespmem:$0x7000] =	vst v63  }
0x81: {  	_ =	swait.ge [sflag:s4], $0x2000  }
0x82: {  	[sflag:s4] =	ssyncset.done $0x0  }
0x83: {  	[sflag:s4] =	ssyncadd.s32 $0xFFFFE000  }
0x84: {  	[spmem:s2] =	stream.indirect.scatter.add.f32 [tilespmem:s6], [sflag:$0x1], $0x10, s12, s10, $0xb8;
	[tilespmem:$0x7000] =	vst v63  }
0x85: {  	_ =	swait.ge [sflag:s4], $0x2000  }
0x86: {  	[sflag:s4] =	ssyncset.done $0x0  }
0x87: {  	[sflag:s4] =	ssyncadd.s32 $0xFFFFE000  }
0x88: {  	[spmem:s2] =	stream.indirect.scatter.add.f32 [tilespmem:s6], [sflag:$0x1], $0x10, s13, s10, $0xb8;
	[tilespmem:$0x7000] =	vst v63  }
0x89: {  	_ =	swait.ge [sflag:s4], $0x2000  }
0x8a: {  	[sflag:s4] =	ssyncset.done $0x0  }
0x8b: {  	[sflag:s4] =	ssyncadd.s32 $0xFFFFE000  }
0x8c: {  	[spmem:s2] =	stream.indirect.scatter.add.f32 [tilespmem:s6], [sflag:$0x1], $0x10, s14, s10, $0xb8;
	[tilespmem:$0x7000] =	vst v63  }
0x8d: {  	_ =	swait.ge [sflag:s4], $0x2000  }
0x8e: {  	[sflag:s4] =	ssyncset.done $0x0  }
0x8f: {  	[sflag:s4] =	ssyncadd.s32 $0xFFFFE000  }
0x90: {  	[spmem:s2] =	stream.indirect.scatter.add.f32 [tilespmem:s6], [sflag:$0x1], $0x10, s15, s10, $0xb8;
	[tilespmem:$0x7000] =	vst v63  }
0x91: {  	_ =	swait.ge [sflag:s4], $0x2000  }
0x92: {  	[sflag:s4] =	ssyncset.done $0x0  }
0x93: {  	[sflag:s4] =	ssyncadd.s32 $0xFFFFE000  }
0x94: {  	[spmem:s2] =	stream.indirect.scatter.add.f32 [tilespmem:s6], [sflag:$0x1], $0x10, s16, s10, $0xb8;
	[tilespmem:$0x7000] =	vst v63  }
0x95: {  	_ =	swait.ge [sflag:s4], $0x2000  }
0x96: {  	[sflag:s4] =	ssyncset.done $0x0  }
0x97: {  	[sflag:s4] =	ssyncadd.s32 $0xFFFFE000  }
0x98: {  	[spmem:s2] =	stream.indirect.scatter.add.f32 [tilespmem:s6], [sflag:$0x1], $0x10, s17, s10, $0xb8;
	[tilespmem:$0x7000] =	vst v63  }
0x99: {  	_ =	swait.ge [sflag:s4], $0x2000  }
0x9a: {  	[sflag:s4] =	ssyncset.done $0x0  }
0x9b: {  	[sflag:s4] =	ssyncadd.s32 $0xFFFFE000  }
0x9c: {  	[spmem:s2] =	stream.indirect.scatter.add.f32 [tilespmem:s6], [sflag:$0x1], $0x10, s18, s10, $0xb8;
	[tilespmem:$0x7000] =	vst v63  }
0x9d: {  	_ =	swait.ge [sflag:s4], $0x2000  }
0x9e: {  	[sflag:s4] =	ssyncset.done $0x0  }
0x9f: {  	[sflag:s4] =	ssyncadd.s32 $0xFFFFE000  }
0xa0: {  	[spmem:s2] =	stream.indirect.scatter.add.f32 [tilespmem:s6], [sflag:$0x1], $0x10, s19, s10, $0xb8;
	[tilespmem:$0x7000] =	vst v63  }
0xa1: {  	_ =	swait.ge [sflag:s4], $0x2000  }
0xa2: {  	[sflag:s4] =	ssyncset.done $0x0  }
0xa3: {  	[sflag:s4] =	ssyncadd.s32 $0xFFFFE000  }
0xa4: {  	[spmem:s2] =	stream.indirect.scatter.add.f32 [tilespmem:s6], [sflag:$0x1], $0x10, s20, s10, $0xb8;
	[tilespmem:$0x7000] =	vst v63  }
0xa5: {  	_ =	swait.ge [sflag:s4], $0x2000  }
0xa6: {  	[sflag:s4] =	ssyncset.done $0x0  }
0xa7: {  	[sflag:s4] =	ssyncadd.s32 $0xFFFFE000  }
0xa8: {  	[spmem:s2] =	stream.indirect.scatter.add.f32 [tilespmem:s6], [sflag:$0x1], $0x10, s21, s10, $0xb8;
	[tilespmem:$0x7000] =	vst v63  }
0xa9: {  	_ =	swait.ge [sflag:s4], $0x2000  }
0xaa: {  	[sflag:s4] =	ssyncset.done $0x0  }
0xab: {  	[sflag:s4] =	ssyncadd.s32 $0xFFFFE000  }
0xac: {  	[spmem:s2] =	stream.indirect.scatter.add.f32 [tilespmem:s6], [sflag:$0x1], $0x10, s22, s10, $0xb8;
	[tilespmem:$0x7000] =	vst v63  }
0xad: {  	_ =	swait.ge [sflag:s4], $0x2000  }
0xae: {  	[sflag:s4] =	ssyncset.done $0x0  }
0xaf: {  	[sflag:s4] =	ssyncadd.s32 $0xFFFFE000  }
0xb0: {  	[spmem:s2] =	stream.indirect.scatter.add.f32 [tilespmem:s6], [sflag:$0x1], $0x10, s23, s10, $0xb8;
	[tilespmem:$0x7000] =	vst v63  }
0xb1: {  	_ =	swait.ge [sflag:s4], $0x2000  }
0xb2: {  	[sflag:s4] =	ssyncset.done $0x0  }
0xb3: {  	[sflag:s4] =	ssyncadd.s32 $0xFFFFE000  }
0xb4: {  	[spmem:s2] =	stream.indirect.scatter.add.f32 [tilespmem:s6], [sflag:$0x1], $0x10, s24, s10, $0xb8;
	[tilespmem:$0x7000] =	vst v63  }
0xb5: {  	_ =	swait.ge [sflag:s4], $0x2000  }
0xb6: {  	[sflag:s4] =	ssyncset.done $0x0  }
0xb7: {  	[sflag:s4] =	ssyncadd.s32 $0xFFFFE000  }
0xb8: {  	[spmem:s2] =	stream.indirect.scatter.add.f32 [tilespmem:s6], [sflag:$0x1], $0x10, s25, s10, $0xb8;
	[tilespmem:$0x7000] =	vst v63  }
0xb9: {  	_ =	swait.ge [sflag:s4], $0x2000  }
0xba: {  	[sflag:s4] =	ssyncset.done $0x0  }
0xbb: {  	[sflag:s4] =	ssyncadd.s32 $0xFFFFE000  }
0xbc: {  	[spmem:s2] =	stream.indirect.scatter.add.f32 [tilespmem:s6], [sflag:$0x1], $0x10, s26, s10, $0xb8;
	[tilespmem:$0x7000] =	vst v63  }
0xbd: {  	_ =	swait.ge [sflag:s4], $0x2000  }
0xbe: {  	[sflag:s4] =	ssyncset.done $0x0  }
0xbf: {  	[sflag:s4] =	ssyncadd.s32 $0xFFFFE000  }
0xc0: {  	[spmem:s2] =	stream.indirect.scatter.add.f32 [tilespmem:s6], [sflag:$0x1], $0x10, s28, s10, $0xb8;
	[tilespmem:$0x7000] =	vst v63  }
0xc1: {  	_ =	swait.ge [sflag:s4], $0x2000  }
0xc2: {  	[sflag:s4] =	ssyncset.done $0x0  }
0xc3: {  	[sflag:s4] =	ssyncadd.s32 $0xFFFFE000  }
0xc4: {  	[spmem:s2] =	stream.indirect.scatter.add.f32 [tilespmem:s6], [sflag:$0x1], $0x10, s29, s10, $0xb8;
	[tilespmem:$0x7000] =	vst v63  }
0xc5: {  	_ =	swait.ge [sflag:s4], $0x2000  }
0xc6: {  	p0 =	sne.s32 s31, $0x1;
	[sflag:s4] =	ssyncset.done $0x0  }
.Ltmp1:
0xc7: {  	[sflag:s4] =	ssyncadd.s32 $0xFFFFE000;
	(pc) =	sbr.rel @p0 .LBB2_1-.Ltmp1, $4  }
0xc8: {  	[bflag:$0x0] =	sbarrier.arrive $0xFFFF  }
0xc9: {  	[hbm:s30], [sflag:s8] =	dma.local [spmem:s9], $0x500  }
0xca: {  	_ =	swait.ge [sflag:s4], $0x500  }
0xcb: {  	s31 =	sadd.s32 $0xFFFFFFFF, s31;
	[sflag:s4] =	ssyncset.done $0x0  }
.LBB2_2:
0xcc: {  	[sflag:s4] =	ssyncadd.s32 $0xFFFFFB00  }
0xcd: {  	_ =	sfence.sel $0x180000  }
0xce: {  	[bflag:$0x0] =	sbarrier.arrive $0xFFFF  }
0xcf: {  	_ =	strace $0x90000047  }
0xd0: {  	s0 =	stileid.u32;
	[bflag:$0x2] =	sbarrier.arrive $0xFFFF  }
0xd1: {  	p0 =	sne.s32 s0, $0x0;
	s0 =	rddreg [dreg:$0x3]  }
0xd2: {  	s0 =	sadd.s32 @!p0 $0x100000, s0  }
0xd3: {  	[sflag:s0] =	ssyncadd.tile.s32 @!p0 $0x1;
	_ =	shalt  }
.Lfunc_end2:
_tile_overlayer_lowered:
.L_overlay_start_2:
0xd4: {  	(tag) =	ssettag $0x2  }
0xd5: {  	s0 =	rddreg [dreg:$0x0];
	s2 =	stileid.u32  }
0xd6: {  	s1 =	rddreg [dreg:$0x1];
	p0 =	sne.s32 s2, $0x0  }
0xd7: {  	s3 =	rddreg [dreg:$0x2];
	[bflag:$0x3] =	sbarrier.arrive $0xFFFF;
	s2 =	simm.s32 @!p0 $0x1C01  }
0xd8: {  	[timem:s3], [sflag:s2] =	dma.local @!p0 [hbm:s0], s1  }
0xd9: {  	s0 =	simm.s32 @!p0 $0x1  }
0xda: {  	_ =	swait.ge @!p0 [sflag:s0], s1  }
0xdb: {  	s1 =	ssub.s32 @!p0 $0x0, s1;
	[sflag:s0] =	ssyncset.done @!p0 $0x0  }
0xdc: {  	[sflag:s0] =	ssyncadd.s32 @!p0 s1  }
0xdd: {  	[bflag:$0x3] =	sbarrier.arrive $0xFFFF  }
0xde: {  	_ =	shalt  }

// kernel: kernel.16.cloned.1.call-start
scs
__scs_entry_jumppad:
0x0: {  	(pc) =	sbr.rel $0x88, $3  }
0x1: {  	(tag) =	ssettag $0x0;
	lr =	simm.s32 $0x1  }
0x2: {  	[smem:$0x3F97] =	sst lr;
	_ =	strace $0xD0000000  }
0x3: {  	_ = 	snop  }
0x4: {  	_ = 	snop  }
0x5: {  	_ = 	snop  }
0x6: {  	_ = 	snop  }
0x7: {  	_ = 	snop  }
__scs_overlays_trampoline_lowered:
0x8: {  	[smem:$0x3FA6] =	sst s0  }
0x9: {  	[smem:$0x3FA7] =	sst s1  }
0xa: {  	[smem:$0x3FA8] =	sst s2  }
0xb: {  	[smem:$0x3FA9] =	sst s3  }
0xc: {  	[smem:$0x3FAA] =	sst s4  }
0xd: {  	[smem:$0x3FAB] =	sst s5  }
0xe: {  	[smem:$0x3FAC] =	sst s6  }
0xf: {  	[smem:$0x3FAD] =	sst s7  }
0x10: {  	[smem:$0x3FAE] =	sst s8  }
0x11: {  	[smem:$0x3FAF] =	sst s9;
	s0 =	simm.s32 @!p0 $0x0  }
0x12: {  	s1 =	sld [smem:$0x3F95];
	s0 =	simm.s32 @p0 $0x1  }
0x13: {  	[smem:$0x3FB0] =	sst s0;
	s0 =	simm.s32 @!p1 $0x0  }
0x14: {  	s2 =	sld [smem:$0x3F94];
	s0 =	simm.s32 @p1 $0x1  }
0x15: {  	[smem:$0x3FB1] =	sst s0;
	s0 =	simm.s32 @!p2 $0x0  }
0x16: {  	s3 =	sld [smem:$0x3FDB];
	s0 =	simm.s32 @p2 $0x1  }
0x17: {  	s4 =	simm.s32 $0x1BF5;
	[smem:$0x3FB3] =	sst s0  }
0x18: {  	s0 =	sld [smem:$0x3F96];
	_ =	swait.ge [sflag:s4], $0x0  }
0x19: {  	s7 =	sld [smem:$0x3F97]  }
0x1a: {  	s8 =	sadd.s32 $0xFFFFE003, lr  }
0x1b: {  	s9 =	sadd.s32 $0xFFFFFEF7, lr;
	s5 =	simm.s32 $0xFFFFFFFF;
	p2 =	slt.u32 s8, $0xFFFFF086  }
0x1c: {  	p1 =	slt.u32 s9, $0xF7A;
	s5 =	simm.s32 @!p2 $0x0  }
0x1d: {  	s5 =	simm.s32 @p1 $0x1;
	p0 =	seq.s32 s7, s2  }
0x1e: {  	s7 =	smul.u32 @!p0 $0xF7A, s2;
	p2 =	seq.s32 @!p0 s5, $0x0  }
0x1f: {  	s9 =	smul.u32 $0xF7A, s1;
	s8 =	simm.s32 @!p0 $0x1BF5;
	p2 =	por !p2, p0  }
0x20: {  	[sflag:s8] =	ssyncset.s32 @!p0 $0xFFFFF086;
	s6 =	sadd.s32 @!p0 s3, s7;
	s7 =	simm.s32 @!p0 $0x108  }
0x21: {  	s3 =	sadd.s32 s3, s9;
	s6 =	sadd.s32 @!p0 $0x88, s6;
	s7 =	simm.s32 @p2 $0x1082  }
0x22: {  	[simem:s7], [sflag:s8] =	dma.local @!p0 [hbm:s6], $0xF7A  }
0x23: {  	s9 =	sor.u32 $0xD0000000, s2;
	s6 =	simm.s32 $0x108;
	_ =	swait.ge @!p0 [sflag:s8], $0x0  }
0x24: {  	s3 =	sadd.s32 $0x88, s3;
	s6 =	simm.s32 @!p1 $0x1082;
	[sflag:s4] =	ssyncset.s32 $0xFFFFF086  }
0x25: {  	[simem:s6], [sflag:s4] =	dma.local [hbm:s3], $0xF7A  }
0x26: {  	[smem:$0x3F97] =	sst s1;
	(tag) =	ssettag s2;
	_ =	strace s9  }
0x27: {  	s1 =	sld [smem:$0x3FA7]  }
0x28: {  	s2 =	sld [smem:$0x3FA8]  }
0x29: {  	s4 =	sld [smem:$0x3FAA]  }
0x2a: {  	p0 =	seq.s32 s5, $0x0;
	s5 =	sld [smem:$0x3FAB]  }
0x2b: {  	s6 =	sld [smem:$0x3FAC]  }
0x2c: {  	s7 =	sld [smem:$0x3FAD]  }
0x2d: {  	s3 =	simm.s32 $0x108;
	s8 =	sld [smem:$0x3FAE]  }
0x2e: {  	s3 =	simm.s32 @!p0 $0x1082;
	s9 =	sld [smem:$0x3FAF]  }
0x2f: {  	lr =	sadd.s32 s0, s3;
	s0 =	sld [smem:$0x3FA6]  }
0x30: {  	s3 =	sld [smem:$0x3FA9]  }
0x31: {  	[smem:$0x3FB2] =	sst s10  }
0x32: {  	s10 =	sld [smem:$0x3FB0];
	_ =	sdelay $0x3  }
0x33: {  	p0 =	seq.s32 s10, $0x1;
	s10 =	sld [smem:$0x3FB2];
	_ =	sdelay $0x3  }
0x34: {  	[smem:$0x3FB2] =	sst s10  }
0x35: {  	s10 =	sld [smem:$0x3FB1];
	_ =	sdelay $0x3  }
0x36: {  	p1 =	seq.s32 s10, $0x1;
	s10 =	sld [smem:$0x3FB2];
	_ =	sdelay $0x3  }
0x37: {  	[smem:$0x3FB2] =	sst s10  }
0x38: {  	s10 =	sld [smem:$0x3FB3]  }
0x39: {  	_ = 	snop;
	(pc) =	sbr.ind lr, $3  }
0x3a: {  	_ = 	snop  }
0x3b: {  	_ = 	snop  }
0x3c: {  	p2 =	seq.s32 s10, $0x1;
	s10 =	sld [smem:$0x3FB2]  }
0x3d: {  	_ =	shalt  }
0x3e: {  	_ =	shalt  }
0x3f: {  	_ =	shalt  }
0x40: {  	_ =	shalt  }
0x41: {  	_ =	shalt  }
0x42: {  	_ =	shalt  }
0x43: {  	_ =	shalt  }
0x44: {  	_ =	shalt  }
0x45: {  	_ =	shalt  }
0x46: {  	_ =	shalt  }
0x47: {  	_ =	shalt  }
0x48: {  	_ =	shalt  }
0x49: {  	_ =	shalt  }
0x4a: {  	_ =	shalt  }
0x4b: {  	_ =	shalt  }
0x4c: {  	_ =	shalt  }
0x4d: {  	_ =	shalt  }
0x4e: {  	_ =	shalt  }
0x4f: {  	_ =	shalt  }
0x50: {  	_ =	shalt  }
0x51: {  	_ =	shalt  }
0x52: {  	_ =	shalt  }
0x53: {  	_ =	shalt  }
0x54: {  	_ =	shalt  }
0x55: {  	_ =	shalt  }
0x56: {  	_ =	shalt  }
0x57: {  	_ =	shalt  }
0x58: {  	_ =	shalt  }
0x59: {  	_ =	shalt  }
0x5a: {  	_ =	shalt  }
0x5b: {  	_ =	shalt  }
0x5c: {  	_ =	shalt  }
0x5d: {  	_ =	shalt  }
0x5e: {  	_ =	shalt  }
0x5f: {  	_ =	shalt  }
0x60: {  	_ =	shalt  }
0x61: {  	_ =	shalt  }
0x62: {  	_ =	shalt  }
0x63: {  	_ =	shalt  }
0x64: {  	_ =	shalt  }
0x65: {  	_ =	shalt  }
0x66: {  	_ =	shalt  }
0x67: {  	_ =	shalt  }
0x68: {  	_ =	shalt  }
0x69: {  	_ =	shalt  }
0x6a: {  	_ =	shalt  }
0x6b: {  	_ =	shalt  }
0x6c: {  	_ =	shalt  }
0x6d: {  	_ =	shalt  }
0x6e: {  	_ =	shalt  }
0x6f: {  	_ =	shalt  }
0x70: {  	_ =	shalt  }
0x71: {  	_ =	shalt  }
0x72: {  	_ =	shalt  }
0x73: {  	_ =	shalt  }
0x74: {  	_ =	shalt  }
0x75: {  	_ =	shalt  }
0x76: {  	_ =	shalt  }
0x77: {  	_ =	shalt  }
0x78: {  	_ =	shalt  }
0x79: {  	_ =	shalt  }
0x7a: {  	_ =	shalt  }
0x7b: {  	_ =	shalt  }
0x7c: {  	_ =	shalt  }
0x7d: {  	_ =	shalt  }
0x7e: {  	_ =	shalt  }
0x7f: {  	_ =	shalt  }
0x80: {  	_ =	shalt  }
0x81: {  	_ =	shalt  }
0x82: {  	_ =	shalt  }
0x83: {  	_ =	shalt  }
0x84: {  	_ =	shalt  }
0x85: {  	_ =	shalt  }
0x86: {  	_ =	shalt  }
0x87: {  	_ =	shalt  }
.Lfunc_end0:
.L_simem_size_0:
called_computation.1_lowered:
.L_overlay_start_0:
0x88: {  	s2 =	sld [smem:$0x3FD9]  }
0x89: {  	s3 =	sld [smem:$0x3FFE];
	_ =	sdelay $0x1  }
0x8a: {  	s1 =	srdreg.scid  }
0x8b: {  	s0 =	sand.u32 $0x1, s1  }
0x8c: {  	s17 =	sshll.u32 s0, $0xA;
	s2 =	sadd.s32 s3, s2  }
0x8d: {  	s2 =	sadd.s32 s2, s17  }
0x8e: {  	[smem:$0x3FBE] =	sst s2  }
0x8f: {  	_ = 	snop  }
0x90: {  	s18 =	sld [smem:$0x3FD0];
	(tm) =	ssettm $0x1  }
0x91: {  	s19 =	sld [smem:$0x3FFB];
	_ =	sdelay $0x3  }
0x92: {  	_ =	strace s19  }
0x93: {  	s2 =	sld [smem:$0x3FFC];
	_ =	sdelay $0x3  }
0x94: {  	_ =	strace s2  }
0x95: {  	s2 =	sld [smem:$0x3FFD];
	_ =	sdelay $0x3  }
0x96: {  	_ =	strace s2  }
0x97: {  	_ =	strace $0x8FFFFFFF  }
0x98: {  	s20 =	sld [smem:$0x3FDB];
	_ =	sdelay $0x1  }
0x99: {  	s4 =	simm.s32 $_scs_section_size  }
0x9a: {  	s5 =	simm.s32 $_size__tile_overlayer_lowered;
	s6 =	simm.s32 $_tile_overlayer_lowered  }
0x9b: {  	s7 =	simm.s32 $0x1BFF;
	s21 =	sshll.u32 s6, $0x1;
	s4 =	sadd.s32 s4, s20  }
0x9c: {  	s22 =	simm.s32 $0x0;
	s5 =	sshll.u32 s5, $0x1;
	s6 =	sadd.s32 s21, s4  }
0x9d: {  	[timem:s22], [sflag:s7] =	dma.local [hbm:s6], s5  }
0x9e: {  	_ =	swait.ge [sflag:s7], s5  }
0x9f: {  	s5 =	ssub.s32 $0x0, s5;
	[sflag:s7] =	ssyncset.done $0x0  }
0xa0: {  	[sflag:s7] =	ssyncadd.s32 s5;
	_ =	sdelay $0x1  }
0xa1: {  	s23 =	simm.s32 $0x1B8B  }
0xa2: {  	_ =	swait.ge [sflag:s23], $0x1  }
0xa3: {  	[sflag:s23] =	ssyncset.done $0x0  }
0xa4: {  	[sflag:s23] =	ssyncadd.s32 $0xFFFFFFFF  }
0xa5: {  	s5 =	sld [smem:$0x0]  }
0xa6: {  	s6 =	sand.u32 $0xFFFFFFFE, s1  }
0xa7: {  	p0 =	sne.s32 s1, s6  }
0xa8: {  	s6 =	sshll.u32 @p0 s6, $0xE  }
0xa9: {  	s6 =	sadd.s32 @p0 $0x11B8D, s6;
	s7 =	sshll.u32 @p0 s5, $0x11  }
0xaa: {  	s6 =	sor.u32 @p0 s7, s6  }
0xab: {  	[sflag:s6] =	ssyncadd.remote.s32 @p0 $0x1;
	_ =	sdelay $0x1  }
0xac: {  	s6 =	simm.s32 @p0 $0x1B8D  }
0xad: {  	_ =	swait.eq @p0 [sflag:s6], $0x1  }
0xae: {  	[sflag:s6] =	ssyncadd.s32 @p0 $0xFFFFFFFF  }
0xaf: {  	s7 =	sshll.u32 @!p0 s1, $0xE  }
0xb0: {  	s7 =	sor.u32 @!p0 $0x4000, s7;
	s6 =	simm.s32 @!p0 $0x1B8D  }
0xb1: {  	s5 =	sshll.u32 @!p0 s5, $0x11;
	s7 =	sadd.s32 @!p0 $0x11B8D, s7;
	_ =	swait.eq @!p0 [sflag:s6], $0x1  }
0xb2: {  	s5 =	sor.u32 @!p0 s5, s7;
	[sflag:s6] =	ssyncadd.s32 @!p0 $0xFFFFFFFF  }
0xb3: {  	s25 =	simm.s32 $0x1B8E;
	s24 =	sld [smem:$0x3FFE];
	[sflag:s5] =	ssyncadd.remote.s32 @!p0 $0x1  }
0xb4: {  	s26 =	simm.s32 $execute0_lowered;
	[smem:$0x3FD2] =	sst s25  }
0xb5: {  	s6 =	sshll.u32 s26, $0x1;
	_ =	strace $0x8000004C;
	[dreg:$0x1] =	wrdreg $0xFFFFFFFF  }
0xb6: {  	s28 =	simm.s32 $_size_execute0_lowered;
	s4 =	sadd.s32 s4, s6;
	[dreg:$0x0] =	wrdreg $0x0  }
0xb7: {  	s6 =	sshll.u32 s28, $0x1;
	[dreg:$0x2] =	wrdreg s4  }
0xb8: {  	[dreg:$0x3] =	wrdreg s6  }
0xb9: {  	[dreg:$0x4] =	wrdreg $0xC0  }
0xba: {  	_ =	task [dreg:s22], $0x5FFFF  }
0xbb: {  	[dreg:$0x1] =	wrdreg $0xFFFFFFFF  }
0xbc: {  	[dreg:$0x0] =	wrdreg $0x60  }
0xbd: {  	[dreg:$0x2] =	wrdreg s24  }
0xbe: {  	[dreg:$0x3] =	wrdreg s18  }
0xbf: {  	[dreg:$0x4] =	wrdreg $0xC0000  }
0xc0: {  	[dreg:$0x5] =	wrdreg $0x14C000  }
0xc1: {  	[dreg:$0x6] =	wrdreg $0x9  }
0xc2: {  	_ =	task.clear_ibuf [dreg:s22], $0x7FFFF;
	_ =	strace $0x9000004C  }
0xc3: {  	s29 =	simm.s32 $0x9;
	_ =	strace $0x8000004E  }
0xc4: {  	_ =	swait.ge [sflag:s29], $0x1  }
0xc5: {  	[sflag:s29] =	ssyncadd.s32 $0xFFFFFFFF  }
0xc6: {  	_ =	strace $0x9000004E  }
0xc7: {  	_ =	sfence  }
0xc8: {  	s30 =	sld [smem:$0x0];
	_ =	sdelay $0x2  }
0xc9: {  	s31 =	sshll.u32 s1, $0xD;
	s1 =	sshrl.u32 s1, $0x2  }
0xca: {  	s4 =	sand.u32 $0x4000, s31;
	s1 =	sadd.s32 s1, s30  }
0xcb: {  	s0 =	sor.u32 s4, s0;
	s1 =	sshll.u32 s1, $0x11  }
0xcc: {  	s0 =	sor.u32 s1, s0  }
0xcd: {  	s0 =	sadd.s32 $0x8F2B, s0  }
0xce: {  	[sflag:s0] =	ssyncadd.remote.s32 $0x1  }
0xcf: {  	_ =	sfence.sel $0xFFFF  }
0xd0: {  	[dreg:$0x0] =	wrdreg $0xFFFFFFFF;
	(pc) =	sbr.abs _section_cstart, $3  }
0xd1: {  	[dreg:$0x1] =	wrdreg $0xFFFFFFFF  }
0xd2: {  	_ =	task.clear_ibuf [dreg:s22], $0x2FFFF;
	_ =	strace $0x9FFFFFFF  }
0xd3: {  	(tm) =	ssettm $0x7FFFFFFF  }
tec
execute0_lowered:
.L_overlay_start_1:
0x0: {  	(tag) =	ssettag $0x1  }
0x1: {  	s6 =	rddreg [dreg:$0x0]  }
0x2: {  	s1 =	rddreg [dreg:$0x1]  }
0x3: {  	s2 =	srdreg.scid;
	s3 =	rddreg [dreg:$0x2]  }
0x4: {  	s0 =	stileid.u32;
	s4 =	rddreg [dreg:$0x3];
	s5 =	simm.s32 $0x0  }
0x5: {  	s16 =	simm.s32 $0x100;
	s17 =	simm.s32 $0x5000;
	s18 =	simm.s32 $0x8800  }
0x6: {  	s19 =	simm.s32 $0x1;
	s20 =	simm.s32 $0x2;
	s21 =	simm.s32 $0x2700  }
0x7: {  	s22 =	simm.s32 $0x4E00;
	s23 =	simm.s32 $0x4F00;
	s24 =	simm.s32 $0x0  }
0x8: {  	s8 =	sand.u32 $0x1, s2;
	s31 =	sshll.u32 s0, $0x1;
	s2 =	rddreg [dreg:$0x4]  }
0x9: {  	[smem:$0x7FF] =	sst s5;
	s9 =	smul.u32 $0x8C00, s0;
	s13 =	sshll.u32 s0, $0x6  }
0xa: {  	s7 =	sor.u32 s8, s31;
	_ =	strace $0x8000004D;
	s10 =	ssub.s32 $0x2, s8  }
0xb: {  	p0 =	seq.s32 s8, $0x1;
	s13 =	sor.u32 $0x1C03, s13;
	s7 =	smul.u32 $0x500, s7  }
0xc: {  	s11 =	sshrl.u32 s9, $0x3;
	s12 =	sshrl.u32 s10, $0x1;
	s14 =	sadd.s32 s9, s3  }
0xd: {  	s15 =	sadd.s32 s9, s4;
	s11 =	sadd.s32 s11, s6;
	s10 =	ssub.s32 s10, s12  }
0xe: {  	s12 =	simm.s32 $0xE1400;
	s14 =	sshrl.u32 s14, $0x3;
	s15 =	sshrl.u32 s15, $0x3  }
0xf: {  	s7 =	sadd.s32 s7, s6;
	s12 =	simm.s32 @!p0 $0xF2C00;
	s8 =	sadd.s32 $0xCFC00, s11  }
0x10: {  	s9 =	smax.u32 s10, $0x1;
	s6 =	sadd.s32 $0x19400, s7;
	s7 =	sadd.s32 $0x4E00, s7  }
0x11: {  	s10 =	sadd.s32 s12, s11;
	s11 =	simm.s32 $0x3;
	s12 =	simm.s32 $0x2800  }
.LBB2_1:
0x12: {  	[tilespmem:s5], [sflag:$0x3] =	stream.linear.gather [hbm4b:s6+s5], $0x2800, $0x38;
	[tilespmem:$0x1D800] =	vst v63  }
0x13: {  	_ =	swait.ge [sflag:s11], $0x2800  }
0x14: {  	[sflag:s11] =	ssyncset.done $0x0  }
0x15: {  	[sflag:s11] =	ssyncadd.s32 $0xFFFFD800  }
0x16: {  	[tilespmem:s12], [sflag:$0x3] =	stream.linear.gather [hbm4b:s7+s5], $0x2800, $0x38;
	[tilespmem:$0x1D800] =	vst v63  }
0x17: {  	_ =	swait.ge [sflag:s11], $0x2800  }
0x18: {  	[sflag:s11] =	ssyncset.done $0x0  }
0x19: {  	[sflag:s11] =	ssyncadd.s32 $0xFFFFD800  }
0x1a: {  	[spmem:s14], [sflag:s13] =	dma.local [hbm:s1], $0x1180  }
0x1b: {  	_ =	swait.ge [sflag:s11], $0x1180  }
0x1c: {  	[sflag:s11] =	ssyncset.done $0x0  }
0x1d: {  	[sflag:s11] =	ssyncadd.s32 $0xFFFFEE80  }
0x1e: {  	[spmem:s15], [sflag:s13] =	dma.local [hbm:s8], $0x1180  }
0x1f: {  	_ =	swait.ge [sflag:s11], $0x1180  }
0x20: {  	[sflag:s11] =	ssyncset.done $0x0  }
0x21: {  	[sflag:s11] =	ssyncadd.s32 $0xFFFFEE80  }
0x22: {  	[bflag:$0x0] =	sbarrier.arrive $0xFFFF  }
0x23: {  	[tilespmem:s17], [sflag:$0x1] =	stream.indirect.gather [spmem:s4], $0x38, s5, s16, $0xb8;
	[tilespmem:$0x1D800] =	vst v63  }
0x24: {  	s25 =	simm.s32 $0x100  }
0x25: {  	[tilespmem:s18], [sflag:$0x2] =	stream.indirect.gather [spmem:s4], $0x38, s25, s16, $0xb8;
	[tilespmem:$0x1D800] =	vst v63  }
0x26: {  	_ =	swait.ge [sflag:s19], $0x3800  }
0x27: {  	[sflag:s19] =	ssyncset.done $0x0  }
0x28: {  	s29 =	simm.s32 $0x2800;
	[sflag:s19] =	ssyncadd.s32 $0xFFFFC800  }
0x29: {  	[spmem:s3] =	stream.indirect.scatter.add.f32 [tilespmem:s17], [sflag:$0x3], $0x38, s29, s16, $0xb8;
	[tilespmem:$0x1D800] =	vst v63  }
0x2a: {  	_ =	swait.ge [sflag:s11], $0x3800  }
0x2b: {  	[sflag:s11] =	ssyncset.done $0x0  }
0x2c: {  	s30 =	simm.s32 $0x200;
	[sflag:s11] =	ssyncadd.s32 $0xFFFFC800  }
0x2d: {  	[tilespmem:s17], [sflag:$0x1] =	stream.indirect.gather [spmem:s4], $0x38, s30, s16, $0xb8;
	[tilespmem:$0x1D800] =	vst v63  }
0x2e: {  	_ =	swait.ge [sflag:s20], $0x3800  }
0x2f: {  	[sflag:s20] =	ssyncset.done $0x0  }
0x30: {  	s31 =	simm.s32 $0x2900;
	[sflag:s20] =	ssyncadd.s32 $0xFFFFC800  }
0x31: {  	[spmem:s3] =	stream.indirect.scatter.add.f32 [tilespmem:s18], [sflag:$0x3], $0x38, s31, s16, $0xb8;
	[tilespmem:$0x1D800] =	vst v63  }
0x32: {  	_ =	swait.ge [sflag:s11], $0x3800  }
0x33: {  	s26 =	simm.s32 $0x1000;
	s25 =	simm.s32 $0x200;
	[sflag:s11] =	ssyncset.done $0x0  }
.LBB2_2:
0x34: {  	s28 =	sadd.s32 $0x100, s25  }
0x35: {  	[sflag:s11] =	ssyncadd.s32 $0xFFFFC800;
	s29 =	smov.u32 s26;
	s30 =	sadd.s32 $0x800, s26  }
0x36: {  	[tilespmem:s18], [sflag:$0x2] =	stream.indirect.gather [spmem:s4], $0x38, s28, s16, $0xb8;
	[tilespmem:$0x1D800] =	vst v63  }
0x37: {  	p0 =	sne.s32 s26, $0x9000;
	_ =	swait.ge [sflag:s19], $0x3800  }
0x38: {  	[sflag:s19] =	ssyncset.done $0x0  }
0x39: {  	s26 =	sadd.s32 $0x2800, s25;
	[sflag:s19] =	ssyncadd.s32 $0xFFFFC800  }
0x3a: {  	[spmem:s3] =	stream.indirect.scatter.add.f32 [tilespmem:s17], [sflag:$0x3], $0x38, s26, s16, $0xb8;
	[tilespmem:$0x1D800] =	vst v63  }
0x3b: {  	_ =	swait.ge [sflag:s11], $0x3800  }
0x3c: {  	[sflag:s11] =	ssyncset.done $0x0  }
0x3d: {  	s26 =	sadd.s32 $0x200, s25;
	[sflag:s11] =	ssyncadd.s32 $0xFFFFC800  }
0x3e: {  	[tilespmem:s17], [sflag:$0x1] =	stream.indirect.gather [spmem:s4], $0x38, s26, s16, $0xb8;
	[tilespmem:$0x1D800] =	vst v63  }
0x3f: {  	_ =	swait.ge [sflag:s20], $0x3800  }
.Ltmp0:
0x40: {  	[sflag:s20] =	ssyncset.done $0x0;
	(pc) =	sbr.rel @p0 .LBB2_2-.Ltmp0, $4  }
0x41: {  	s25 =	sadd.s32 $0x2900, s25;
	[sflag:s20] =	ssyncadd.s32 $0xFFFFC800  }
0x42: {  	[spmem:s3] =	stream.indirect.scatter.add.f32 [tilespmem:s18], [sflag:$0x3], $0x38, s25, s16, $0xb8;
	[tilespmem:$0x1D800] =	vst v63  }
0x43: {  	_ =	swait.ge [sflag:s11], $0x3800  }
0x44: {  	s26 =	smov.u32 s30;
	s25 =	sshra.s32 s29, $0x2;
	[sflag:s11] =	ssyncset.done $0x0  }
0x45: {  	s26 =	sadd.s32 $0x100, s25;
	[sflag:s11] =	ssyncadd.s32 $0xFFFFC800  }
0x46: {  	[tilespmem:s18], [sflag:$0x2] =	stream.indirect.gather [spmem:s4], $0x38, s26, s16, $0xb8;
	[tilespmem:$0x1D800] =	vst v63  }
0x47: {  	_ =	swait.ge [sflag:s19], $0x3800  }
0x48: {  	[sflag:s19] =	ssyncset.done $0x0  }
0x49: {  	s29 =	sadd.s32 $0x2800, s25;
	[sflag:s19] =	ssyncadd.s32 $0xFFFFC800  }
0x4a: {  	[spmem:s3] =	stream.indirect.scatter.add.f32 [tilespmem:s17], [sflag:$0x3], $0x38, s29, s16, $0xb8;
	[tilespmem:$0x1D800] =	vst v63  }
0x4b: {  	_ =	swait.ge [sflag:s11], $0x3800  }
0x4c: {  	[sflag:s11] =	ssyncset.done $0x0  }
0x4d: {  	s30 =	sadd.s32 $0x200, s25;
	[sflag:s11] =	ssyncadd.s32 $0xFFFFC800  }
0x4e: {  	[tilespmem:s17], [sflag:$0x1] =	stream.indirect.gather [spmem:s4], $0x38, s30, s16, $0xb8;
	[tilespmem:$0x1D800] =	vst v63  }
0x4f: {  	_ =	swait.ge [sflag:s20], $0x3800  }
0x50: {  	[sflag:s20] =	ssyncset.done $0x0  }
0x51: {  	s31 =	sadd.s32 $0x2900, s25;
	[sflag:s20] =	ssyncadd.s32 $0xFFFFC800  }
0x52: {  	[spmem:s3] =	stream.indirect.scatter.add.f32 [tilespmem:s18], [sflag:$0x3], $0x38, s31, s16, $0xb8;
	[tilespmem:$0x1D800] =	vst v63  }
0x53: {  	_ =	swait.ge [sflag:s11], $0x3800  }
0x54: {  	[sflag:s11] =	ssyncset.done $0x0  }
0x55: {  	[sflag:s11] =	ssyncadd.s32 $0xFFFFC800  }
0x56: {  	[tilespmem:s18], [sflag:$0x2] =	stream.indirect.gather [spmem:s4], $0x38, s21, s16, $0xb8;
	[tilespmem:$0x1D800] =	vst v63  }
0x57: {  	_ =	swait.ge [sflag:s19], $0x3800  }
0x58: {  	[sflag:s19] =	ssyncset.done $0x0  }
0x59: {  	[sflag:s19] =	ssyncadd.s32 $0xFFFFC800  }
0x5a: {  	[spmem:s3] =	stream.indirect.scatter.add.f32 [tilespmem:s17], [sflag:$0x3], $0x38, s22, s16, $0xb8;
	[tilespmem:$0x1D800] =	vst v63  }
0x5b: {  	_ =	swait.ge [sflag:s11], $0x3800  }
0x5c: {  	[sflag:s11] =	ssyncset.done $0x0  }
0x5d: {  	[sflag:s11] =	ssyncadd.s32 $0xFFFFC800  }
0x5e: {  	_ =	swait.ge [sflag:s20], $0x3800  }
0x5f: {  	[sflag:s20] =	ssyncset.done $0x0  }
0x60: {  	[sflag:s20] =	ssyncadd.s32 $0xFFFFC800  }
0x61: {  	[spmem:s3] =	stream.indirect.scatter.add.f32 [tilespmem:s18], [sflag:$0x3], $0x38, s23, s16, $0xb8;
	[tilespmem:$0x1D800] =	vst v63  }
0x62: {  	_ =	swait.ge [sflag:s11], $0x3800  }
0x63: {  	s24 =	sadd.s32 $0x1, s24;
	[sflag:s11] =	ssyncset.done $0x0  }
0x64: {  	p0 =	sne.s32 s24, s9;
	[sflag:s11] =	ssyncadd.s32 $0xFFFFC800  }
.Ltmp1:
0x65: {  	[bflag:$0x0] =	sbarrier.arrive $0xFFFF;
	(pc) =	sbr.rel @p0 .LBB2_1-.Ltmp1, $4  }
0x66: {  	[hbm:s10], [sflag:s13] =	dma.local [spmem:s14], $0x1180  }
0x67: {  	_ =	swait.ge [sflag:s11], $0x1180  }
0x68: {  	[sflag:s11] =	ssyncset.done $0x0  }
0x69: {  	[sflag:s11] =	ssyncadd.s32 $0xFFFFEE80  }
0x6a: {  	_ =	sfence.sel $0x180000  }
0x6b: {  	[bflag:$0x0] =	sbarrier.arrive $0xFFFF  }
0x6c: {  	p0 =	sne.s32 s0, $0x0;
	_ =	strace $0x9000004D  }
0x6d: {  	s0 =	sadd.s32 @!p0 $0x100000, s2;
	[bflag:$0x2] =	sbarrier.arrive $0xFFFF  }
0x6e: {  	[sflag:s0] =	ssyncadd.tile.s32 @!p0 $0x1;
	_ =	shalt  }
.Lfunc_end2:
_tile_overlayer_lowered:
.L_overlay_start_2:
0x6f: {  	(tag) =	ssettag $0x2  }
0x70: {  	s0 =	rddreg [dreg:$0x0];
	s2 =	stileid.u32  }
0x71: {  	s1 =	rddreg [dreg:$0x1];
	p0 =	sne.s32 s2, $0x0  }
0x72: {  	s3 =	rddreg [dreg:$0x2];
	[bflag:$0x3] =	sbarrier.arrive $0xFFFF;
	s2 =	simm.s32 @!p0 $0x1C03  }
0x73: {  	[timem:s3], [sflag:s2] =	dma.local @!p0 [hbm:s0], s1  }
0x74: {  	s0 =	simm.s32 @!p0 $0x3  }
0x75: {  	_ =	swait.ge @!p0 [sflag:s0], s1  }
0x76: {  	s1 =	ssub.s32 @!p0 $0x0, s1;
	[sflag:s0] =	ssyncset.done @!p0 $0x0  }
0x77: {  	[sflag:s0] =	ssyncadd.s32 @!p0 s1  }
0x78: {  	[bflag:$0x3] =	sbarrier.arrive $0xFFFF  }
0x79: {  	_ =	shalt  }

// kernel: kernel.19.cloned.1.call-start
scs
__scs_entry_jumppad:
0x0: {  	(pc) =	sbr.rel $0x88, $3  }
0x1: {  	(tag) =	ssettag $0x0;
	lr =	simm.s32 $0x1  }
0x2: {  	[smem:$0x3F97] =	sst lr;
	_ =	strace $0xD0000000  }
0x3: {  	_ = 	snop  }
0x4: {  	_ = 	snop  }
0x5: {  	_ = 	snop  }
0x6: {  	_ = 	snop  }
0x7: {  	_ = 	snop  }
__scs_overlays_trampoline_lowered:
0x8: {  	[smem:$0x3FA6] =	sst s0  }
0x9: {  	[smem:$0x3FA7] =	sst s1  }
0xa: {  	[smem:$0x3FA8] =	sst s2  }
0xb: {  	[smem:$0x3FA9] =	sst s3  }
0xc: {  	[smem:$0x3FAA] =	sst s4  }
0xd: {  	[smem:$0x3FAB] =	sst s5  }
0xe: {  	[smem:$0x3FAC] =	sst s6  }
0xf: {  	[smem:$0x3FAD] =	sst s7  }
0x10: {  	[smem:$0x3FAE] =	sst s8  }
0x11: {  	[smem:$0x3FAF] =	sst s9;
	s0 =	simm.s32 @!p0 $0x0  }
0x12: {  	s1 =	sld [smem:$0x3F95];
	s0 =	simm.s32 @p0 $0x1  }
0x13: {  	[smem:$0x3FB0] =	sst s0;
	s0 =	simm.s32 @!p1 $0x0  }
0x14: {  	s2 =	sld [smem:$0x3F94];
	s0 =	simm.s32 @p1 $0x1  }
0x15: {  	[smem:$0x3FB1] =	sst s0;
	s0 =	simm.s32 @!p2 $0x0  }
0x16: {  	s3 =	sld [smem:$0x3FDB];
	s0 =	simm.s32 @p2 $0x1  }
0x17: {  	s4 =	simm.s32 $0x1BF5;
	[smem:$0x3FB3] =	sst s0  }
0x18: {  	s0 =	sld [smem:$0x3F96];
	_ =	swait.ge [sflag:s4], $0x0  }
0x19: {  	s7 =	sld [smem:$0x3F97]  }
0x1a: {  	s8 =	sadd.s32 $0xFFFFE003, lr  }
0x1b: {  	s9 =	sadd.s32 $0xFFFFFEF7, lr;
	s5 =	simm.s32 $0xFFFFFFFF;
	p2 =	slt.u32 s8, $0xFFFFF086  }
0x1c: {  	p1 =	slt.u32 s9, $0xF7A;
	s5 =	simm.s32 @!p2 $0x0  }
0x1d: {  	s5 =	simm.s32 @p1 $0x1;
	p0 =	seq.s32 s7, s2  }
0x1e: {  	s7 =	smul.u32 @!p0 $0xF7A, s2;
	p2 =	seq.s32 @!p0 s5, $0x0  }
0x1f: {  	s9 =	smul.u32 $0xF7A, s1;
	s8 =	simm.s32 @!p0 $0x1BF5;
	p2 =	por !p2, p0  }
0x20: {  	[sflag:s8] =	ssyncset.s32 @!p0 $0xFFFFF086;
	s6 =	sadd.s32 @!p0 s3, s7;
	s7 =	simm.s32 @!p0 $0x108  }
0x21: {  	s3 =	sadd.s32 s3, s9;
	s6 =	sadd.s32 @!p0 $0x88, s6;
	s7 =	simm.s32 @p2 $0x1082  }
0x22: {  	[simem:s7], [sflag:s8] =	dma.local @!p0 [hbm:s6], $0xF7A  }
0x23: {  	s9 =	sor.u32 $0xD0000000, s2;
	s6 =	simm.s32 $0x108;
	_ =	swait.ge @!p0 [sflag:s8], $0x0  }
0x24: {  	s3 =	sadd.s32 $0x88, s3;
	s6 =	simm.s32 @!p1 $0x1082;
	[sflag:s4] =	ssyncset.s32 $0xFFFFF086  }
0x25: {  	[simem:s6], [sflag:s4] =	dma.local [hbm:s3], $0xF7A  }
0x26: {  	[smem:$0x3F97] =	sst s1;
	(tag) =	ssettag s2;
	_ =	strace s9  }
0x27: {  	s1 =	sld [smem:$0x3FA7]  }
0x28: {  	s2 =	sld [smem:$0x3FA8]  }
0x29: {  	s4 =	sld [smem:$0x3FAA]  }
0x2a: {  	p0 =	seq.s32 s5, $0x0;
	s5 =	sld [smem:$0x3FAB]  }
0x2b: {  	s6 =	sld [smem:$0x3FAC]  }
0x2c: {  	s7 =	sld [smem:$0x3FAD]  }
0x2d: {  	s3 =	simm.s32 $0x108;
	s8 =	sld [smem:$0x3FAE]  }
0x2e: {  	s3 =	simm.s32 @!p0 $0x1082;
	s9 =	sld [smem:$0x3FAF]  }
0x2f: {  	lr =	sadd.s32 s0, s3;
	s0 =	sld [smem:$0x3FA6]  }
0x30: {  	s3 =	sld [smem:$0x3FA9]  }
0x31: {  	[smem:$0x3FB2] =	sst s10  }
0x32: {  	s10 =	sld [smem:$0x3FB0];
	_ =	sdelay $0x3  }
0x33: {  	p0 =	seq.s32 s10, $0x1;
	s10 =	sld [smem:$0x3FB2];
	_ =	sdelay $0x3  }
0x34: {  	[smem:$0x3FB2] =	sst s10  }
0x35: {  	s10 =	sld [smem:$0x3FB1];
	_ =	sdelay $0x3  }
0x36: {  	p1 =	seq.s32 s10, $0x1;
	s10 =	sld [smem:$0x3FB2];
	_ =	sdelay $0x3  }
0x37: {  	[smem:$0x3FB2] =	sst s10  }
0x38: {  	s10 =	sld [smem:$0x3FB3]  }
0x39: {  	_ = 	snop;
	(pc) =	sbr.ind lr, $3  }
0x3a: {  	_ = 	snop  }
0x3b: {  	_ = 	snop  }
0x3c: {  	p2 =	seq.s32 s10, $0x1;
	s10 =	sld [smem:$0x3FB2]  }
0x3d: {  	_ =	shalt  }
0x3e: {  	_ =	shalt  }
0x3f: {  	_ =	shalt  }
0x40: {  	_ =	shalt  }
0x41: {  	_ =	shalt  }
0x42: {  	_ =	shalt  }
0x43: {  	_ =	shalt  }
0x44: {  	_ =	shalt  }
0x45: {  	_ =	shalt  }
0x46: {  	_ =	shalt  }
0x47: {  	_ =	shalt  }
0x48: {  	_ =	shalt  }
0x49: {  	_ =	shalt  }
0x4a: {  	_ =	shalt  }
0x4b: {  	_ =	shalt  }
0x4c: {  	_ =	shalt  }
0x4d: {  	_ =	shalt  }
0x4e: {  	_ =	shalt  }
0x4f: {  	_ =	shalt  }
0x50: {  	_ =	shalt  }
0x51: {  	_ =	shalt  }
0x52: {  	_ =	shalt  }
0x53: {  	_ =	shalt  }
0x54: {  	_ =	shalt  }
0x55: {  	_ =	shalt  }
0x56: {  	_ =	shalt  }
0x57: {  	_ =	shalt  }
0x58: {  	_ =	shalt  }
0x59: {  	_ =	shalt  }
0x5a: {  	_ =	shalt  }
0x5b: {  	_ =	shalt  }
0x5c: {  	_ =	shalt  }
0x5d: {  	_ =	shalt  }
0x5e: {  	_ =	shalt  }
0x5f: {  	_ =	shalt  }
0x60: {  	_ =	shalt  }
0x61: {  	_ =	shalt  }
0x62: {  	_ =	shalt  }
0x63: {  	_ =	shalt  }
0x64: {  	_ =	shalt  }
0x65: {  	_ =	shalt  }
0x66: {  	_ =	shalt  }
0x67: {  	_ =	shalt  }
0x68: {  	_ =	shalt  }
0x69: {  	_ =	shalt  }
0x6a: {  	_ =	shalt  }
0x6b: {  	_ =	shalt  }
0x6c: {  	_ =	shalt  }
0x6d: {  	_ =	shalt  }
0x6e: {  	_ =	shalt  }
0x6f: {  	_ =	shalt  }
0x70: {  	_ =	shalt  }
0x71: {  	_ =	shalt  }
0x72: {  	_ =	shalt  }
0x73: {  	_ =	shalt  }
0x74: {  	_ =	shalt  }
0x75: {  	_ =	shalt  }
0x76: {  	_ =	shalt  }
0x77: {  	_ =	shalt  }
0x78: {  	_ =	shalt  }
0x79: {  	_ =	shalt  }
0x7a: {  	_ =	shalt  }
0x7b: {  	_ =	shalt  }
0x7c: {  	_ =	shalt  }
0x7d: {  	_ =	shalt  }
0x7e: {  	_ =	shalt  }
0x7f: {  	_ =	shalt  }
0x80: {  	_ =	shalt  }
0x81: {  	_ =	shalt  }
0x82: {  	_ =	shalt  }
0x83: {  	_ =	shalt  }
0x84: {  	_ =	shalt  }
0x85: {  	_ =	shalt  }
0x86: {  	_ =	shalt  }
0x87: {  	_ =	shalt  }
.Lfunc_end0:
.L_simem_size_0:
called_computation.2_lowered:
.L_overlay_start_0:
0x88: {  	s2 =	sld [smem:$0x3FD9]  }
0x89: {  	s3 =	sld [smem:$0x3FFE];
	_ =	sdelay $0x1  }
0x8a: {  	s1 =	srdreg.scid  }
0x8b: {  	s0 =	sand.u32 $0x1, s1  }
0x8c: {  	s17 =	sshll.u32 s0, $0xA;
	s2 =	sadd.s32 s3, s2  }
0x8d: {  	s2 =	sadd.s32 s2, s17  }
0x8e: {  	[smem:$0x3FBE] =	sst s2  }
0x8f: {  	_ = 	snop  }
0x90: {  	s2 =	sld [smem:$0x3FD0];
	(tm) =	ssettm $0x1  }
0x91: {  	s18 =	sld [smem:$0x3FFB];
	_ =	sdelay $0x3  }
0x92: {  	_ =	strace s18  }
0x93: {  	s3 =	sld [smem:$0x3FFC];
	_ =	sdelay $0x3  }
0x94: {  	_ =	strace s3  }
0x95: {  	s3 =	sld [smem:$0x3FFD];
	_ =	sdelay $0x3  }
0x96: {  	_ =	strace s3  }
0x97: {  	_ =	strace $0x8FFFFFFF  }
0x98: {  	s19 =	sld [smem:$0x3FDB];
	_ =	sdelay $0x1  }
0x99: {  	s4 =	simm.s32 $_scs_section_size  }
0x9a: {  	s5 =	simm.s32 $_size__tile_overlayer_lowered;
	s6 =	simm.s32 $_tile_overlayer_lowered  }
0x9b: {  	s22 =	simm.s32 $0x1BFF;
	s21 =	sshll.u32 s6, $0x1;
	s3 =	sadd.s32 s4, s19  }
0x9c: {  	s7 =	simm.s32 $0x0;
	s20 =	sshll.u32 s5, $0x1;
	s5 =	sadd.s32 s21, s3  }
0x9d: {  	[timem:s7], [sflag:s22] =	dma.local [hbm:s5], s20  }
0x9e: {  	_ =	swait.ge [sflag:s22], s20  }
0x9f: {  	s4 =	ssub.s32 $0x0, s20;
	[sflag:s22] =	ssyncset.done $0x0  }
0xa0: {  	[sflag:s22] =	ssyncadd.s32 s4;
	_ =	sdelay $0x1  }
0xa1: {  	s23 =	simm.s32 $0x1B8B  }
0xa2: {  	_ =	swait.ge [sflag:s23], $0x1  }
0xa3: {  	[sflag:s23] =	ssyncset.done $0x0  }
0xa4: {  	s25 =	simm.s32 $0x1B8E;
	s24 =	sld [smem:$0x3FFE];
	[sflag:s23] =	ssyncadd.s32 $0xFFFFFFFF  }
0xa5: {  	s26 =	simm.s32 $execute0_lowered;
	[smem:$0x3FD2] =	sst s25  }
0xa6: {  	s5 =	sshll.u32 s26, $0x1;
	_ =	strace $0x80000049;
	[dreg:$0x1] =	wrdreg $0xFFFFFFFF  }
0xa7: {  	s28 =	simm.s32 $_size_execute0_lowered;
	s3 =	sadd.s32 s3, s5;
	[dreg:$0x0] =	wrdreg $0x0  }
0xa8: {  	s5 =	sshll.u32 s28, $0x1;
	[dreg:$0x2] =	wrdreg s3  }
0xa9: {  	[dreg:$0x3] =	wrdreg s5  }
0xaa: {  	[dreg:$0x4] =	wrdreg $0xC0  }
0xab: {  	_ =	task [dreg:s7], $0x5FFFF  }
0xac: {  	[dreg:$0x1] =	wrdreg $0xFFFFFFFF  }
0xad: {  	[dreg:$0x0] =	wrdreg $0x60  }
0xae: {  	[dreg:$0x2] =	wrdreg s24  }
0xaf: {  	[dreg:$0x3] =	wrdreg s2  }
0xb0: {  	[dreg:$0x4] =	wrdreg $0xC0000  }
0xb1: {  	[dreg:$0x5] =	wrdreg $0x14C000  }
0xb2: {  	[dreg:$0x6] =	wrdreg $0xA  }
0xb3: {  	_ =	task.clear_ibuf [dreg:s7], $0x7FFFF;
	_ =	strace $0x90000049  }
0xb4: {  	s29 =	simm.s32 $0xA;
	_ =	strace $0x8000004B  }
0xb5: {  	_ =	swait.ge [sflag:s29], $0x1  }
0xb6: {  	[sflag:s29] =	ssyncadd.s32 $0xFFFFFFFF  }
0xb7: {  	_ =	strace $0x9000004B  }
0xb8: {  	_ =	sfence  }
0xb9: {  	s30 =	sld [smem:$0x0];
	_ =	sdelay $0x2  }
0xba: {  	s31 =	sshll.u32 s1, $0xD;
	s1 =	sshrl.u32 s1, $0x2  }
0xbb: {  	s3 =	sand.u32 $0x4000, s31;
	s1 =	sadd.s32 s1, s30  }
0xbc: {  	s0 =	sor.u32 s3, s0;
	s1 =	sshll.u32 s1, $0x11  }
0xbd: {  	s0 =	sor.u32 s1, s0  }
0xbe: {  	s0 =	sadd.s32 $0x8F2B, s0  }
0xbf: {  	[sflag:s0] =	ssyncadd.remote.s32 $0x1  }
0xc0: {  	_ =	sfence.sel $0xFFFF  }
0xc1: {  	[dreg:$0x0] =	wrdreg $0xFFFFFFFF;
	(pc) =	sbr.abs _section_cstart, $3  }
0xc2: {  	[dreg:$0x1] =	wrdreg $0xFFFFFFFF  }
0xc3: {  	_ =	task.clear_ibuf [dreg:s7], $0x2FFFF;
	_ =	strace $0x9FFFFFFF  }
0xc4: {  	(tm) =	ssettm $0x7FFFFFFF  }
0xc5: {  	_ =	shalt  }
tec
execute0_lowered:
.L_overlay_start_1:
0x0: {  	(tag) =	ssettag $0x1  }
0x1: {  	s6 =	rddreg [dreg:$0x0]  }
0x2: {  	s1 =	rddreg [dreg:$0x1]  }
0x3: {  	s2 =	srdreg.scid;
	s3 =	rddreg [dreg:$0x2]  }
0x4: {  	s0 =	stileid.u32;
	s4 =	rddreg [dreg:$0x3];
	s5 =	simm.s32 $0x0  }
0x5: {  	s16 =	simm.s32 $0x100;
	s17 =	simm.s32 $0x5000;
	s18 =	simm.s32 $0x8800  }
0x6: {  	s19 =	simm.s32 $0x1;
	s20 =	simm.s32 $0x2;
	s21 =	simm.s32 $0x2700  }
0x7: {  	s22 =	simm.s32 $0x4E00;
	s23 =	simm.s32 $0x4F00;
	s24 =	simm.s32 $0x0  }
0x8: {  	s8 =	sand.u32 $0x1, s2;
	s31 =	sshll.u32 s0, $0x1;
	s2 =	rddreg [dreg:$0x4]  }
0x9: {  	[smem:$0x7FF] =	sst s5;
	s9 =	smul.u32 $0x8C00, s0;
	s13 =	sshll.u32 s0, $0x6  }
0xa: {  	s7 =	sor.u32 s8, s31;
	_ =	strace $0x8000004A;
	s10 =	ssub.s32 $0x2, s8  }
0xb: {  	p0 =	seq.s32 s8, $0x1;
	s13 =	sor.u32 $0x1C03, s13;
	s7 =	smul.u32 $0x500, s7  }
0xc: {  	s11 =	sshrl.u32 s9, $0x3;
	s12 =	sshrl.u32 s10, $0x1;
	s14 =	sadd.s32 s9, s3  }
0xd: {  	s15 =	sadd.s32 s9, s4;
	s11 =	sadd.s32 s11, s6;
	s10 =	ssub.s32 s10, s12  }
0xe: {  	s12 =	simm.s32 $0xACC00;
	s14 =	sshrl.u32 s14, $0x3;
	s15 =	sshrl.u32 s15, $0x3  }
0xf: {  	s7 =	sadd.s32 s7, s6;
	s12 =	simm.s32 @!p0 $0xBE400;
	s8 =	sadd.s32 $0x9B400, s11  }
0x10: {  	s9 =	smax.u32 s10, $0x1;
	s6 =	sadd.s32 $0x19400, s7;
	s7 =	sadd.s32 $0x4E00, s7  }
0x11: {  	s10 =	sadd.s32 s12, s11;
	s11 =	simm.s32 $0x3;
	s12 =	simm.s32 $0x2800  }
.LBB2_1:
0x12: {  	[tilespmem:s5], [sflag:$0x3] =	stream.linear.gather [hbm4b:s6+s5], $0x2800, $0x38;
	[tilespmem:$0x1D800] =	vst v63  }
0x13: {  	_ =	swait.ge [sflag:s11], $0x2800  }
0x14: {  	[sflag:s11] =	ssyncset.done $0x0  }
0x15: {  	[sflag:s11] =	ssyncadd.s32 $0xFFFFD800  }
0x16: {  	[tilespmem:s12], [sflag:$0x3] =	stream.linear.gather [hbm4b:s7+s5], $0x2800, $0x38;
	[tilespmem:$0x1D800] =	vst v63  }
0x17: {  	_ =	swait.ge [sflag:s11], $0x2800  }
0x18: {  	[sflag:s11] =	ssyncset.done $0x0  }
0x19: {  	[sflag:s11] =	ssyncadd.s32 $0xFFFFD800  }
0x1a: {  	[spmem:s14], [sflag:s13] =	dma.local [hbm:s1], $0x1180  }
0x1b: {  	_ =	swait.ge [sflag:s11], $0x1180  }
0x1c: {  	[sflag:s11] =	ssyncset.done $0x0  }
0x1d: {  	[sflag:s11] =	ssyncadd.s32 $0xFFFFEE80  }
0x1e: {  	[spmem:s15], [sflag:s13] =	dma.local [hbm:s8], $0x1180  }
0x1f: {  	_ =	swait.ge [sflag:s11], $0x1180  }
0x20: {  	[sflag:s11] =	ssyncset.done $0x0  }
0x21: {  	[sflag:s11] =	ssyncadd.s32 $0xFFFFEE80  }
0x22: {  	[bflag:$0x0] =	sbarrier.arrive $0xFFFF  }
0x23: {  	[tilespmem:s17], [sflag:$0x1] =	stream.indirect.gather [spmem:s4], $0x38, s5, s16, $0xb8;
	[tilespmem:$0x1D800] =	vst v63  }
0x24: {  	s25 =	simm.s32 $0x100  }
0x25: {  	[tilespmem:s18], [sflag:$0x2] =	stream.indirect.gather [spmem:s4], $0x38, s25, s16, $0xb8;
	[tilespmem:$0x1D800] =	vst v63  }
0x26: {  	_ =	swait.ge [sflag:s19], $0x3800  }
0x27: {  	[sflag:s19] =	ssyncset.done $0x0  }
0x28: {  	s29 =	simm.s32 $0x2800;
	[sflag:s19] =	ssyncadd.s32 $0xFFFFC800  }
0x29: {  	[spmem:s3] =	stream.indirect.scatter.add.f32 [tilespmem:s17], [sflag:$0x3], $0x38, s29, s16, $0xb8;
	[tilespmem:$0x1D800] =	vst v63  }
0x2a: {  	_ =	swait.ge [sflag:s11], $0x3800  }
0x2b: {  	[sflag:s11] =	ssyncset.done $0x0  }
0x2c: {  	s30 =	simm.s32 $0x200;
	[sflag:s11] =	ssyncadd.s32 $0xFFFFC800  }
0x2d: {  	[tilespmem:s17], [sflag:$0x1] =	stream.indirect.gather [spmem:s4], $0x38, s30, s16, $0xb8;
	[tilespmem:$0x1D800] =	vst v63  }
0x2e: {  	_ =	swait.ge [sflag:s20], $0x3800  }
0x2f: {  	[sflag:s20] =	ssyncset.done $0x0  }
0x30: {  	s31 =	simm.s32 $0x2900;
	[sflag:s20] =	ssyncadd.s32 $0xFFFFC800  }
0x31: {  	[spmem:s3] =	stream.indirect.scatter.add.f32 [tilespmem:s18], [sflag:$0x3], $0x38, s31, s16, $0xb8;
	[tilespmem:$0x1D800] =	vst v63  }
0x32: {  	_ =	swait.ge [sflag:s11], $0x3800  }
0x33: {  	s26 =	simm.s32 $0x1000;
	s25 =	simm.s32 $0x200;
	[sflag:s11] =	ssyncset.done $0x0  }
.LBB2_2:
0x34: {  	s28 =	sadd.s32 $0x100, s25  }
0x35: {  	[sflag:s11] =	ssyncadd.s32 $0xFFFFC800;
	s29 =	smov.u32 s26;
	s30 =	sadd.s32 $0x800, s26  }
0x36: {  	[tilespmem:s18], [sflag:$0x2] =	stream.indirect.gather [spmem:s4], $0x38, s28, s16, $0xb8;
	[tilespmem:$0x1D800] =	vst v63  }
0x37: {  	p0 =	sne.s32 s26, $0x9000;
	_ =	swait.ge [sflag:s19], $0x3800  }
0x38: {  	[sflag:s19] =	ssyncset.done $0x0  }
0x39: {  	s26 =	sadd.s32 $0x2800, s25;
	[sflag:s19] =	ssyncadd.s32 $0xFFFFC800  }
0x3a: {  	[spmem:s3] =	stream.indirect.scatter.add.f32 [tilespmem:s17], [sflag:$0x3], $0x38, s26, s16, $0xb8;
	[tilespmem:$0x1D800] =	vst v63  }
0x3b: {  	_ =	swait.ge [sflag:s11], $0x3800  }
0x3c: {  	[sflag:s11] =	ssyncset.done $0x0  }
0x3d: {  	s26 =	sadd.s32 $0x200, s25;
	[sflag:s11] =	ssyncadd.s32 $0xFFFFC800  }
0x3e: {  	[tilespmem:s17], [sflag:$0x1] =	stream.indirect.gather [spmem:s4], $0x38, s26, s16, $0xb8;
	[tilespmem:$0x1D800] =	vst v63  }
0x3f: {  	_ =	swait.ge [sflag:s20], $0x3800  }
.Ltmp0:
0x40: {  	[sflag:s20] =	ssyncset.done $0x0;
	(pc) =	sbr.rel @p0 .LBB2_2-.Ltmp0, $4  }
0x41: {  	s25 =	sadd.s32 $0x2900, s25;
	[sflag:s20] =	ssyncadd.s32 $0xFFFFC800  }
0x42: {  	[spmem:s3] =	stream.indirect.scatter.add.f32 [tilespmem:s18], [sflag:$0x3], $0x38, s25, s16, $0xb8;
	[tilespmem:$0x1D800] =	vst v63  }
0x43: {  	_ =	swait.ge [sflag:s11], $0x3800  }
0x44: {  	s26 =	smov.u32 s30;
	s25 =	sshra.s32 s29, $0x2;
	[sflag:s11] =	ssyncset.done $0x0  }
0x45: {  	s26 =	sadd.s32 $0x100, s25;
	[sflag:s11] =	ssyncadd.s32 $0xFFFFC800  }
0x46: {  	[tilespmem:s18], [sflag:$0x2] =	stream.indirect.gather [spmem:s4], $0x38, s26, s16, $0xb8;
	[tilespmem:$0x1D800] =	vst v63  }
0x47: {  	_ =	swait.ge [sflag:s19], $0x3800  }
0x48: {  	[sflag:s19] =	ssyncset.done $0x0  }
0x49: {  	s29 =	sadd.s32 $0x2800, s25;
	[sflag:s19] =	ssyncadd.s32 $0xFFFFC800  }
0x4a: {  	[spmem:s3] =	stream.indirect.scatter.add.f32 [tilespmem:s17], [sflag:$0x3], $0x38, s29, s16, $0xb8;
	[tilespmem:$0x1D800] =	vst v63  }
0x4b: {  	_ =	swait.ge [sflag:s11], $0x3800  }
0x4c: {  	[sflag:s11] =	ssyncset.done $0x0  }
0x4d: {  	s30 =	sadd.s32 $0x200, s25;
	[sflag:s11] =	ssyncadd.s32 $0xFFFFC800  }
0x4e: {  	[tilespmem:s17], [sflag:$0x1] =	stream.indirect.gather [spmem:s4], $0x38, s30, s16, $0xb8;
	[tilespmem:$0x1D800] =	vst v63  }
0x4f: {  	_ =	swait.ge [sflag:s20], $0x3800  }
0x50: {  	[sflag:s20] =	ssyncset.done $0x0  }
0x51: {  	s31 =	sadd.s32 $0x2900, s25;
	[sflag:s20] =	ssyncadd.s32 $0xFFFFC800  }
0x52: {  	[spmem:s3] =	stream.indirect.scatter.add.f32 [tilespmem:s18], [sflag:$0x3], $0x38, s31, s16, $0xb8;
	[tilespmem:$0x1D800] =	vst v63  }
0x53: {  	_ =	swait.ge [sflag:s11], $0x3800  }
0x54: {  	[sflag:s11] =	ssyncset.done $0x0  }
0x55: {  	[sflag:s11] =	ssyncadd.s32 $0xFFFFC800  }
0x56: {  	[tilespmem:s18], [sflag:$0x2] =	stream.indirect.gather [spmem:s4], $0x38, s21, s16, $0xb8;
	[tilespmem:$0x1D800] =	vst v63  }
0x57: {  	_ =	swait.ge [sflag:s19], $0x3800  }
0x58: {  	[sflag:s19] =	ssyncset.done $0x0  }
0x59: {  	[sflag:s19] =	ssyncadd.s32 $0xFFFFC800  }
0x5a: {  	[spmem:s3] =	stream.indirect.scatter.add.f32 [tilespmem:s17], [sflag:$0x3], $0x38, s22, s16, $0xb8;
	[tilespmem:$0x1D800] =	vst v63  }
0x5b: {  	_ =	swait.ge [sflag:s11], $0x3800  }
0x5c: {  	[sflag:s11] =	ssyncset.done $0x0  }
0x5d: {  	[sflag:s11] =	ssyncadd.s32 $0xFFFFC800  }
0x5e: {  	_ =	swait.ge [sflag:s20], $0x3800  }
0x5f: {  	[sflag:s20] =	ssyncset.done $0x0  }
0x60: {  	[sflag:s20] =	ssyncadd.s32 $0xFFFFC800  }
0x61: {  	[spmem:s3] =	stream.indirect.scatter.add.f32 [tilespmem:s18], [sflag:$0x3], $0x38, s23, s16, $0xb8;
	[tilespmem:$0x1D800] =	vst v63  }
0x62: {  	_ =	swait.ge [sflag:s11], $0x3800  }
0x63: {  	s24 =	sadd.s32 $0x1, s24;
	[sflag:s11] =	ssyncset.done $0x0  }
0x64: {  	p0 =	sne.s32 s24, s9;
	[sflag:s11] =	ssyncadd.s32 $0xFFFFC800  }
.Ltmp1:
0x65: {  	[bflag:$0x0] =	sbarrier.arrive $0xFFFF;
	(pc) =	sbr.rel @p0 .LBB2_1-.Ltmp1, $4  }
0x66: {  	[hbm:s10], [sflag:s13] =	dma.local [spmem:s14], $0x1180  }
0x67: {  	_ =	swait.ge [sflag:s11], $0x1180  }
0x68: {  	[sflag:s11] =	ssyncset.done $0x0  }
0x69: {  	[sflag:s11] =	ssyncadd.s32 $0xFFFFEE80  }
0x6a: {  	_ =	sfence.sel $0x180000  }
0x6b: {  	[bflag:$0x0] =	sbarrier.arrive $0xFFFF  }
0x6c: {  	p0 =	sne.s32 s0, $0x0;
	_ =	strace $0x9000004A  }
0x6d: {  	s0 =	sadd.s32 @!p0 $0x100000, s2;
	[bflag:$0x2] =	sbarrier.arrive $0xFFFF  }
0x6e: {  	[sflag:s0] =	ssyncadd.tile.s32 @!p0 $0x1;
	_ =	shalt  }
.Lfunc_end2:
_tile_overlayer_lowered:
.L_overlay_start_2:
0x6f: {  	(tag) =	ssettag $0x2  }
0x70: {  	s0 =	rddreg [dreg:$0x0];
	s2 =	stileid.u32  }
0x71: {  	s1 =	rddreg [dreg:$0x1];
	p0 =	sne.s32 s2, $0x0  }
0x72: {  	s3 =	rddreg [dreg:$0x2];
	[bflag:$0x3] =	sbarrier.arrive $0xFFFF;
	s2 =	simm.s32 @!p0 $0x1C03  }
0x73: {  	[timem:s3], [sflag:s2] =	dma.local @!p0 [hbm:s0], s1  }
0x74: {  	s0 =	simm.s32 @!p0 $0x3  }
0x75: {  	_ =	swait.ge @!p0 [sflag:s0], s1  }
0x76: {  	s1 =	ssub.s32 @!p0 $0x0, s1;
	[sflag:s0] =	ssyncset.done @!p0 $0x0  }
0x77: {  	[sflag:s0] =	ssyncadd.s32 @!p0 s1  }
0x78: {  	[bflag:$0x3] =	sbarrier.arrive $0xFFFF  }
0x79: {  	_ =	shalt  }

// kernel: kernel.22.cloned.1.call-start
scs
__scs_entry_jumppad:
0x0: {  	(pc) =	sbr.rel $0x88, $3  }
0x1: {  	(tag) =	ssettag $0x0;
	lr =	simm.s32 $0x1  }
0x2: {  	[smem:$0x3F97] =	sst lr;
	_ =	strace $0xD0000000  }
0x3: {  	_ = 	snop  }
0x4: {  	_ = 	snop  }
0x5: {  	_ = 	snop  }
0x6: {  	_ = 	snop  }
0x7: {  	_ = 	snop  }
__scs_overlays_trampoline_lowered:
0x8: {  	[smem:$0x3FA6] =	sst s0  }
0x9: {  	[smem:$0x3FA7] =	sst s1  }
0xa: {  	[smem:$0x3FA8] =	sst s2  }
0xb: {  	[smem:$0x3FA9] =	sst s3  }
0xc: {  	[smem:$0x3FAA] =	sst s4  }
0xd: {  	[smem:$0x3FAB] =	sst s5  }
0xe: {  	[smem:$0x3FAC] =	sst s6  }
0xf: {  	[smem:$0x3FAD] =	sst s7  }
0x10: {  	[smem:$0x3FAE] =	sst s8  }
0x11: {  	[smem:$0x3FAF] =	sst s9;
	s0 =	simm.s32 @!p0 $0x0  }
0x12: {  	s1 =	sld [smem:$0x3F95];
	s0 =	simm.s32 @p0 $0x1  }
0x13: {  	[smem:$0x3FB0] =	sst s0;
	s0 =	simm.s32 @!p1 $0x0  }
0x14: {  	s2 =	sld [smem:$0x3F94];
	s0 =	simm.s32 @p1 $0x1  }
0x15: {  	[smem:$0x3FB1] =	sst s0;
	s0 =	simm.s32 @!p2 $0x0  }
0x16: {  	s3 =	sld [smem:$0x3FDB];
	s0 =	simm.s32 @p2 $0x1  }
0x17: {  	s4 =	simm.s32 $0x1BF5;
	[smem:$0x3FB3] =	sst s0  }
0x18: {  	s0 =	sld [smem:$0x3F96];
	_ =	swait.ge [sflag:s4], $0x0  }
0x19: {  	s7 =	sld [smem:$0x3F97]  }
0x1a: {  	s8 =	sadd.s32 $0xFFFFE003, lr  }
0x1b: {  	s9 =	sadd.s32 $0xFFFFFEF7, lr;
	s5 =	simm.s32 $0xFFFFFFFF;
	p2 =	slt.u32 s8, $0xFFFFF086  }
0x1c: {  	p1 =	slt.u32 s9, $0xF7A;
	s5 =	simm.s32 @!p2 $0x0  }
0x1d: {  	s5 =	simm.s32 @p1 $0x1;
	p0 =	seq.s32 s7, s2  }
0x1e: {  	s7 =	smul.u32 @!p0 $0xF7A, s2;
	p2 =	seq.s32 @!p0 s5, $0x0  }
0x1f: {  	s9 =	smul.u32 $0xF7A, s1;
	s8 =	simm.s32 @!p0 $0x1BF5;
	p2 =	por !p2, p0  }
0x20: {  	[sflag:s8] =	ssyncset.s32 @!p0 $0xFFFFF086;
	s6 =	sadd.s32 @!p0 s3, s7;
	s7 =	simm.s32 @!p0 $0x108  }
0x21: {  	s3 =	sadd.s32 s3, s9;
	s6 =	sadd.s32 @!p0 $0x88, s6;
	s7 =	simm.s32 @p2 $0x1082  }
0x22: {  	[simem:s7], [sflag:s8] =	dma.local @!p0 [hbm:s6], $0xF7A  }
0x23: {  	s9 =	sor.u32 $0xD0000000, s2;
	s6 =	simm.s32 $0x108;
	_ =	swait.ge @!p0 [sflag:s8], $0x0  }
0x24: {  	s3 =	sadd.s32 $0x88, s3;
	s6 =	simm.s32 @!p1 $0x1082;
	[sflag:s4] =	ssyncset.s32 $0xFFFFF086  }
0x25: {  	[simem:s6], [sflag:s4] =	dma.local [hbm:s3], $0xF7A  }
0x26: {  	[smem:$0x3F97] =	sst s1;
	(tag) =	ssettag s2;
	_ =	strace s9  }
0x27: {  	s1 =	sld [smem:$0x3FA7]  }
0x28: {  	s2 =	sld [smem:$0x3FA8]  }
0x29: {  	s4 =	sld [smem:$0x3FAA]  }
0x2a: {  	p0 =	seq.s32 s5, $0x0;
	s5 =	sld [smem:$0x3FAB]  }
0x2b: {  	s6 =	sld [smem:$0x3FAC]  }
0x2c: {  	s7 =	sld [smem:$0x3FAD]  }
0x2d: {  	s3 =	simm.s32 $0x108;
	s8 =	sld [smem:$0x3FAE]  }
0x2e: {  	s3 =	simm.s32 @!p0 $0x1082;
	s9 =	sld [smem:$0x3FAF]  }
0x2f: {  	lr =	sadd.s32 s0, s3;
	s0 =	sld [smem:$0x3FA6]  }
0x30: {  	s3 =	sld [smem:$0x3FA9]  }
0x31: {  	[smem:$0x3FB2] =	sst s10  }
0x32: {  	s10 =	sld [smem:$0x3FB0];
	_ =	sdelay $0x3  }
0x33: {  	p0 =	seq.s32 s10, $0x1;
	s10 =	sld [smem:$0x3FB2];
	_ =	sdelay $0x3  }
0x34: {  	[smem:$0x3FB2] =	sst s10  }
0x35: {  	s10 =	sld [smem:$0x3FB1];
	_ =	sdelay $0x3  }
0x36: {  	p1 =	seq.s32 s10, $0x1;
	s10 =	sld [smem:$0x3FB2];
	_ =	sdelay $0x3  }
0x37: {  	[smem:$0x3FB2] =	sst s10  }
0x38: {  	s10 =	sld [smem:$0x3FB3]  }
0x39: {  	_ = 	snop;
	(pc) =	sbr.ind lr, $3  }
0x3a: {  	_ = 	snop  }
0x3b: {  	_ = 	snop  }
0x3c: {  	p2 =	seq.s32 s10, $0x1;
	s10 =	sld [smem:$0x3FB2]  }
0x3d: {  	_ =	shalt  }
0x3e: {  	_ =	shalt  }
0x3f: {  	_ =	shalt  }
0x40: {  	_ =	shalt  }
0x41: {  	_ =	shalt  }
0x42: {  	_ =	shalt  }
0x43: {  	_ =	shalt  }
0x44: {  	_ =	shalt  }
0x45: {  	_ =	shalt  }
0x46: {  	_ =	shalt  }
0x47: {  	_ =	shalt  }
0x48: {  	_ =	shalt  }
0x49: {  	_ =	shalt  }
0x4a: {  	_ =	shalt  }
0x4b: {  	_ =	shalt  }
0x4c: {  	_ =	shalt  }
0x4d: {  	_ =	shalt  }
0x4e: {  	_ =	shalt  }
0x4f: {  	_ =	shalt  }
0x50: {  	_ =	shalt  }
0x51: {  	_ =	shalt  }
0x52: {  	_ =	shalt  }
0x53: {  	_ =	shalt  }
0x54: {  	_ =	shalt  }
0x55: {  	_ =	shalt  }
0x56: {  	_ =	shalt  }
0x57: {  	_ =	shalt  }
0x58: {  	_ =	shalt  }
0x59: {  	_ =	shalt  }
0x5a: {  	_ =	shalt  }
0x5b: {  	_ =	shalt  }
0x5c: {  	_ =	shalt  }
0x5d: {  	_ =	shalt  }
0x5e: {  	_ =	shalt  }
0x5f: {  	_ =	shalt  }
0x60: {  	_ =	shalt  }
0x61: {  	_ =	shalt  }
0x62: {  	_ =	shalt  }
0x63: {  	_ =	shalt  }
0x64: {  	_ =	shalt  }
0x65: {  	_ =	shalt  }
0x66: {  	_ =	shalt  }
0x67: {  	_ =	shalt  }
0x68: {  	_ =	shalt  }
0x69: {  	_ =	shalt  }
0x6a: {  	_ =	shalt  }
0x6b: {  	_ =	shalt  }
0x6c: {  	_ =	shalt  }
0x6d: {  	_ =	shalt  }
0x6e: {  	_ =	shalt  }
0x6f: {  	_ =	shalt  }
0x70: {  	_ =	shalt  }
0x71: {  	_ =	shalt  }
0x72: {  	_ =	shalt  }
0x73: {  	_ =	shalt  }
0x74: {  	_ =	shalt  }
0x75: {  	_ =	shalt  }
0x76: {  	_ =	shalt  }
0x77: {  	_ =	shalt  }
0x78: {  	_ =	shalt  }
0x79: {  	_ =	shalt  }
0x7a: {  	_ =	shalt  }
0x7b: {  	_ =	shalt  }
0x7c: {  	_ =	shalt  }
0x7d: {  	_ =	shalt  }
0x7e: {  	_ =	shalt  }
0x7f: {  	_ =	shalt  }
0x80: {  	_ =	shalt  }
0x81: {  	_ =	shalt  }
0x82: {  	_ =	shalt  }
0x83: {  	_ =	shalt  }
0x84: {  	_ =	shalt  }
0x85: {  	_ =	shalt  }
0x86: {  	_ =	shalt  }
0x87: {  	_ =	shalt  }
.Lfunc_end0:
.L_simem_size_0:
called_computation.3_lowered:
.L_overlay_start_0:
0x88: {  	s2 =	sld [smem:$0x3FD9]  }
0x89: {  	s3 =	sld [smem:$0x3FFE];
	_ =	sdelay $0x1  }
0x8a: {  	s1 =	srdreg.scid  }
0x8b: {  	s0 =	sand.u32 $0x1, s1  }
0x8c: {  	s16 =	sshll.u32 s0, $0xA;
	s2 =	sadd.s32 s3, s2  }
0x8d: {  	s2 =	sadd.s32 s2, s16  }
0x8e: {  	[smem:$0x3FBE] =	sst s2  }
0x8f: {  	_ = 	snop  }
0x90: {  	(tm) =	ssettm $0x1  }
0x91: {  	s17 =	sld [smem:$0x3FFB];
	_ =	sdelay $0x3  }
0x92: {  	_ =	strace s17  }
0x93: {  	s2 =	sld [smem:$0x3FFC];
	_ =	sdelay $0x3  }
0x94: {  	_ =	strace s2  }
0x95: {  	s2 =	sld [smem:$0x3FFD];
	_ =	sdelay $0x3  }
0x96: {  	_ =	strace s2  }
0x97: {  	_ =	strace $0x8FFFFFFF  }
0x98: {  	s18 =	sld [smem:$0x3FDB];
	_ =	sdelay $0x1  }
0x99: {  	s19 =	simm.s32 $_scs_section_size  }
0x9a: {  	s4 =	simm.s32 $_size__tile_overlayer_lowered;
	s5 =	simm.s32 $_tile_overlayer_lowered  }
0x9b: {  	s22 =	simm.s32 $0x1BFF;
	s21 =	sshll.u32 s5, $0x1;
	s2 =	sadd.s32 s19, s18  }
0x9c: {  	s6 =	simm.s32 $0x0;
	s20 =	sshll.u32 s4, $0x1;
	s4 =	sadd.s32 s21, s2  }
0x9d: {  	[timem:s6], [sflag:s22] =	dma.local [hbm:s4], s20  }
0x9e: {  	_ =	swait.ge [sflag:s22], s20  }
0x9f: {  	s3 =	ssub.s32 $0x0, s20;
	[sflag:s22] =	ssyncset.done $0x0  }
0xa0: {  	[sflag:s22] =	ssyncadd.s32 s3;
	_ =	sdelay $0x1  }
0xa1: {  	s23 =	simm.s32 $0x1B8B  }
0xa2: {  	_ =	swait.ge [sflag:s23], $0x1  }
0xa3: {  	[sflag:s23] =	ssyncset.done $0x0  }
0xa4: {  	s25 =	simm.s32 $0x1B8E;
	s24 =	sld [smem:$0x3FFE];
	[sflag:s23] =	ssyncadd.s32 $0xFFFFFFFF  }
0xa5: {  	s26 =	simm.s32 $execute0_lowered;
	[smem:$0x3FD2] =	sst s25  }
0xa6: {  	s4 =	sshll.u32 s26, $0x1;
	_ =	strace $0x8000004F;
	[dreg:$0x1] =	wrdreg $0xFFFFFFFF  }
0xa7: {  	s28 =	simm.s32 $_size_execute0_lowered;
	s2 =	sadd.s32 s2, s4;
	[dreg:$0x0] =	wrdreg $0x0  }
0xa8: {  	s4 =	sshll.u32 s28, $0x1;
	[dreg:$0x2] =	wrdreg s2  }
0xa9: {  	[dreg:$0x3] =	wrdreg s4  }
0xaa: {  	[dreg:$0x4] =	wrdreg $0xC0  }
0xab: {  	_ =	task [dreg:s6], $0x5FFFF  }
0xac: {  	[dreg:$0x1] =	wrdreg $0xFFFFFFFF  }
0xad: {  	[dreg:$0x0] =	wrdreg $0x60  }
0xae: {  	[dreg:$0x2] =	wrdreg s24  }
0xaf: {  	[dreg:$0x3] =	wrdreg $0x90000  }
0xb0: {  	[dreg:$0x4] =	wrdreg $0x130000  }
0xb1: {  	[dreg:$0x5] =	wrdreg $0x9  }
0xb2: {  	_ =	task.clear_ibuf [dreg:s6], $0x6FFFF;
	_ =	strace $0x9000004F  }
0xb3: {  	s29 =	simm.s32 $0x9;
	_ =	strace $0x80000051  }
0xb4: {  	_ =	swait.ge [sflag:s29], $0x1  }
0xb5: {  	[sflag:s29] =	ssyncadd.s32 $0xFFFFFFFF  }
0xb6: {  	_ =	strace $0x90000051  }
0xb7: {  	_ =	sfence  }
0xb8: {  	s30 =	sld [smem:$0x0];
	_ =	sdelay $0x2  }
0xb9: {  	s31 =	sshll.u32 s1, $0xD;
	s1 =	sshrl.u32 s1, $0x2  }
0xba: {  	s3 =	sand.u32 $0x4000, s31;
	s1 =	sadd.s32 s1, s30  }
0xbb: {  	s0 =	sor.u32 s3, s0;
	s1 =	sshll.u32 s1, $0x11  }
0xbc: {  	s0 =	sor.u32 s1, s0  }
0xbd: {  	s0 =	sadd.s32 $0x8F2B, s0  }
0xbe: {  	[sflag:s0] =	ssyncadd.remote.s32 $0x1  }
0xbf: {  	_ =	sfence.sel $0xFFFF  }
0xc0: {  	[dreg:$0x0] =	wrdreg $0xFFFFFFFF;
	(pc) =	sbr.abs _section_cstart, $3  }
0xc1: {  	[dreg:$0x1] =	wrdreg $0xFFFFFFFF  }
0xc2: {  	_ =	task.clear_ibuf [dreg:s6], $0x2FFFF;
	_ =	strace $0x9FFFFFFF  }
0xc3: {  	(tm) =	ssettm $0x7FFFFFFF  }
tec
execute0_lowered:
.L_overlay_start_1:
0x0: {  	(tag) =	ssettag $0x1  }
0x1: {  	s5 =	rddreg [dreg:$0x0]  }
0x2: {  	s2 =	rddreg [dreg:$0x1]  }
0x3: {  	s3 =	rddreg [dreg:$0x2];
	s4 =	srdreg.scid  }
0x4: {  	s1 =	stileid.u32;
	s0 =	rddreg [dreg:$0x3];
	s16 =	simm.s32 $0x80  }
0x5: {  	s17 =	simm.s32 $0x5000;
	s18 =	simm.s32 $0x7000;
	s19 =	simm.s32 $0x1  }
0x6: {  	s20 =	simm.s32 $0x2;
	s21 =	simm.s32 $0x2780;
	s22 =	simm.s32 $0x4F00  }
0x7: {  	s23 =	simm.s32 $0x4F80;
	s24 =	simm.s32 $0x0;
	s8 =	sand.u32 $0x1, s4  }
0x8: {  	s6 =	sshll.u32 s1, $0x1;
	s4 =	simm.s32 $0x0;
	s9 =	smul.u32 $0xA000, s1  }
0x9: {  	s13 =	sshll.u32 s1, $0x6;
	s6 =	sor.u32 s8, s6;
	[smem:$0x7FF] =	sst s4  }
0xa: {  	s10 =	ssub.s32 $0x2, s8;
	p0 =	seq.s32 s8, $0x1;
	s13 =	sor.u32 $0x1C03, s13  }
0xb: {  	s6 =	smul.u32 $0x500, s6;
	_ =	strace $0x80000050;
	s7 =	sshrl.u32 s9, $0x3  }
0xc: {  	s31 =	sshrl.u32 s10, $0x1;
	s14 =	sadd.s32 s9, s2;
	s15 =	sadd.s32 s9, s3  }
0xd: {  	s12 =	sadd.s32 s7, s5;
	s10 =	ssub.s32 s10, s31;
	s14 =	sshrl.u32 s14, $0x3  }
0xe: {  	s15 =	sshrl.u32 s15, $0x3;
	s11 =	sadd.s32 s6, s5;
	s5 =	sadd.s32 $0xF400, s5  }
0xf: {  	s6 =	sadd.s32 $0x19400, s11;
	s7 =	sadd.s32 $0x4E00, s11;
	s11 =	simm.s32 $0x5F400  }
0x10: {  	s8 =	sadd.s32 $0x4B400, s12;
	s9 =	smax.u32 s10, $0x1;
	s11 =	simm.s32 @!p0 $0x73400  }
0x11: {  	s10 =	sadd.s32 s11, s12;
	s11 =	simm.s32 $0x3;
	s12 =	simm.s32 $0x2800  }
.LBB2_1:
0x12: {  	[tilespmem:s4], [sflag:$0x3] =	stream.linear.gather [hbm4b:s6+s4], $0x2800, $0x38;
	[tilespmem:$0x1D000] =	vst v63  }
0x13: {  	_ =	swait.ge [sflag:s11], $0x2800  }
0x14: {  	[sflag:s11] =	ssyncset.done $0x0  }
0x15: {  	[sflag:s11] =	ssyncadd.s32 $0xFFFFD800  }
0x16: {  	[tilespmem:s12], [sflag:$0x3] =	stream.linear.gather [hbm4b:s7+s4], $0x2800, $0x38;
	[tilespmem:$0x1D000] =	vst v63  }
0x17: {  	_ =	swait.ge [sflag:s11], $0x2800  }
0x18: {  	[sflag:s11] =	ssyncset.done $0x0  }
0x19: {  	[sflag:s11] =	ssyncadd.s32 $0xFFFFD800  }
0x1a: {  	[spmem:s14], [sflag:s13] =	dma.local [hbm:s5], $0x1400  }
0x1b: {  	_ =	swait.ge [sflag:s11], $0x1400  }
0x1c: {  	[sflag:s11] =	ssyncset.done $0x0  }
0x1d: {  	[sflag:s11] =	ssyncadd.s32 $0xFFFFEC00  }
0x1e: {  	[spmem:s15], [sflag:s13] =	dma.local [hbm:s8], $0x1400  }
0x1f: {  	_ =	swait.ge [sflag:s11], $0x1400  }
0x20: {  	[sflag:s11] =	ssyncset.done $0x0  }
0x21: {  	[sflag:s11] =	ssyncadd.s32 $0xFFFFEC00  }
0x22: {  	[bflag:$0x0] =	sbarrier.arrive $0xFFFF  }
0x23: {  	[tilespmem:s17], [sflag:$0x1] =	stream.indirect.gather [spmem:s3], $0x40, s4, s16, $0xb8;
	[tilespmem:$0x1D000] =	vst v63  }
0x24: {  	s25 =	simm.s32 $0x80  }
0x25: {  	[tilespmem:s18], [sflag:$0x2] =	stream.indirect.gather [spmem:s3], $0x40, s25, s16, $0xb8;
	[tilespmem:$0x1D000] =	vst v63  }
0x26: {  	_ =	swait.ge [sflag:s19], $0x2000  }
0x27: {  	[sflag:s19] =	ssyncset.done $0x0  }
0x28: {  	s29 =	simm.s32 $0x2800;
	[sflag:s19] =	ssyncadd.s32 $0xFFFFE000  }
0x29: {  	[spmem:s2] =	stream.indirect.scatter.add.f32 [tilespmem:s17], [sflag:$0x3], $0x40, s29, s16, $0xb8;
	[tilespmem:$0x1D000] =	vst v63  }
0x2a: {  	_ =	swait.ge [sflag:s11], $0x2000  }
0x2b: {  	[sflag:s11] =	ssyncset.done $0x0  }
0x2c: {  	s30 =	simm.s32 $0x100;
	[sflag:s11] =	ssyncadd.s32 $0xFFFFE000  }
0x2d: {  	[tilespmem:s17], [sflag:$0x1] =	stream.indirect.gather [spmem:s3], $0x40, s30, s16, $0xb8;
	[tilespmem:$0x1D000] =	vst v63  }
0x2e: {  	_ =	swait.ge [sflag:s20], $0x2000  }
0x2f: {  	[sflag:s20] =	ssyncset.done $0x0  }
0x30: {  	s31 =	simm.s32 $0x2880;
	[sflag:s20] =	ssyncadd.s32 $0xFFFFE000  }
0x31: {  	[spmem:s2] =	stream.indirect.scatter.add.f32 [tilespmem:s18], [sflag:$0x3], $0x40, s31, s16, $0xb8;
	[tilespmem:$0x1D000] =	vst v63  }
0x32: {  	_ =	swait.ge [sflag:s11], $0x2000  }
0x33: {  	s26 =	simm.s32 $0x800;
	s25 =	simm.s32 $0x100;
	[sflag:s11] =	ssyncset.done $0x0  }
.LBB2_2:
0x34: {  	s28 =	sadd.s32 $0x80, s25  }
0x35: {  	[sflag:s11] =	ssyncadd.s32 $0xFFFFE000;
	s29 =	smov.u32 s26;
	s30 =	sadd.s32 $0x400, s26  }
0x36: {  	[tilespmem:s18], [sflag:$0x2] =	stream.indirect.gather [spmem:s3], $0x40, s28, s16, $0xb8;
	[tilespmem:$0x1D000] =	vst v63  }
0x37: {  	p0 =	sne.s32 s26, $0x9800;
	_ =	swait.ge [sflag:s19], $0x2000  }
0x38: {  	[sflag:s19] =	ssyncset.done $0x0  }
0x39: {  	s26 =	sadd.s32 $0x2800, s25;
	[sflag:s19] =	ssyncadd.s32 $0xFFFFE000  }
0x3a: {  	[spmem:s2] =	stream.indirect.scatter.add.f32 [tilespmem:s17], [sflag:$0x3], $0x40, s26, s16, $0xb8;
	[tilespmem:$0x1D000] =	vst v63  }
0x3b: {  	_ =	swait.ge [sflag:s11], $0x2000  }
0x3c: {  	[sflag:s11] =	ssyncset.done $0x0  }
0x3d: {  	s26 =	sadd.s32 $0x100, s25;
	[sflag:s11] =	ssyncadd.s32 $0xFFFFE000  }
0x3e: {  	[tilespmem:s17], [sflag:$0x1] =	stream.indirect.gather [spmem:s3], $0x40, s26, s16, $0xb8;
	[tilespmem:$0x1D000] =	vst v63  }
0x3f: {  	_ =	swait.ge [sflag:s20], $0x2000  }
.Ltmp0:
0x40: {  	[sflag:s20] =	ssyncset.done $0x0;
	(pc) =	sbr.rel @p0 .LBB2_2-.Ltmp0, $4  }
0x41: {  	s25 =	sadd.s32 $0x2880, s25;
	[sflag:s20] =	ssyncadd.s32 $0xFFFFE000  }
0x42: {  	[spmem:s2] =	stream.indirect.scatter.add.f32 [tilespmem:s18], [sflag:$0x3], $0x40, s25, s16, $0xb8;
	[tilespmem:$0x1D000] =	vst v63  }
0x43: {  	_ =	swait.ge [sflag:s11], $0x2000  }
0x44: {  	s26 =	smov.u32 s30;
	s25 =	sshra.s32 s29, $0x2;
	[sflag:s11] =	ssyncset.done $0x0  }
0x45: {  	s26 =	sadd.s32 $0x80, s25;
	[sflag:s11] =	ssyncadd.s32 $0xFFFFE000  }
0x46: {  	[tilespmem:s18], [sflag:$0x2] =	stream.indirect.gather [spmem:s3], $0x40, s26, s16, $0xb8;
	[tilespmem:$0x1D000] =	vst v63  }
0x47: {  	_ =	swait.ge [sflag:s19], $0x2000  }
0x48: {  	[sflag:s19] =	ssyncset.done $0x0  }
0x49: {  	s29 =	sadd.s32 $0x2800, s25;
	[sflag:s19] =	ssyncadd.s32 $0xFFFFE000  }
0x4a: {  	[spmem:s2] =	stream.indirect.scatter.add.f32 [tilespmem:s17], [sflag:$0x3], $0x40, s29, s16, $0xb8;
	[tilespmem:$0x1D000] =	vst v63  }
0x4b: {  	_ =	swait.ge [sflag:s11], $0x2000  }
0x4c: {  	[sflag:s11] =	ssyncset.done $0x0  }
0x4d: {  	s30 =	sadd.s32 $0x100, s25;
	[sflag:s11] =	ssyncadd.s32 $0xFFFFE000  }
0x4e: {  	[tilespmem:s17], [sflag:$0x1] =	stream.indirect.gather [spmem:s3], $0x40, s30, s16, $0xb8;
	[tilespmem:$0x1D000] =	vst v63  }
0x4f: {  	_ =	swait.ge [sflag:s20], $0x2000  }
0x50: {  	[sflag:s20] =	ssyncset.done $0x0  }
0x51: {  	s31 =	sadd.s32 $0x2880, s25;
	[sflag:s20] =	ssyncadd.s32 $0xFFFFE000  }
0x52: {  	[spmem:s2] =	stream.indirect.scatter.add.f32 [tilespmem:s18], [sflag:$0x3], $0x40, s31, s16, $0xb8;
	[tilespmem:$0x1D000] =	vst v63  }
0x53: {  	_ =	swait.ge [sflag:s11], $0x2000  }
0x54: {  	[sflag:s11] =	ssyncset.done $0x0  }
0x55: {  	[sflag:s11] =	ssyncadd.s32 $0xFFFFE000  }
0x56: {  	[tilespmem:s18], [sflag:$0x2] =	stream.indirect.gather [spmem:s3], $0x40, s21, s16, $0xb8;
	[tilespmem:$0x1D000] =	vst v63  }
0x57: {  	_ =	swait.ge [sflag:s19], $0x2000  }
0x58: {  	[sflag:s19] =	ssyncset.done $0x0  }
0x59: {  	[sflag:s19] =	ssyncadd.s32 $0xFFFFE000  }
0x5a: {  	[spmem:s2] =	stream.indirect.scatter.add.f32 [tilespmem:s17], [sflag:$0x3], $0x40, s22, s16, $0xb8;
	[tilespmem:$0x1D000] =	vst v63  }
0x5b: {  	_ =	swait.ge [sflag:s11], $0x2000  }
0x5c: {  	[sflag:s11] =	ssyncset.done $0x0  }
0x5d: {  	[sflag:s11] =	ssyncadd.s32 $0xFFFFE000  }
0x5e: {  	_ =	swait.ge [sflag:s20], $0x2000  }
0x5f: {  	[sflag:s20] =	ssyncset.done $0x0  }
0x60: {  	[sflag:s20] =	ssyncadd.s32 $0xFFFFE000  }
0x61: {  	[spmem:s2] =	stream.indirect.scatter.add.f32 [tilespmem:s18], [sflag:$0x3], $0x40, s23, s16, $0xb8;
	[tilespmem:$0x1D000] =	vst v63  }
0x62: {  	_ =	swait.ge [sflag:s11], $0x2000  }
0x63: {  	s24 =	sadd.s32 $0x1, s24;
	[sflag:s11] =	ssyncset.done $0x0  }
0x64: {  	p0 =	sne.s32 s24, s9;
	[sflag:s11] =	ssyncadd.s32 $0xFFFFE000  }
.Ltmp1:
0x65: {  	[bflag:$0x0] =	sbarrier.arrive $0xFFFF;
	(pc) =	sbr.rel @p0 .LBB2_1-.Ltmp1, $4  }
0x66: {  	[hbm:s10], [sflag:s13] =	dma.local [spmem:s14], $0x1400  }
0x67: {  	_ =	swait.ge [sflag:s11], $0x1400  }
0x68: {  	[sflag:s11] =	ssyncset.done $0x0  }
0x69: {  	[sflag:s11] =	ssyncadd.s32 $0xFFFFEC00  }
0x6a: {  	_ =	sfence.sel $0x180000  }
0x6b: {  	[bflag:$0x0] =	sbarrier.arrive $0xFFFF  }
0x6c: {  	p0 =	sne.s32 s1, $0x0;
	_ =	strace $0x90000050  }
0x6d: {  	s0 =	sadd.s32 @!p0 $0x100000, s0;
	[bflag:$0x2] =	sbarrier.arrive $0xFFFF  }
0x6e: {  	[sflag:s0] =	ssyncadd.tile.s32 @!p0 $0x1;
	_ =	shalt  }
.Lfunc_end2:
_tile_overlayer_lowered:
.L_overlay_start_2:
0x6f: {  	(tag) =	ssettag $0x2  }
0x70: {  	s0 =	rddreg [dreg:$0x0];
	s2 =	stileid.u32  }
0x71: {  	s1 =	rddreg [dreg:$0x1];
	p0 =	sne.s32 s2, $0x0  }
0x72: {  	s3 =	rddreg [dreg:$0x2];
	[bflag:$0x3] =	sbarrier.arrive $0xFFFF;
	s2 =	simm.s32 @!p0 $0x1C03  }
0x73: {  	[timem:s3], [sflag:s2] =	dma.local @!p0 [hbm:s0], s1  }
0x74: {  	s0 =	simm.s32 @!p0 $0x3  }
0x75: {  	_ =	swait.ge @!p0 [sflag:s0], s1  }
0x76: {  	s1 =	ssub.s32 @!p0 $0x0, s1;
	[sflag:s0] =	ssyncset.done @!p0 $0x0  }
0x77: {  	[sflag:s0] =	ssyncadd.s32 @!p0 s1  }
0x78: {  	[bflag:$0x3] =	sbarrier.arrive $0xFFFF  }
0x79: {  	_ =	shalt  }

// kernel: kernel.25.cloned.1.call-start
scs
__scs_entry_jumppad:
0x0: {  	(pc) =	sbr.rel $0x88, $3  }
0x1: {  	(tag) =	ssettag $0x0;
	lr =	simm.s32 $0x1  }
0x2: {  	[smem:$0x3F97] =	sst lr;
	_ =	strace $0xD0000000  }
0x3: {  	_ = 	snop  }
0x4: {  	_ = 	snop  }
0x5: {  	_ = 	snop  }
0x6: {  	_ = 	snop  }
0x7: {  	_ = 	snop  }
__scs_overlays_trampoline_lowered:
0x8: {  	[smem:$0x3FA6] =	sst s0  }
0x9: {  	[smem:$0x3FA7] =	sst s1  }
0xa: {  	[smem:$0x3FA8] =	sst s2  }
0xb: {  	[smem:$0x3FA9] =	sst s3  }
0xc: {  	[smem:$0x3FAA] =	sst s4  }
0xd: {  	[smem:$0x3FAB] =	sst s5  }
0xe: {  	[smem:$0x3FAC] =	sst s6  }
0xf: {  	[smem:$0x3FAD] =	sst s7  }
0x10: {  	[smem:$0x3FAE] =	sst s8  }
0x11: {  	[smem:$0x3FAF] =	sst s9;
	s0 =	simm.s32 @!p0 $0x0  }
0x12: {  	s1 =	sld [smem:$0x3F95];
	s0 =	simm.s32 @p0 $0x1  }
0x13: {  	[smem:$0x3FB0] =	sst s0;
	s0 =	simm.s32 @!p1 $0x0  }
0x14: {  	s2 =	sld [smem:$0x3F94];
	s0 =	simm.s32 @p1 $0x1  }
0x15: {  	[smem:$0x3FB1] =	sst s0;
	s0 =	simm.s32 @!p2 $0x0  }
0x16: {  	s3 =	sld [smem:$0x3FDB];
	s0 =	simm.s32 @p2 $0x1  }
0x17: {  	s4 =	simm.s32 $0x1BF5;
	[smem:$0x3FB3] =	sst s0  }
0x18: {  	s0 =	sld [smem:$0x3F96];
	_ =	swait.ge [sflag:s4], $0x0  }
0x19: {  	s7 =	sld [smem:$0x3F97]  }
0x1a: {  	s8 =	sadd.s32 $0xFFFFE003, lr  }
0x1b: {  	s9 =	sadd.s32 $0xFFFFFEF7, lr;
	s5 =	simm.s32 $0xFFFFFFFF;
	p2 =	slt.u32 s8, $0xFFFFF086  }
0x1c: {  	p1 =	slt.u32 s9, $0xF7A;
	s5 =	simm.s32 @!p2 $0x0  }
0x1d: {  	s5 =	simm.s32 @p1 $0x1;
	p0 =	seq.s32 s7, s2  }
0x1e: {  	s7 =	smul.u32 @!p0 $0xF7A, s2;
	p2 =	seq.s32 @!p0 s5, $0x0  }
0x1f: {  	s9 =	smul.u32 $0xF7A, s1;
	s8 =	simm.s32 @!p0 $0x1BF5;
	p2 =	por !p2, p0  }
0x20: {  	[sflag:s8] =	ssyncset.s32 @!p0 $0xFFFFF086;
	s6 =	sadd.s32 @!p0 s3, s7;
	s7 =	simm.s32 @!p0 $0x108  }
0x21: {  	s3 =	sadd.s32 s3, s9;
	s6 =	sadd.s32 @!p0 $0x88, s6;
	s7 =	simm.s32 @p2 $0x1082  }
0x22: {  	[simem:s7], [sflag:s8] =	dma.local @!p0 [hbm:s6], $0xF7A  }
0x23: {  	s9 =	sor.u32 $0xD0000000, s2;
	s6 =	simm.s32 $0x108;
	_ =	swait.ge @!p0 [sflag:s8], $0x0  }
0x24: {  	s3 =	sadd.s32 $0x88, s3;
	s6 =	simm.s32 @!p1 $0x1082;
	[sflag:s4] =	ssyncset.s32 $0xFFFFF086  }
0x25: {  	[simem:s6], [sflag:s4] =	dma.local [hbm:s3], $0xF7A  }
0x26: {  	[smem:$0x3F97] =	sst s1;
	(tag) =	ssettag s2;
	_ =	strace s9  }
0x27: {  	s1 =	sld [smem:$0x3FA7]  }
0x28: {  	s2 =	sld [smem:$0x3FA8]  }
0x29: {  	s4 =	sld [smem:$0x3FAA]  }
0x2a: {  	p0 =	seq.s32 s5, $0x0;
	s5 =	sld [smem:$0x3FAB]  }
0x2b: {  	s6 =	sld [smem:$0x3FAC]  }
0x2c: {  	s7 =	sld [smem:$0x3FAD]  }
0x2d: {  	s3 =	simm.s32 $0x108;
	s8 =	sld [smem:$0x3FAE]  }
0x2e: {  	s3 =	simm.s32 @!p0 $0x1082;
	s9 =	sld [smem:$0x3FAF]  }
0x2f: {  	lr =	sadd.s32 s0, s3;
	s0 =	sld [smem:$0x3FA6]  }
0x30: {  	s3 =	sld [smem:$0x3FA9]  }
0x31: {  	[smem:$0x3FB2] =	sst s10  }
0x32: {  	s10 =	sld [smem:$0x3FB0];
	_ =	sdelay $0x3  }
0x33: {  	p0 =	seq.s32 s10, $0x1;
	s10 =	sld [smem:$0x3FB2];
	_ =	sdelay $0x3  }
0x34: {  	[smem:$0x3FB2] =	sst s10  }
0x35: {  	s10 =	sld [smem:$0x3FB1];
	_ =	sdelay $0x3  }
0x36: {  	p1 =	seq.s32 s10, $0x1;
	s10 =	sld [smem:$0x3FB2];
	_ =	sdelay $0x3  }
0x37: {  	[smem:$0x3FB2] =	sst s10  }
0x38: {  	s10 =	sld [smem:$0x3FB3]  }
0x39: {  	_ = 	snop;
	(pc) =	sbr.ind lr, $3  }
0x3a: {  	_ = 	snop  }
0x3b: {  	_ = 	snop  }
0x3c: {  	p2 =	seq.s32 s10, $0x1;
	s10 =	sld [smem:$0x3FB2]  }
0x3d: {  	_ =	shalt  }
0x3e: {  	_ =	shalt  }
0x3f: {  	_ =	shalt  }
0x40: {  	_ =	shalt  }
0x41: {  	_ =	shalt  }
0x42: {  	_ =	shalt  }
0x43: {  	_ =	shalt  }
0x44: {  	_ =	shalt  }
0x45: {  	_ =	shalt  }
0x46: {  	_ =	shalt  }
0x47: {  	_ =	shalt  }
0x48: {  	_ =	shalt  }
0x49: {  	_ =	shalt  }
0x4a: {  	_ =	shalt  }
0x4b: {  	_ =	shalt  }
0x4c: {  	_ =	shalt  }
0x4d: {  	_ =	shalt  }
0x4e: {  	_ =	shalt  }
0x4f: {  	_ =	shalt  }
0x50: {  	_ =	shalt  }
0x51: {  	_ =	shalt  }
0x52: {  	_ =	shalt  }
0x53: {  	_ =	shalt  }
0x54: {  	_ =	shalt  }
0x55: {  	_ =	shalt  }
0x56: {  	_ =	shalt  }
0x57: {  	_ =	shalt  }
0x58: {  	_ =	shalt  }
0x59: {  	_ =	shalt  }
0x5a: {  	_ =	shalt  }
0x5b: {  	_ =	shalt  }
0x5c: {  	_ =	shalt  }
0x5d: {  	_ =	shalt  }
0x5e: {  	_ =	shalt  }
0x5f: {  	_ =	shalt  }
0x60: {  	_ =	shalt  }
0x61: {  	_ =	shalt  }
0x62: {  	_ =	shalt  }
0x63: {  	_ =	shalt  }
0x64: {  	_ =	shalt  }
0x65: {  	_ =	shalt  }
0x66: {  	_ =	shalt  }
0x67: {  	_ =	shalt  }
0x68: {  	_ =	shalt  }
0x69: {  	_ =	shalt  }
0x6a: {  	_ =	shalt  }
0x6b: {  	_ =	shalt  }
0x6c: {  	_ =	shalt  }
0x6d: {  	_ =	shalt  }
0x6e: {  	_ =	shalt  }
0x6f: {  	_ =	shalt  }
0x70: {  	_ =	shalt  }
0x71: {  	_ =	shalt  }
0x72: {  	_ =	shalt  }
0x73: {  	_ =	shalt  }
0x74: {  	_ =	shalt  }
0x75: {  	_ =	shalt  }
0x76: {  	_ =	shalt  }
0x77: {  	_ =	shalt  }
0x78: {  	_ =	shalt  }
0x79: {  	_ =	shalt  }
0x7a: {  	_ =	shalt  }
0x7b: {  	_ =	shalt  }
0x7c: {  	_ =	shalt  }
0x7d: {  	_ =	shalt  }
0x7e: {  	_ =	shalt  }
0x7f: {  	_ =	shalt  }
0x80: {  	_ =	shalt  }
0x81: {  	_ =	shalt  }
0x82: {  	_ =	shalt  }
0x83: {  	_ =	shalt  }
0x84: {  	_ =	shalt  }
0x85: {  	_ =	shalt  }
0x86: {  	_ =	shalt  }
0x87: {  	_ =	shalt  }
.Lfunc_end0:
.L_simem_size_0:
called_computation.4_lowered:
.L_overlay_start_0:
0x88: {  	s2 =	sld [smem:$0x3FD9]  }
0x89: {  	s3 =	sld [smem:$0x3FFE];
	_ =	sdelay $0x1  }
0x8a: {  	s1 =	srdreg.scid  }
0x8b: {  	s0 =	sand.u32 $0x1, s1  }
0x8c: {  	s17 =	sshll.u32 s0, $0xA;
	s2 =	sadd.s32 s3, s2  }
0x8d: {  	s2 =	sadd.s32 s2, s17  }
0x8e: {  	[smem:$0x3FBE] =	sst s2  }
0x8f: {  	_ = 	snop  }
0x90: {  	s2 =	sld [smem:$0x3FD0];
	(tm) =	ssettm $0x1  }
0x91: {  	s18 =	sld [smem:$0x3FFB];
	_ =	sdelay $0x3  }
0x92: {  	_ =	strace s18  }
0x93: {  	s3 =	sld [smem:$0x3FFC];
	_ =	sdelay $0x3  }
0x94: {  	_ =	strace s3  }
0x95: {  	s3 =	sld [smem:$0x3FFD];
	_ =	sdelay $0x3  }
0x96: {  	_ =	strace s3  }
0x97: {  	_ =	strace $0x8FFFFFFF  }
0x98: {  	s19 =	sld [smem:$0x3FDB];
	_ =	sdelay $0x1  }
0x99: {  	s4 =	simm.s32 $_scs_section_size  }
0x9a: {  	s5 =	simm.s32 $_size__tile_overlayer_lowered;
	s6 =	simm.s32 $_tile_overlayer_lowered  }
0x9b: {  	s22 =	simm.s32 $0x1BFF;
	s21 =	sshll.u32 s6, $0x1;
	s3 =	sadd.s32 s4, s19  }
0x9c: {  	s7 =	simm.s32 $0x0;
	s20 =	sshll.u32 s5, $0x1;
	s5 =	sadd.s32 s21, s3  }
0x9d: {  	[timem:s7], [sflag:s22] =	dma.local [hbm:s5], s20  }
0x9e: {  	_ =	swait.ge [sflag:s22], s20  }
0x9f: {  	s4 =	ssub.s32 $0x0, s20;
	[sflag:s22] =	ssyncset.done $0x0  }
0xa0: {  	[sflag:s22] =	ssyncadd.s32 s4;
	_ =	sdelay $0x1  }
0xa1: {  	s23 =	simm.s32 $0x1B8B  }
0xa2: {  	_ =	swait.ge [sflag:s23], $0x1  }
0xa3: {  	[sflag:s23] =	ssyncset.done $0x0  }
0xa4: {  	s25 =	simm.s32 $0x1B8E;
	s24 =	sld [smem:$0x3FFE];
	[sflag:s23] =	ssyncadd.s32 $0xFFFFFFFF  }
0xa5: {  	s26 =	simm.s32 $execute0_lowered;
	[smem:$0x3FD2] =	sst s25  }
0xa6: {  	s5 =	sshll.u32 s26, $0x1;
	_ =	strace $0x80000052;
	[dreg:$0x1] =	wrdreg $0xFFFFFFFF  }
0xa7: {  	s28 =	simm.s32 $_size_execute0_lowered;
	s3 =	sadd.s32 s3, s5;
	[dreg:$0x0] =	wrdreg $0x0  }
0xa8: {  	s5 =	sshll.u32 s28, $0x1;
	[dreg:$0x2] =	wrdreg s3  }
0xa9: {  	[dreg:$0x3] =	wrdreg s5  }
0xaa: {  	[dreg:$0x4] =	wrdreg $0xC0  }
0xab: {  	_ =	task [dreg:s7], $0x5FFFF  }
0xac: {  	[dreg:$0x1] =	wrdreg $0xFFFFFFFF  }
0xad: {  	[dreg:$0x0] =	wrdreg $0x60  }
0xae: {  	[dreg:$0x2] =	wrdreg s24  }
0xaf: {  	[dreg:$0x3] =	wrdreg s2  }
0xb0: {  	[dreg:$0x4] =	wrdreg $0x150000  }
0xb1: {  	[dreg:$0x5] =	wrdreg $0x1A0000  }
0xb2: {  	[dreg:$0x6] =	wrdreg $0x9  }
0xb3: {  	_ =	task.clear_ibuf [dreg:s7], $0x7FFFF;
	_ =	strace $0x90000052  }
0xb4: {  	s29 =	simm.s32 $0x9;
	_ =	strace $0x80000054  }
0xb5: {  	_ =	swait.ge [sflag:s29], $0x1  }
0xb6: {  	[sflag:s29] =	ssyncadd.s32 $0xFFFFFFFF  }
0xb7: {  	_ =	strace $0x90000054  }
0xb8: {  	_ =	sfence  }
0xb9: {  	s30 =	sld [smem:$0x0];
	_ =	sdelay $0x2  }
0xba: {  	s31 =	sshll.u32 s1, $0xD;
	s1 =	sshrl.u32 s1, $0x2  }
0xbb: {  	s3 =	sand.u32 $0x4000, s31;
	s1 =	sadd.s32 s1, s30  }
0xbc: {  	s0 =	sor.u32 s3, s0;
	s1 =	sshll.u32 s1, $0x11  }
0xbd: {  	s0 =	sor.u32 s1, s0  }
0xbe: {  	s0 =	sadd.s32 $0x8F2B, s0  }
0xbf: {  	[sflag:s0] =	ssyncadd.remote.s32 $0x1  }
0xc0: {  	_ =	sfence.sel $0xFFFF  }
0xc1: {  	[dreg:$0x0] =	wrdreg $0xFFFFFFFF;
	(pc) =	sbr.abs _section_cstart, $3  }
0xc2: {  	[dreg:$0x1] =	wrdreg $0xFFFFFFFF  }
0xc3: {  	_ =	task.clear_ibuf [dreg:s7], $0x2FFFF;
	_ =	strace $0x9FFFFFFF  }
0xc4: {  	(tm) =	ssettm $0x7FFFFFFF  }
0xc5: {  	_ =	shalt  }
tec
execute0_lowered:
.L_overlay_start_1:
0x0: {  	(tag) =	ssettag $0x1  }
0x1: {  	s5 =	rddreg [dreg:$0x0]  }
0x2: {  	s2 =	srdreg.scid;
	s0 =	stileid.u32  }
0x3: {  	s1 =	rddreg [dreg:$0x1];
	s13 =	sand.u32 $0x1, s2;
	s3 =	sshll.u32 s0, $0x1  }
0x4: {  	[dreg:$0x5] =	wrdreg s1;
	s4 =	sor.u32 s13, s3  }
0x5: {  	s2 =	rddreg [dreg:$0x2];
	s6 =	smul.u32 $0x500, s4  }
0x6: {  	s7 =	smul.u32 $0x5000, s0;
	s3 =	rddreg [dreg:$0x3];
	s4 =	simm.s32 $0x0  }
0x7: {  	[smem:$0x7FF] =	sst s4;
	s6 =	sadd.s32 s6, s5  }
0x8: {  	s9 =	sshrl.u32 s7, $0x3;
	_ =	strace $0x80000053;
	s8 =	sadd.s32 $0x19400, s6  }
0x9: {  	s5 =	sadd.s32 s9, s5;
	s6 =	sadd.s32 $0x4E00, s6;
	[dreg:$0x6] =	wrdreg s8  }
0xa: {  	p0 =	seq.s32 s13, $0x1;
	s18 =	sadd.s32 $0xF400, s5;
	[dreg:$0x7] =	wrdreg s6  }
0xb: {  	s19 =	sadd.s32 s7, s3;
	s8 =	simm.s32 $0x4B400;
	[dreg:$0x8] =	wrdreg s18  }
0xc: {  	s6 =	sshrl.u32 s19, $0x3;
	s8 =	simm.s32 @!p0 $0x55400;
	s20 =	rddreg [dreg:$0x6]  }
0xd: {  	[dreg:$0xa] =	wrdreg s6;
	s5 =	sadd.s32 s8, s5  }
0xe: {  	[tilespmem:s4], [sflag:$0x3] =	stream.linear.gather [hbm4b:s20+s4], $0x2800, $0x38;
	[tilespmem:$0x1F000] =	vst v63  }
0xf: {  	[dreg:$0x9] =	wrdreg s5;
	s5 =	simm.s32 $0x3  }
0x10: {  	_ =	swait.ge [sflag:s5], $0x2800  }
0x11: {  	[sflag:s5] =	ssyncset.done $0x0  }
0x12: {  	s6 =	simm.s32 $0x2800;
	s21 =	rddreg [dreg:$0x7];
	[sflag:s5] =	ssyncadd.s32 $0xFFFFD800  }
0x13: {  	[tilespmem:s6], [sflag:$0x3] =	stream.linear.gather [hbm4b:s21+s4], $0x2800, $0x38;
	[tilespmem:$0x1F000] =	vst v63  }
0x14: {  	s24 =	sshll.u32 s0, $0x6;
	_ =	swait.ge [sflag:s5], $0x2800  }
0x15: {  	s23 =	sadd.s32 s7, s2;
	s7 =	sor.u32 $0x1C03, s24;
	[sflag:s5] =	ssyncset.done $0x0  }
0x16: {  	s8 =	sshrl.u32 s23, $0x3;
	s22 =	rddreg [dreg:$0x5];
	[sflag:s5] =	ssyncadd.s32 $0xFFFFD800  }
0x17: {  	[spmem:s8], [sflag:s7] =	dma.local [hbm:s22], $0xA00  }
0x18: {  	_ =	swait.ge [sflag:s5], $0xA00  }
0x19: {  	s25 =	rddreg [dreg:$0x8];
	[sflag:s5] =	ssyncset.done $0x0  }
0x1a: {  	s10 =	rddreg [dreg:$0xa];
	[sflag:s5] =	ssyncadd.s32 $0xFFFFF600  }
0x1b: {  	[spmem:s10], [sflag:s7] =	dma.local [hbm:s25], $0xA00  }
0x1c: {  	_ =	swait.ge [sflag:s5], $0xA00  }
0x1d: {  	[sflag:s5] =	ssyncset.done $0x0  }
0x1e: {  	[sflag:s5] =	ssyncadd.s32 $0xFFFFF600  }
0x1f: {  	s9 =	simm.s32 $0x400;
	s10 =	simm.s32 $0x5000;
	[bflag:$0x0] =	sbarrier.arrive $0xFFFF  }
0x20: {  	[tilespmem:s10], [sflag:$0x1] =	stream.indirect.gather [spmem:s3], $0x20, s4, s9, $0xb8;
	[tilespmem:$0x1F000] =	vst v63  }
0x21: {  	s11 =	simm.s32 $0xD000;
	s12 =	simm.s32 $0x1  }
0x22: {  	[tilespmem:s11], [sflag:$0x2] =	stream.indirect.gather [spmem:s3], $0x20, s9, s9, $0xb8;
	[tilespmem:$0x1F000] =	vst v63  }
0x23: {  	_ =	swait.ge [sflag:s12], $0x8000  }
0x24: {  	[sflag:s12] =	ssyncset.done $0x0  }
0x25: {  	[sflag:s12] =	ssyncadd.s32 $0xFFFF8000  }
0x26: {  	[spmem:s2] =	stream.indirect.scatter.add.f32 [tilespmem:s10], [sflag:$0x3], $0x20, s6, s9, $0xb8;
	[tilespmem:$0x1F000] =	vst v63  }
0x27: {  	_ =	swait.ge [sflag:s5], $0x8000  }
0x28: {  	[sflag:s5] =	ssyncset.done $0x0  }
0x29: {  	s26 =	simm.s32 $0x800;
	s14 =	simm.s32 $0x2;
	[sflag:s5] =	ssyncadd.s32 $0xFFFF8000  }
0x2a: {  	[tilespmem:s10], [sflag:$0x1] =	stream.indirect.gather [spmem:s3], $0x20, s26, s9, $0xb8;
	[tilespmem:$0x1F000] =	vst v63  }
0x2b: {  	_ =	swait.ge [sflag:s14], $0x8000  }
0x2c: {  	[sflag:s14] =	ssyncset.done $0x0  }
0x2d: {  	s15 =	simm.s32 $0x2C00;
	[sflag:s14] =	ssyncadd.s32 $0xFFFF8000  }
0x2e: {  	[spmem:s2] =	stream.indirect.scatter.add.f32 [tilespmem:s11], [sflag:$0x3], $0x20, s15, s9, $0xb8;
	[tilespmem:$0x1F000] =	vst v63  }
0x2f: {  	_ =	swait.ge [sflag:s5], $0x8000  }
0x30: {  	[sflag:s5] =	ssyncset.done $0x0  }
0x31: {  	s16 =	simm.s32 $0xC00;
	[sflag:s5] =	ssyncadd.s32 $0xFFFF8000  }
0x32: {  	[tilespmem:s11], [sflag:$0x2] =	stream.indirect.gather [spmem:s3], $0x20, s16, s9, $0xb8;
	[tilespmem:$0x1F000] =	vst v63  }
0x33: {  	_ =	swait.ge [sflag:s12], $0x8000  }
0x34: {  	[sflag:s12] =	ssyncset.done $0x0  }
0x35: {  	s17 =	simm.s32 $0x3000;
	[sflag:s12] =	ssyncadd.s32 $0xFFFF8000  }
0x36: {  	[spmem:s2] =	stream.indirect.scatter.add.f32 [tilespmem:s10], [sflag:$0x3], $0x20, s17, s9, $0xb8;
	[tilespmem:$0x1F000] =	vst v63  }
0x37: {  	_ =	swait.ge [sflag:s5], $0x8000  }
0x38: {  	[sflag:s5] =	ssyncset.done $0x0  }
0x39: {  	s18 =	simm.s32 $0x1000;
	[sflag:s5] =	ssyncadd.s32 $0xFFFF8000  }
0x3a: {  	[tilespmem:s10], [sflag:$0x1] =	stream.indirect.gather [spmem:s3], $0x20, s18, s9, $0xb8;
	[tilespmem:$0x1F000] =	vst v63  }
0x3b: {  	_ =	swait.ge [sflag:s14], $0x8000  }
0x3c: {  	[sflag:s14] =	ssyncset.done $0x0  }
0x3d: {  	s19 =	simm.s32 $0x3400;
	[sflag:s14] =	ssyncadd.s32 $0xFFFF8000  }
0x3e: {  	[spmem:s2] =	stream.indirect.scatter.add.f32 [tilespmem:s11], [sflag:$0x3], $0x20, s19, s9, $0xb8;
	[tilespmem:$0x1F000] =	vst v63  }
0x3f: {  	_ =	swait.ge [sflag:s5], $0x8000  }
0x40: {  	[sflag:s5] =	ssyncset.done $0x0  }
0x41: {  	s20 =	simm.s32 $0x1400;
	[sflag:s5] =	ssyncadd.s32 $0xFFFF8000  }
0x42: {  	[tilespmem:s11], [sflag:$0x2] =	stream.indirect.gather [spmem:s3], $0x20, s20, s9, $0xb8;
	[tilespmem:$0x1F000] =	vst v63  }
0x43: {  	_ =	swait.ge [sflag:s12], $0x8000  }
0x44: {  	[sflag:s12] =	ssyncset.done $0x0  }
0x45: {  	s21 =	simm.s32 $0x3800;
	[sflag:s12] =	ssyncadd.s32 $0xFFFF8000  }
0x46: {  	[spmem:s2] =	stream.indirect.scatter.add.f32 [tilespmem:s10], [sflag:$0x3], $0x20, s21, s9, $0xb8;
	[tilespmem:$0x1F000] =	vst v63  }
0x47: {  	_ =	swait.ge [sflag:s5], $0x8000  }
0x48: {  	[sflag:s5] =	ssyncset.done $0x0  }
0x49: {  	s22 =	simm.s32 $0x1800;
	[sflag:s5] =	ssyncadd.s32 $0xFFFF8000  }
0x4a: {  	[tilespmem:s10], [sflag:$0x1] =	stream.indirect.gather [spmem:s3], $0x20, s22, s9, $0xb8;
	[tilespmem:$0x1F000] =	vst v63  }
0x4b: {  	_ =	swait.ge [sflag:s14], $0x8000  }
0x4c: {  	[sflag:s14] =	ssyncset.done $0x0  }
0x4d: {  	s23 =	simm.s32 $0x3C00;
	[sflag:s14] =	ssyncadd.s32 $0xFFFF8000  }
0x4e: {  	[spmem:s2] =	stream.indirect.scatter.add.f32 [tilespmem:s11], [sflag:$0x3], $0x20, s23, s9, $0xb8;
	[tilespmem:$0x1F000] =	vst v63  }
0x4f: {  	_ =	swait.ge [sflag:s5], $0x8000  }
0x50: {  	[sflag:s5] =	ssyncset.done $0x0  }
0x51: {  	s24 =	simm.s32 $0x1C00;
	[sflag:s5] =	ssyncadd.s32 $0xFFFF8000  }
0x52: {  	[tilespmem:s11], [sflag:$0x2] =	stream.indirect.gather [spmem:s3], $0x20, s24, s9, $0xb8;
	[tilespmem:$0x1F000] =	vst v63  }
0x53: {  	_ =	swait.ge [sflag:s12], $0x8000  }
0x54: {  	[sflag:s12] =	ssyncset.done $0x0  }
0x55: {  	s25 =	simm.s32 $0x4000;
	[sflag:s12] =	ssyncadd.s32 $0xFFFF8000  }
0x56: {  	[spmem:s2] =	stream.indirect.scatter.add.f32 [tilespmem:s10], [sflag:$0x3], $0x20, s25, s9, $0xb8;
	[tilespmem:$0x1F000] =	vst v63  }
0x57: {  	_ =	swait.ge [sflag:s5], $0x8000  }
0x58: {  	[sflag:s5] =	ssyncset.done $0x0  }
0x59: {  	s26 =	simm.s32 $0x2000;
	[sflag:s5] =	ssyncadd.s32 $0xFFFF8000  }
0x5a: {  	[tilespmem:s10], [sflag:$0x1] =	stream.indirect.gather [spmem:s3], $0x20, s26, s9, $0xb8;
	[tilespmem:$0x1F000] =	vst v63  }
0x5b: {  	_ =	swait.ge [sflag:s14], $0x8000  }
0x5c: {  	[sflag:s14] =	ssyncset.done $0x0  }
0x5d: {  	s28 =	simm.s32 $0x4400;
	[sflag:s14] =	ssyncadd.s32 $0xFFFF8000  }
0x5e: {  	[spmem:s2] =	stream.indirect.scatter.add.f32 [tilespmem:s11], [sflag:$0x3], $0x20, s28, s9, $0xb8;
	[tilespmem:$0x1F000] =	vst v63  }
0x5f: {  	_ =	swait.ge [sflag:s5], $0x8000  }
0x60: {  	[sflag:s5] =	ssyncset.done $0x0  }
0x61: {  	s29 =	simm.s32 $0x2400;
	[sflag:s5] =	ssyncadd.s32 $0xFFFF8000  }
0x62: {  	[tilespmem:s11], [sflag:$0x2] =	stream.indirect.gather [spmem:s3], $0x20, s29, s9, $0xb8;
	[tilespmem:$0x1F000] =	vst v63  }
0x63: {  	_ =	swait.ge [sflag:s12], $0x8000  }
0x64: {  	[sflag:s12] =	ssyncset.done $0x0  }
0x65: {  	s30 =	simm.s32 $0x4800;
	[sflag:s12] =	ssyncadd.s32 $0xFFFF8000  }
0x66: {  	[spmem:s2] =	stream.indirect.scatter.add.f32 [tilespmem:s10], [sflag:$0x3], $0x20, s30, s9, $0xb8;
	[tilespmem:$0x1F000] =	vst v63  }
0x67: {  	_ =	swait.ge [sflag:s5], $0x8000  }
0x68: {  	[sflag:s5] =	ssyncset.done $0x0  }
0x69: {  	[sflag:s5] =	ssyncadd.s32 $0xFFFF8000  }
0x6a: {  	s1 =	ssub.s32 $0x2, s13;
	_ =	swait.ge [sflag:s14], $0x8000  }
0x6b: {  	s0 =	sshrl.u32 s1, $0x1;
	[sflag:s14] =	ssyncset.done $0x0  }
0x6c: {  	s31 =	simm.s32 $0x4C00;
	s0 =	ssub.s32 s1, s0;
	[sflag:s14] =	ssyncadd.s32 $0xFFFF8000  }
0x6d: {  	[spmem:s2] =	stream.indirect.scatter.add.f32 [tilespmem:s11], [sflag:$0x3], $0x20, s31, s9, $0xb8;
	[tilespmem:$0x1F000] =	vst v63  }
0x6e: {  	s0 =	smax.u32 s0, $0x1;
	_ =	swait.ge [sflag:s5], $0x8000  }
0x6f: {  	p0 =	sne.s32 s0, $0x1;
	[sflag:s5] =	ssyncset.done $0x0  }
.Ltmp0:
0x70: {  	[sflag:s5] =	ssyncadd.s32 $0xFFFF8000;
	(pc) =	sbr.rel @!p0 .LBB2_2-.Ltmp0, $4  }
0x71: {  	[bflag:$0x0] =	sbarrier.arrive $0xFFFF  }
0x72: {  	s13 =	rddreg [dreg:$0x9]  }
0x73: {  	[hbm:s13], [sflag:s7] =	dma.local [spmem:s8], $0xA00  }
0x74: {  	s1 =	sadd.s32 $0xFFFFFFFF, s0;
	_ =	swait.ge [sflag:s5], $0xA00  }
.LBB2_1:
0x75: {  	[sflag:s5] =	ssyncset.done $0x0  }
0x76: {  	s0 =	rddreg [dreg:$0x6];
	[sflag:s5] =	ssyncadd.s32 $0xFFFFF600  }
0x77: {  	[tilespmem:s4], [sflag:$0x3] =	stream.linear.gather [hbm4b:s0+s4], $0x2800, $0x38;
	[tilespmem:$0x1F000] =	vst v63  }
0x78: {  	_ =	swait.ge [sflag:s5], $0x2800  }
0x79: {  	[sflag:s5] =	ssyncset.done $0x0  }
0x7a: {  	s13 =	rddreg [dreg:$0x7];
	[sflag:s5] =	ssyncadd.s32 $0xFFFFD800  }
0x7b: {  	[tilespmem:s6], [sflag:$0x3] =	stream.linear.gather [hbm4b:s13+s4], $0x2800, $0x38;
	[tilespmem:$0x1F000] =	vst v63  }
0x7c: {  	_ =	swait.ge [sflag:s5], $0x2800  }
0x7d: {  	[sflag:s5] =	ssyncset.done $0x0  }
0x7e: {  	s13 =	rddreg [dreg:$0x5];
	[sflag:s5] =	ssyncadd.s32 $0xFFFFD800  }
0x7f: {  	[spmem:s8], [sflag:s7] =	dma.local [hbm:s13], $0xA00  }
0x80: {  	_ =	swait.ge [sflag:s5], $0xA00  }
0x81: {  	[sflag:s5] =	ssyncset.done $0x0;
	s0 =	rddreg [dreg:$0x8]  }
0x82: {  	s13 =	rddreg [dreg:$0xa];
	[sflag:s5] =	ssyncadd.s32 $0xFFFFF600  }
0x83: {  	[spmem:s13], [sflag:s7] =	dma.local [hbm:s0], $0xA00  }
0x84: {  	_ =	swait.ge [sflag:s5], $0xA00  }
0x85: {  	[sflag:s5] =	ssyncset.done $0x0  }
0x86: {  	[sflag:s5] =	ssyncadd.s32 $0xFFFFF600  }
0x87: {  	[bflag:$0x0] =	sbarrier.arrive $0xFFFF  }
0x88: {  	[tilespmem:s10], [sflag:$0x1] =	stream.indirect.gather [spmem:s3], $0x20, s4, s9, $0xb8;
	[tilespmem:$0x1F000] =	vst v63  }
0x89: {  	_ = 	snop  }
0x8a: {  	[tilespmem:s11], [sflag:$0x2] =	stream.indirect.gather [spmem:s3], $0x20, s9, s9, $0xb8;
	[tilespmem:$0x1F000] =	vst v63  }
0x8b: {  	_ =	swait.ge [sflag:s12], $0x8000  }
0x8c: {  	[sflag:s12] =	ssyncset.done $0x0  }
0x8d: {  	[sflag:s12] =	ssyncadd.s32 $0xFFFF8000  }
0x8e: {  	[spmem:s2] =	stream.indirect.scatter.add.f32 [tilespmem:s10], [sflag:$0x3], $0x20, s6, s9, $0xb8;
	[tilespmem:$0x1F000] =	vst v63  }
0x8f: {  	_ =	swait.ge [sflag:s5], $0x8000  }
0x90: {  	[sflag:s5] =	ssyncset.done $0x0  }
0x91: {  	s13 =	simm.s32 $0x800;
	[sflag:s5] =	ssyncadd.s32 $0xFFFF8000  }
0x92: {  	[tilespmem:s10], [sflag:$0x1] =	stream.indirect.gather [spmem:s3], $0x20, s13, s9, $0xb8;
	[tilespmem:$0x1F000] =	vst v63  }
0x93: {  	_ =	swait.ge [sflag:s14], $0x8000  }
0x94: {  	[sflag:s14] =	ssyncset.done $0x0  }
0x95: {  	[sflag:s14] =	ssyncadd.s32 $0xFFFF8000  }
0x96: {  	[spmem:s2] =	stream.indirect.scatter.add.f32 [tilespmem:s11], [sflag:$0x3], $0x20, s15, s9, $0xb8;
	[tilespmem:$0x1F000] =	vst v63  }
0x97: {  	_ =	swait.ge [sflag:s5], $0x8000  }
0x98: {  	[sflag:s5] =	ssyncset.done $0x0  }
0x99: {  	[sflag:s5] =	ssyncadd.s32 $0xFFFF8000  }
0x9a: {  	[tilespmem:s11], [sflag:$0x2] =	stream.indirect.gather [spmem:s3], $0x20, s16, s9, $0xb8;
	[tilespmem:$0x1F000] =	vst v63  }
0x9b: {  	_ =	swait.ge [sflag:s12], $0x8000  }
0x9c: {  	[sflag:s12] =	ssyncset.done $0x0  }
0x9d: {  	[sflag:s12] =	ssyncadd.s32 $0xFFFF8000  }
0x9e: {  	[spmem:s2] =	stream.indirect.scatter.add.f32 [tilespmem:s10], [sflag:$0x3], $0x20, s17, s9, $0xb8;
	[tilespmem:$0x1F000] =	vst v63  }
0x9f: {  	_ =	swait.ge [sflag:s5], $0x8000  }
0xa0: {  	[sflag:s5] =	ssyncset.done $0x0  }
0xa1: {  	[sflag:s5] =	ssyncadd.s32 $0xFFFF8000  }
0xa2: {  	[tilespmem:s10], [sflag:$0x1] =	stream.indirect.gather [spmem:s3], $0x20, s18, s9, $0xb8;
	[tilespmem:$0x1F000] =	vst v63  }
0xa3: {  	_ =	swait.ge [sflag:s14], $0x8000  }
0xa4: {  	[sflag:s14] =	ssyncset.done $0x0  }
0xa5: {  	[sflag:s14] =	ssyncadd.s32 $0xFFFF8000  }
0xa6: {  	[spmem:s2] =	stream.indirect.scatter.add.f32 [tilespmem:s11], [sflag:$0x3], $0x20, s19, s9, $0xb8;
	[tilespmem:$0x1F000] =	vst v63  }
0xa7: {  	_ =	swait.ge [sflag:s5], $0x8000  }
0xa8: {  	[sflag:s5] =	ssyncset.done $0x0  }
0xa9: {  	[sflag:s5] =	ssyncadd.s32 $0xFFFF8000  }
0xaa: {  	[tilespmem:s11], [sflag:$0x2] =	stream.indirect.gather [spmem:s3], $0x20, s20, s9, $0xb8;
	[tilespmem:$0x1F000] =	vst v63  }
0xab: {  	_ =	swait.ge [sflag:s12], $0x8000  }
0xac: {  	[sflag:s12] =	ssyncset.done $0x0  }
0xad: {  	[sflag:s12] =	ssyncadd.s32 $0xFFFF8000  }
0xae: {  	[spmem:s2] =	stream.indirect.scatter.add.f32 [tilespmem:s10], [sflag:$0x3], $0x20, s21, s9, $0xb8;
	[tilespmem:$0x1F000] =	vst v63  }
0xaf: {  	_ =	swait.ge [sflag:s5], $0x8000  }
0xb0: {  	[sflag:s5] =	ssyncset.done $0x0  }
0xb1: {  	[sflag:s5] =	ssyncadd.s32 $0xFFFF8000  }
0xb2: {  	[tilespmem:s10], [sflag:$0x1] =	stream.indirect.gather [spmem:s3], $0x20, s22, s9, $0xb8;
	[tilespmem:$0x1F000] =	vst v63  }
0xb3: {  	_ =	swait.ge [sflag:s14], $0x8000  }
0xb4: {  	[sflag:s14] =	ssyncset.done $0x0  }
0xb5: {  	[sflag:s14] =	ssyncadd.s32 $0xFFFF8000  }
0xb6: {  	[spmem:s2] =	stream.indirect.scatter.add.f32 [tilespmem:s11], [sflag:$0x3], $0x20, s23, s9, $0xb8;
	[tilespmem:$0x1F000] =	vst v63  }
0xb7: {  	_ =	swait.ge [sflag:s5], $0x8000  }
0xb8: {  	[sflag:s5] =	ssyncset.done $0x0  }
0xb9: {  	[sflag:s5] =	ssyncadd.s32 $0xFFFF8000  }
0xba: {  	[tilespmem:s11], [sflag:$0x2] =	stream.indirect.gather [spmem:s3], $0x20, s24, s9, $0xb8;
	[tilespmem:$0x1F000] =	vst v63  }
0xbb: {  	_ =	swait.ge [sflag:s12], $0x8000  }
0xbc: {  	[sflag:s12] =	ssyncset.done $0x0  }
0xbd: {  	[sflag:s12] =	ssyncadd.s32 $0xFFFF8000  }
0xbe: {  	[spmem:s2] =	stream.indirect.scatter.add.f32 [tilespmem:s10], [sflag:$0x3], $0x20, s25, s9, $0xb8;
	[tilespmem:$0x1F000] =	vst v63  }
0xbf: {  	_ =	swait.ge [sflag:s5], $0x8000  }
0xc0: {  	[sflag:s5] =	ssyncset.done $0x0  }
0xc1: {  	[sflag:s5] =	ssyncadd.s32 $0xFFFF8000  }
0xc2: {  	[tilespmem:s10], [sflag:$0x1] =	stream.indirect.gather [spmem:s3], $0x20, s26, s9, $0xb8;
	[tilespmem:$0x1F000] =	vst v63  }
0xc3: {  	_ =	swait.ge [sflag:s14], $0x8000  }
0xc4: {  	[sflag:s14] =	ssyncset.done $0x0  }
0xc5: {  	[sflag:s14] =	ssyncadd.s32 $0xFFFF8000  }
0xc6: {  	[spmem:s2] =	stream.indirect.scatter.add.f32 [tilespmem:s11], [sflag:$0x3], $0x20, s28, s9, $0xb8;
	[tilespmem:$0x1F000] =	vst v63  }
0xc7: {  	_ =	swait.ge [sflag:s5], $0x8000  }
0xc8: {  	[sflag:s5] =	ssyncset.done $0x0  }
0xc9: {  	[sflag:s5] =	ssyncadd.s32 $0xFFFF8000  }
0xca: {  	[tilespmem:s11], [sflag:$0x2] =	stream.indirect.gather [spmem:s3], $0x20, s29, s9, $0xb8;
	[tilespmem:$0x1F000] =	vst v63  }
0xcb: {  	_ =	swait.ge [sflag:s12], $0x8000  }
0xcc: {  	[sflag:s12] =	ssyncset.done $0x0  }
0xcd: {  	[sflag:s12] =	ssyncadd.s32 $0xFFFF8000  }
0xce: {  	[spmem:s2] =	stream.indirect.scatter.add.f32 [tilespmem:s10], [sflag:$0x3], $0x20, s30, s9, $0xb8;
	[tilespmem:$0x1F000] =	vst v63  }
0xcf: {  	_ =	swait.ge [sflag:s5], $0x8000  }
0xd0: {  	[sflag:s5] =	ssyncset.done $0x0  }
0xd1: {  	[sflag:s5] =	ssyncadd.s32 $0xFFFF8000  }
0xd2: {  	_ =	swait.ge [sflag:s14], $0x8000  }
0xd3: {  	[sflag:s14] =	ssyncset.done $0x0  }
0xd4: {  	[sflag:s14] =	ssyncadd.s32 $0xFFFF8000  }
0xd5: {  	[spmem:s2] =	stream.indirect.scatter.add.f32 [tilespmem:s11], [sflag:$0x3], $0x20, s31, s9, $0xb8;
	[tilespmem:$0x1F000] =	vst v63  }
0xd6: {  	_ =	swait.ge [sflag:s5], $0x8000  }
0xd7: {  	p0 =	sne.s32 s1, $0x1;
	[sflag:s5] =	ssyncset.done $0x0  }
.Ltmp1:
0xd8: {  	[sflag:s5] =	ssyncadd.s32 $0xFFFF8000;
	(pc) =	sbr.rel @p0 .LBB2_1-.Ltmp1, $4  }
0xd9: {  	[bflag:$0x0] =	sbarrier.arrive $0xFFFF  }
0xda: {  	s13 =	rddreg [dreg:$0x9]  }
0xdb: {  	[hbm:s13], [sflag:s7] =	dma.local [spmem:s8], $0xA00  }
0xdc: {  	s1 =	sadd.s32 $0xFFFFFFFF, s1;
	_ =	swait.ge [sflag:s5], $0xA00  }
.LBB2_2:
0xdd: {  	[sflag:s5] =	ssyncset.done $0x0  }
0xde: {  	[sflag:s5] =	ssyncadd.s32 $0xFFFFF600  }
0xdf: {  	_ =	sfence.sel $0x180000  }
0xe0: {  	[bflag:$0x0] =	sbarrier.arrive $0xFFFF  }
0xe1: {  	_ =	strace $0x90000053  }
0xe2: {  	s0 =	stileid.u32;
	[bflag:$0x2] =	sbarrier.arrive $0xFFFF  }
0xe3: {  	p0 =	sne.s32 s0, $0x0;
	s0 =	rddreg [dreg:$0x4]  }
0xe4: {  	s0 =	sadd.s32 @!p0 $0x100000, s0  }
0xe5: {  	[sflag:s0] =	ssyncadd.tile.s32 @!p0 $0x1;
	_ =	shalt  }
.Lfunc_end2:
_tile_overlayer_lowered:
.L_overlay_start_2:
0xe6: {  	(tag) =	ssettag $0x2  }
0xe7: {  	s0 =	rddreg [dreg:$0x0];
	s2 =	stileid.u32  }
0xe8: {  	s1 =	rddreg [dreg:$0x1];
	p0 =	sne.s32 s2, $0x0  }
0xe9: {  	s3 =	rddreg [dreg:$0x2];
	[bflag:$0x3] =	sbarrier.arrive $0xFFFF;
	s2 =	simm.s32 @!p0 $0x1C03  }
0xea: {  	[timem:s3], [sflag:s2] =	dma.local @!p0 [hbm:s0], s1  }
0xeb: {  	s0 =	simm.s32 @!p0 $0x3  }
0xec: {  	_ =	swait.ge @!p0 [sflag:s0], s1  }
0xed: {  	s1 =	ssub.s32 @!p0 $0x0, s1;
	[sflag:s0] =	ssyncset.done @!p0 $0x0  }
0xee: {  	[sflag:s0] =	ssyncadd.s32 @!p0 s1  }
0xef: {  	[bflag:$0x3] =	sbarrier.arrive $0xFFFF  }
0xf0: {  	_ =	shalt  }

// kernel: kernel.28.cloned.1.call-start
scs
__scs_entry_jumppad:
0x0: {  	(pc) =	sbr.rel $0x88, $3  }
0x1: {  	(tag) =	ssettag $0x0;
	lr =	simm.s32 $0x1  }
0x2: {  	[smem:$0x3F97] =	sst lr;
	_ =	strace $0xD0000000  }
0x3: {  	_ = 	snop  }
0x4: {  	_ = 	snop  }
0x5: {  	_ = 	snop  }
0x6: {  	_ = 	snop  }
0x7: {  	_ = 	snop  }
__scs_overlays_trampoline_lowered:
0x8: {  	[smem:$0x3FA6] =	sst s0  }
0x9: {  	[smem:$0x3FA7] =	sst s1  }
0xa: {  	[smem:$0x3FA8] =	sst s2  }
0xb: {  	[smem:$0x3FA9] =	sst s3  }
0xc: {  	[smem:$0x3FAA] =	sst s4  }
0xd: {  	[smem:$0x3FAB] =	sst s5  }
0xe: {  	[smem:$0x3FAC] =	sst s6  }
0xf: {  	[smem:$0x3FAD] =	sst s7  }
0x10: {  	[smem:$0x3FAE] =	sst s8  }
0x11: {  	[smem:$0x3FAF] =	sst s9;
	s0 =	simm.s32 @!p0 $0x0  }
0x12: {  	s1 =	sld [smem:$0x3F95];
	s0 =	simm.s32 @p0 $0x1  }
0x13: {  	[smem:$0x3FB0] =	sst s0;
	s0 =	simm.s32 @!p1 $0x0  }
0x14: {  	s2 =	sld [smem:$0x3F94];
	s0 =	simm.s32 @p1 $0x1  }
0x15: {  	[smem:$0x3FB1] =	sst s0;
	s0 =	simm.s32 @!p2 $0x0  }
0x16: {  	s3 =	sld [smem:$0x3FDB];
	s0 =	simm.s32 @p2 $0x1  }
0x17: {  	s4 =	simm.s32 $0x1BF5;
	[smem:$0x3FB3] =	sst s0  }
0x18: {  	s0 =	sld [smem:$0x3F96];
	_ =	swait.ge [sflag:s4], $0x0  }
0x19: {  	s7 =	sld [smem:$0x3F97]  }
0x1a: {  	s8 =	sadd.s32 $0xFFFFE003, lr  }
0x1b: {  	s9 =	sadd.s32 $0xFFFFFEF7, lr;
	s5 =	simm.s32 $0xFFFFFFFF;
	p2 =	slt.u32 s8, $0xFFFFF086  }
0x1c: {  	p1 =	slt.u32 s9, $0xF7A;
	s5 =	simm.s32 @!p2 $0x0  }
0x1d: {  	s5 =	simm.s32 @p1 $0x1;
	p0 =	seq.s32 s7, s2  }
0x1e: {  	s7 =	smul.u32 @!p0 $0xF7A, s2;
	p2 =	seq.s32 @!p0 s5, $0x0  }
0x1f: {  	s9 =	smul.u32 $0xF7A, s1;
	s8 =	simm.s32 @!p0 $0x1BF5;
	p2 =	por !p2, p0  }
0x20: {  	[sflag:s8] =	ssyncset.s32 @!p0 $0xFFFFF086;
	s6 =	sadd.s32 @!p0 s3, s7;
	s7 =	simm.s32 @!p0 $0x108  }
0x21: {  	s3 =	sadd.s32 s3, s9;
	s6 =	sadd.s32 @!p0 $0x88, s6;
	s7 =	simm.s32 @p2 $0x1082  }
0x22: {  	[simem:s7], [sflag:s8] =	dma.local @!p0 [hbm:s6], $0xF7A  }
0x23: {  	s9 =	sor.u32 $0xD0000000, s2;
	s6 =	simm.s32 $0x108;
	_ =	swait.ge @!p0 [sflag:s8], $0x0  }
0x24: {  	s3 =	sadd.s32 $0x88, s3;
	s6 =	simm.s32 @!p1 $0x1082;
	[sflag:s4] =	ssyncset.s32 $0xFFFFF086  }
0x25: {  	[simem:s6], [sflag:s4] =	dma.local [hbm:s3], $0xF7A  }
0x26: {  	[smem:$0x3F97] =	sst s1;
	(tag) =	ssettag s2;
	_ =	strace s9  }
0x27: {  	s1 =	sld [smem:$0x3FA7]  }
0x28: {  	s2 =	sld [smem:$0x3FA8]  }
0x29: {  	s4 =	sld [smem:$0x3FAA]  }
0x2a: {  	p0 =	seq.s32 s5, $0x0;
	s5 =	sld [smem:$0x3FAB]  }
0x2b: {  	s6 =	sld [smem:$0x3FAC]  }
0x2c: {  	s7 =	sld [smem:$0x3FAD]  }
0x2d: {  	s3 =	simm.s32 $0x108;
	s8 =	sld [smem:$0x3FAE]  }
0x2e: {  	s3 =	simm.s32 @!p0 $0x1082;
	s9 =	sld [smem:$0x3FAF]  }
0x2f: {  	lr =	sadd.s32 s0, s3;
	s0 =	sld [smem:$0x3FA6]  }
0x30: {  	s3 =	sld [smem:$0x3FA9]  }
0x31: {  	[smem:$0x3FB2] =	sst s10  }
0x32: {  	s10 =	sld [smem:$0x3FB0];
	_ =	sdelay $0x3  }
0x33: {  	p0 =	seq.s32 s10, $0x1;
	s10 =	sld [smem:$0x3FB2];
	_ =	sdelay $0x3  }
0x34: {  	[smem:$0x3FB2] =	sst s10  }
0x35: {  	s10 =	sld [smem:$0x3FB1];
	_ =	sdelay $0x3  }
0x36: {  	p1 =	seq.s32 s10, $0x1;
	s10 =	sld [smem:$0x3FB2];
	_ =	sdelay $0x3  }
0x37: {  	[smem:$0x3FB2] =	sst s10  }
0x38: {  	s10 =	sld [smem:$0x3FB3]  }
0x39: {  	_ = 	snop;
	(pc) =	sbr.ind lr, $3  }
0x3a: {  	_ = 	snop  }
0x3b: {  	_ = 	snop  }
0x3c: {  	p2 =	seq.s32 s10, $0x1;
	s10 =	sld [smem:$0x3FB2]  }
0x3d: {  	_ =	shalt  }
0x3e: {  	_ =	shalt  }
0x3f: {  	_ =	shalt  }
0x40: {  	_ =	shalt  }
0x41: {  	_ =	shalt  }
0x42: {  	_ =	shalt  }
0x43: {  	_ =	shalt  }
0x44: {  	_ =	shalt  }
0x45: {  	_ =	shalt  }
0x46: {  	_ =	shalt  }
0x47: {  	_ =	shalt  }
0x48: {  	_ =	shalt  }
0x49: {  	_ =	shalt  }
0x4a: {  	_ =	shalt  }
0x4b: {  	_ =	shalt  }
0x4c: {  	_ =	shalt  }
0x4d: {  	_ =	shalt  }
0x4e: {  	_ =	shalt  }
0x4f: {  	_ =	shalt  }
0x50: {  	_ =	shalt  }
0x51: {  	_ =	shalt  }
0x52: {  	_ =	shalt  }
0x53: {  	_ =	shalt  }
0x54: {  	_ =	shalt  }
0x55: {  	_ =	shalt  }
0x56: {  	_ =	shalt  }
0x57: {  	_ =	shalt  }
0x58: {  	_ =	shalt  }
0x59: {  	_ =	shalt  }
0x5a: {  	_ =	shalt  }
0x5b: {  	_ =	shalt  }
0x5c: {  	_ =	shalt  }
0x5d: {  	_ =	shalt  }
0x5e: {  	_ =	shalt  }
0x5f: {  	_ =	shalt  }
0x60: {  	_ =	shalt  }
0x61: {  	_ =	shalt  }
0x62: {  	_ =	shalt  }
0x63: {  	_ =	shalt  }
0x64: {  	_ =	shalt  }
0x65: {  	_ =	shalt  }
0x66: {  	_ =	shalt  }
0x67: {  	_ =	shalt  }
0x68: {  	_ =	shalt  }
0x69: {  	_ =	shalt  }
0x6a: {  	_ =	shalt  }
0x6b: {  	_ =	shalt  }
0x6c: {  	_ =	shalt  }
0x6d: {  	_ =	shalt  }
0x6e: {  	_ =	shalt  }
0x6f: {  	_ =	shalt  }
0x70: {  	_ =	shalt  }
0x71: {  	_ =	shalt  }
0x72: {  	_ =	shalt  }
0x73: {  	_ =	shalt  }
0x74: {  	_ =	shalt  }
0x75: {  	_ =	shalt  }
0x76: {  	_ =	shalt  }
0x77: {  	_ =	shalt  }
0x78: {  	_ =	shalt  }
0x79: {  	_ =	shalt  }
0x7a: {  	_ =	shalt  }
0x7b: {  	_ =	shalt  }
0x7c: {  	_ =	shalt  }
0x7d: {  	_ =	shalt  }
0x7e: {  	_ =	shalt  }
0x7f: {  	_ =	shalt  }
0x80: {  	_ =	shalt  }
0x81: {  	_ =	shalt  }
0x82: {  	_ =	shalt  }
0x83: {  	_ =	shalt  }
0x84: {  	_ =	shalt  }
0x85: {  	_ =	shalt  }
0x86: {  	_ =	shalt  }
0x87: {  	_ =	shalt  }
.Lfunc_end0:
.L_simem_size_0:
called_computation.5_lowered:
.L_overlay_start_0:
0x88: {  	s2 =	sld [smem:$0x3FD9]  }
0x89: {  	s3 =	sld [smem:$0x3FFE];
	_ =	sdelay $0x1  }
0x8a: {  	s1 =	srdreg.scid  }
0x8b: {  	s0 =	sand.u32 $0x1, s1  }
0x8c: {  	s16 =	sshll.u32 s0, $0xA;
	s2 =	sadd.s32 s3, s2  }
0x8d: {  	s2 =	sadd.s32 s2, s16  }
0x8e: {  	[smem:$0x3FBE] =	sst s2  }
0x8f: {  	_ = 	snop  }
0x90: {  	(tm) =	ssettm $0x1  }
0x91: {  	s17 =	sld [smem:$0x3FFB];
	_ =	sdelay $0x3  }
0x92: {  	_ =	strace s17  }
0x93: {  	s2 =	sld [smem:$0x3FFC];
	_ =	sdelay $0x3  }
0x94: {  	_ =	strace s2  }
0x95: {  	s2 =	sld [smem:$0x3FFD];
	_ =	sdelay $0x3  }
0x96: {  	_ =	strace s2  }
0x97: {  	_ =	strace $0x8FFFFFFF  }
0x98: {  	s18 =	sld [smem:$0x3FDB];
	_ =	sdelay $0x1  }
0x99: {  	s19 =	simm.s32 $_scs_section_size  }
0x9a: {  	s4 =	simm.s32 $_size__tile_overlayer_lowered;
	s5 =	simm.s32 $_tile_overlayer_lowered  }
0x9b: {  	s22 =	simm.s32 $0x1BFF;
	s21 =	sshll.u32 s5, $0x1;
	s2 =	sadd.s32 s19, s18  }
0x9c: {  	s6 =	simm.s32 $0x0;
	s20 =	sshll.u32 s4, $0x1;
	s4 =	sadd.s32 s21, s2  }
0x9d: {  	[timem:s6], [sflag:s22] =	dma.local [hbm:s4], s20  }
0x9e: {  	_ =	swait.ge [sflag:s22], s20  }
0x9f: {  	s3 =	ssub.s32 $0x0, s20;
	[sflag:s22] =	ssyncset.done $0x0  }
0xa0: {  	[sflag:s22] =	ssyncadd.s32 s3;
	_ =	sdelay $0x1  }
0xa1: {  	s23 =	simm.s32 $0x1B8B  }
0xa2: {  	_ =	swait.ge [sflag:s23], $0x1  }
0xa3: {  	[sflag:s23] =	ssyncset.done $0x0  }
0xa4: {  	s25 =	simm.s32 $0x1B8E;
	s24 =	sld [smem:$0x3FFE];
	[sflag:s23] =	ssyncadd.s32 $0xFFFFFFFF  }
0xa5: {  	s26 =	simm.s32 $execute0_lowered;
	[smem:$0x3FD2] =	sst s25  }
0xa6: {  	s4 =	sshll.u32 s26, $0x1;
	_ =	strace $0x80000055;
	[dreg:$0x1] =	wrdreg $0xFFFFFFFF  }
0xa7: {  	s28 =	simm.s32 $_size_execute0_lowered;
	s2 =	sadd.s32 s2, s4;
	[dreg:$0x0] =	wrdreg $0x0  }
0xa8: {  	s4 =	sshll.u32 s28, $0x1;
	[dreg:$0x2] =	wrdreg s2  }
0xa9: {  	[dreg:$0x3] =	wrdreg s4  }
0xaa: {  	[dreg:$0x4] =	wrdreg $0xC0  }
0xab: {  	_ =	task [dreg:s6], $0x5FFFF  }
0xac: {  	[dreg:$0x1] =	wrdreg $0xFFFFFFFF  }
0xad: {  	[dreg:$0x0] =	wrdreg $0x60  }
0xae: {  	[dreg:$0x2] =	wrdreg s24  }
0xaf: {  	[dreg:$0x3] =	wrdreg $0xD0000  }
0xb0: {  	[dreg:$0x4] =	wrdreg $0xF8000  }
0xb1: {  	[dreg:$0x5] =	wrdreg $0x9  }
0xb2: {  	_ =	task.clear_ibuf [dreg:s6], $0x6FFFF;
	_ =	strace $0x90000055  }
0xb3: {  	s29 =	simm.s32 $0x9;
	_ =	strace $0x80000057  }
0xb4: {  	_ =	swait.ge [sflag:s29], $0x1  }
0xb5: {  	[sflag:s29] =	ssyncadd.s32 $0xFFFFFFFF  }
0xb6: {  	_ =	strace $0x90000057  }
0xb7: {  	_ =	sfence  }
0xb8: {  	s30 =	sld [smem:$0x0];
	_ =	sdelay $0x2  }
0xb9: {  	s31 =	sshll.u32 s1, $0xD;
	s1 =	sshrl.u32 s1, $0x2  }
0xba: {  	s3 =	sand.u32 $0x4000, s31;
	s1 =	sadd.s32 s1, s30  }
0xbb: {  	s0 =	sor.u32 s3, s0;
	s1 =	sshll.u32 s1, $0x11  }
0xbc: {  	s0 =	sor.u32 s1, s0  }
0xbd: {  	s0 =	sadd.s32 $0x8F2B, s0  }
0xbe: {  	[sflag:s0] =	ssyncadd.remote.s32 $0x1  }
0xbf: {  	_ =	sfence.sel $0xFFFF  }
0xc0: {  	[dreg:$0x0] =	wrdreg $0xFFFFFFFF;
	(pc) =	sbr.abs _section_cstart, $3  }
0xc1: {  	[dreg:$0x1] =	wrdreg $0xFFFFFFFF  }
0xc2: {  	_ =	task.clear_ibuf [dreg:s6], $0x2FFFF;
	_ =	strace $0x9FFFFFFF  }
0xc3: {  	(tm) =	ssettm $0x7FFFFFFF  }
tec
execute0_lowered:
.L_overlay_start_1:
0x0: {  	(tag) =	ssettag $0x1  }
0x1: {  	s5 =	rddreg [dreg:$0x0]  }
0x2: {  	s1 =	srdreg.scid;
	s0 =	stileid.u32  }
0x3: {  	s2 =	rddreg [dreg:$0x1];
	s1 =	sand.u32 $0x1, s1;
	s6 =	sshll.u32 s0, $0x1  }
0x4: {  	s3 =	rddreg [dreg:$0x2];
	s4 =	simm.s32 $0x0;
	s6 =	sor.u32 s1, s6  }
0x5: {  	[smem:$0x7FF] =	sst s4;
	s6 =	smul.u32 $0x500, s6  }
0x6: {  	s7 =	smul.u32 $0x2800, s0;
	s8 =	sadd.s32 $0xEE00, s5;
	_ =	strace $0x80000056  }
0x7: {  	[dreg:$0x4] =	wrdreg s8;
	p0 =	seq.s32 s1, $0x1;
	s6 =	sadd.s32 s6, s5  }
0x8: {  	s8 =	simm.s32 $0x14400;
	s9 =	sshrl.u32 s7, $0x3;
	s17 =	sadd.s32 $0x19400, s6  }
0x9: {  	s5 =	sadd.s32 s9, s5;
	s6 =	sadd.s32 $0x4E00, s6;
	[dreg:$0x5] =	wrdreg s17  }
0xa: {  	s8 =	simm.s32 @!p0 $0x4B400;
	s18 =	sadd.s32 $0xF400, s5;
	[dreg:$0x6] =	wrdreg s6  }
0xb: {  	s5 =	sadd.s32 s8, s5;
	[dreg:$0x7] =	wrdreg s18  }
0xc: {  	s19 =	sadd.s32 s7, s3;
	[dreg:$0x8] =	wrdreg s5  }
0xd: {  	s6 =	sshrl.u32 s19, $0x3;
	s20 =	rddreg [dreg:$0x5]  }
0xe: {  	s5 =	simm.s32 $0x3;
	[dreg:$0x9] =	wrdreg s6  }
0xf: {  	[tilespmem:s4], [sflag:$0x3] =	stream.linear.gather [hbm4b:s20+s4], $0x2800, $0x38;
	[tilespmem:$0x12000] =	vst v63  }
0x10: {  	_ =	swait.ge [sflag:s5], $0x2800  }
0x11: {  	[sflag:s5] =	ssyncset.done $0x0  }
0x12: {  	s6 =	simm.s32 $0x2800;
	s21 =	rddreg [dreg:$0x6];
	[sflag:s5] =	ssyncadd.s32 $0xFFFFD800  }
0x13: {  	[tilespmem:s6], [sflag:$0x3] =	stream.linear.gather [hbm4b:s21+s4], $0x2800, $0x38;
	[tilespmem:$0x12000] =	vst v63  }
0x14: {  	s24 =	sshll.u32 s0, $0x6;
	_ =	swait.ge [sflag:s5], $0x2800  }
0x15: {  	s23 =	sadd.s32 s7, s2;
	s7 =	sor.u32 $0x1C03, s24;
	[sflag:s5] =	ssyncset.done $0x0  }
0x16: {  	s8 =	sshrl.u32 s23, $0x3;
	s22 =	rddreg [dreg:$0x4];
	[sflag:s5] =	ssyncadd.s32 $0xFFFFD800  }
0x17: {  	[spmem:s8], [sflag:s7] =	dma.local [hbm:s22], $0x500  }
0x18: {  	_ =	swait.ge [sflag:s5], $0x500  }
0x19: {  	s25 =	rddreg [dreg:$0x7];
	[sflag:s5] =	ssyncset.done $0x0  }
0x1a: {  	s10 =	rddreg [dreg:$0x9];
	[sflag:s5] =	ssyncadd.s32 $0xFFFFFB00  }
0x1b: {  	[spmem:s10], [sflag:s7] =	dma.local [hbm:s25], $0x500  }
0x1c: {  	_ =	swait.ge [sflag:s5], $0x500  }
0x1d: {  	[sflag:s5] =	ssyncset.done $0x0  }
0x1e: {  	[sflag:s5] =	ssyncadd.s32 $0xFFFFFB00  }
0x1f: {  	s9 =	simm.s32 $0x400;
	s10 =	simm.s32 $0x5000;
	[bflag:$0x0] =	sbarrier.arrive $0xFFFF  }
0x20: {  	[tilespmem:s10], [sflag:$0x1] =	stream.indirect.gather [spmem:s3], $0x10, s4, s9, $0xb8;
	[tilespmem:$0x12000] =	vst v63  }
0x21: {  	s11 =	simm.s32 $0x9000;
	s12 =	simm.s32 $0x1  }
0x22: {  	[tilespmem:s11], [sflag:$0x2] =	stream.indirect.gather [spmem:s3], $0x10, s9, s9, $0xb8;
	[tilespmem:$0x12000] =	vst v63  }
0x23: {  	_ =	swait.ge [sflag:s12], $0x4000  }
0x24: {  	[sflag:s12] =	ssyncset.done $0x0  }
0x25: {  	[sflag:s12] =	ssyncadd.s32 $0xFFFFC000  }
0x26: {  	[spmem:s2] =	stream.indirect.scatter.add.f32 [tilespmem:s10], [sflag:$0x3], $0x10, s6, s9, $0xb8;
	[tilespmem:$0x12000] =	vst v63  }
0x27: {  	_ =	swait.ge [sflag:s5], $0x4000  }
0x28: {  	[sflag:s5] =	ssyncset.done $0x0  }
0x29: {  	s26 =	simm.s32 $0x800;
	s14 =	simm.s32 $0x2;
	[sflag:s5] =	ssyncadd.s32 $0xFFFFC000  }
0x2a: {  	[tilespmem:s10], [sflag:$0x1] =	stream.indirect.gather [spmem:s3], $0x10, s26, s9, $0xb8;
	[tilespmem:$0x12000] =	vst v63  }
0x2b: {  	_ =	swait.ge [sflag:s14], $0x4000  }
0x2c: {  	[sflag:s14] =	ssyncset.done $0x0  }
0x2d: {  	s15 =	simm.s32 $0x2C00;
	[sflag:s14] =	ssyncadd.s32 $0xFFFFC000  }
0x2e: {  	[spmem:s2] =	stream.indirect.scatter.add.f32 [tilespmem:s11], [sflag:$0x3], $0x10, s15, s9, $0xb8;
	[tilespmem:$0x12000] =	vst v63  }
0x2f: {  	_ =	swait.ge [sflag:s5], $0x4000  }
0x30: {  	[sflag:s5] =	ssyncset.done $0x0  }
0x31: {  	s16 =	simm.s32 $0xC00;
	[sflag:s5] =	ssyncadd.s32 $0xFFFFC000  }
0x32: {  	[tilespmem:s11], [sflag:$0x2] =	stream.indirect.gather [spmem:s3], $0x10, s16, s9, $0xb8;
	[tilespmem:$0x12000] =	vst v63  }
0x33: {  	_ =	swait.ge [sflag:s12], $0x4000  }
0x34: {  	[sflag:s12] =	ssyncset.done $0x0  }
0x35: {  	s17 =	simm.s32 $0x3000;
	[sflag:s12] =	ssyncadd.s32 $0xFFFFC000  }
0x36: {  	[spmem:s2] =	stream.indirect.scatter.add.f32 [tilespmem:s10], [sflag:$0x3], $0x10, s17, s9, $0xb8;
	[tilespmem:$0x12000] =	vst v63  }
0x37: {  	_ =	swait.ge [sflag:s5], $0x4000  }
0x38: {  	[sflag:s5] =	ssyncset.done $0x0  }
0x39: {  	s18 =	simm.s32 $0x1000;
	[sflag:s5] =	ssyncadd.s32 $0xFFFFC000  }
0x3a: {  	[tilespmem:s10], [sflag:$0x1] =	stream.indirect.gather [spmem:s3], $0x10, s18, s9, $0xb8;
	[tilespmem:$0x12000] =	vst v63  }
0x3b: {  	_ =	swait.ge [sflag:s14], $0x4000  }
0x3c: {  	[sflag:s14] =	ssyncset.done $0x0  }
0x3d: {  	s19 =	simm.s32 $0x3400;
	[sflag:s14] =	ssyncadd.s32 $0xFFFFC000  }
0x3e: {  	[spmem:s2] =	stream.indirect.scatter.add.f32 [tilespmem:s11], [sflag:$0x3], $0x10, s19, s9, $0xb8;
	[tilespmem:$0x12000] =	vst v63  }
0x3f: {  	_ =	swait.ge [sflag:s5], $0x4000  }
0x40: {  	[sflag:s5] =	ssyncset.done $0x0  }
0x41: {  	s20 =	simm.s32 $0x1400;
	[sflag:s5] =	ssyncadd.s32 $0xFFFFC000  }
0x42: {  	[tilespmem:s11], [sflag:$0x2] =	stream.indirect.gather [spmem:s3], $0x10, s20, s9, $0xb8;
	[tilespmem:$0x12000] =	vst v63  }
0x43: {  	_ =	swait.ge [sflag:s12], $0x4000  }
0x44: {  	[sflag:s12] =	ssyncset.done $0x0  }
0x45: {  	s21 =	simm.s32 $0x3800;
	[sflag:s12] =	ssyncadd.s32 $0xFFFFC000  }
0x46: {  	[spmem:s2] =	stream.indirect.scatter.add.f32 [tilespmem:s10], [sflag:$0x3], $0x10, s21, s9, $0xb8;
	[tilespmem:$0x12000] =	vst v63  }
0x47: {  	_ =	swait.ge [sflag:s5], $0x4000  }
0x48: {  	[sflag:s5] =	ssyncset.done $0x0  }
0x49: {  	s22 =	simm.s32 $0x1800;
	[sflag:s5] =	ssyncadd.s32 $0xFFFFC000  }
0x4a: {  	[tilespmem:s10], [sflag:$0x1] =	stream.indirect.gather [spmem:s3], $0x10, s22, s9, $0xb8;
	[tilespmem:$0x12000] =	vst v63  }
0x4b: {  	_ =	swait.ge [sflag:s14], $0x4000  }
0x4c: {  	[sflag:s14] =	ssyncset.done $0x0  }
0x4d: {  	s23 =	simm.s32 $0x3C00;
	[sflag:s14] =	ssyncadd.s32 $0xFFFFC000  }
0x4e: {  	[spmem:s2] =	stream.indirect.scatter.add.f32 [tilespmem:s11], [sflag:$0x3], $0x10, s23, s9, $0xb8;
	[tilespmem:$0x12000] =	vst v63  }
0x4f: {  	_ =	swait.ge [sflag:s5], $0x4000  }
0x50: {  	[sflag:s5] =	ssyncset.done $0x0  }
0x51: {  	s24 =	simm.s32 $0x1C00;
	[sflag:s5] =	ssyncadd.s32 $0xFFFFC000  }
0x52: {  	[tilespmem:s11], [sflag:$0x2] =	stream.indirect.gather [spmem:s3], $0x10, s24, s9, $0xb8;
	[tilespmem:$0x12000] =	vst v63  }
0x53: {  	_ =	swait.ge [sflag:s12], $0x4000  }
0x54: {  	[sflag:s12] =	ssyncset.done $0x0  }
0x55: {  	s25 =	simm.s32 $0x4000;
	[sflag:s12] =	ssyncadd.s32 $0xFFFFC000  }
0x56: {  	[spmem:s2] =	stream.indirect.scatter.add.f32 [tilespmem:s10], [sflag:$0x3], $0x10, s25, s9, $0xb8;
	[tilespmem:$0x12000] =	vst v63  }
0x57: {  	_ =	swait.ge [sflag:s5], $0x4000  }
0x58: {  	[sflag:s5] =	ssyncset.done $0x0  }
0x59: {  	s26 =	simm.s32 $0x2000;
	[sflag:s5] =	ssyncadd.s32 $0xFFFFC000  }
0x5a: {  	[tilespmem:s10], [sflag:$0x1] =	stream.indirect.gather [spmem:s3], $0x10, s26, s9, $0xb8;
	[tilespmem:$0x12000] =	vst v63  }
0x5b: {  	_ =	swait.ge [sflag:s14], $0x4000  }
0x5c: {  	[sflag:s14] =	ssyncset.done $0x0  }
0x5d: {  	s28 =	simm.s32 $0x4400;
	[sflag:s14] =	ssyncadd.s32 $0xFFFFC000  }
0x5e: {  	[spmem:s2] =	stream.indirect.scatter.add.f32 [tilespmem:s11], [sflag:$0x3], $0x10, s28, s9, $0xb8;
	[tilespmem:$0x12000] =	vst v63  }
0x5f: {  	_ =	swait.ge [sflag:s5], $0x4000  }
0x60: {  	[sflag:s5] =	ssyncset.done $0x0  }
0x61: {  	s29 =	simm.s32 $0x2400;
	[sflag:s5] =	ssyncadd.s32 $0xFFFFC000  }
0x62: {  	[tilespmem:s11], [sflag:$0x2] =	stream.indirect.gather [spmem:s3], $0x10, s29, s9, $0xb8;
	[tilespmem:$0x12000] =	vst v63  }
0x63: {  	_ =	swait.ge [sflag:s12], $0x4000  }
0x64: {  	[sflag:s12] =	ssyncset.done $0x0  }
0x65: {  	s30 =	simm.s32 $0x4800;
	[sflag:s12] =	ssyncadd.s32 $0xFFFFC000  }
0x66: {  	[spmem:s2] =	stream.indirect.scatter.add.f32 [tilespmem:s10], [sflag:$0x3], $0x10, s30, s9, $0xb8;
	[tilespmem:$0x12000] =	vst v63  }
0x67: {  	_ =	swait.ge [sflag:s5], $0x4000  }
0x68: {  	[sflag:s5] =	ssyncset.done $0x0  }
0x69: {  	[sflag:s5] =	ssyncadd.s32 $0xFFFFC000  }
0x6a: {  	s1 =	ssub.s32 $0x2, s1;
	_ =	swait.ge [sflag:s14], $0x4000  }
0x6b: {  	s0 =	sshrl.u32 s1, $0x1;
	[sflag:s14] =	ssyncset.done $0x0  }
0x6c: {  	s31 =	simm.s32 $0x4C00;
	s0 =	ssub.s32 s1, s0;
	[sflag:s14] =	ssyncadd.s32 $0xFFFFC000  }
0x6d: {  	[spmem:s2] =	stream.indirect.scatter.add.f32 [tilespmem:s11], [sflag:$0x3], $0x10, s31, s9, $0xb8;
	[tilespmem:$0x12000] =	vst v63  }
0x6e: {  	s0 =	smax.u32 s0, $0x1;
	_ =	swait.ge [sflag:s5], $0x4000  }
0x6f: {  	p0 =	sne.s32 s0, $0x1;
	[sflag:s5] =	ssyncset.done $0x0  }
.Ltmp0:
0x70: {  	[sflag:s5] =	ssyncadd.s32 $0xFFFFC000;
	(pc) =	sbr.rel @!p0 .LBB2_2-.Ltmp0, $4  }
0x71: {  	[bflag:$0x0] =	sbarrier.arrive $0xFFFF  }
0x72: {  	s13 =	rddreg [dreg:$0x8]  }
0x73: {  	[hbm:s13], [sflag:s7] =	dma.local [spmem:s8], $0x500  }
0x74: {  	s1 =	sadd.s32 $0xFFFFFFFF, s0;
	_ =	swait.ge [sflag:s5], $0x500  }
.LBB2_1:
0x75: {  	[sflag:s5] =	ssyncset.done $0x0  }
0x76: {  	s0 =	rddreg [dreg:$0x5];
	[sflag:s5] =	ssyncadd.s32 $0xFFFFFB00  }
0x77: {  	[tilespmem:s4], [sflag:$0x3] =	stream.linear.gather [hbm4b:s0+s4], $0x2800, $0x38;
	[tilespmem:$0x12000] =	vst v63  }
0x78: {  	_ =	swait.ge [sflag:s5], $0x2800  }
0x79: {  	[sflag:s5] =	ssyncset.done $0x0  }
0x7a: {  	s13 =	rddreg [dreg:$0x6];
	[sflag:s5] =	ssyncadd.s32 $0xFFFFD800  }
0x7b: {  	[tilespmem:s6], [sflag:$0x3] =	stream.linear.gather [hbm4b:s13+s4], $0x2800, $0x38;
	[tilespmem:$0x12000] =	vst v63  }
0x7c: {  	_ =	swait.ge [sflag:s5], $0x2800  }
0x7d: {  	[sflag:s5] =	ssyncset.done $0x0  }
0x7e: {  	s13 =	rddreg [dreg:$0x4];
	[sflag:s5] =	ssyncadd.s32 $0xFFFFD800  }
0x7f: {  	[spmem:s8], [sflag:s7] =	dma.local [hbm:s13], $0x500  }
0x80: {  	_ =	swait.ge [sflag:s5], $0x500  }
0x81: {  	[sflag:s5] =	ssyncset.done $0x0;
	s0 =	rddreg [dreg:$0x7]  }
0x82: {  	s13 =	rddreg [dreg:$0x9];
	[sflag:s5] =	ssyncadd.s32 $0xFFFFFB00  }
0x83: {  	[spmem:s13], [sflag:s7] =	dma.local [hbm:s0], $0x500  }
0x84: {  	_ =	swait.ge [sflag:s5], $0x500  }
0x85: {  	[sflag:s5] =	ssyncset.done $0x0  }
0x86: {  	[sflag:s5] =	ssyncadd.s32 $0xFFFFFB00  }
0x87: {  	[bflag:$0x0] =	sbarrier.arrive $0xFFFF  }
0x88: {  	[tilespmem:s10], [sflag:$0x1] =	stream.indirect.gather [spmem:s3], $0x10, s4, s9, $0xb8;
	[tilespmem:$0x12000] =	vst v63  }
0x89: {  	_ = 	snop  }
0x8a: {  	[tilespmem:s11], [sflag:$0x2] =	stream.indirect.gather [spmem:s3], $0x10, s9, s9, $0xb8;
	[tilespmem:$0x12000] =	vst v63  }
0x8b: {  	_ =	swait.ge [sflag:s12], $0x4000  }
0x8c: {  	[sflag:s12] =	ssyncset.done $0x0  }
0x8d: {  	[sflag:s12] =	ssyncadd.s32 $0xFFFFC000  }
0x8e: {  	[spmem:s2] =	stream.indirect.scatter.add.f32 [tilespmem:s10], [sflag:$0x3], $0x10, s6, s9, $0xb8;
	[tilespmem:$0x12000] =	vst v63  }
0x8f: {  	_ =	swait.ge [sflag:s5], $0x4000  }
0x90: {  	[sflag:s5] =	ssyncset.done $0x0  }
0x91: {  	s13 =	simm.s32 $0x800;
	[sflag:s5] =	ssyncadd.s32 $0xFFFFC000  }
0x92: {  	[tilespmem:s10], [sflag:$0x1] =	stream.indirect.gather [spmem:s3], $0x10, s13, s9, $0xb8;
	[tilespmem:$0x12000] =	vst v63  }
0x93: {  	_ =	swait.ge [sflag:s14], $0x4000  }
0x94: {  	[sflag:s14] =	ssyncset.done $0x0  }
0x95: {  	[sflag:s14] =	ssyncadd.s32 $0xFFFFC000  }
0x96: {  	[spmem:s2] =	stream.indirect.scatter.add.f32 [tilespmem:s11], [sflag:$0x3], $0x10, s15, s9, $0xb8;
	[tilespmem:$0x12000] =	vst v63  }
0x97: {  	_ =	swait.ge [sflag:s5], $0x4000  }
0x98: {  	[sflag:s5] =	ssyncset.done $0x0  }
0x99: {  	[sflag:s5] =	ssyncadd.s32 $0xFFFFC000  }
0x9a: {  	[tilespmem:s11], [sflag:$0x2] =	stream.indirect.gather [spmem:s3], $0x10, s16, s9, $0xb8;
	[tilespmem:$0x12000] =	vst v63  }
0x9b: {  	_ =	swait.ge [sflag:s12], $0x4000  }
0x9c: {  	[sflag:s12] =	ssyncset.done $0x0  }
0x9d: {  	[sflag:s12] =	ssyncadd.s32 $0xFFFFC000  }
0x9e: {  	[spmem:s2] =	stream.indirect.scatter.add.f32 [tilespmem:s10], [sflag:$0x3], $0x10, s17, s9, $0xb8;
	[tilespmem:$0x12000] =	vst v63  }
0x9f: {  	_ =	swait.ge [sflag:s5], $0x4000  }
0xa0: {  	[sflag:s5] =	ssyncset.done $0x0  }
0xa1: {  	[sflag:s5] =	ssyncadd.s32 $0xFFFFC000  }
0xa2: {  	[tilespmem:s10], [sflag:$0x1] =	stream.indirect.gather [spmem:s3], $0x10, s18, s9, $0xb8;
	[tilespmem:$0x12000] =	vst v63  }
0xa3: {  	_ =	swait.ge [sflag:s14], $0x4000  }
0xa4: {  	[sflag:s14] =	ssyncset.done $0x0  }
0xa5: {  	[sflag:s14] =	ssyncadd.s32 $0xFFFFC000  }
0xa6: {  	[spmem:s2] =	stream.indirect.scatter.add.f32 [tilespmem:s11], [sflag:$0x3], $0x10, s19, s9, $0xb8;
	[tilespmem:$0x12000] =	vst v63  }
0xa7: {  	_ =	swait.ge [sflag:s5], $0x4000  }
0xa8: {  	[sflag:s5] =	ssyncset.done $0x0  }
0xa9: {  	[sflag:s5] =	ssyncadd.s32 $0xFFFFC000  }
0xaa: {  	[tilespmem:s11], [sflag:$0x2] =	stream.indirect.gather [spmem:s3], $0x10, s20, s9, $0xb8;
	[tilespmem:$0x12000] =	vst v63  }
0xab: {  	_ =	swait.ge [sflag:s12], $0x4000  }
0xac: {  	[sflag:s12] =	ssyncset.done $0x0  }
0xad: {  	[sflag:s12] =	ssyncadd.s32 $0xFFFFC000  }
0xae: {  	[spmem:s2] =	stream.indirect.scatter.add.f32 [tilespmem:s10], [sflag:$0x3], $0x10, s21, s9, $0xb8;
	[tilespmem:$0x12000] =	vst v63  }
0xaf: {  	_ =	swait.ge [sflag:s5], $0x4000  }
0xb0: {  	[sflag:s5] =	ssyncset.done $0x0  }
0xb1: {  	[sflag:s5] =	ssyncadd.s32 $0xFFFFC000  }
0xb2: {  	[tilespmem:s10], [sflag:$0x1] =	stream.indirect.gather [spmem:s3], $0x10, s22, s9, $0xb8;
	[tilespmem:$0x12000] =	vst v63  }
0xb3: {  	_ =	swait.ge [sflag:s14], $0x4000  }
0xb4: {  	[sflag:s14] =	ssyncset.done $0x0  }
0xb5: {  	[sflag:s14] =	ssyncadd.s32 $0xFFFFC000  }
0xb6: {  	[spmem:s2] =	stream.indirect.scatter.add.f32 [tilespmem:s11], [sflag:$0x3], $0x10, s23, s9, $0xb8;
	[tilespmem:$0x12000] =	vst v63  }
0xb7: {  	_ =	swait.ge [sflag:s5], $0x4000  }
0xb8: {  	[sflag:s5] =	ssyncset.done $0x0  }
0xb9: {  	[sflag:s5] =	ssyncadd.s32 $0xFFFFC000  }
0xba: {  	[tilespmem:s11], [sflag:$0x2] =	stream.indirect.gather [spmem:s3], $0x10, s24, s9, $0xb8;
	[tilespmem:$0x12000] =	vst v63  }
0xbb: {  	_ =	swait.ge [sflag:s12], $0x4000  }
0xbc: {  	[sflag:s12] =	ssyncset.done $0x0  }
0xbd: {  	[sflag:s12] =	ssyncadd.s32 $0xFFFFC000  }
0xbe: {  	[spmem:s2] =	stream.indirect.scatter.add.f32 [tilespmem:s10], [sflag:$0x3], $0x10, s25, s9, $0xb8;
	[tilespmem:$0x12000] =	vst v63  }
0xbf: {  	_ =	swait.ge [sflag:s5], $0x4000  }
0xc0: {  	[sflag:s5] =	ssyncset.done $0x0  }
0xc1: {  	[sflag:s5] =	ssyncadd.s32 $0xFFFFC000  }
0xc2: {  	[tilespmem:s10], [sflag:$0x1] =	stream.indirect.gather [spmem:s3], $0x10, s26, s9, $0xb8;
	[tilespmem:$0x12000] =	vst v63  }
0xc3: {  	_ =	swait.ge [sflag:s14], $0x4000  }
0xc4: {  	[sflag:s14] =	ssyncset.done $0x0  }
0xc5: {  	[sflag:s14] =	ssyncadd.s32 $0xFFFFC000  }
0xc6: {  	[spmem:s2] =	stream.indirect.scatter.add.f32 [tilespmem:s11], [sflag:$0x3], $0x10, s28, s9, $0xb8;
	[tilespmem:$0x12000] =	vst v63  }
0xc7: {  	_ =	swait.ge [sflag:s5], $0x4000  }
0xc8: {  	[sflag:s5] =	ssyncset.done $0x0  }
0xc9: {  	[sflag:s5] =	ssyncadd.s32 $0xFFFFC000  }
0xca: {  	[tilespmem:s11], [sflag:$0x2] =	stream.indirect.gather [spmem:s3], $0x10, s29, s9, $0xb8;
	[tilespmem:$0x12000] =	vst v63  }
0xcb: {  	_ =	swait.ge [sflag:s12], $0x4000  }
0xcc: {  	[sflag:s12] =	ssyncset.done $0x0  }
0xcd: {  	[sflag:s12] =	ssyncadd.s32 $0xFFFFC000  }
0xce: {  	[spmem:s2] =	stream.indirect.scatter.add.f32 [tilespmem:s10], [sflag:$0x3], $0x10, s30, s9, $0xb8;
	[tilespmem:$0x12000] =	vst v63  }
0xcf: {  	_ =	swait.ge [sflag:s5], $0x4000  }
0xd0: {  	[sflag:s5] =	ssyncset.done $0x0  }
0xd1: {  	[sflag:s5] =	ssyncadd.s32 $0xFFFFC000  }
0xd2: {  	_ =	swait.ge [sflag:s14], $0x4000  }
0xd3: {  	[sflag:s14] =	ssyncset.done $0x0  }
0xd4: {  	[sflag:s14] =	ssyncadd.s32 $0xFFFFC000  }
0xd5: {  	[spmem:s2] =	stream.indirect.scatter.add.f32 [tilespmem:s11], [sflag:$0x3], $0x10, s31, s9, $0xb8;
	[tilespmem:$0x12000] =	vst v63  }
0xd6: {  	_ =	swait.ge [sflag:s5], $0x4000  }
0xd7: {  	p0 =	sne.s32 s1, $0x1;
	[sflag:s5] =	ssyncset.done $0x0  }
.Ltmp1:
0xd8: {  	[sflag:s5] =	ssyncadd.s32 $0xFFFFC000;
	(pc) =	sbr.rel @p0 .LBB2_1-.Ltmp1, $4  }
0xd9: {  	[bflag:$0x0] =	sbarrier.arrive $0xFFFF  }
0xda: {  	s13 =	rddreg [dreg:$0x8]  }
0xdb: {  	[hbm:s13], [sflag:s7] =	dma.local [spmem:s8], $0x500  }
0xdc: {  	s1 =	sadd.s32 $0xFFFFFFFF, s1;
	_ =	swait.ge [sflag:s5], $0x500  }
.LBB2_2:
0xdd: {  	[sflag:s5] =	ssyncset.done $0x0  }
0xde: {  	[sflag:s5] =	ssyncadd.s32 $0xFFFFFB00  }
0xdf: {  	_ =	sfence.sel $0x180000  }
0xe0: {  	[bflag:$0x0] =	sbarrier.arrive $0xFFFF  }
0xe1: {  	_ =	strace $0x90000056  }
0xe2: {  	s0 =	stileid.u32;
	[bflag:$0x2] =	sbarrier.arrive $0xFFFF  }
0xe3: {  	p0 =	sne.s32 s0, $0x0;
	s0 =	rddreg [dreg:$0x3]  }
0xe4: {  	s0 =	sadd.s32 @!p0 $0x100000, s0  }
0xe5: {  	[sflag:s0] =	ssyncadd.tile.s32 @!p0 $0x1;
	_ =	shalt  }
.Lfunc_end2:
_tile_overlayer_lowered:
.L_overlay_start_2:
0xe6: {  	(tag) =	ssettag $0x2  }
0xe7: {  	s0 =	rddreg [dreg:$0x0];
	s2 =	stileid.u32  }
0xe8: {  	s1 =	rddreg [dreg:$0x1];
	p0 =	sne.s32 s2, $0x0  }
0xe9: {  	s3 =	rddreg [dreg:$0x2];
	[bflag:$0x3] =	sbarrier.arrive $0xFFFF;
	s2 =	simm.s32 @!p0 $0x1C03  }
0xea: {  	[timem:s3], [sflag:s2] =	dma.local @!p0 [hbm:s0], s1  }
0xeb: {  	s0 =	simm.s32 @!p0 $0x3  }
0xec: {  	_ =	swait.ge @!p0 [sflag:s0], s1  }
0xed: {  	s1 =	ssub.s32 @!p0 $0x0, s1;
	[sflag:s0] =	ssyncset.done @!p0 $0x0  }
0xee: {  	[sflag:s0] =	ssyncadd.s32 @!p0 s1  }
0xef: {  	[bflag:$0x3] =	sbarrier.arrive $0xFFFF  }
0xf0: {  	_ =	shalt  }

</sc_bundles>
